<compile_context>
chip_gen: v7x
topology: tpu7x:2x2x1
jax: 0.10.2.dev20260603
libtpu: 0.0.44.dev20260713+nightly
codegen_flags: <defaults>
</compile_context>

<pallas_src>
import functools

import jax
import jax.numpy as jnp
from jax import lax
from jax.experimental import pallas as pl
from jax.experimental.pallas import tpu as pltpu
from jax.experimental.pallas import tpu_sc as plsc

_C = 24
_DH = 64
_H = 16
_N = 512
_B = 4
_L = 16
_NW = 32
_I = 4
_ROWS = (_B * _N) // _NW
_T = _ROWS // _I
_BINS = _I * _H * _C


def _sc_body(aw_hbm, et_hbm, supp_hbm, aw0, aw1, et0, et1, acc0, acc1,
             sa0, sa1, se0, se1, so0, so1):
    cid = lax.axis_index("c")
    sid = lax.axis_index("s")
    wid = sid * 2 + cid
    g_base = wid * _ROWS
    b = g_base // _N
    zeros = jnp.zeros((_L,), jnp.float32)
    awb = (aw0, aw1)
    etb = (et0, et1)
    accb = (acc0, acc1)
    sab = (sa0, sa1)
    seb = (se0, se1)
    sob = (so0, so1)

    def dma_start(tn, k):
        i0 = (g_base + tn * _I) - b * _N
        pltpu.async_copy(aw_hbm.at[b, :, pl.ds(i0, _I), :], awb[k], sab[k])
        pltpu.async_copy(et_hbm.at[b, pl.ds(i0, _I), :], etb[k], seb[k])

    def dma_wait(k):
        pltpu.make_async_copy(aw_hbm.at[0, :, pl.ds(0, _I), :], awb[k], sab[k]).wait()
        pltpu.make_async_copy(et_hbm.at[0, pl.ds(0, _I), :], etb[k], seb[k]).wait()

    def out_wait(k):
        pltpu.make_async_copy(accb[k], supp_hbm.at[pl.ds(0, _BINS)], sob[k]).wait()

    dma_start(0, 0)

    def run_task(t, k):
        @pl.when(t + 1 < _T)
        def _():
            dma_start(t + 1, 1 - k)

        @pl.when(t >= 2)
        def _():
            out_wait(k)

        dma_wait(k)
        acc = accb[k]
        for kk in range(_BINS // _L):
            acc[pl.ds(kk * _L, _L)] = zeros
        aw_t = awb[k]
        et_t = etb[k]

        @plsc.parallel_loop(0, _N // _L, 1, unroll=4)
        def jloop(jv):
            off = jv * _L
            for ii in range(_I):
                c_vec = et_t[ii, pl.ds(off, _L)]
                for h in range(_H):
                    base = (ii * _H + h) * _C
                    v = aw_t[h, ii, pl.ds(off, _L)]
                    plsc.addupdate_scatter(acc.at[pl.ds(base, _C)], [c_vec], v)

        g0 = g_base + t * _I
        pltpu.async_copy(acc, supp_hbm.at[pl.ds(g0 * _H * _C, _BINS)], sob[k])

    def task(t, carry):
        lax.cond(t % 2 == 0,
                 lambda: run_task(t, 0),
                 lambda: run_task(t, 1))
        return carry

    lax.fori_loop(0, _T, task, 0)
    out_wait(0)
    out_wait(1)


def _tc_body(supp_ref, ev2_ref, out_ref):
    s = supp_ref[0]
    out2 = lax.dot_general(
        s, ev2_ref[...],
        dimension_numbers=(((1,), (0,)), ((), ())),
        preferred_element_type=jnp.float32,
    )
    out3 = out2.reshape(_N, _H, _DH)
    out_ref[0] = jnp.transpose(out3, (1, 0, 2))


@jax.jit
def kernel(attention_weights, edge_types, E_v):
    b, h, n, _ = attention_weights.shape
    c = E_v.shape[0]
    et32 = edge_types.astype(jnp.int32)
    ev_h = jnp.transpose(E_v.reshape(c, h, _DH), (1, 0, 2))
    ev2 = (jnp.eye(h, dtype=jnp.float32)[:, None, :, None]
           * ev_h[:, :, None, :]).reshape(_H * _C, h * _DH)

    sc_fn = pl.kernel(
        _sc_body,
        out_type=jax.ShapeDtypeStruct((b * n * h * c,), jnp.float32),
        mesh=plsc.VectorSubcoreMesh(core_axis_name="c", subcore_axis_name="s"),
        scratch_types=[
            pltpu.VMEM((_H, _I, _N), jnp.float32),
            pltpu.VMEM((_H, _I, _N), jnp.float32),
            pltpu.VMEM((_I, _N), jnp.int32),
            pltpu.VMEM((_I, _N), jnp.int32),
            pltpu.VMEM((_BINS,), jnp.float32),
            pltpu.VMEM((_BINS,), jnp.float32),
            pltpu.SemaphoreType.DMA,
            pltpu.SemaphoreType.DMA,
            pltpu.SemaphoreType.DMA,
            pltpu.SemaphoreType.DMA,
            pltpu.SemaphoreType.DMA,
            pltpu.SemaphoreType.DMA,
        ],
        compiler_params=pltpu.CompilerParams(
            needs_layout_passes=False,
            disable_bounds_checks=True,
        ),
    )
    supp_flat = sc_fn(attention_weights, et32)
    supp = supp_flat.reshape(b, n, h * c)

    out = pl.pallas_call(
        _tc_body,
        grid=(b,),
        in_specs=[
            pl.BlockSpec((1, n, h * c), lambda bi: (bi, 0, 0)),
            pl.BlockSpec((h * c, h * _DH), lambda bi: (0, 0)),
        ],
        out_specs=pl.BlockSpec((1, h, n, _DH), lambda bi: (bi, 0, 0, 0)),
        out_shape=jax.ShapeDtypeStruct((b, h, n, _DH), jnp.float32),
    )(supp, ev2)
    return out

# --- scband reference (transcript-rebuilt; emitter-appended) ---
"""Pipeline reference for scband-discrete-connection-type-embedding-attention-bias-complementary-values-25434796327694 (READ-ONLY COPY).

The authoritative reference and input builder live on the scoring server;
editing this copy changes nothing except your own understanding.
"""

import jax, jax.numpy as jnp
import numpy as np

MODEL_DIM = 1024
NUM_HEADS = 16
NUM_CONNECTION_TYPES = 24


def setup_inputs(seed: int = 0) -> dict:
    key = jax.random.key(seed)
    k1, k2, k3 = jax.random.split(key, 3)
    b, h, n = 4, NUM_HEADS, 512
    attention_weights = jax.random.uniform(k1, (b, h, n, n), dtype=jnp.float32)
    edge_types = jax.random.randint(k2, (b, n, n), 0, NUM_CONNECTION_TYPES, dtype=jnp.int64)
    E_v = jax.random.normal(k3, (NUM_CONNECTION_TYPES, MODEL_DIM), dtype=jnp.float32)
    return {"attention_weights": attention_weights, "edge_types": edge_types, "E_v": E_v}


def reference(attention_weights, edge_types, E_v):
    b, h, n, _ = attention_weights.shape
    C = E_v.shape[0]
    # scatter_add along dim=3 with edge_types broadcast over heads
    idx = jnp.broadcast_to(edge_types[:, None, :, :], (b, h, n, n))
    b_idx = jnp.arange(b)[:, None, None, None]
    h_idx = jnp.arange(h)[None, :, None, None]
    n_idx = jnp.arange(n)[None, None, :, None]
    supplementary_value = jnp.zeros((b, h, n, C), dtype=jnp.float32)
    supplementary_value = supplementary_value.at[b_idx, h_idx, n_idx, idx].add(attention_weights)
    # E_v.view(1, C, h, -1).permute(0, 2, 1, 3) -> (1, h, C, d_head)
    Ev_r = jnp.transpose(E_v.reshape(1, C, h, -1), (0, 2, 1, 3))
    outputs = jnp.matmul(supplementary_value, Ev_r)
    return outputs

if __name__ == "__main__":
    import jax
    _d = setup_inputs()
    print(jax.jit(kernel)(*tuple(_d.values())))

</pallas_src>

<mosaic_0001>
#map = affine_map<(d0, d1) -> (0, 0, 0, 0)>
#map1 = affine_map<(d0, d1) -> (0, 0, 0)>
#map2 = affine_map<(d0, d1) -> (0)>
module attributes {stable_mosaic.version = 14 : i64} {
  func.func @_sc_body(%arg0: i32, %arg1: i32, %arg2: memref<4x16x512x512xf32, #tpu.memory_space<hbm>>, %arg3: memref<4x512x512xi32, #tpu.memory_space<hbm>>, %arg4: memref<786432xf32, #tpu.memory_space<hbm>>, %arg5: memref<16x4x512xf32, #tpu.memory_space<vmem>>, %arg6: memref<16x4x512xf32, #tpu.memory_space<vmem>>, %arg7: memref<4x512xi32, #tpu.memory_space<vmem>>, %arg8: memref<4x512xi32, #tpu.memory_space<vmem>>, %arg9: memref<1536xf32, #tpu.memory_space<vmem>>, %arg10: memref<1536xf32, #tpu.memory_space<vmem>>, %arg11: memref<!tpu.dma_semaphore, #tpu.memory_space<semaphore_mem>>, %arg12: memref<!tpu.dma_semaphore, #tpu.memory_space<semaphore_mem>>, %arg13: memref<!tpu.dma_semaphore, #tpu.memory_space<semaphore_mem>>, %arg14: memref<!tpu.dma_semaphore, #tpu.memory_space<semaphore_mem>>, %arg15: memref<!tpu.dma_semaphore, #tpu.memory_space<semaphore_mem>>, %arg16: memref<!tpu.dma_semaphore, #tpu.memory_space<semaphore_mem>>) attributes {dimension_semantics = [#tpu.dimension_semantics<core_parallel>, #tpu.dimension_semantics<subcore_parallel>], iteration_bounds = array<i64: 2, 16>, scalar_prefetch = 0 : i64, scratch_operands = 12 : i64, tpu.core_type = #tpu.core_type<sc_vector_subcore>, window_params = [{transform_indices = #map}, {transform_indices = #map1}, {transform_indices = #map2}]} {
    %mul3A = arith.constant 2 : i32
    %mul3A_0 = arith.muli %arg1, %mul3A : i32
    %add3A = arith.addi %mul3A_0, %arg0 : i32
    %mul3A_1 = arith.constant 64 : i32
    %mul3A_2 = arith.muli %add3A, %mul3A_1 : i32
    %jit3A = arith.constant 512 : i32
    %div3A = arith.divsi %mul3A_2, %jit3A : i32
    %sign3A = arith.constant 0 : i32
    %sign3A_3 = arith.cmpi sgt, %mul3A_2, %sign3A : i32
    %sign3A_4 = arith.extui %sign3A_3 : i1 to i32
    %sign3A_5 = arith.constant 0 : i32
    %sign3A_6 = arith.cmpi slt, %mul3A_2, %sign3A_5 : i32
    %sign3A_7 = arith.extui %sign3A_6 : i1 to i32
    %sign3A_8 = arith.subi %sign3A_4, %sign3A_7 : i32
    %sign3A_9 = arith.constant 0 : i32
    %sign3A_10 = arith.cmpi sgt, %jit3A, %sign3A_9 : i32
    %sign3A_11 = arith.extui %sign3A_10 : i1 to i32
    %sign3A_12 = arith.constant 0 : i32
    %sign3A_13 = arith.cmpi slt, %jit3A, %sign3A_12 : i32
    %sign3A_14 = arith.extui %sign3A_13 : i1 to i32
    %sign3A_15 = arith.subi %sign3A_11, %sign3A_14 : i32
    %ne3A = arith.cmpi ne, %sign3A_8, %sign3A_15 : i32
    %rem3A = arith.remsi %mul3A_2, %jit3A : i32
    %ne3A_16 = arith.constant 0 : i32
    %ne3A_17 = arith.cmpi ne, %rem3A, %ne3A_16 : i32
    %and3A = arith.andi %ne3A, %ne3A_17 : i1
    %sub3A = arith.constant 1 : i32
    %sub3A_18 = arith.subi %div3A, %sub3A : i32
    %select_n3A = arith.select %and3A, %sub3A_18, %div3A : i32
    %broadcast_in_dim3A = arith.constant 0.000000e+00 : f32
    %broadcast_in_dim3A_19 = vector.broadcast %broadcast_in_dim3A : f32 to vector<16xf32>
    %add3A_20 = arith.constant 0 : i32
    %add3A_21 = arith.addi %mul3A_2, %add3A_20 : i32
    %mul3A_22 = arith.constant 512 : i32
    %mul3A_23 = arith.muli %select_n3A, %mul3A_22 : i32
    %sub3A_24 = arith.subi %add3A_21, %mul3A_23 : i32
    %dma_start3A = arith.constant 0 : i32
    %dma_start3A_25 = arith.constant 0 : i32
    %dma_start3A_26 = tpu.memref_slice %arg2[%select_n3A, %dma_start3A, %sub3A_24, %dma_start3A_25] : memref<4x16x512x512xf32, #tpu.memory_space<hbm>> -> memref<1x16x4x512xf32, #tpu.memory_space<hbm>>
    %dma_start3A_27 = tpu.memref_squeeze %dma_start3A_26 : memref<1x16x4x512xf32, #tpu.memory_space<hbm>> -> memref<16x4x512xf32, #tpu.memory_space<hbm>>
    %dma_start3A_28 = arith.constant 0 : i32
    %dma_start3A_29 = arith.constant 0 : i32
    %dma_start3A_30 = tpu.memref_slice %arg2[%select_n3A, %dma_start3A_28, %sub3A_24, %dma_start3A_29] : memref<4x16x512x512xf32, #tpu.memory_space<hbm>> -> memref<1x16x4x512xf32, #tpu.memory_space<hbm>>
    %dma_start3A_31 = tpu.memref_squeeze %dma_start3A_30 : memref<1x16x4x512xf32, #tpu.memory_space<hbm>> -> memref<16x4x512xf32, #tpu.memory_space<hbm>>
    tpu.enqueue_dma source(%dma_start3A_31 : memref<16x4x512xf32, #tpu.memory_space<hbm>>) target(%arg5 : memref<16x4x512xf32, #tpu.memory_space<vmem>>) target_semaphore(%arg11 : memref<!tpu.dma_semaphore, #tpu.memory_space<semaphore_mem>>)
    %dma_start3A_32 = arith.constant 0 : i32
    %dma_start3A_33 = tpu.memref_slice %arg3[%select_n3A, %sub3A_24, %dma_start3A_32] : memref<4x512x512xi32, #tpu.memory_space<hbm>> -> memref<1x4x512xi32, #tpu.memory_space<hbm>>
    %dma_start3A_34 = tpu.memref_squeeze %dma_start3A_33 : memref<1x4x512xi32, #tpu.memory_space<hbm>> -> memref<4x512xi32, #tpu.memory_space<hbm>>
    %dma_start3A_35 = arith.constant 0 : i32
    %dma_start3A_36 = tpu.memref_slice %arg3[%select_n3A, %sub3A_24, %dma_start3A_35] : memref<4x512x512xi32, #tpu.memory_space<hbm>> -> memref<1x4x512xi32, #tpu.memory_space<hbm>>
    %dma_start3A_37 = tpu.memref_squeeze %dma_start3A_36 : memref<1x4x512xi32, #tpu.memory_space<hbm>> -> memref<4x512xi32, #tpu.memory_space<hbm>>
    tpu.enqueue_dma source(%dma_start3A_37 : memref<4x512xi32, #tpu.memory_space<hbm>>) target(%arg7 : memref<4x512xi32, #tpu.memory_space<vmem>>) target_semaphore(%arg13 : memref<!tpu.dma_semaphore, #tpu.memory_space<semaphore_mem>>)
    %scan3A = arith.constant 0 : i32
    %scan3A_38 = arith.constant 0 : i32
    %scan3A_39 = arith.constant 16 : i32
    %scan3A_40 = arith.addi %scan3A_38, %scan3A_39 : i32
    %scan3A_41 = arith.constant 1 : i32
    scf.for %scan3A_50 = %scan3A_38 to %scan3A_40 step %scan3A_41  : i32 {
      %jit3A_51 = arith.constant 2 : i32
      %eq3A = arith.constant 0 : i32
      %eq3A_52 = arith.cmpi eq, %jit3A_51, %eq3A : i32
      %jit3A_53 = arith.constant 1 : i32
      %select_n3A_54 = arith.select %eq3A_52, %jit3A_53, %jit3A_51 : i32
      %rem3A_55 = arith.remsi %scan3A_50, %select_n3A_54 : i32
      %ne3A_56 = arith.constant 0 : i32
      %ne3A_57 = arith.cmpi ne, %rem3A_55, %ne3A_56 : i32
      %lt3A = arith.constant 0 : i32
      %lt3A_58 = arith.cmpi slt, %rem3A_55, %lt3A : i32
      %lt3A_59 = arith.constant 0 : i32
      %lt3A_60 = arith.cmpi slt, %select_n3A_54, %lt3A_59 : i32
      %ne3A_61 = arith.xori %lt3A_58, %lt3A_60 : i1
      %and3A_62 = arith.andi %ne3A_61, %ne3A_57 : i1
      %add3A_63 = arith.addi %rem3A_55, %select_n3A_54 : i32
      %select_n3A_64 = arith.select %and3A_62, %add3A_63, %rem3A_55 : i32
      %eq3A_65 = arith.constant 0 : i32
      %eq3A_66 = arith.cmpi eq, %select_n3A_64, %eq3A_65 : i32
      %convert_element_type3A = arith.extui %eq3A_66 : i1 to i32
      %cond3A = arith.constant 0 : i32
      %cond3A_67 = arith.cmpi ne, %convert_element_type3A, %cond3A : i32
      scf.if %cond3A_67 {
        %add3A_68 = arith.constant 1 : i32
        %add3A_69 = arith.addi %scan3A_50, %add3A_68 : i32
        %lt3A_70 = arith.constant 16 : i32
        %lt3A_71 = arith.cmpi slt, %add3A_69, %lt3A_70 : i32
        %convert_element_type3A_72 = arith.extui %lt3A_71 : i1 to i32
        %cond3A_73 = arith.constant 0 : i32
        %cond3A_74 = arith.cmpi ne, %convert_element_type3A_72, %cond3A_73 : i32
        scf.if %cond3A_74 {
          %add3A_301 = arith.constant 1 : i32
          %add3A_302 = arith.addi %scan3A_50, %add3A_301 : i32
          %mul3A_303 = arith.constant 4 : i32
          %mul3A_304 = arith.muli %add3A_302, %mul3A_303 : i32
          %add3A_305 = arith.addi %mul3A_2, %mul3A_304 : i32
          %mul3A_306 = arith.constant 512 : i32
          %mul3A_307 = arith.muli %select_n3A, %mul3A_306 : i32
          %sub3A_308 = arith.subi %add3A_305, %mul3A_307 : i32
          %dma_start3A_309 = arith.constant 0 : i32
          %dma_start3A_310 = arith.constant 0 : i32
          %dma_start3A_311 = tpu.memref_slice %arg2[%select_n3A, %dma_start3A_309, %sub3A_308, %dma_start3A_310] : memref<4x16x512x512xf32, #tpu.memory_space<hbm>> -> memref<1x16x4x512xf32, #tpu.memory_space<hbm>>
          %dma_start3A_312 = tpu.memref_squeeze %dma_start3A_311 : memref<1x16x4x512xf32, #tpu.memory_space<hbm>> -> memref<16x4x512xf32, #tpu.memory_space<hbm>>
          %dma_start3A_313 = arith.constant 0 : i32
          %dma_start3A_314 = arith.constant 0 : i32
          %dma_start3A_315 = tpu.memref_slice %arg2[%select_n3A, %dma_start3A_313, %sub3A_308, %dma_start3A_314] : memref<4x16x512x512xf32, #tpu.memory_space<hbm>> -> memref<1x16x4x512xf32, #tpu.memory_space<hbm>>
          %dma_start3A_316 = tpu.memref_squeeze %dma_start3A_315 : memref<1x16x4x512xf32, #tpu.memory_space<hbm>> -> memref<16x4x512xf32, #tpu.memory_space<hbm>>
          tpu.enqueue_dma source(%dma_start3A_316 : memref<16x4x512xf32, #tpu.memory_space<hbm>>) target(%arg6 : memref<16x4x512xf32, #tpu.memory_space<vmem>>) target_semaphore(%arg12 : memref<!tpu.dma_semaphore, #tpu.memory_space<semaphore_mem>>)
          %dma_start3A_317 = arith.constant 0 : i32
          %dma_start3A_318 = tpu.memref_slice %arg3[%select_n3A, %sub3A_308, %dma_start3A_317] : memref<4x512x512xi32, #tpu.memory_space<hbm>> -> memref<1x4x512xi32, #tpu.memory_space<hbm>>
          %dma_start3A_319 = tpu.memref_squeeze %dma_start3A_318 : memref<1x4x512xi32, #tpu.memory_space<hbm>> -> memref<4x512xi32, #tpu.memory_space<hbm>>
          %dma_start3A_320 = arith.constant 0 : i32
          %dma_start3A_321 = tpu.memref_slice %arg3[%select_n3A, %sub3A_308, %dma_start3A_320] : memref<4x512x512xi32, #tpu.memory_space<hbm>> -> memref<1x4x512xi32, #tpu.memory_space<hbm>>
          %dma_start3A_322 = tpu.memref_squeeze %dma_start3A_321 : memref<1x4x512xi32, #tpu.memory_space<hbm>> -> memref<4x512xi32, #tpu.memory_space<hbm>>
          tpu.enqueue_dma source(%dma_start3A_322 : memref<4x512xi32, #tpu.memory_space<hbm>>) target(%arg8 : memref<4x512xi32, #tpu.memory_space<vmem>>) target_semaphore(%arg14 : memref<!tpu.dma_semaphore, #tpu.memory_space<semaphore_mem>>)
        } else {
        }
        %ge3A = arith.constant 2 : i32
        %ge3A_75 = arith.cmpi sge, %scan3A_50, %ge3A : i32
        %convert_element_type3A_76 = arith.extui %ge3A_75 : i1 to i32
        %cond3A_77 = arith.constant 0 : i32
        %cond3A_78 = arith.cmpi ne, %convert_element_type3A_76, %cond3A_77 : i32
        scf.if %cond3A_78 {
          %dma_wait3A_301 = arith.constant 0 : i32
          %dma_wait3A_302 = tpu.memref_slice %arg4[%dma_wait3A_301] : memref<786432xf32, #tpu.memory_space<hbm>> -> memref<1536xf32, #tpu.memory_space<hbm>>
          %dma_wait3A_303 = arith.constant 0 : i32
          %dma_wait3A_304 = tpu.memref_slice %arg4[%dma_wait3A_303] : memref<786432xf32, #tpu.memory_space<hbm>> -> memref<1536xf32, #tpu.memory_space<hbm>>
          tpu.wait_dma2 semaphore(%arg15 : memref<!tpu.dma_semaphore, #tpu.memory_space<semaphore_mem>>) src(%arg9 : memref<1536xf32, #tpu.memory_space<vmem>>) dst(%dma_wait3A_304 : memref<1536xf32, #tpu.memory_space<hbm>>)
        } else {
        }
        %dma_wait3A_79 = arith.constant 0 : i32
        %dma_wait3A_80 = arith.constant 0 : i32
        %dma_wait3A_81 = arith.constant 0 : i32
        %dma_wait3A_82 = arith.constant 0 : i32
        %dma_wait3A_83 = tpu.memref_slice %arg2[%dma_wait3A_79, %dma_wait3A_80, %dma_wait3A_81, %dma_wait3A_82] : memref<4x16x512x512xf32, #tpu.memory_space<hbm>> -> memref<1x16x4x512xf32, #tpu.memory_space<hbm>>
        %dma_wait3A_84 = tpu.memref_squeeze %dma_wait3A_83 : memref<1x16x4x512xf32, #tpu.memory_space<hbm>> -> memref<16x4x512xf32, #tpu.memory_space<hbm>>
        %dma_wait3A_85 = arith.constant 0 : i32
        %dma_wait3A_86 = arith.constant 0 : i32
        %dma_wait3A_87 = arith.constant 0 : i32
        %dma_wait3A_88 = tpu.memref_slice %arg2[%dma_wait3A_79, %dma_wait3A_85, %dma_wait3A_86, %dma_wait3A_87] : memref<4x16x512x512xf32, #tpu.memory_space<hbm>> -> memref<1x16x4x512xf32, #tpu.memory_space<hbm>>
        %dma_wait3A_89 = tpu.memref_squeeze %dma_wait3A_88 : memref<1x16x4x512xf32, #tpu.memory_space<hbm>> -> memref<16x4x512xf32, #tpu.memory_space<hbm>>
        tpu.wait_dma2 semaphore(%arg11 : memref<!tpu.dma_semaphore, #tpu.memory_space<semaphore_mem>>) src(%dma_wait3A_89 : memref<16x4x512xf32, #tpu.memory_space<hbm>>) dst(%arg5 : memref<16x4x512xf32, #tpu.memory_space<vmem>>)
        %dma_wait3A_90 = arith.constant 0 : i32
        %dma_wait3A_91 = arith.constant 0 : i32
        %dma_wait3A_92 = arith.constant 0 : i32
        %dma_wait3A_93 = tpu.memref_slice %arg3[%dma_wait3A_90, %dma_wait3A_91, %dma_wait3A_92] : memref<4x512x512xi32, #tpu.memory_space<hbm>> -> memref<1x4x512xi32, #tpu.memory_space<hbm>>
        %dma_wait3A_94 = tpu.memref_squeeze %dma_wait3A_93 : memref<1x4x512xi32, #tpu.memory_space<hbm>> -> memref<4x512xi32, #tpu.memory_space<hbm>>
        %dma_wait3A_95 = arith.constant 0 : i32
        %dma_wait3A_96 = arith.constant 0 : i32
        %dma_wait3A_97 = tpu.memref_slice %arg3[%dma_wait3A_90, %dma_wait3A_95, %dma_wait3A_96] : memref<4x512x512xi32, #tpu.memory_space<hbm>> -> memref<1x4x512xi32, #tpu.memory_space<hbm>>
        %dma_wait3A_98 = tpu.memref_squeeze %dma_wait3A_97 : memref<1x4x512xi32, #tpu.memory_space<hbm>> -> memref<4x512xi32, #tpu.memory_space<hbm>>
        tpu.wait_dma2 semaphore(%arg13 : memref<!tpu.dma_semaphore, #tpu.memory_space<semaphore_mem>>) src(%dma_wait3A_98 : memref<4x512xi32, #tpu.memory_space<hbm>>) dst(%arg7 : memref<4x512xi32, #tpu.memory_space<vmem>>)
        %swap3A = arith.constant 0 : index
        %swap3A_99 = tpu.vector_load %arg9[%swap3A] {strides = array<i32>} : memref<1536xf32, #tpu.memory_space<vmem>>, vector<16xf32>,
        tpu.vector_store %arg9[%swap3A], %broadcast_in_dim3A_19 {strides = array<i32>} : memref<1536xf32, #tpu.memory_space<vmem>>, vector<16xf32>,
        %swap3A_100 = arith.constant 16 : index
        %swap3A_101 = tpu.vector_load %arg9[%swap3A_100] {strides = array<i32>} : memref<1536xf32, #tpu.memory_space<vmem>>, vector<16xf32>,
        tpu.vector_store %arg9[%swap3A_100], %broadcast_in_dim3A_19 {strides = array<i32>} : memref<1536xf32, #tpu.memory_space<vmem>>, vector<16xf32>,
        %swap3A_102 = arith.constant 32 : index
        %swap3A_103 = tpu.vector_load %arg9[%swap3A_102] {strides = array<i32>} : memref<1536xf32, #tpu.memory_space<vmem>>, vector<16xf32>,
        tpu.vector_store %arg9[%swap3A_102], %broadcast_in_dim3A_19 {strides = array<i32>} : memref<1536xf32, #tpu.memory_space<vmem>>, vector<16xf32>,
        %swap3A_104 = arith.constant 48 : index
        %swap3A_105 = tpu.vector_load %arg9[%swap3A_104] {strides = array<i32>} : memref<1536xf32, #tpu.memory_space<vmem>>, vector<16xf32>,
        tpu.vector_store %arg9[%swap3A_104], %broadcast_in_dim3A_19 {strides = array<i32>} : memref<1536xf32, #tpu.memory_space<vmem>>, vector<16xf32>,
        %swap3A_106 = arith.constant 64 : index
        %swap3A_107 = tpu.vector_load %arg9[%swap3A_106] {strides = array<i32>} : memref<1536xf32, #tpu.memory_space<vmem>>, vector<16xf32>,
        tpu.vector_store %arg9[%swap3A_106], %broadcast_in_dim3A_19 {strides = array<i32>} : memref<1536xf32, #tpu.memory_space<vmem>>, vector<16xf32>,
        %swap3A_108 = arith.constant 80 : index
        %swap3A_109 = tpu.vector_load %arg9[%swap3A_108] {strides = array<i32>} : memref<1536xf32, #tpu.memory_space<vmem>>, vector<16xf32>,
        tpu.vector_store %arg9[%swap3A_108], %broadcast_in_dim3A_19 {strides = array<i32>} : memref<1536xf32, #tpu.memory_space<vmem>>, vector<16xf32>,
        %swap3A_110 = arith.constant 96 : index
        %swap3A_111 = tpu.vector_load %arg9[%swap3A_110] {strides = array<i32>} : memref<1536xf32, #tpu.memory_space<vmem>>, vector<16xf32>,
        tpu.vector_store %arg9[%swap3A_110], %broadcast_in_dim3A_19 {strides = array<i32>} : memref<1536xf32, #tpu.memory_space<vmem>>, vector<16xf32>,
        %swap3A_112 = arith.constant 112 : index
        %swap3A_113 = tpu.vector_load %arg9[%swap3A_112] {strides = array<i32>} : memref<1536xf32, #tpu.memory_space<vmem>>, vector<16xf32>,
        tpu.vector_store %arg9[%swap3A_112], %broadcast_in_dim3A_19 {strides = array<i32>} : memref<1536xf32, #tpu.memory_space<vmem>>, vector<16xf32>,
        %swap3A_114 = arith.constant 128 : index
        %swap3A_115 = tpu.vector_load %arg9[%swap3A_114] {strides = array<i32>} : memref<1536xf32, #tpu.memory_space<vmem>>, vector<16xf32>,
        tpu.vector_store %arg9[%swap3A_114], %broadcast_in_dim3A_19 {strides = array<i32>} : memref<1536xf32, #tpu.memory_space<vmem>>, vector<16xf32>,
        %swap3A_116 = arith.constant 144 : index
        %swap3A_117 = tpu.vector_load %arg9[%swap3A_116] {strides = array<i32>} : memref<1536xf32, #tpu.memory_space<vmem>>, vector<16xf32>,
        tpu.vector_store %arg9[%swap3A_116], %broadcast_in_dim3A_19 {strides = array<i32>} : memref<1536xf32, #tpu.memory_space<vmem>>, vector<16xf32>,
        %swap3A_118 = arith.constant 160 : index
        %swap3A_119 = tpu.vector_load %arg9[%swap3A_118] {strides = array<i32>} : memref<1536xf32, #tpu.memory_space<vmem>>, vector<16xf32>,
        tpu.vector_store %arg9[%swap3A_118], %broadcast_in_dim3A_19 {strides = array<i32>} : memref<1536xf32, #tpu.memory_space<vmem>>, vector<16xf32>,
        %swap3A_120 = arith.constant 176 : index
        %swap3A_121 = tpu.vector_load %arg9[%swap3A_120] {strides = array<i32>} : memref<1536xf32, #tpu.memory_space<vmem>>, vector<16xf32>,
        tpu.vector_store %arg9[%swap3A_120], %broadcast_in_dim3A_19 {strides = array<i32>} : memref<1536xf32, #tpu.memory_space<vmem>>, vector<16xf32>,
        %swap3A_122 = arith.constant 192 : index
        %swap3A_123 = tpu.vector_load %arg9[%swap3A_122] {strides = array<i32>} : memref<1536xf32, #tpu.memory_space<vmem>>, vector<16xf32>,
        tpu.vector_store %arg9[%swap3A_122], %broadcast_in_dim3A_19 {strides = array<i32>} : memref<1536xf32, #tpu.memory_space<vmem>>, vector<16xf32>,
        %swap3A_124 = arith.constant 208 : index
        %swap3A_125 = tpu.vector_load %arg9[%swap3A_124] {strides = array<i32>} : memref<1536xf32, #tpu.memory_space<vmem>>, vector<16xf32>,
        tpu.vector_store %arg9[%swap3A_124], %broadcast_in_dim3A_19 {strides = array<i32>} : memref<1536xf32, #tpu.memory_space<vmem>>, vector<16xf32>,
        %swap3A_126 = arith.constant 224 : index
        %swap3A_127 = tpu.vector_load %arg9[%swap3A_126] {strides = array<i32>} : memref<1536xf32, #tpu.memory_space<vmem>>, vector<16xf32>,
        tpu.vector_store %arg9[%swap3A_126], %broadcast_in_dim3A_19 {strides = array<i32>} : memref<1536xf32, #tpu.memory_space<vmem>>, vector<16xf32>,
        %swap3A_128 = arith.constant 240 : index
        %swap3A_129 = tpu.vector_load %arg9[%swap3A_128] {strides = array<i32>} : memref<1536xf32, #tpu.memory_space<vmem>>, vector<16xf32>,
        tpu.vector_store %arg9[%swap3A_128], %broadcast_in_dim3A_19 {strides = array<i32>} : memref<1536xf32, #tpu.memory_space<vmem>>, vector<16xf32>,
        %swap3A_130 = arith.constant 256 : index
        %swap3A_131 = tpu.vector_load %arg9[%swap3A_130] {strides = array<i32>} : memref<1536xf32, #tpu.memory_space<vmem>>, vector<16xf32>,
        tpu.vector_store %arg9[%swap3A_130], %broadcast_in_dim3A_19 {strides = array<i32>} : memref<1536xf32, #tpu.memory_space<vmem>>, vector<16xf32>,
        %swap3A_132 = arith.constant 272 : index
        %swap3A_133 = tpu.vector_load %arg9[%swap3A_132] {strides = array<i32>} : memref<1536xf32, #tpu.memory_space<vmem>>, vector<16xf32>,
        tpu.vector_store %arg9[%swap3A_132], %broadcast_in_dim3A_19 {strides = array<i32>} : memref<1536xf32, #tpu.memory_space<vmem>>, vector<16xf32>,
        %swap3A_134 = arith.constant 288 : index
        %swap3A_135 = tpu.vector_load %arg9[%swap3A_134] {strides = array<i32>} : memref<1536xf32, #tpu.memory_space<vmem>>, vector<16xf32>,
        tpu.vector_store %arg9[%swap3A_134], %broadcast_in_dim3A_19 {strides = array<i32>} : memref<1536xf32, #tpu.memory_space<vmem>>, vector<16xf32>,
        %swap3A_136 = arith.constant 304 : index
        %swap3A_137 = tpu.vector_load %arg9[%swap3A_136] {strides = array<i32>} : memref<1536xf32, #tpu.memory_space<vmem>>, vector<16xf32>,
        tpu.vector_store %arg9[%swap3A_136], %broadcast_in_dim3A_19 {strides = array<i32>} : memref<1536xf32, #tpu.memory_space<vmem>>, vector<16xf32>,
        %swap3A_138 = arith.constant 320 : index
        %swap3A_139 = tpu.vector_load %arg9[%swap3A_138] {strides = array<i32>} : memref<1536xf32, #tpu.memory_space<vmem>>, vector<16xf32>,
        tpu.vector_store %arg9[%swap3A_138], %broadcast_in_dim3A_19 {strides = array<i32>} : memref<1536xf32, #tpu.memory_space<vmem>>, vector<16xf32>,
        %swap3A_140 = arith.constant 336 : index
        %swap3A_141 = tpu.vector_load %arg9[%swap3A_140] {strides = array<i32>} : memref<1536xf32, #tpu.memory_space<vmem>>, vector<16xf32>,
        tpu.vector_store %arg9[%swap3A_140], %broadcast_in_dim3A_19 {strides = array<i32>} : memref<1536xf32, #tpu.memory_space<vmem>>, vector<16xf32>,
        %swap3A_142 = arith.constant 352 : index
        %swap3A_143 = tpu.vector_load %arg9[%swap3A_142] {strides = array<i32>} : memref<1536xf32, #tpu.memory_space<vmem>>, vector<16xf32>,
        tpu.vector_store %arg9[%swap3A_142], %broadcast_in_dim3A_19 {strides = array<i32>} : memref<1536xf32, #tpu.memory_space<vmem>>, vector<16xf32>,
        %swap3A_144 = arith.constant 368 : index
        %swap3A_145 = tpu.vector_load %arg9[%swap3A_144] {strides = array<i32>} : memref<1536xf32, #tpu.memory_space<vmem>>, vector<16xf32>,
        tpu.vector_store %arg9[%swap3A_144], %broadcast_in_dim3A_19 {strides = array<i32>} : memref<1536xf32, #tpu.memory_space<vmem>>, vector<16xf32>,
        %swap3A_146 = arith.constant 384 : index
        %swap3A_147 = tpu.vector_load %arg9[%swap3A_146] {strides = array<i32>} : memref<1536xf32, #tpu.memory_space<vmem>>, vector<16xf32>,
        tpu.vector_store %arg9[%swap3A_146], %broadcast_in_dim3A_19 {strides = array<i32>} : memref<1536xf32, #tpu.memory_space<vmem>>, vector<16xf32>,
        %swap3A_148 = arith.constant 400 : index
        %swap3A_149 = tpu.vector_load %arg9[%swap3A_148] {strides = array<i32>} : memref<1536xf32, #tpu.memory_space<vmem>>, vector<16xf32>,
        tpu.vector_store %arg9[%swap3A_148], %broadcast_in_dim3A_19 {strides = array<i32>} : memref<1536xf32, #tpu.memory_space<vmem>>, vector<16xf32>,
        %swap3A_150 = arith.constant 416 : index
        %swap3A_151 = tpu.vector_load %arg9[%swap3A_150] {strides = array<i32>} : memref<1536xf32, #tpu.memory_space<vmem>>, vector<16xf32>,
        tpu.vector_store %arg9[%swap3A_150], %broadcast_in_dim3A_19 {strides = array<i32>} : memref<1536xf32, #tpu.memory_space<vmem>>, vector<16xf32>,
        %swap3A_152 = arith.constant 432 : index
        %swap3A_153 = tpu.vector_load %arg9[%swap3A_152] {strides = array<i32>} : memref<1536xf32, #tpu.memory_space<vmem>>, vector<16xf32>,
        tpu.vector_store %arg9[%swap3A_152], %broadcast_in_dim3A_19 {strides = array<i32>} : memref<1536xf32, #tpu.memory_space<vmem>>, vector<16xf32>,
        %swap3A_154 = arith.constant 448 : index
        %swap3A_155 = tpu.vector_load %arg9[%swap3A_154] {strides = array<i32>} : memref<1536xf32, #tpu.memory_space<vmem>>, vector<16xf32>,
        tpu.vector_store %arg9[%swap3A_154], %broadcast_in_dim3A_19 {strides = array<i32>} : memref<1536xf32, #tpu.memory_space<vmem>>, vector<16xf32>,
        %swap3A_156 = arith.constant 464 : index
        %swap3A_157 = tpu.vector_load %arg9[%swap3A_156] {strides = array<i32>} : memref<1536xf32, #tpu.memory_space<vmem>>, vector<16xf32>,
        tpu.vector_store %arg9[%swap3A_156], %broadcast_in_dim3A_19 {strides = array<i32>} : memref<1536xf32, #tpu.memory_space<vmem>>, vector<16xf32>,
        %swap3A_158 = arith.constant 480 : index
        %swap3A_159 = tpu.vector_load %arg9[%swap3A_158] {strides = array<i32>} : memref<1536xf32, #tpu.memory_space<vmem>>, vector<16xf32>,
        tpu.vector_store %arg9[%swap3A_158], %broadcast_in_dim3A_19 {strides = array<i32>} : memref<1536xf32, #tpu.memory_space<vmem>>, vector<16xf32>,
        %swap3A_160 = arith.constant 496 : index
        %swap3A_161 = tpu.vector_load %arg9[%swap3A_160] {strides = array<i32>} : memref<1536xf32, #tpu.memory_space<vmem>>, vector<16xf32>,
        tpu.vector_store %arg9[%swap3A_160], %broadcast_in_dim3A_19 {strides = array<i32>} : memref<1536xf32, #tpu.memory_space<vmem>>, vector<16xf32>,
        %swap3A_162 = arith.constant 512 : index
        %swap3A_163 = tpu.vector_load %arg9[%swap3A_162] {strides = array<i32>} : memref<1536xf32, #tpu.memory_space<vmem>>, vector<16xf32>,
        tpu.vector_store %arg9[%swap3A_162], %broadcast_in_dim3A_19 {strides = array<i32>} : memref<1536xf32, #tpu.memory_space<vmem>>, vector<16xf32>,
        %swap3A_164 = arith.constant 528 : index
        %swap3A_165 = tpu.vector_load %arg9[%swap3A_164] {strides = array<i32>} : memref<1536xf32, #tpu.memory_space<vmem>>, vector<16xf32>,
        tpu.vector_store %arg9[%swap3A_164], %broadcast_in_dim3A_19 {strides = array<i32>} : memref<1536xf32, #tpu.memory_space<vmem>>, vector<16xf32>,
        %swap3A_166 = arith.constant 544 : index
        %swap3A_167 = tpu.vector_load %arg9[%swap3A_166] {strides = array<i32>} : memref<1536xf32, #tpu.memory_space<vmem>>, vector<16xf32>,
        tpu.vector_store %arg9[%swap3A_166], %broadcast_in_dim3A_19 {strides = array<i32>} : memref<1536xf32, #tpu.memory_space<vmem>>, vector<16xf32>,
        %swap3A_168 = arith.constant 560 : index
        %swap3A_169 = tpu.vector_load %arg9[%swap3A_168] {strides = array<i32>} : memref<1536xf32, #tpu.memory_space<vmem>>, vector<16xf32>,
        tpu.vector_store %arg9[%swap3A_168], %broadcast_in_dim3A_19 {strides = array<i32>} : memref<1536xf32, #tpu.memory_space<vmem>>, vector<16xf32>,
        %swap3A_170 = arith.constant 576 : index
        %swap3A_171 = tpu.vector_load %arg9[%swap3A_170] {strides = array<i32>} : memref<1536xf32, #tpu.memory_space<vmem>>, vector<16xf32>,
        tpu.vector_store %arg9[%swap3A_170], %broadcast_in_dim3A_19 {strides = array<i32>} : memref<1536xf32, #tpu.memory_space<vmem>>, vector<16xf32>,
        %swap3A_172 = arith.constant 592 : index
        %swap3A_173 = tpu.vector_load %arg9[%swap3A_172] {strides = array<i32>} : memref<1536xf32, #tpu.memory_space<vmem>>, vector<16xf32>,
        tpu.vector_store %arg9[%swap3A_172], %broadcast_in_dim3A_19 {strides = array<i32>} : memref<1536xf32, #tpu.memory_space<vmem>>, vector<16xf32>,
        %swap3A_174 = arith.constant 608 : index
        %swap3A_175 = tpu.vector_load %arg9[%swap3A_174] {strides = array<i32>} : memref<1536xf32, #tpu.memory_space<vmem>>, vector<16xf32>,
        tpu.vector_store %arg9[%swap3A_174], %broadcast_in_dim3A_19 {strides = array<i32>} : memref<1536xf32, #tpu.memory_space<vmem>>, vector<16xf32>,
        %swap3A_176 = arith.constant 624 : index
        %swap3A_177 = tpu.vector_load %arg9[%swap3A_176] {strides = array<i32>} : memref<1536xf32, #tpu.memory_space<vmem>>, vector<16xf32>,
        tpu.vector_store %arg9[%swap3A_176], %broadcast_in_dim3A_19 {strides = array<i32>} : memref<1536xf32, #tpu.memory_space<vmem>>, vector<16xf32>,
        %swap3A_178 = arith.constant 640 : index
        %swap3A_179 = tpu.vector_load %arg9[%swap3A_178] {strides = array<i32>} : memref<1536xf32, #tpu.memory_space<vmem>>, vector<16xf32>,
        tpu.vector_store %arg9[%swap3A_178], %broadcast_in_dim3A_19 {strides = array<i32>} : memref<1536xf32, #tpu.memory_space<vmem>>, vector<16xf32>,
        %swap3A_180 = arith.constant 656 : index
        %swap3A_181 = tpu.vector_load %arg9[%swap3A_180] {strides = array<i32>} : memref<1536xf32, #tpu.memory_space<vmem>>, vector<16xf32>,
        tpu.vector_store %arg9[%swap3A_180], %broadcast_in_dim3A_19 {strides = array<i32>} : memref<1536xf32, #tpu.memory_space<vmem>>, vector<16xf32>,
        %swap3A_182 = arith.constant 672 : index
        %swap3A_183 = tpu.vector_load %arg9[%swap3A_182] {strides = array<i32>} : memref<1536xf32, #tpu.memory_space<vmem>>, vector<16xf32>,
        tpu.vector_store %arg9[%swap3A_182], %broadcast_in_dim3A_19 {strides = array<i32>} : memref<1536xf32, #tpu.memory_space<vmem>>, vector<16xf32>,
        %swap3A_184 = arith.constant 688 : index
        %swap3A_185 = tpu.vector_load %arg9[%swap3A_184] {strides = array<i32>} : memref<1536xf32, #tpu.memory_space<vmem>>, vector<16xf32>,
        tpu.vector_store %arg9[%swap3A_184], %broadcast_in_dim3A_19 {strides = array<i32>} : memref<1536xf32, #tpu.memory_space<vmem>>, vector<16xf32>,
        %swap3A_186 = arith.constant 704 : index
        %swap3A_187 = tpu.vector_load %arg9[%swap3A_186] {strides = array<i32>} : memref<1536xf32, #tpu.memory_space<vmem>>, vector<16xf32>,
        tpu.vector_store %arg9[%swap3A_186], %broadcast_in_dim3A_19 {strides = array<i32>} : memref<1536xf32, #tpu.memory_space<vmem>>, vector<16xf32>,
        %swap3A_188 = arith.constant 720 : index
        %swap3A_189 = tpu.vector_load %arg9[%swap3A_188] {strides = array<i32>} : memref<1536xf32, #tpu.memory_space<vmem>>, vector<16xf32>,
        tpu.vector_store %arg9[%swap3A_188], %broadcast_in_dim3A_19 {strides = array<i32>} : memref<1536xf32, #tpu.memory_space<vmem>>, vector<16xf32>,
        %swap3A_190 = arith.constant 736 : index
        %swap3A_191 = tpu.vector_load %arg9[%swap3A_190] {strides = array<i32>} : memref<1536xf32, #tpu.memory_space<vmem>>, vector<16xf32>,
        tpu.vector_store %arg9[%swap3A_190], %broadcast_in_dim3A_19 {strides = array<i32>} : memref<1536xf32, #tpu.memory_space<vmem>>, vector<16xf32>,
        %swap3A_192 = arith.constant 752 : index
        %swap3A_193 = tpu.vector_load %arg9[%swap3A_192] {strides = array<i32>} : memref<1536xf32, #tpu.memory_space<vmem>>, vector<16xf32>,
        tpu.vector_store %arg9[%swap3A_192], %broadcast_in_dim3A_19 {strides = array<i32>} : memref<1536xf32, #tpu.memory_space<vmem>>, vector<16xf32>,
        %swap3A_194 = arith.constant 768 : index
        %swap3A_195 = tpu.vector_load %arg9[%swap3A_194] {strides = array<i32>} : memref<1536xf32, #tpu.memory_space<vmem>>, vector<16xf32>,
        tpu.vector_store %arg9[%swap3A_194], %broadcast_in_dim3A_19 {strides = array<i32>} : memref<1536xf32, #tpu.memory_space<vmem>>, vector<16xf32>,
        %swap3A_196 = arith.constant 784 : index
        %swap3A_197 = tpu.vector_load %arg9[%swap3A_196] {strides = array<i32>} : memref<1536xf32, #tpu.memory_space<vmem>>, vector<16xf32>,
        tpu.vector_store %arg9[%swap3A_196], %broadcast_in_dim3A_19 {strides = array<i32>} : memref<1536xf32, #tpu.memory_space<vmem>>, vector<16xf32>,
        %swap3A_198 = arith.constant 800 : index
        %swap3A_199 = tpu.vector_load %arg9[%swap3A_198] {strides = array<i32>} : memref<1536xf32, #tpu.memory_space<vmem>>, vector<16xf32>,
        tpu.vector_store %arg9[%swap3A_198], %broadcast_in_dim3A_19 {strides = array<i32>} : memref<1536xf32, #tpu.memory_space<vmem>>, vector<16xf32>,
        %swap3A_200 = arith.constant 816 : index
        %swap3A_201 = tpu.vector_load %arg9[%swap3A_200] {strides = array<i32>} : memref<1536xf32, #tpu.memory_space<vmem>>, vector<16xf32>,
        tpu.vector_store %arg9[%swap3A_200], %broadcast_in_dim3A_19 {strides = array<i32>} : memref<1536xf32, #tpu.memory_space<vmem>>, vector<16xf32>,
        %swap3A_202 = arith.constant 832 : index
        %swap3A_203 = tpu.vector_load %arg9[%swap3A_202] {strides = array<i32>} : memref<1536xf32, #tpu.memory_space<vmem>>, vector<16xf32>,
        tpu.vector_store %arg9[%swap3A_202], %broadcast_in_dim3A_19 {strides = array<i32>} : memref<1536xf32, #tpu.memory_space<vmem>>, vector<16xf32>,
        %swap3A_204 = arith.constant 848 : index
        %swap3A_205 = tpu.vector_load %arg9[%swap3A_204] {strides = array<i32>} : memref<1536xf32, #tpu.memory_space<vmem>>, vector<16xf32>,
        tpu.vector_store %arg9[%swap3A_204], %broadcast_in_dim3A_19 {strides = array<i32>} : memref<1536xf32, #tpu.memory_space<vmem>>, vector<16xf32>,
        %swap3A_206 = arith.constant 864 : index
        %swap3A_207 = tpu.vector_load %arg9[%swap3A_206] {strides = array<i32>} : memref<1536xf32, #tpu.memory_space<vmem>>, vector<16xf32>,
        tpu.vector_store %arg9[%swap3A_206], %broadcast_in_dim3A_19 {strides = array<i32>} : memref<1536xf32, #tpu.memory_space<vmem>>, vector<16xf32>,
        %swap3A_208 = arith.constant 880 : index
        %swap3A_209 = tpu.vector_load %arg9[%swap3A_208] {strides = array<i32>} : memref<1536xf32, #tpu.memory_space<vmem>>, vector<16xf32>,
        tpu.vector_store %arg9[%swap3A_208], %broadcast_in_dim3A_19 {strides = array<i32>} : memref<1536xf32, #tpu.memory_space<vmem>>, vector<16xf32>,
        %swap3A_210 = arith.constant 896 : index
        %swap3A_211 = tpu.vector_load %arg9[%swap3A_210] {strides = array<i32>} : memref<1536xf32, #tpu.memory_space<vmem>>, vector<16xf32>,
        tpu.vector_store %arg9[%swap3A_210], %broadcast_in_dim3A_19 {strides = array<i32>} : memref<1536xf32, #tpu.memory_space<vmem>>, vector<16xf32>,
        %swap3A_212 = arith.constant 912 : index
        %swap3A_213 = tpu.vector_load %arg9[%swap3A_212] {strides = array<i32>} : memref<1536xf32, #tpu.memory_space<vmem>>, vector<16xf32>,
        tpu.vector_store %arg9[%swap3A_212], %broadcast_in_dim3A_19 {strides = array<i32>} : memref<1536xf32, #tpu.memory_space<vmem>>, vector<16xf32>,
        %swap3A_214 = arith.constant 928 : index
        %swap3A_215 = tpu.vector_load %arg9[%swap3A_214] {strides = array<i32>} : memref<1536xf32, #tpu.memory_space<vmem>>, vector<16xf32>,
        tpu.vector_store %arg9[%swap3A_214], %broadcast_in_dim3A_19 {strides = array<i32>} : memref<1536xf32, #tpu.memory_space<vmem>>, vector<16xf32>,
        %swap3A_216 = arith.constant 944 : index
        %swap3A_217 = tpu.vector_load %arg9[%swap3A_216] {strides = array<i32>} : memref<1536xf32, #tpu.memory_space<vmem>>, vector<16xf32>,
        tpu.vector_store %arg9[%swap3A_216], %broadcast_in_dim3A_19 {strides = array<i32>} : memref<1536xf32, #tpu.memory_space<vmem>>, vector<16xf32>,
        %swap3A_218 = arith.constant 960 : index
        %swap3A_219 = tpu.vector_load %arg9[%swap3A_218] {strides = array<i32>} : memref<1536xf32, #tpu.memory_space<vmem>>, vector<16xf32>,
        tpu.vector_store %arg9[%swap3A_218], %broadcast_in_dim3A_19 {strides = array<i32>} : memref<1536xf32, #tpu.memory_space<vmem>>, vector<16xf32>,
        %swap3A_220 = arith.constant 976 : index
        %swap3A_221 = tpu.vector_load %arg9[%swap3A_220] {strides = array<i32>} : memref<1536xf32, #tpu.memory_space<vmem>>, vector<16xf32>,
        tpu.vector_store %arg9[%swap3A_220], %broadcast_in_dim3A_19 {strides = array<i32>} : memref<1536xf32, #tpu.memory_space<vmem>>, vector<16xf32>,
        %swap3A_222 = arith.constant 992 : index
        %swap3A_223 = tpu.vector_load %arg9[%swap3A_222] {strides = array<i32>} : memref<1536xf32, #tpu.memory_space<vmem>>, vector<16xf32>,
        tpu.vector_store %arg9[%swap3A_222], %broadcast_in_dim3A_19 {strides = array<i32>} : memref<1536xf32, #tpu.memory_space<vmem>>, vector<16xf32>,
        %swap3A_224 = arith.constant 1008 : index
        %swap3A_225 = tpu.vector_load %arg9[%swap3A_224] {strides = array<i32>} : memref<1536xf32, #tpu.memory_space<vmem>>, vector<16xf32>,
        tpu.vector_store %arg9[%swap3A_224], %broadcast_in_dim3A_19 {strides = array<i32>} : memref<1536xf32, #tpu.memory_space<vmem>>, vector<16xf32>,
        %swap3A_226 = arith.constant 1024 : index
        %swap3A_227 = tpu.vector_load %arg9[%swap3A_226] {strides = array<i32>} : memref<1536xf32, #tpu.memory_space<vmem>>, vector<16xf32>,
        tpu.vector_store %arg9[%swap3A_226], %broadcast_in_dim3A_19 {strides = array<i32>} : memref<1536xf32, #tpu.memory_space<vmem>>, vector<16xf32>,
        %swap3A_228 = arith.constant 1040 : index
        %swap3A_229 = tpu.vector_load %arg9[%swap3A_228] {strides = array<i32>} : memref<1536xf32, #tpu.memory_space<vmem>>, vector<16xf32>,
        tpu.vector_store %arg9[%swap3A_228], %broadcast_in_dim3A_19 {strides = array<i32>} : memref<1536xf32, #tpu.memory_space<vmem>>, vector<16xf32>,
        %swap3A_230 = arith.constant 1056 : index
        %swap3A_231 = tpu.vector_load %arg9[%swap3A_230] {strides = array<i32>} : memref<1536xf32, #tpu.memory_space<vmem>>, vector<16xf32>,
        tpu.vector_store %arg9[%swap3A_230], %broadcast_in_dim3A_19 {strides = array<i32>} : memref<1536xf32, #tpu.memory_space<vmem>>, vector<16xf32>,
        %swap3A_232 = arith.constant 1072 : index
        %swap3A_233 = tpu.vector_load %arg9[%swap3A_232] {strides = array<i32>} : memref<1536xf32, #tpu.memory_space<vmem>>, vector<16xf32>,
        tpu.vector_store %arg9[%swap3A_232], %broadcast_in_dim3A_19 {strides = array<i32>} : memref<1536xf32, #tpu.memory_space<vmem>>, vector<16xf32>,
        %swap3A_234 = arith.constant 1088 : index
        %swap3A_235 = tpu.vector_load %arg9[%swap3A_234] {strides = array<i32>} : memref<1536xf32, #tpu.memory_space<vmem>>, vector<16xf32>,
        tpu.vector_store %arg9[%swap3A_234], %broadcast_in_dim3A_19 {strides = array<i32>} : memref<1536xf32, #tpu.memory_space<vmem>>, vector<16xf32>,
        %swap3A_236 = arith.constant 1104 : index
        %swap3A_237 = tpu.vector_load %arg9[%swap3A_236] {strides = array<i32>} : memref<1536xf32, #tpu.memory_space<vmem>>, vector<16xf32>,
        tpu.vector_store %arg9[%swap3A_236], %broadcast_in_dim3A_19 {strides = array<i32>} : memref<1536xf32, #tpu.memory_space<vmem>>, vector<16xf32>,
        %swap3A_238 = arith.constant 1120 : index
        %swap3A_239 = tpu.vector_load %arg9[%swap3A_238] {strides = array<i32>} : memref<1536xf32, #tpu.memory_space<vmem>>, vector<16xf32>,
        tpu.vector_store %arg9[%swap3A_238], %broadcast_in_dim3A_19 {strides = array<i32>} : memref<1536xf32, #tpu.memory_space<vmem>>, vector<16xf32>,
        %swap3A_240 = arith.constant 1136 : index
        %swap3A_241 = tpu.vector_load %arg9[%swap3A_240] {strides = array<i32>} : memref<1536xf32, #tpu.memory_space<vmem>>, vector<16xf32>,
        tpu.vector_store %arg9[%swap3A_240], %broadcast_in_dim3A_19 {strides = array<i32>} : memref<1536xf32, #tpu.memory_space<vmem>>, vector<16xf32>,
        %swap3A_242 = arith.constant 1152 : index
        %swap3A_243 = tpu.vector_load %arg9[%swap3A_242] {strides = array<i32>} : memref<1536xf32, #tpu.memory_space<vmem>>, vector<16xf32>,
        tpu.vector_store %arg9[%swap3A_242], %broadcast_in_dim3A_19 {strides = array<i32>} : memref<1536xf32, #tpu.memory_space<vmem>>, vector<16xf32>,
        %swap3A_244 = arith.constant 1168 : index
        %swap3A_245 = tpu.vector_load %arg9[%swap3A_244] {strides = array<i32>} : memref<1536xf32, #tpu.memory_space<vmem>>, vector<16xf32>,
        tpu.vector_store %arg9[%swap3A_244], %broadcast_in_dim3A_19 {strides = array<i32>} : memref<1536xf32, #tpu.memory_space<vmem>>, vector<16xf32>,
        %swap3A_246 = arith.constant 1184 : index
        %swap3A_247 = tpu.vector_load %arg9[%swap3A_246] {strides = array<i32>} : memref<1536xf32, #tpu.memory_space<vmem>>, vector<16xf32>,
        tpu.vector_store %arg9[%swap3A_246], %broadcast_in_dim3A_19 {strides = array<i32>} : memref<1536xf32, #tpu.memory_space<vmem>>, vector<16xf32>,
        %swap3A_248 = arith.constant 1200 : index
        %swap3A_249 = tpu.vector_load %arg9[%swap3A_248] {strides = array<i32>} : memref<1536xf32, #tpu.memory_space<vmem>>, vector<16xf32>,
        tpu.vector_store %arg9[%swap3A_248], %broadcast_in_dim3A_19 {strides = array<i32>} : memref<1536xf32, #tpu.memory_space<vmem>>, vector<16xf32>,
        %swap3A_250 = arith.constant 1216 : index
        %swap3A_251 = tpu.vector_load %arg9[%swap3A_250] {strides = array<i32>} : memref<1536xf32, #tpu.memory_space<vmem>>, vector<16xf32>,
        tpu.vector_store %arg9[%swap3A_250], %broadcast_in_dim3A_19 {strides = array<i32>} : memref<1536xf32, #tpu.memory_space<vmem>>, vector<16xf32>,
        %swap3A_252 = arith.constant 1232 : index
        %swap3A_253 = tpu.vector_load %arg9[%swap3A_252] {strides = array<i32>} : memref<1536xf32, #tpu.memory_space<vmem>>, vector<16xf32>,
        tpu.vector_store %arg9[%swap3A_252], %broadcast_in_dim3A_19 {strides = array<i32>} : memref<1536xf32, #tpu.memory_space<vmem>>, vector<16xf32>,
        %swap3A_254 = arith.constant 1248 : index
        %swap3A_255 = tpu.vector_load %arg9[%swap3A_254] {strides = array<i32>} : memref<1536xf32, #tpu.memory_space<vmem>>, vector<16xf32>,
        tpu.vector_store %arg9[%swap3A_254], %broadcast_in_dim3A_19 {strides = array<i32>} : memref<1536xf32, #tpu.memory_space<vmem>>, vector<16xf32>,
        %swap3A_256 = arith.constant 1264 : index
        %swap3A_257 = tpu.vector_load %arg9[%swap3A_256] {strides = array<i32>} : memref<1536xf32, #tpu.memory_space<vmem>>, vector<16xf32>,
        tpu.vector_store %arg9[%swap3A_256], %broadcast_in_dim3A_19 {strides = array<i32>} : memref<1536xf32, #tpu.memory_space<vmem>>, vector<16xf32>,
        %swap3A_258 = arith.constant 1280 : index
        %swap3A_259 = tpu.vector_load %arg9[%swap3A_258] {strides = array<i32>} : memref<1536xf32, #tpu.memory_space<vmem>>, vector<16xf32>,
        tpu.vector_store %arg9[%swap3A_258], %broadcast_in_dim3A_19 {strides = array<i32>} : memref<1536xf32, #tpu.memory_space<vmem>>, vector<16xf32>,
        %swap3A_260 = arith.constant 1296 : index
        %swap3A_261 = tpu.vector_load %arg9[%swap3A_260] {strides = array<i32>} : memref<1536xf32, #tpu.memory_space<vmem>>, vector<16xf32>,
        tpu.vector_store %arg9[%swap3A_260], %broadcast_in_dim3A_19 {strides = array<i32>} : memref<1536xf32, #tpu.memory_space<vmem>>, vector<16xf32>,
        %swap3A_262 = arith.constant 1312 : index
        %swap3A_263 = tpu.vector_load %arg9[%swap3A_262] {strides = array<i32>} : memref<1536xf32, #tpu.memory_space<vmem>>, vector<16xf32>,
        tpu.vector_store %arg9[%swap3A_262], %broadcast_in_dim3A_19 {strides = array<i32>} : memref<1536xf32, #tpu.memory_space<vmem>>, vector<16xf32>,
        %swap3A_264 = arith.constant 1328 : index
        %swap3A_265 = tpu.vector_load %arg9[%swap3A_264] {strides = array<i32>} : memref<1536xf32, #tpu.memory_space<vmem>>, vector<16xf32>,
        tpu.vector_store %arg9[%swap3A_264], %broadcast_in_dim3A_19 {strides = array<i32>} : memref<1536xf32, #tpu.memory_space<vmem>>, vector<16xf32>,
        %swap3A_266 = arith.constant 1344 : index
        %swap3A_267 = tpu.vector_load %arg9[%swap3A_266] {strides = array<i32>} : memref<1536xf32, #tpu.memory_space<vmem>>, vector<16xf32>,
        tpu.vector_store %arg9[%swap3A_266], %broadcast_in_dim3A_19 {strides = array<i32>} : memref<1536xf32, #tpu.memory_space<vmem>>, vector<16xf32>,
        %swap3A_268 = arith.constant 1360 : index
        %swap3A_269 = tpu.vector_load %arg9[%swap3A_268] {strides = array<i32>} : memref<1536xf32, #tpu.memory_space<vmem>>, vector<16xf32>,
        tpu.vector_store %arg9[%swap3A_268], %broadcast_in_dim3A_19 {strides = array<i32>} : memref<1536xf32, #tpu.memory_space<vmem>>, vector<16xf32>,
        %swap3A_270 = arith.constant 1376 : index
        %swap3A_271 = tpu.vector_load %arg9[%swap3A_270] {strides = array<i32>} : memref<1536xf32, #tpu.memory_space<vmem>>, vector<16xf32>,
        tpu.vector_store %arg9[%swap3A_270], %broadcast_in_dim3A_19 {strides = array<i32>} : memref<1536xf32, #tpu.memory_space<vmem>>, vector<16xf32>,
        %swap3A_272 = arith.constant 1392 : index
        %swap3A_273 = tpu.vector_load %arg9[%swap3A_272] {strides = array<i32>} : memref<1536xf32, #tpu.memory_space<vmem>>, vector<16xf32>,
        tpu.vector_store %arg9[%swap3A_272], %broadcast_in_dim3A_19 {strides = array<i32>} : memref<1536xf32, #tpu.memory_space<vmem>>, vector<16xf32>,
        %swap3A_274 = arith.constant 1408 : index
        %swap3A_275 = tpu.vector_load %arg9[%swap3A_274] {strides = array<i32>} : memref<1536xf32, #tpu.memory_space<vmem>>, vector<16xf32>,
        tpu.vector_store %arg9[%swap3A_274], %broadcast_in_dim3A_19 {strides = array<i32>} : memref<1536xf32, #tpu.memory_space<vmem>>, vector<16xf32>,
        %swap3A_276 = arith.constant 1424 : index
        %swap3A_277 = tpu.vector_load %arg9[%swap3A_276] {strides = array<i32>} : memref<1536xf32, #tpu.memory_space<vmem>>, vector<16xf32>,
        tpu.vector_store %arg9[%swap3A_276], %broadcast_in_dim3A_19 {strides = array<i32>} : memref<1536xf32, #tpu.memory_space<vmem>>, vector<16xf32>,
        %swap3A_278 = arith.constant 1440 : index
        %swap3A_279 = tpu.vector_load %arg9[%swap3A_278] {strides = array<i32>} : memref<1536xf32, #tpu.memory_space<vmem>>, vector<16xf32>,
        tpu.vector_store %arg9[%swap3A_278], %broadcast_in_dim3A_19 {strides = array<i32>} : memref<1536xf32, #tpu.memory_space<vmem>>, vector<16xf32>,
        %swap3A_280 = arith.constant 1456 : index
        %swap3A_281 = tpu.vector_load %arg9[%swap3A_280] {strides = array<i32>} : memref<1536xf32, #tpu.memory_space<vmem>>, vector<16xf32>,
        tpu.vector_store %arg9[%swap3A_280], %broadcast_in_dim3A_19 {strides = array<i32>} : memref<1536xf32, #tpu.memory_space<vmem>>, vector<16xf32>,
        %swap3A_282 = arith.constant 1472 : index
        %swap3A_283 = tpu.vector_load %arg9[%swap3A_282] {strides = array<i32>} : memref<1536xf32, #tpu.memory_space<vmem>>, vector<16xf32>,
        tpu.vector_store %arg9[%swap3A_282], %broadcast_in_dim3A_19 {strides = array<i32>} : memref<1536xf32, #tpu.memory_space<vmem>>, vector<16xf32>,
        %swap3A_284 = arith.constant 1488 : index
        %swap3A_285 = tpu.vector_load %arg9[%swap3A_284] {strides = array<i32>} : memref<1536xf32, #tpu.memory_space<vmem>>, vector<16xf32>,
        tpu.vector_store %arg9[%swap3A_284], %broadcast_in_dim3A_19 {strides = array<i32>} : memref<1536xf32, #tpu.memory_space<vmem>>, vector<16xf32>,
        %swap3A_286 = arith.constant 1504 : index
        %swap3A_287 = tpu.vector_load %arg9[%swap3A_286] {strides = array<i32>} : memref<1536xf32, #tpu.memory_space<vmem>>, vector<16xf32>,
        tpu.vector_store %arg9[%swap3A_286], %broadcast_in_dim3A_19 {strides = array<i32>} : memref<1536xf32, #tpu.memory_space<vmem>>, vector<16xf32>,
        %swap3A_288 = arith.constant 1520 : index
        %swap3A_289 = tpu.vector_load %arg9[%swap3A_288] {strides = array<i32>} : memref<1536xf32, #tpu.memory_space<vmem>>, vector<16xf32>,
        tpu.vector_store %arg9[%swap3A_288], %broadcast_in_dim3A_19 {strides = array<i32>} : memref<1536xf32, #tpu.memory_space<vmem>>, vector<16xf32>,
        %parallel_loop3A = arith.constant 0 : i32
        %parallel_loop3A_290 = arith.constant 32 : i32
        %parallel_loop3A_291 = arith.constant 1 : i32
        scf.for %parallel_loop3A_301 = %parallel_loop3A to %parallel_loop3A_290 step %parallel_loop3A_291  : i32 {
          %parallel_loop3A_302 = arith.constant 16 : i32
          %parallel_loop3A_303 = arith.muli %parallel_loop3A_301, %parallel_loop3A_302 : i32
          %parallel_loop3A_304 = arith.constant 0 : i32
          %parallel_loop3A_305 = arith.index_cast %parallel_loop3A_304 : i32 to index
          %parallel_loop3A_306 = arith.index_cast %parallel_loop3A_303 : i32 to index
          %parallel_loop3A_307 = tpu.vector_load %arg7[%parallel_loop3A_305, %parallel_loop3A_306] {strides = array<i32>} : memref<4x512xi32, #tpu.memory_space<vmem>>, vector<16xi32>,
          %parallel_loop3A_308 = arith.constant 0 : i32
          %parallel_loop3A_309 = arith.constant 0 : i32
          %parallel_loop3A_310 = arith.index_cast %parallel_loop3A_308 : i32 to index
          %parallel_loop3A_311 = arith.index_cast %parallel_loop3A_309 : i32 to index
          %parallel_loop3A_312 = arith.index_cast %parallel_loop3A_303 : i32 to index
          %parallel_loop3A_313 = tpu.vector_load %arg5[%parallel_loop3A_310, %parallel_loop3A_311, %parallel_loop3A_312] {strides = array<i32>} : memref<16x4x512xf32, #tpu.memory_space<vmem>>, vector<16xf32>,
          %parallel_loop3A_314 = arith.constant 0 : i32
          %parallel_loop3A_315 = tpu.memref_slice %arg9[%parallel_loop3A_314] : memref<1536xf32, #tpu.memory_space<vmem>> -> memref<24xf32, #tpu.memory_space<vmem>>
          tpu.vector_store_idx %parallel_loop3A_315[%parallel_loop3A_307], %parallel_loop3A_313 {add = true} : memref<24xf32, #tpu.memory_space<vmem>>[vector<16xi32>], vector<16xf32>,
          %parallel_loop3A_316 = arith.constant 1 : i32
          %parallel_loop3A_317 = arith.constant 0 : i32
          %parallel_loop3A_318 = arith.index_cast %parallel_loop3A_316 : i32 to index
          %parallel_loop3A_319 = arith.index_cast %parallel_loop3A_317 : i32 to index
          %parallel_loop3A_320 = arith.index_cast %parallel_loop3A_303 : i32 to index
          %parallel_loop3A_321 = tpu.vector_load %arg5[%parallel_loop3A_318, %parallel_loop3A_319, %parallel_loop3A_320] {strides = array<i32>} : memref<16x4x512xf32, #tpu.memory_space<vmem>>, vector<16xf32>,
          %parallel_loop3A_322 = arith.constant 24 : i32
          %parallel_loop3A_323 = tpu.memref_slice %arg9[%parallel_loop3A_322] : memref<1536xf32, #tpu.memory_space<vmem>> -> memref<24xf32, #tpu.memory_space<vmem>>
          tpu.vector_store_idx %parallel_loop3A_323[%parallel_loop3A_307], %parallel_loop3A_321 {add = true} : memref<24xf32, #tpu.memory_space<vmem>>[vector<16xi32>], vector<16xf32>,
          %parallel_loop3A_324 = arith.constant 2 : i32
          %parallel_loop3A_325 = arith.constant 0 : i32
          %parallel_loop3A_326 = arith.index_cast %parallel_loop3A_324 : i32 to index
          %parallel_loop3A_327 = arith.index_cast %parallel_loop3A_325 : i32 to index
          %parallel_loop3A_328 = arith.index_cast %parallel_loop3A_303 : i32 to index
          %parallel_loop3A_329 = tpu.vector_load %arg5[%parallel_loop3A_326, %parallel_loop3A_327, %parallel_loop3A_328] {strides = array<i32>} : memref<16x4x512xf32, #tpu.memory_space<vmem>>, vector<16xf32>,
          %parallel_loop3A_330 = arith.constant 48 : i32
          %parallel_loop3A_331 = tpu.memref_slice %arg9[%parallel_loop3A_330] : memref<1536xf32, #tpu.memory_space<vmem>> -> memref<24xf32, #tpu.memory_space<vmem>>
          tpu.vector_store_idx %parallel_loop3A_331[%parallel_loop3A_307], %parallel_loop3A_329 {add = true} : memref<24xf32, #tpu.memory_space<vmem>>[vector<16xi32>], vector<16xf32>,
          %parallel_loop3A_332 = arith.constant 3 : i32
          %parallel_loop3A_333 = arith.constant 0 : i32
          %parallel_loop3A_334 = arith.index_cast %parallel_loop3A_332 : i32 to index
          %parallel_loop3A_335 = arith.index_cast %parallel_loop3A_333 : i32 to index
          %parallel_loop3A_336 = arith.index_cast %parallel_loop3A_303 : i32 to index
          %parallel_loop3A_337 = tpu.vector_load %arg5[%parallel_loop3A_334, %parallel_loop3A_335, %parallel_loop3A_336] {strides = array<i32>} : memref<16x4x512xf32, #tpu.memory_space<vmem>>, vector<16xf32>,
          %parallel_loop3A_338 = arith.constant 72 : i32
          %parallel_loop3A_339 = tpu.memref_slice %arg9[%parallel_loop3A_338] : memref<1536xf32, #tpu.memory_space<vmem>> -> memref<24xf32, #tpu.memory_space<vmem>>
          tpu.vector_store_idx %parallel_loop3A_339[%parallel_loop3A_307], %parallel_loop3A_337 {add = true} : memref<24xf32, #tpu.memory_space<vmem>>[vector<16xi32>], vector<16xf32>,
          %parallel_loop3A_340 = arith.constant 4 : i32
          %parallel_loop3A_341 = arith.constant 0 : i32
          %parallel_loop3A_342 = arith.index_cast %parallel_loop3A_340 : i32 to index
          %parallel_loop3A_343 = arith.index_cast %parallel_loop3A_341 : i32 to index
          %parallel_loop3A_344 = arith.index_cast %parallel_loop3A_303 : i32 to index
          %parallel_loop3A_345 = tpu.vector_load %arg5[%parallel_loop3A_342, %parallel_loop3A_343, %parallel_loop3A_344] {strides = array<i32>} : memref<16x4x512xf32, #tpu.memory_space<vmem>>, vector<16xf32>,
          %parallel_loop3A_346 = arith.constant 96 : i32
          %parallel_loop3A_347 = tpu.memref_slice %arg9[%parallel_loop3A_346] : memref<1536xf32, #tpu.memory_space<vmem>> -> memref<24xf32, #tpu.memory_space<vmem>>
          tpu.vector_store_idx %parallel_loop3A_347[%parallel_loop3A_307], %parallel_loop3A_345 {add = true} : memref<24xf32, #tpu.memory_space<vmem>>[vector<16xi32>], vector<16xf32>,
          %parallel_loop3A_348 = arith.constant 5 : i32
          %parallel_loop3A_349 = arith.constant 0 : i32
          %parallel_loop3A_350 = arith.index_cast %parallel_loop3A_348 : i32 to index
          %parallel_loop3A_351 = arith.index_cast %parallel_loop3A_349 : i32 to index
          %parallel_loop3A_352 = arith.index_cast %parallel_loop3A_303 : i32 to index
          %parallel_loop3A_353 = tpu.vector_load %arg5[%parallel_loop3A_350, %parallel_loop3A_351, %parallel_loop3A_352] {strides = array<i32>} : memref<16x4x512xf32, #tpu.memory_space<vmem>>, vector<16xf32>,
          %parallel_loop3A_354 = arith.constant 120 : i32
          %parallel_loop3A_355 = tpu.memref_slice %arg9[%parallel_loop3A_354] : memref<1536xf32, #tpu.memory_space<vmem>> -> memref<24xf32, #tpu.memory_space<vmem>>
          tpu.vector_store_idx %parallel_loop3A_355[%parallel_loop3A_307], %parallel_loop3A_353 {add = true} : memref<24xf32, #tpu.memory_space<vmem>>[vector<16xi32>], vector<16xf32>,
          %parallel_loop3A_356 = arith.constant 6 : i32
          %parallel_loop3A_357 = arith.constant 0 : i32
          %parallel_loop3A_358 = arith.index_cast %parallel_loop3A_356 : i32 to index
          %parallel_loop3A_359 = arith.index_cast %parallel_loop3A_357 : i32 to index
          %parallel_loop3A_360 = arith.index_cast %parallel_loop3A_303 : i32 to index
          %parallel_loop3A_361 = tpu.vector_load %arg5[%parallel_loop3A_358, %parallel_loop3A_359, %parallel_loop3A_360] {strides = array<i32>} : memref<16x4x512xf32, #tpu.memory_space<vmem>>, vector<16xf32>,
          %parallel_loop3A_362 = arith.constant 144 : i32
          %parallel_loop3A_363 = tpu.memref_slice %arg9[%parallel_loop3A_362] : memref<1536xf32, #tpu.memory_space<vmem>> -> memref<24xf32, #tpu.memory_space<vmem>>
          tpu.vector_store_idx %parallel_loop3A_363[%parallel_loop3A_307], %parallel_loop3A_361 {add = true} : memref<24xf32, #tpu.memory_space<vmem>>[vector<16xi32>], vector<16xf32>,
          %parallel_loop3A_364 = arith.constant 7 : i32
          %parallel_loop3A_365 = arith.constant 0 : i32
          %parallel_loop3A_366 = arith.index_cast %parallel_loop3A_364 : i32 to index
          %parallel_loop3A_367 = arith.index_cast %parallel_loop3A_365 : i32 to index
          %parallel_loop3A_368 = arith.index_cast %parallel_loop3A_303 : i32 to index
          %parallel_loop3A_369 = tpu.vector_load %arg5[%parallel_loop3A_366, %parallel_loop3A_367, %parallel_loop3A_368] {strides = array<i32>} : memref<16x4x512xf32, #tpu.memory_space<vmem>>, vector<16xf32>,
          %parallel_loop3A_370 = arith.constant 168 : i32
          %parallel_loop3A_371 = tpu.memref_slice %arg9[%parallel_loop3A_370] : memref<1536xf32, #tpu.memory_space<vmem>> -> memref<24xf32, #tpu.memory_space<vmem>>
          tpu.vector_store_idx %parallel_loop3A_371[%parallel_loop3A_307], %parallel_loop3A_369 {add = true} : memref<24xf32, #tpu.memory_space<vmem>>[vector<16xi32>], vector<16xf32>,
          %parallel_loop3A_372 = arith.constant 8 : i32
          %parallel_loop3A_373 = arith.constant 0 : i32
          %parallel_loop3A_374 = arith.index_cast %parallel_loop3A_372 : i32 to index
          %parallel_loop3A_375 = arith.index_cast %parallel_loop3A_373 : i32 to index
          %parallel_loop3A_376 = arith.index_cast %parallel_loop3A_303 : i32 to index
          %parallel_loop3A_377 = tpu.vector_load %arg5[%parallel_loop3A_374, %parallel_loop3A_375, %parallel_loop3A_376] {strides = array<i32>} : memref<16x4x512xf32, #tpu.memory_space<vmem>>, vector<16xf32>,
          %parallel_loop3A_378 = arith.constant 192 : i32
          %parallel_loop3A_379 = tpu.memref_slice %arg9[%parallel_loop3A_378] : memref<1536xf32, #tpu.memory_space<vmem>> -> memref<24xf32, #tpu.memory_space<vmem>>
          tpu.vector_store_idx %parallel_loop3A_379[%parallel_loop3A_307], %parallel_loop3A_377 {add = true} : memref<24xf32, #tpu.memory_space<vmem>>[vector<16xi32>], vector<16xf32>,
          %parallel_loop3A_380 = arith.constant 9 : i32
          %parallel_loop3A_381 = arith.constant 0 : i32
          %parallel_loop3A_382 = arith.index_cast %parallel_loop3A_380 : i32 to index
          %parallel_loop3A_383 = arith.index_cast %parallel_loop3A_381 : i32 to index
          %parallel_loop3A_384 = arith.index_cast %parallel_loop3A_303 : i32 to index
          %parallel_loop3A_385 = tpu.vector_load %arg5[%parallel_loop3A_382, %parallel_loop3A_383, %parallel_loop3A_384] {strides = array<i32>} : memref<16x4x512xf32, #tpu.memory_space<vmem>>, vector<16xf32>,
          %parallel_loop3A_386 = arith.constant 216 : i32
          %parallel_loop3A_387 = tpu.memref_slice %arg9[%parallel_loop3A_386] : memref<1536xf32, #tpu.memory_space<vmem>> -> memref<24xf32, #tpu.memory_space<vmem>>
          tpu.vector_store_idx %parallel_loop3A_387[%parallel_loop3A_307], %parallel_loop3A_385 {add = true} : memref<24xf32, #tpu.memory_space<vmem>>[vector<16xi32>], vector<16xf32>,
          %parallel_loop3A_388 = arith.constant 10 : i32
          %parallel_loop3A_389 = arith.constant 0 : i32
          %parallel_loop3A_390 = arith.index_cast %parallel_loop3A_388 : i32 to index
          %parallel_loop3A_391 = arith.index_cast %parallel_loop3A_389 : i32 to index
          %parallel_loop3A_392 = arith.index_cast %parallel_loop3A_303 : i32 to index
          %parallel_loop3A_393 = tpu.vector_load %arg5[%parallel_loop3A_390, %parallel_loop3A_391, %parallel_loop3A_392] {strides = array<i32>} : memref<16x4x512xf32, #tpu.memory_space<vmem>>, vector<16xf32>,
          %parallel_loop3A_394 = arith.constant 240 : i32
          %parallel_loop3A_395 = tpu.memref_slice %arg9[%parallel_loop3A_394] : memref<1536xf32, #tpu.memory_space<vmem>> -> memref<24xf32, #tpu.memory_space<vmem>>
          tpu.vector_store_idx %parallel_loop3A_395[%parallel_loop3A_307], %parallel_loop3A_393 {add = true} : memref<24xf32, #tpu.memory_space<vmem>>[vector<16xi32>], vector<16xf32>,
          %parallel_loop3A_396 = arith.constant 11 : i32
          %parallel_loop3A_397 = arith.constant 0 : i32
          %parallel_loop3A_398 = arith.index_cast %parallel_loop3A_396 : i32 to index
          %parallel_loop3A_399 = arith.index_cast %parallel_loop3A_397 : i32 to index
          %parallel_loop3A_400 = arith.index_cast %parallel_loop3A_303 : i32 to index
          %parallel_loop3A_401 = tpu.vector_load %arg5[%parallel_loop3A_398, %parallel_loop3A_399, %parallel_loop3A_400] {strides = array<i32>} : memref<16x4x512xf32, #tpu.memory_space<vmem>>, vector<16xf32>,
          %parallel_loop3A_402 = arith.constant 264 : i32
          %parallel_loop3A_403 = tpu.memref_slice %arg9[%parallel_loop3A_402] : memref<1536xf32, #tpu.memory_space<vmem>> -> memref<24xf32, #tpu.memory_space<vmem>>
          tpu.vector_store_idx %parallel_loop3A_403[%parallel_loop3A_307], %parallel_loop3A_401 {add = true} : memref<24xf32, #tpu.memory_space<vmem>>[vector<16xi32>], vector<16xf32>,
          %parallel_loop3A_404 = arith.constant 12 : i32
          %parallel_loop3A_405 = arith.constant 0 : i32
          %parallel_loop3A_406 = arith.index_cast %parallel_loop3A_404 : i32 to index
          %parallel_loop3A_407 = arith.index_cast %parallel_loop3A_405 : i32 to index
          %parallel_loop3A_408 = arith.index_cast %parallel_loop3A_303 : i32 to index
          %parallel_loop3A_409 = tpu.vector_load %arg5[%parallel_loop3A_406, %parallel_loop3A_407, %parallel_loop3A_408] {strides = array<i32>} : memref<16x4x512xf32, #tpu.memory_space<vmem>>, vector<16xf32>,
          %parallel_loop3A_410 = arith.constant 288 : i32
          %parallel_loop3A_411 = tpu.memref_slice %arg9[%parallel_loop3A_410] : memref<1536xf32, #tpu.memory_space<vmem>> -> memref<24xf32, #tpu.memory_space<vmem>>
          tpu.vector_store_idx %parallel_loop3A_411[%parallel_loop3A_307], %parallel_loop3A_409 {add = true} : memref<24xf32, #tpu.memory_space<vmem>>[vector<16xi32>], vector<16xf32>,
          %parallel_loop3A_412 = arith.constant 13 : i32
          %parallel_loop3A_413 = arith.constant 0 : i32
          %parallel_loop3A_414 = arith.index_cast %parallel_loop3A_412 : i32 to index
          %parallel_loop3A_415 = arith.index_cast %parallel_loop3A_413 : i32 to index
          %parallel_loop3A_416 = arith.index_cast %parallel_loop3A_303 : i32 to index
          %parallel_loop3A_417 = tpu.vector_load %arg5[%parallel_loop3A_414, %parallel_loop3A_415, %parallel_loop3A_416] {strides = array<i32>} : memref<16x4x512xf32, #tpu.memory_space<vmem>>, vector<16xf32>,
          %parallel_loop3A_418 = arith.constant 312 : i32
          %parallel_loop3A_419 = tpu.memref_slice %arg9[%parallel_loop3A_418] : memref<1536xf32, #tpu.memory_space<vmem>> -> memref<24xf32, #tpu.memory_space<vmem>>
          tpu.vector_store_idx %parallel_loop3A_419[%parallel_loop3A_307], %parallel_loop3A_417 {add = true} : memref<24xf32, #tpu.memory_space<vmem>>[vector<16xi32>], vector<16xf32>,
          %parallel_loop3A_420 = arith.constant 14 : i32
          %parallel_loop3A_421 = arith.constant 0 : i32
          %parallel_loop3A_422 = arith.index_cast %parallel_loop3A_420 : i32 to index
          %parallel_loop3A_423 = arith.index_cast %parallel_loop3A_421 : i32 to index
          %parallel_loop3A_424 = arith.index_cast %parallel_loop3A_303 : i32 to index
          %parallel_loop3A_425 = tpu.vector_load %arg5[%parallel_loop3A_422, %parallel_loop3A_423, %parallel_loop3A_424] {strides = array<i32>} : memref<16x4x512xf32, #tpu.memory_space<vmem>>, vector<16xf32>,
          %parallel_loop3A_426 = arith.constant 336 : i32
          %parallel_loop3A_427 = tpu.memref_slice %arg9[%parallel_loop3A_426] : memref<1536xf32, #tpu.memory_space<vmem>> -> memref<24xf32, #tpu.memory_space<vmem>>
          tpu.vector_store_idx %parallel_loop3A_427[%parallel_loop3A_307], %parallel_loop3A_425 {add = true} : memref<24xf32, #tpu.memory_space<vmem>>[vector<16xi32>], vector<16xf32>,
          %parallel_loop3A_428 = arith.constant 15 : i32
          %parallel_loop3A_429 = arith.constant 0 : i32
          %parallel_loop3A_430 = arith.index_cast %parallel_loop3A_428 : i32 to index
          %parallel_loop3A_431 = arith.index_cast %parallel_loop3A_429 : i32 to index
          %parallel_loop3A_432 = arith.index_cast %parallel_loop3A_303 : i32 to index
          %parallel_loop3A_433 = tpu.vector_load %arg5[%parallel_loop3A_430, %parallel_loop3A_431, %parallel_loop3A_432] {strides = array<i32>} : memref<16x4x512xf32, #tpu.memory_space<vmem>>, vector<16xf32>,
          %parallel_loop3A_434 = arith.constant 360 : i32
          %parallel_loop3A_435 = tpu.memref_slice %arg9[%parallel_loop3A_434] : memref<1536xf32, #tpu.memory_space<vmem>> -> memref<24xf32, #tpu.memory_space<vmem>>
          tpu.vector_store_idx %parallel_loop3A_435[%parallel_loop3A_307], %parallel_loop3A_433 {add = true} : memref<24xf32, #tpu.memory_space<vmem>>[vector<16xi32>], vector<16xf32>,
          %parallel_loop3A_436 = arith.constant 1 : i32
          %parallel_loop3A_437 = arith.index_cast %parallel_loop3A_436 : i32 to index
          %parallel_loop3A_438 = arith.index_cast %parallel_loop3A_303 : i32 to index
          %parallel_loop3A_439 = tpu.vector_load %arg7[%parallel_loop3A_437, %parallel_loop3A_438] {strides = array<i32>} : memref<4x512xi32, #tpu.memory_space<vmem>>, vector<16xi32>,
          %parallel_loop3A_440 = arith.constant 0 : i32
          %parallel_loop3A_441 = arith.constant 1 : i32
          %parallel_loop3A_442 = arith.index_cast %parallel_loop3A_440 : i32 to index
          %parallel_loop3A_443 = arith.index_cast %parallel_loop3A_441 : i32 to index
          %parallel_loop3A_444 = arith.index_cast %parallel_loop3A_303 : i32 to index
          %parallel_loop3A_445 = tpu.vector_load %arg5[%parallel_loop3A_442, %parallel_loop3A_443, %parallel_loop3A_444] {strides = array<i32>} : memref<16x4x512xf32, #tpu.memory_space<vmem>>, vector<16xf32>,
          %parallel_loop3A_446 = arith.constant 384 : i32
          %parallel_loop3A_447 = tpu.memref_slice %arg9[%parallel_loop3A_446] : memref<1536xf32, #tpu.memory_space<vmem>> -> memref<24xf32, #tpu.memory_space<vmem>>
          tpu.vector_store_idx %parallel_loop3A_447[%parallel_loop3A_439], %parallel_loop3A_445 {add = true} : memref<24xf32, #tpu.memory_space<vmem>>[vector<16xi32>], vector<16xf32>,
          %parallel_loop3A_448 = arith.constant 1 : i32
          %parallel_loop3A_449 = arith.constant 1 : i32
          %parallel_loop3A_450 = arith.index_cast %parallel_loop3A_448 : i32 to index
          %parallel_loop3A_451 = arith.index_cast %parallel_loop3A_449 : i32 to index
          %parallel_loop3A_452 = arith.index_cast %parallel_loop3A_303 : i32 to index
          %parallel_loop3A_453 = tpu.vector_load %arg5[%parallel_loop3A_450, %parallel_loop3A_451, %parallel_loop3A_452] {strides = array<i32>} : memref<16x4x512xf32, #tpu.memory_space<vmem>>, vector<16xf32>,
          %parallel_loop3A_454 = arith.constant 408 : i32
          %parallel_loop3A_455 = tpu.memref_slice %arg9[%parallel_loop3A_454] : memref<1536xf32, #tpu.memory_space<vmem>> -> memref<24xf32, #tpu.memory_space<vmem>>
          tpu.vector_store_idx %parallel_loop3A_455[%parallel_loop3A_439], %parallel_loop3A_453 {add = true} : memref<24xf32, #tpu.memory_space<vmem>>[vector<16xi32>], vector<16xf32>,
          %parallel_loop3A_456 = arith.constant 2 : i32
          %parallel_loop3A_457 = arith.constant 1 : i32
          %parallel_loop3A_458 = arith.index_cast %parallel_loop3A_456 : i32 to index
          %parallel_loop3A_459 = arith.index_cast %parallel_loop3A_457 : i32 to index
          %parallel_loop3A_460 = arith.index_cast %parallel_loop3A_303 : i32 to index
          %parallel_loop3A_461 = tpu.vector_load %arg5[%parallel_loop3A_458, %parallel_loop3A_459, %parallel_loop3A_460] {strides = array<i32>} : memref<16x4x512xf32, #tpu.memory_space<vmem>>, vector<16xf32>,
          %parallel_loop3A_462 = arith.constant 432 : i32
          %parallel_loop3A_463 = tpu.memref_slice %arg9[%parallel_loop3A_462] : memref<1536xf32, #tpu.memory_space<vmem>> -> memref<24xf32, #tpu.memory_space<vmem>>
          tpu.vector_store_idx %parallel_loop3A_463[%parallel_loop3A_439], %parallel_loop3A_461 {add = true} : memref<24xf32, #tpu.memory_space<vmem>>[vector<16xi32>], vector<16xf32>,
          %parallel_loop3A_464 = arith.constant 3 : i32
          %parallel_loop3A_465 = arith.constant 1 : i32
          %parallel_loop3A_466 = arith.index_cast %parallel_loop3A_464 : i32 to index
          %parallel_loop3A_467 = arith.index_cast %parallel_loop3A_465 : i32 to index
          %parallel_loop3A_468 = arith.index_cast %parallel_loop3A_303 : i32 to index
          %parallel_loop3A_469 = tpu.vector_load %arg5[%parallel_loop3A_466, %parallel_loop3A_467, %parallel_loop3A_468] {strides = array<i32>} : memref<16x4x512xf32, #tpu.memory_space<vmem>>, vector<16xf32>,
          %parallel_loop3A_470 = arith.constant 456 : i32
          %parallel_loop3A_471 = tpu.memref_slice %arg9[%parallel_loop3A_470] : memref<1536xf32, #tpu.memory_space<vmem>> -> memref<24xf32, #tpu.memory_space<vmem>>
          tpu.vector_store_idx %parallel_loop3A_471[%parallel_loop3A_439], %parallel_loop3A_469 {add = true} : memref<24xf32, #tpu.memory_space<vmem>>[vector<16xi32>], vector<16xf32>,
          %parallel_loop3A_472 = arith.constant 4 : i32
          %parallel_loop3A_473 = arith.constant 1 : i32
          %parallel_loop3A_474 = arith.index_cast %parallel_loop3A_472 : i32 to index
          %parallel_loop3A_475 = arith.index_cast %parallel_loop3A_473 : i32 to index
          %parallel_loop3A_476 = arith.index_cast %parallel_loop3A_303 : i32 to index
          %parallel_loop3A_477 = tpu.vector_load %arg5[%parallel_loop3A_474, %parallel_loop3A_475, %parallel_loop3A_476] {strides = array<i32>} : memref<16x4x512xf32, #tpu.memory_space<vmem>>, vector<16xf32>,
          %parallel_loop3A_478 = arith.constant 480 : i32
          %parallel_loop3A_479 = tpu.memref_slice %arg9[%parallel_loop3A_478] : memref<1536xf32, #tpu.memory_space<vmem>> -> memref<24xf32, #tpu.memory_space<vmem>>
          tpu.vector_store_idx %parallel_loop3A_479[%parallel_loop3A_439], %parallel_loop3A_477 {add = true} : memref<24xf32, #tpu.memory_space<vmem>>[vector<16xi32>], vector<16xf32>,
          %parallel_loop3A_480 = arith.constant 5 : i32
          %parallel_loop3A_481 = arith.constant 1 : i32
          %parallel_loop3A_482 = arith.index_cast %parallel_loop3A_480 : i32 to index
          %parallel_loop3A_483 = arith.index_cast %parallel_loop3A_481 : i32 to index
          %parallel_loop3A_484 = arith.index_cast %parallel_loop3A_303 : i32 to index
          %parallel_loop3A_485 = tpu.vector_load %arg5[%parallel_loop3A_482, %parallel_loop3A_483, %parallel_loop3A_484] {strides = array<i32>} : memref<16x4x512xf32, #tpu.memory_space<vmem>>, vector<16xf32>,
          %parallel_loop3A_486 = arith.constant 504 : i32
          %parallel_loop3A_487 = tpu.memref_slice %arg9[%parallel_loop3A_486] : memref<1536xf32, #tpu.memory_space<vmem>> -> memref<24xf32, #tpu.memory_space<vmem>>
          tpu.vector_store_idx %parallel_loop3A_487[%parallel_loop3A_439], %parallel_loop3A_485 {add = true} : memref<24xf32, #tpu.memory_space<vmem>>[vector<16xi32>], vector<16xf32>,
          %parallel_loop3A_488 = arith.constant 6 : i32
          %parallel_loop3A_489 = arith.constant 1 : i32
          %parallel_loop3A_490 = arith.index_cast %parallel_loop3A_488 : i32 to index
          %parallel_loop3A_491 = arith.index_cast %parallel_loop3A_489 : i32 to index
          %parallel_loop3A_492 = arith.index_cast %parallel_loop3A_303 : i32 to index
          %parallel_loop3A_493 = tpu.vector_load %arg5[%parallel_loop3A_490, %parallel_loop3A_491, %parallel_loop3A_492] {strides = array<i32>} : memref<16x4x512xf32, #tpu.memory_space<vmem>>, vector<16xf32>,
          %parallel_loop3A_494 = arith.constant 528 : i32
          %parallel_loop3A_495 = tpu.memref_slice %arg9[%parallel_loop3A_494] : memref<1536xf32, #tpu.memory_space<vmem>> -> memref<24xf32, #tpu.memory_space<vmem>>
          tpu.vector_store_idx %parallel_loop3A_495[%parallel_loop3A_439], %parallel_loop3A_493 {add = true} : memref<24xf32, #tpu.memory_space<vmem>>[vector<16xi32>], vector<16xf32>,
          %parallel_loop3A_496 = arith.constant 7 : i32
          %parallel_loop3A_497 = arith.constant 1 : i32
          %parallel_loop3A_498 = arith.index_cast %parallel_loop3A_496 : i32 to index
          %parallel_loop3A_499 = arith.index_cast %parallel_loop3A_497 : i32 to index
          %parallel_loop3A_500 = arith.index_cast %parallel_loop3A_303 : i32 to index
          %parallel_loop3A_501 = tpu.vector_load %arg5[%parallel_loop3A_498, %parallel_loop3A_499, %parallel_loop3A_500] {strides = array<i32>} : memref<16x4x512xf32, #tpu.memory_space<vmem>>, vector<16xf32>,
          %parallel_loop3A_502 = arith.constant 552 : i32
          %parallel_loop3A_503 = tpu.memref_slice %arg9[%parallel_loop3A_502] : memref<1536xf32, #tpu.memory_space<vmem>> -> memref<24xf32, #tpu.memory_space<vmem>>
          tpu.vector_store_idx %parallel_loop3A_503[%parallel_loop3A_439], %parallel_loop3A_501 {add = true} : memref<24xf32, #tpu.memory_space<vmem>>[vector<16xi32>], vector<16xf32>,
          %parallel_loop3A_504 = arith.constant 8 : i32
          %parallel_loop3A_505 = arith.constant 1 : i32
          %parallel_loop3A_506 = arith.index_cast %parallel_loop3A_504 : i32 to index
          %parallel_loop3A_507 = arith.index_cast %parallel_loop3A_505 : i32 to index
          %parallel_loop3A_508 = arith.index_cast %parallel_loop3A_303 : i32 to index
          %parallel_loop3A_509 = tpu.vector_load %arg5[%parallel_loop3A_506, %parallel_loop3A_507, %parallel_loop3A_508] {strides = array<i32>} : memref<16x4x512xf32, #tpu.memory_space<vmem>>, vector<16xf32>,
          %parallel_loop3A_510 = arith.constant 576 : i32
          %parallel_loop3A_511 = tpu.memref_slice %arg9[%parallel_loop3A_510] : memref<1536xf32, #tpu.memory_space<vmem>> -> memref<24xf32, #tpu.memory_space<vmem>>
          tpu.vector_store_idx %parallel_loop3A_511[%parallel_loop3A_439], %parallel_loop3A_509 {add = true} : memref<24xf32, #tpu.memory_space<vmem>>[vector<16xi32>], vector<16xf32>,
          %parallel_loop3A_512 = arith.constant 9 : i32
          %parallel_loop3A_513 = arith.constant 1 : i32
          %parallel_loop3A_514 = arith.index_cast %parallel_loop3A_512 : i32 to index
          %parallel_loop3A_515 = arith.index_cast %parallel_loop3A_513 : i32 to index
          %parallel_loop3A_516 = arith.index_cast %parallel_loop3A_303 : i32 to index
          %parallel_loop3A_517 = tpu.vector_load %arg5[%parallel_loop3A_514, %parallel_loop3A_515, %parallel_loop3A_516] {strides = array<i32>} : memref<16x4x512xf32, #tpu.memory_space<vmem>>, vector<16xf32>,
          %parallel_loop3A_518 = arith.constant 600 : i32
          %parallel_loop3A_519 = tpu.memref_slice %arg9[%parallel_loop3A_518] : memref<1536xf32, #tpu.memory_space<vmem>> -> memref<24xf32, #tpu.memory_space<vmem>>
          tpu.vector_store_idx %parallel_loop3A_519[%parallel_loop3A_439], %parallel_loop3A_517 {add = true} : memref<24xf32, #tpu.memory_space<vmem>>[vector<16xi32>], vector<16xf32>,
          %parallel_loop3A_520 = arith.constant 10 : i32
          %parallel_loop3A_521 = arith.constant 1 : i32
          %parallel_loop3A_522 = arith.index_cast %parallel_loop3A_520 : i32 to index
          %parallel_loop3A_523 = arith.index_cast %parallel_loop3A_521 : i32 to index
          %parallel_loop3A_524 = arith.index_cast %parallel_loop3A_303 : i32 to index
          %parallel_loop3A_525 = tpu.vector_load %arg5[%parallel_loop3A_522, %parallel_loop3A_523, %parallel_loop3A_524] {strides = array<i32>} : memref<16x4x512xf32, #tpu.memory_space<vmem>>, vector<16xf32>,
          %parallel_loop3A_526 = arith.constant 624 : i32
          %parallel_loop3A_527 = tpu.memref_slice %arg9[%parallel_loop3A_526] : memref<1536xf32, #tpu.memory_space<vmem>> -> memref<24xf32, #tpu.memory_space<vmem>>
          tpu.vector_store_idx %parallel_loop3A_527[%parallel_loop3A_439], %parallel_loop3A_525 {add = true} : memref<24xf32, #tpu.memory_space<vmem>>[vector<16xi32>], vector<16xf32>,
          %parallel_loop3A_528 = arith.constant 11 : i32
          %parallel_loop3A_529 = arith.constant 1 : i32
          %parallel_loop3A_530 = arith.index_cast %parallel_loop3A_528 : i32 to index
          %parallel_loop3A_531 = arith.index_cast %parallel_loop3A_529 : i32 to index
          %parallel_loop3A_532 = arith.index_cast %parallel_loop3A_303 : i32 to index
          %parallel_loop3A_533 = tpu.vector_load %arg5[%parallel_loop3A_530, %parallel_loop3A_531, %parallel_loop3A_532] {strides = array<i32>} : memref<16x4x512xf32, #tpu.memory_space<vmem>>, vector<16xf32>,
          %parallel_loop3A_534 = arith.constant 648 : i32
          %parallel_loop3A_535 = tpu.memref_slice %arg9[%parallel_loop3A_534] : memref<1536xf32, #tpu.memory_space<vmem>> -> memref<24xf32, #tpu.memory_space<vmem>>
          tpu.vector_store_idx %parallel_loop3A_535[%parallel_loop3A_439], %parallel_loop3A_533 {add = true} : memref<24xf32, #tpu.memory_space<vmem>>[vector<16xi32>], vector<16xf32>,
          %parallel_loop3A_536 = arith.constant 12 : i32
          %parallel_loop3A_537 = arith.constant 1 : i32
          %parallel_loop3A_538 = arith.index_cast %parallel_loop3A_536 : i32 to index
          %parallel_loop3A_539 = arith.index_cast %parallel_loop3A_537 : i32 to index
          %parallel_loop3A_540 = arith.index_cast %parallel_loop3A_303 : i32 to index
          %parallel_loop3A_541 = tpu.vector_load %arg5[%parallel_loop3A_538, %parallel_loop3A_539, %parallel_loop3A_540] {strides = array<i32>} : memref<16x4x512xf32, #tpu.memory_space<vmem>>, vector<16xf32>,
          %parallel_loop3A_542 = arith.constant 672 : i32
          %parallel_loop3A_543 = tpu.memref_slice %arg9[%parallel_loop3A_542] : memref<1536xf32, #tpu.memory_space<vmem>> -> memref<24xf32, #tpu.memory_space<vmem>>
          tpu.vector_store_idx %parallel_loop3A_543[%parallel_loop3A_439], %parallel_loop3A_541 {add = true} : memref<24xf32, #tpu.memory_space<vmem>>[vector<16xi32>], vector<16xf32>,
          %parallel_loop3A_544 = arith.constant 13 : i32
          %parallel_loop3A_545 = arith.constant 1 : i32
          %parallel_loop3A_546 = arith.index_cast %parallel_loop3A_544 : i32 to index
          %parallel_loop3A_547 = arith.index_cast %parallel_loop3A_545 : i32 to index
          %parallel_loop3A_548 = arith.index_cast %parallel_loop3A_303 : i32 to index
          %parallel_loop3A_549 = tpu.vector_load %arg5[%parallel_loop3A_546, %parallel_loop3A_547, %parallel_loop3A_548] {strides = array<i32>} : memref<16x4x512xf32, #tpu.memory_space<vmem>>, vector<16xf32>,
          %parallel_loop3A_550 = arith.constant 696 : i32
          %parallel_loop3A_551 = tpu.memref_slice %arg9[%parallel_loop3A_550] : memref<1536xf32, #tpu.memory_space<vmem>> -> memref<24xf32, #tpu.memory_space<vmem>>
          tpu.vector_store_idx %parallel_loop3A_551[%parallel_loop3A_439], %parallel_loop3A_549 {add = true} : memref<24xf32, #tpu.memory_space<vmem>>[vector<16xi32>], vector<16xf32>,
          %parallel_loop3A_552 = arith.constant 14 : i32
          %parallel_loop3A_553 = arith.constant 1 : i32
          %parallel_loop3A_554 = arith.index_cast %parallel_loop3A_552 : i32 to index
          %parallel_loop3A_555 = arith.index_cast %parallel_loop3A_553 : i32 to index
          %parallel_loop3A_556 = arith.index_cast %parallel_loop3A_303 : i32 to index
          %parallel_loop3A_557 = tpu.vector_load %arg5[%parallel_loop3A_554, %parallel_loop3A_555, %parallel_loop3A_556] {strides = array<i32>} : memref<16x4x512xf32, #tpu.memory_space<vmem>>, vector<16xf32>,
          %parallel_loop3A_558 = arith.constant 720 : i32
          %parallel_loop3A_559 = tpu.memref_slice %arg9[%parallel_loop3A_558] : memref<1536xf32, #tpu.memory_space<vmem>> -> memref<24xf32, #tpu.memory_space<vmem>>
          tpu.vector_store_idx %parallel_loop3A_559[%parallel_loop3A_439], %parallel_loop3A_557 {add = true} : memref<24xf32, #tpu.memory_space<vmem>>[vector<16xi32>], vector<16xf32>,
          %parallel_loop3A_560 = arith.constant 15 : i32
          %parallel_loop3A_561 = arith.constant 1 : i32
          %parallel_loop3A_562 = arith.index_cast %parallel_loop3A_560 : i32 to index
          %parallel_loop3A_563 = arith.index_cast %parallel_loop3A_561 : i32 to index
          %parallel_loop3A_564 = arith.index_cast %parallel_loop3A_303 : i32 to index
          %parallel_loop3A_565 = tpu.vector_load %arg5[%parallel_loop3A_562, %parallel_loop3A_563, %parallel_loop3A_564] {strides = array<i32>} : memref<16x4x512xf32, #tpu.memory_space<vmem>>, vector<16xf32>,
          %parallel_loop3A_566 = arith.constant 744 : i32
          %parallel_loop3A_567 = tpu.memref_slice %arg9[%parallel_loop3A_566] : memref<1536xf32, #tpu.memory_space<vmem>> -> memref<24xf32, #tpu.memory_space<vmem>>
          tpu.vector_store_idx %parallel_loop3A_567[%parallel_loop3A_439], %parallel_loop3A_565 {add = true} : memref<24xf32, #tpu.memory_space<vmem>>[vector<16xi32>], vector<16xf32>,
          %parallel_loop3A_568 = arith.constant 2 : i32
          %parallel_loop3A_569 = arith.index_cast %parallel_loop3A_568 : i32 to index
          %parallel_loop3A_570 = arith.index_cast %parallel_loop3A_303 : i32 to index
          %parallel_loop3A_571 = tpu.vector_load %arg7[%parallel_loop3A_569, %parallel_loop3A_570] {strides = array<i32>} : memref<4x512xi32, #tpu.memory_space<vmem>>, vector<16xi32>,
          %parallel_loop3A_572 = arith.constant 0 : i32
          %parallel_loop3A_573 = arith.constant 2 : i32
          %parallel_loop3A_574 = arith.index_cast %parallel_loop3A_572 : i32 to index
          %parallel_loop3A_575 = arith.index_cast %parallel_loop3A_573 : i32 to index
          %parallel_loop3A_576 = arith.index_cast %parallel_loop3A_303 : i32 to index
          %parallel_loop3A_577 = tpu.vector_load %arg5[%parallel_loop3A_574, %parallel_loop3A_575, %parallel_loop3A_576] {strides = array<i32>} : memref<16x4x512xf32, #tpu.memory_space<vmem>>, vector<16xf32>,
          %parallel_loop3A_578 = arith.constant 768 : i32
          %parallel_loop3A_579 = tpu.memref_slice %arg9[%parallel_loop3A_578] : memref<1536xf32, #tpu.memory_space<vmem>> -> memref<24xf32, #tpu.memory_space<vmem>>
          tpu.vector_store_idx %parallel_loop3A_579[%parallel_loop3A_571], %parallel_loop3A_577 {add = true} : memref<24xf32, #tpu.memory_space<vmem>>[vector<16xi32>], vector<16xf32>,
          %parallel_loop3A_580 = arith.constant 1 : i32
          %parallel_loop3A_581 = arith.constant 2 : i32
          %parallel_loop3A_582 = arith.index_cast %parallel_loop3A_580 : i32 to index
          %parallel_loop3A_583 = arith.index_cast %parallel_loop3A_581 : i32 to index
          %parallel_loop3A_584 = arith.index_cast %parallel_loop3A_303 : i32 to index
          %parallel_loop3A_585 = tpu.vector_load %arg5[%parallel_loop3A_582, %parallel_loop3A_583, %parallel_loop3A_584] {strides = array<i32>} : memref<16x4x512xf32, #tpu.memory_space<vmem>>, vector<16xf32>,
          %parallel_loop3A_586 = arith.constant 792 : i32
          %parallel_loop3A_587 = tpu.memref_slice %arg9[%parallel_loop3A_586] : memref<1536xf32, #tpu.memory_space<vmem>> -> memref<24xf32, #tpu.memory_space<vmem>>
          tpu.vector_store_idx %parallel_loop3A_587[%parallel_loop3A_571], %parallel_loop3A_585 {add = true} : memref<24xf32, #tpu.memory_space<vmem>>[vector<16xi32>], vector<16xf32>,
          %parallel_loop3A_588 = arith.constant 2 : i32
          %parallel_loop3A_589 = arith.constant 2 : i32
          %parallel_loop3A_590 = arith.index_cast %parallel_loop3A_588 : i32 to index
          %parallel_loop3A_591 = arith.index_cast %parallel_loop3A_589 : i32 to index
          %parallel_loop3A_592 = arith.index_cast %parallel_loop3A_303 : i32 to index
          %parallel_loop3A_593 = tpu.vector_load %arg5[%parallel_loop3A_590, %parallel_loop3A_591, %parallel_loop3A_592] {strides = array<i32>} : memref<16x4x512xf32, #tpu.memory_space<vmem>>, vector<16xf32>,
          %parallel_loop3A_594 = arith.constant 816 : i32
          %parallel_loop3A_595 = tpu.memref_slice %arg9[%parallel_loop3A_594] : memref<1536xf32, #tpu.memory_space<vmem>> -> memref<24xf32, #tpu.memory_space<vmem>>
          tpu.vector_store_idx %parallel_loop3A_595[%parallel_loop3A_571], %parallel_loop3A_593 {add = true} : memref<24xf32, #tpu.memory_space<vmem>>[vector<16xi32>], vector<16xf32>,
          %parallel_loop3A_596 = arith.constant 3 : i32
          %parallel_loop3A_597 = arith.constant 2 : i32
          %parallel_loop3A_598 = arith.index_cast %parallel_loop3A_596 : i32 to index
          %parallel_loop3A_599 = arith.index_cast %parallel_loop3A_597 : i32 to index
          %parallel_loop3A_600 = arith.index_cast %parallel_loop3A_303 : i32 to index
          %parallel_loop3A_601 = tpu.vector_load %arg5[%parallel_loop3A_598, %parallel_loop3A_599, %parallel_loop3A_600] {strides = array<i32>} : memref<16x4x512xf32, #tpu.memory_space<vmem>>, vector<16xf32>,
          %parallel_loop3A_602 = arith.constant 840 : i32
          %parallel_loop3A_603 = tpu.memref_slice %arg9[%parallel_loop3A_602] : memref<1536xf32, #tpu.memory_space<vmem>> -> memref<24xf32, #tpu.memory_space<vmem>>
          tpu.vector_store_idx %parallel_loop3A_603[%parallel_loop3A_571], %parallel_loop3A_601 {add = true} : memref<24xf32, #tpu.memory_space<vmem>>[vector<16xi32>], vector<16xf32>,
          %parallel_loop3A_604 = arith.constant 4 : i32
          %parallel_loop3A_605 = arith.constant 2 : i32
          %parallel_loop3A_606 = arith.index_cast %parallel_loop3A_604 : i32 to index
          %parallel_loop3A_607 = arith.index_cast %parallel_loop3A_605 : i32 to index
          %parallel_loop3A_608 = arith.index_cast %parallel_loop3A_303 : i32 to index
          %parallel_loop3A_609 = tpu.vector_load %arg5[%parallel_loop3A_606, %parallel_loop3A_607, %parallel_loop3A_608] {strides = array<i32>} : memref<16x4x512xf32, #tpu.memory_space<vmem>>, vector<16xf32>,
          %parallel_loop3A_610 = arith.constant 864 : i32
          %parallel_loop3A_611 = tpu.memref_slice %arg9[%parallel_loop3A_610] : memref<1536xf32, #tpu.memory_space<vmem>> -> memref<24xf32, #tpu.memory_space<vmem>>
          tpu.vector_store_idx %parallel_loop3A_611[%parallel_loop3A_571], %parallel_loop3A_609 {add = true} : memref<24xf32, #tpu.memory_space<vmem>>[vector<16xi32>], vector<16xf32>,
          %parallel_loop3A_612 = arith.constant 5 : i32
          %parallel_loop3A_613 = arith.constant 2 : i32
          %parallel_loop3A_614 = arith.index_cast %parallel_loop3A_612 : i32 to index
          %parallel_loop3A_615 = arith.index_cast %parallel_loop3A_613 : i32 to index
          %parallel_loop3A_616 = arith.index_cast %parallel_loop3A_303 : i32 to index
          %parallel_loop3A_617 = tpu.vector_load %arg5[%parallel_loop3A_614, %parallel_loop3A_615, %parallel_loop3A_616] {strides = array<i32>} : memref<16x4x512xf32, #tpu.memory_space<vmem>>, vector<16xf32>,
          %parallel_loop3A_618 = arith.constant 888 : i32
          %parallel_loop3A_619 = tpu.memref_slice %arg9[%parallel_loop3A_618] : memref<1536xf32, #tpu.memory_space<vmem>> -> memref<24xf32, #tpu.memory_space<vmem>>
          tpu.vector_store_idx %parallel_loop3A_619[%parallel_loop3A_571], %parallel_loop3A_617 {add = true} : memref<24xf32, #tpu.memory_space<vmem>>[vector<16xi32>], vector<16xf32>,
          %parallel_loop3A_620 = arith.constant 6 : i32
          %parallel_loop3A_621 = arith.constant 2 : i32
          %parallel_loop3A_622 = arith.index_cast %parallel_loop3A_620 : i32 to index
          %parallel_loop3A_623 = arith.index_cast %parallel_loop3A_621 : i32 to index
          %parallel_loop3A_624 = arith.index_cast %parallel_loop3A_303 : i32 to index
          %parallel_loop3A_625 = tpu.vector_load %arg5[%parallel_loop3A_622, %parallel_loop3A_623, %parallel_loop3A_624] {strides = array<i32>} : memref<16x4x512xf32, #tpu.memory_space<vmem>>, vector<16xf32>,
          %parallel_loop3A_626 = arith.constant 912 : i32
          %parallel_loop3A_627 = tpu.memref_slice %arg9[%parallel_loop3A_626] : memref<1536xf32, #tpu.memory_space<vmem>> -> memref<24xf32, #tpu.memory_space<vmem>>
          tpu.vector_store_idx %parallel_loop3A_627[%parallel_loop3A_571], %parallel_loop3A_625 {add = true} : memref<24xf32, #tpu.memory_space<vmem>>[vector<16xi32>], vector<16xf32>,
          %parallel_loop3A_628 = arith.constant 7 : i32
          %parallel_loop3A_629 = arith.constant 2 : i32
          %parallel_loop3A_630 = arith.index_cast %parallel_loop3A_628 : i32 to index
          %parallel_loop3A_631 = arith.index_cast %parallel_loop3A_629 : i32 to index
          %parallel_loop3A_632 = arith.index_cast %parallel_loop3A_303 : i32 to index
          %parallel_loop3A_633 = tpu.vector_load %arg5[%parallel_loop3A_630, %parallel_loop3A_631, %parallel_loop3A_632] {strides = array<i32>} : memref<16x4x512xf32, #tpu.memory_space<vmem>>, vector<16xf32>,
          %parallel_loop3A_634 = arith.constant 936 : i32
          %parallel_loop3A_635 = tpu.memref_slice %arg9[%parallel_loop3A_634] : memref<1536xf32, #tpu.memory_space<vmem>> -> memref<24xf32, #tpu.memory_space<vmem>>
          tpu.vector_store_idx %parallel_loop3A_635[%parallel_loop3A_571], %parallel_loop3A_633 {add = true} : memref<24xf32, #tpu.memory_space<vmem>>[vector<16xi32>], vector<16xf32>,
          %parallel_loop3A_636 = arith.constant 8 : i32
          %parallel_loop3A_637 = arith.constant 2 : i32
          %parallel_loop3A_638 = arith.index_cast %parallel_loop3A_636 : i32 to index
          %parallel_loop3A_639 = arith.index_cast %parallel_loop3A_637 : i32 to index
          %parallel_loop3A_640 = arith.index_cast %parallel_loop3A_303 : i32 to index
          %parallel_loop3A_641 = tpu.vector_load %arg5[%parallel_loop3A_638, %parallel_loop3A_639, %parallel_loop3A_640] {strides = array<i32>} : memref<16x4x512xf32, #tpu.memory_space<vmem>>, vector<16xf32>,
          %parallel_loop3A_642 = arith.constant 960 : i32
          %parallel_loop3A_643 = tpu.memref_slice %arg9[%parallel_loop3A_642] : memref<1536xf32, #tpu.memory_space<vmem>> -> memref<24xf32, #tpu.memory_space<vmem>>
          tpu.vector_store_idx %parallel_loop3A_643[%parallel_loop3A_571], %parallel_loop3A_641 {add = true} : memref<24xf32, #tpu.memory_space<vmem>>[vector<16xi32>], vector<16xf32>,
          %parallel_loop3A_644 = arith.constant 9 : i32
          %parallel_loop3A_645 = arith.constant 2 : i32
          %parallel_loop3A_646 = arith.index_cast %parallel_loop3A_644 : i32 to index
          %parallel_loop3A_647 = arith.index_cast %parallel_loop3A_645 : i32 to index
          %parallel_loop3A_648 = arith.index_cast %parallel_loop3A_303 : i32 to index
          %parallel_loop3A_649 = tpu.vector_load %arg5[%parallel_loop3A_646, %parallel_loop3A_647, %parallel_loop3A_648] {strides = array<i32>} : memref<16x4x512xf32, #tpu.memory_space<vmem>>, vector<16xf32>,
          %parallel_loop3A_650 = arith.constant 984 : i32
          %parallel_loop3A_651 = tpu.memref_slice %arg9[%parallel_loop3A_650] : memref<1536xf32, #tpu.memory_space<vmem>> -> memref<24xf32, #tpu.memory_space<vmem>>
          tpu.vector_store_idx %parallel_loop3A_651[%parallel_loop3A_571], %parallel_loop3A_649 {add = true} : memref<24xf32, #tpu.memory_space<vmem>>[vector<16xi32>], vector<16xf32>,
          %parallel_loop3A_652 = arith.constant 10 : i32
          %parallel_loop3A_653 = arith.constant 2 : i32
          %parallel_loop3A_654 = arith.index_cast %parallel_loop3A_652 : i32 to index
          %parallel_loop3A_655 = arith.index_cast %parallel_loop3A_653 : i32 to index
          %parallel_loop3A_656 = arith.index_cast %parallel_loop3A_303 : i32 to index
          %parallel_loop3A_657 = tpu.vector_load %arg5[%parallel_loop3A_654, %parallel_loop3A_655, %parallel_loop3A_656] {strides = array<i32>} : memref<16x4x512xf32, #tpu.memory_space<vmem>>, vector<16xf32>,
          %parallel_loop3A_658 = arith.constant 1008 : i32
          %parallel_loop3A_659 = tpu.memref_slice %arg9[%parallel_loop3A_658] : memref<1536xf32, #tpu.memory_space<vmem>> -> memref<24xf32, #tpu.memory_space<vmem>>
          tpu.vector_store_idx %parallel_loop3A_659[%parallel_loop3A_571], %parallel_loop3A_657 {add = true} : memref<24xf32, #tpu.memory_space<vmem>>[vector<16xi32>], vector<16xf32>,
          %parallel_loop3A_660 = arith.constant 11 : i32
          %parallel_loop3A_661 = arith.constant 2 : i32
          %parallel_loop3A_662 = arith.index_cast %parallel_loop3A_660 : i32 to index
          %parallel_loop3A_663 = arith.index_cast %parallel_loop3A_661 : i32 to index
          %parallel_loop3A_664 = arith.index_cast %parallel_loop3A_303 : i32 to index
          %parallel_loop3A_665 = tpu.vector_load %arg5[%parallel_loop3A_662, %parallel_loop3A_663, %parallel_loop3A_664] {strides = array<i32>} : memref<16x4x512xf32, #tpu.memory_space<vmem>>, vector<16xf32>,
          %parallel_loop3A_666 = arith.constant 1032 : i32
          %parallel_loop3A_667 = tpu.memref_slice %arg9[%parallel_loop3A_666] : memref<1536xf32, #tpu.memory_space<vmem>> -> memref<24xf32, #tpu.memory_space<vmem>>
          tpu.vector_store_idx %parallel_loop3A_667[%parallel_loop3A_571], %parallel_loop3A_665 {add = true} : memref<24xf32, #tpu.memory_space<vmem>>[vector<16xi32>], vector<16xf32>,
          %parallel_loop3A_668 = arith.constant 12 : i32
          %parallel_loop3A_669 = arith.constant 2 : i32
          %parallel_loop3A_670 = arith.index_cast %parallel_loop3A_668 : i32 to index
          %parallel_loop3A_671 = arith.index_cast %parallel_loop3A_669 : i32 to index
          %parallel_loop3A_672 = arith.index_cast %parallel_loop3A_303 : i32 to index
          %parallel_loop3A_673 = tpu.vector_load %arg5[%parallel_loop3A_670, %parallel_loop3A_671, %parallel_loop3A_672] {strides = array<i32>} : memref<16x4x512xf32, #tpu.memory_space<vmem>>, vector<16xf32>,
          %parallel_loop3A_674 = arith.constant 1056 : i32
          %parallel_loop3A_675 = tpu.memref_slice %arg9[%parallel_loop3A_674] : memref<1536xf32, #tpu.memory_space<vmem>> -> memref<24xf32, #tpu.memory_space<vmem>>
          tpu.vector_store_idx %parallel_loop3A_675[%parallel_loop3A_571], %parallel_loop3A_673 {add = true} : memref<24xf32, #tpu.memory_space<vmem>>[vector<16xi32>], vector<16xf32>,
          %parallel_loop3A_676 = arith.constant 13 : i32
          %parallel_loop3A_677 = arith.constant 2 : i32
          %parallel_loop3A_678 = arith.index_cast %parallel_loop3A_676 : i32 to index
          %parallel_loop3A_679 = arith.index_cast %parallel_loop3A_677 : i32 to index
          %parallel_loop3A_680 = arith.index_cast %parallel_loop3A_303 : i32 to index
          %parallel_loop3A_681 = tpu.vector_load %arg5[%parallel_loop3A_678, %parallel_loop3A_679, %parallel_loop3A_680] {strides = array<i32>} : memref<16x4x512xf32, #tpu.memory_space<vmem>>, vector<16xf32>,
          %parallel_loop3A_682 = arith.constant 1080 : i32
          %parallel_loop3A_683 = tpu.memref_slice %arg9[%parallel_loop3A_682] : memref<1536xf32, #tpu.memory_space<vmem>> -> memref<24xf32, #tpu.memory_space<vmem>>
          tpu.vector_store_idx %parallel_loop3A_683[%parallel_loop3A_571], %parallel_loop3A_681 {add = true} : memref<24xf32, #tpu.memory_space<vmem>>[vector<16xi32>], vector<16xf32>,
          %parallel_loop3A_684 = arith.constant 14 : i32
          %parallel_loop3A_685 = arith.constant 2 : i32
          %parallel_loop3A_686 = arith.index_cast %parallel_loop3A_684 : i32 to index
          %parallel_loop3A_687 = arith.index_cast %parallel_loop3A_685 : i32 to index
          %parallel_loop3A_688 = arith.index_cast %parallel_loop3A_303 : i32 to index
          %parallel_loop3A_689 = tpu.vector_load %arg5[%parallel_loop3A_686, %parallel_loop3A_687, %parallel_loop3A_688] {strides = array<i32>} : memref<16x4x512xf32, #tpu.memory_space<vmem>>, vector<16xf32>,
          %parallel_loop3A_690 = arith.constant 1104 : i32
          %parallel_loop3A_691 = tpu.memref_slice %arg9[%parallel_loop3A_690] : memref<1536xf32, #tpu.memory_space<vmem>> -> memref<24xf32, #tpu.memory_space<vmem>>
          tpu.vector_store_idx %parallel_loop3A_691[%parallel_loop3A_571], %parallel_loop3A_689 {add = true} : memref<24xf32, #tpu.memory_space<vmem>>[vector<16xi32>], vector<16xf32>,
          %parallel_loop3A_692 = arith.constant 15 : i32
          %parallel_loop3A_693 = arith.constant 2 : i32
          %parallel_loop3A_694 = arith.index_cast %parallel_loop3A_692 : i32 to index
          %parallel_loop3A_695 = arith.index_cast %parallel_loop3A_693 : i32 to index
          %parallel_loop3A_696 = arith.index_cast %parallel_loop3A_303 : i32 to index
          %parallel_loop3A_697 = tpu.vector_load %arg5[%parallel_loop3A_694, %parallel_loop3A_695, %parallel_loop3A_696] {strides = array<i32>} : memref<16x4x512xf32, #tpu.memory_space<vmem>>, vector<16xf32>,
          %parallel_loop3A_698 = arith.constant 1128 : i32
          %parallel_loop3A_699 = tpu.memref_slice %arg9[%parallel_loop3A_698] : memref<1536xf32, #tpu.memory_space<vmem>> -> memref<24xf32, #tpu.memory_space<vmem>>
          tpu.vector_store_idx %parallel_loop3A_699[%parallel_loop3A_571], %parallel_loop3A_697 {add = true} : memref<24xf32, #tpu.memory_space<vmem>>[vector<16xi32>], vector<16xf32>,
          %parallel_loop3A_700 = arith.constant 3 : i32
          %parallel_loop3A_701 = arith.index_cast %parallel_loop3A_700 : i32 to index
          %parallel_loop3A_702 = arith.index_cast %parallel_loop3A_303 : i32 to index
          %parallel_loop3A_703 = tpu.vector_load %arg7[%parallel_loop3A_701, %parallel_loop3A_702] {strides = array<i32>} : memref<4x512xi32, #tpu.memory_space<vmem>>, vector<16xi32>,
          %parallel_loop3A_704 = arith.constant 0 : i32
          %parallel_loop3A_705 = arith.constant 3 : i32
          %parallel_loop3A_706 = arith.index_cast %parallel_loop3A_704 : i32 to index
          %parallel_loop3A_707 = arith.index_cast %parallel_loop3A_705 : i32 to index
          %parallel_loop3A_708 = arith.index_cast %parallel_loop3A_303 : i32 to index
          %parallel_loop3A_709 = tpu.vector_load %arg5[%parallel_loop3A_706, %parallel_loop3A_707, %parallel_loop3A_708] {strides = array<i32>} : memref<16x4x512xf32, #tpu.memory_space<vmem>>, vector<16xf32>,
          %parallel_loop3A_710 = arith.constant 1152 : i32
          %parallel_loop3A_711 = tpu.memref_slice %arg9[%parallel_loop3A_710] : memref<1536xf32, #tpu.memory_space<vmem>> -> memref<24xf32, #tpu.memory_space<vmem>>
          tpu.vector_store_idx %parallel_loop3A_711[%parallel_loop3A_703], %parallel_loop3A_709 {add = true} : memref<24xf32, #tpu.memory_space<vmem>>[vector<16xi32>], vector<16xf32>,
          %parallel_loop3A_712 = arith.constant 1 : i32
          %parallel_loop3A_713 = arith.constant 3 : i32
          %parallel_loop3A_714 = arith.index_cast %parallel_loop3A_712 : i32 to index
          %parallel_loop3A_715 = arith.index_cast %parallel_loop3A_713 : i32 to index
          %parallel_loop3A_716 = arith.index_cast %parallel_loop3A_303 : i32 to index
          %parallel_loop3A_717 = tpu.vector_load %arg5[%parallel_loop3A_714, %parallel_loop3A_715, %parallel_loop3A_716] {strides = array<i32>} : memref<16x4x512xf32, #tpu.memory_space<vmem>>, vector<16xf32>,
          %parallel_loop3A_718 = arith.constant 1176 : i32
          %parallel_loop3A_719 = tpu.memref_slice %arg9[%parallel_loop3A_718] : memref<1536xf32, #tpu.memory_space<vmem>> -> memref<24xf32, #tpu.memory_space<vmem>>
          tpu.vector_store_idx %parallel_loop3A_719[%parallel_loop3A_703], %parallel_loop3A_717 {add = true} : memref<24xf32, #tpu.memory_space<vmem>>[vector<16xi32>], vector<16xf32>,
          %parallel_loop3A_720 = arith.constant 2 : i32
          %parallel_loop3A_721 = arith.constant 3 : i32
          %parallel_loop3A_722 = arith.index_cast %parallel_loop3A_720 : i32 to index
          %parallel_loop3A_723 = arith.index_cast %parallel_loop3A_721 : i32 to index
          %parallel_loop3A_724 = arith.index_cast %parallel_loop3A_303 : i32 to index
          %parallel_loop3A_725 = tpu.vector_load %arg5[%parallel_loop3A_722, %parallel_loop3A_723, %parallel_loop3A_724] {strides = array<i32>} : memref<16x4x512xf32, #tpu.memory_space<vmem>>, vector<16xf32>,
          %parallel_loop3A_726 = arith.constant 1200 : i32
          %parallel_loop3A_727 = tpu.memref_slice %arg9[%parallel_loop3A_726] : memref<1536xf32, #tpu.memory_space<vmem>> -> memref<24xf32, #tpu.memory_space<vmem>>
          tpu.vector_store_idx %parallel_loop3A_727[%parallel_loop3A_703], %parallel_loop3A_725 {add = true} : memref<24xf32, #tpu.memory_space<vmem>>[vector<16xi32>], vector<16xf32>,
          %parallel_loop3A_728 = arith.constant 3 : i32
          %parallel_loop3A_729 = arith.constant 3 : i32
          %parallel_loop3A_730 = arith.index_cast %parallel_loop3A_728 : i32 to index
          %parallel_loop3A_731 = arith.index_cast %parallel_loop3A_729 : i32 to index
          %parallel_loop3A_732 = arith.index_cast %parallel_loop3A_303 : i32 to index
          %parallel_loop3A_733 = tpu.vector_load %arg5[%parallel_loop3A_730, %parallel_loop3A_731, %parallel_loop3A_732] {strides = array<i32>} : memref<16x4x512xf32, #tpu.memory_space<vmem>>, vector<16xf32>,
          %parallel_loop3A_734 = arith.constant 1224 : i32
          %parallel_loop3A_735 = tpu.memref_slice %arg9[%parallel_loop3A_734] : memref<1536xf32, #tpu.memory_space<vmem>> -> memref<24xf32, #tpu.memory_space<vmem>>
          tpu.vector_store_idx %parallel_loop3A_735[%parallel_loop3A_703], %parallel_loop3A_733 {add = true} : memref<24xf32, #tpu.memory_space<vmem>>[vector<16xi32>], vector<16xf32>,
          %parallel_loop3A_736 = arith.constant 4 : i32
          %parallel_loop3A_737 = arith.constant 3 : i32
          %parallel_loop3A_738 = arith.index_cast %parallel_loop3A_736 : i32 to index
          %parallel_loop3A_739 = arith.index_cast %parallel_loop3A_737 : i32 to index
          %parallel_loop3A_740 = arith.index_cast %parallel_loop3A_303 : i32 to index
          %parallel_loop3A_741 = tpu.vector_load %arg5[%parallel_loop3A_738, %parallel_loop3A_739, %parallel_loop3A_740] {strides = array<i32>} : memref<16x4x512xf32, #tpu.memory_space<vmem>>, vector<16xf32>,
          %parallel_loop3A_742 = arith.constant 1248 : i32
          %parallel_loop3A_743 = tpu.memref_slice %arg9[%parallel_loop3A_742] : memref<1536xf32, #tpu.memory_space<vmem>> -> memref<24xf32, #tpu.memory_space<vmem>>
          tpu.vector_store_idx %parallel_loop3A_743[%parallel_loop3A_703], %parallel_loop3A_741 {add = true} : memref<24xf32, #tpu.memory_space<vmem>>[vector<16xi32>], vector<16xf32>,
          %parallel_loop3A_744 = arith.constant 5 : i32
          %parallel_loop3A_745 = arith.constant 3 : i32
          %parallel_loop3A_746 = arith.index_cast %parallel_loop3A_744 : i32 to index
          %parallel_loop3A_747 = arith.index_cast %parallel_loop3A_745 : i32 to index
          %parallel_loop3A_748 = arith.index_cast %parallel_loop3A_303 : i32 to index
          %parallel_loop3A_749 = tpu.vector_load %arg5[%parallel_loop3A_746, %parallel_loop3A_747, %parallel_loop3A_748] {strides = array<i32>} : memref<16x4x512xf32, #tpu.memory_space<vmem>>, vector<16xf32>,
          %parallel_loop3A_750 = arith.constant 1272 : i32
          %parallel_loop3A_751 = tpu.memref_slice %arg9[%parallel_loop3A_750] : memref<1536xf32, #tpu.memory_space<vmem>> -> memref<24xf32, #tpu.memory_space<vmem>>
          tpu.vector_store_idx %parallel_loop3A_751[%parallel_loop3A_703], %parallel_loop3A_749 {add = true} : memref<24xf32, #tpu.memory_space<vmem>>[vector<16xi32>], vector<16xf32>,
          %parallel_loop3A_752 = arith.constant 6 : i32
          %parallel_loop3A_753 = arith.constant 3 : i32
          %parallel_loop3A_754 = arith.index_cast %parallel_loop3A_752 : i32 to index
          %parallel_loop3A_755 = arith.index_cast %parallel_loop3A_753 : i32 to index
          %parallel_loop3A_756 = arith.index_cast %parallel_loop3A_303 : i32 to index
          %parallel_loop3A_757 = tpu.vector_load %arg5[%parallel_loop3A_754, %parallel_loop3A_755, %parallel_loop3A_756] {strides = array<i32>} : memref<16x4x512xf32, #tpu.memory_space<vmem>>, vector<16xf32>,
          %parallel_loop3A_758 = arith.constant 1296 : i32
          %parallel_loop3A_759 = tpu.memref_slice %arg9[%parallel_loop3A_758] : memref<1536xf32, #tpu.memory_space<vmem>> -> memref<24xf32, #tpu.memory_space<vmem>>
          tpu.vector_store_idx %parallel_loop3A_759[%parallel_loop3A_703], %parallel_loop3A_757 {add = true} : memref<24xf32, #tpu.memory_space<vmem>>[vector<16xi32>], vector<16xf32>,
          %parallel_loop3A_760 = arith.constant 7 : i32
          %parallel_loop3A_761 = arith.constant 3 : i32
          %parallel_loop3A_762 = arith.index_cast %parallel_loop3A_760 : i32 to index
          %parallel_loop3A_763 = arith.index_cast %parallel_loop3A_761 : i32 to index
          %parallel_loop3A_764 = arith.index_cast %parallel_loop3A_303 : i32 to index
          %parallel_loop3A_765 = tpu.vector_load %arg5[%parallel_loop3A_762, %parallel_loop3A_763, %parallel_loop3A_764] {strides = array<i32>} : memref<16x4x512xf32, #tpu.memory_space<vmem>>, vector<16xf32>,
          %parallel_loop3A_766 = arith.constant 1320 : i32
          %parallel_loop3A_767 = tpu.memref_slice %arg9[%parallel_loop3A_766] : memref<1536xf32, #tpu.memory_space<vmem>> -> memref<24xf32, #tpu.memory_space<vmem>>
          tpu.vector_store_idx %parallel_loop3A_767[%parallel_loop3A_703], %parallel_loop3A_765 {add = true} : memref<24xf32, #tpu.memory_space<vmem>>[vector<16xi32>], vector<16xf32>,
          %parallel_loop3A_768 = arith.constant 8 : i32
          %parallel_loop3A_769 = arith.constant 3 : i32
          %parallel_loop3A_770 = arith.index_cast %parallel_loop3A_768 : i32 to index
          %parallel_loop3A_771 = arith.index_cast %parallel_loop3A_769 : i32 to index
          %parallel_loop3A_772 = arith.index_cast %parallel_loop3A_303 : i32 to index
          %parallel_loop3A_773 = tpu.vector_load %arg5[%parallel_loop3A_770, %parallel_loop3A_771, %parallel_loop3A_772] {strides = array<i32>} : memref<16x4x512xf32, #tpu.memory_space<vmem>>, vector<16xf32>,
          %parallel_loop3A_774 = arith.constant 1344 : i32
          %parallel_loop3A_775 = tpu.memref_slice %arg9[%parallel_loop3A_774] : memref<1536xf32, #tpu.memory_space<vmem>> -> memref<24xf32, #tpu.memory_space<vmem>>
          tpu.vector_store_idx %parallel_loop3A_775[%parallel_loop3A_703], %parallel_loop3A_773 {add = true} : memref<24xf32, #tpu.memory_space<vmem>>[vector<16xi32>], vector<16xf32>,
          %parallel_loop3A_776 = arith.constant 9 : i32
          %parallel_loop3A_777 = arith.constant 3 : i32
          %parallel_loop3A_778 = arith.index_cast %parallel_loop3A_776 : i32 to index
          %parallel_loop3A_779 = arith.index_cast %parallel_loop3A_777 : i32 to index
          %parallel_loop3A_780 = arith.index_cast %parallel_loop3A_303 : i32 to index
          %parallel_loop3A_781 = tpu.vector_load %arg5[%parallel_loop3A_778, %parallel_loop3A_779, %parallel_loop3A_780] {strides = array<i32>} : memref<16x4x512xf32, #tpu.memory_space<vmem>>, vector<16xf32>,
          %parallel_loop3A_782 = arith.constant 1368 : i32
          %parallel_loop3A_783 = tpu.memref_slice %arg9[%parallel_loop3A_782] : memref<1536xf32, #tpu.memory_space<vmem>> -> memref<24xf32, #tpu.memory_space<vmem>>
          tpu.vector_store_idx %parallel_loop3A_783[%parallel_loop3A_703], %parallel_loop3A_781 {add = true} : memref<24xf32, #tpu.memory_space<vmem>>[vector<16xi32>], vector<16xf32>,
          %parallel_loop3A_784 = arith.constant 10 : i32
          %parallel_loop3A_785 = arith.constant 3 : i32
          %parallel_loop3A_786 = arith.index_cast %parallel_loop3A_784 : i32 to index
          %parallel_loop3A_787 = arith.index_cast %parallel_loop3A_785 : i32 to index
          %parallel_loop3A_788 = arith.index_cast %parallel_loop3A_303 : i32 to index
          %parallel_loop3A_789 = tpu.vector_load %arg5[%parallel_loop3A_786, %parallel_loop3A_787, %parallel_loop3A_788] {strides = array<i32>} : memref<16x4x512xf32, #tpu.memory_space<vmem>>, vector<16xf32>,
          %parallel_loop3A_790 = arith.constant 1392 : i32
          %parallel_loop3A_791 = tpu.memref_slice %arg9[%parallel_loop3A_790] : memref<1536xf32, #tpu.memory_space<vmem>> -> memref<24xf32, #tpu.memory_space<vmem>>
          tpu.vector_store_idx %parallel_loop3A_791[%parallel_loop3A_703], %parallel_loop3A_789 {add = true} : memref<24xf32, #tpu.memory_space<vmem>>[vector<16xi32>], vector<16xf32>,
          %parallel_loop3A_792 = arith.constant 11 : i32
          %parallel_loop3A_793 = arith.constant 3 : i32
          %parallel_loop3A_794 = arith.index_cast %parallel_loop3A_792 : i32 to index
          %parallel_loop3A_795 = arith.index_cast %parallel_loop3A_793 : i32 to index
          %parallel_loop3A_796 = arith.index_cast %parallel_loop3A_303 : i32 to index
          %parallel_loop3A_797 = tpu.vector_load %arg5[%parallel_loop3A_794, %parallel_loop3A_795, %parallel_loop3A_796] {strides = array<i32>} : memref<16x4x512xf32, #tpu.memory_space<vmem>>, vector<16xf32>,
          %parallel_loop3A_798 = arith.constant 1416 : i32
          %parallel_loop3A_799 = tpu.memref_slice %arg9[%parallel_loop3A_798] : memref<1536xf32, #tpu.memory_space<vmem>> -> memref<24xf32, #tpu.memory_space<vmem>>
          tpu.vector_store_idx %parallel_loop3A_799[%parallel_loop3A_703], %parallel_loop3A_797 {add = true} : memref<24xf32, #tpu.memory_space<vmem>>[vector<16xi32>], vector<16xf32>,
          %parallel_loop3A_800 = arith.constant 12 : i32
          %parallel_loop3A_801 = arith.constant 3 : i32
          %parallel_loop3A_802 = arith.index_cast %parallel_loop3A_800 : i32 to index
          %parallel_loop3A_803 = arith.index_cast %parallel_loop3A_801 : i32 to index
          %parallel_loop3A_804 = arith.index_cast %parallel_loop3A_303 : i32 to index
          %parallel_loop3A_805 = tpu.vector_load %arg5[%parallel_loop3A_802, %parallel_loop3A_803, %parallel_loop3A_804] {strides = array<i32>} : memref<16x4x512xf32, #tpu.memory_space<vmem>>, vector<16xf32>,
          %parallel_loop3A_806 = arith.constant 1440 : i32
          %parallel_loop3A_807 = tpu.memref_slice %arg9[%parallel_loop3A_806] : memref<1536xf32, #tpu.memory_space<vmem>> -> memref<24xf32, #tpu.memory_space<vmem>>
          tpu.vector_store_idx %parallel_loop3A_807[%parallel_loop3A_703], %parallel_loop3A_805 {add = true} : memref<24xf32, #tpu.memory_space<vmem>>[vector<16xi32>], vector<16xf32>,
          %parallel_loop3A_808 = arith.constant 13 : i32
          %parallel_loop3A_809 = arith.constant 3 : i32
          %parallel_loop3A_810 = arith.index_cast %parallel_loop3A_808 : i32 to index
          %parallel_loop3A_811 = arith.index_cast %parallel_loop3A_809 : i32 to index
          %parallel_loop3A_812 = arith.index_cast %parallel_loop3A_303 : i32 to index
          %parallel_loop3A_813 = tpu.vector_load %arg5[%parallel_loop3A_810, %parallel_loop3A_811, %parallel_loop3A_812] {strides = array<i32>} : memref<16x4x512xf32, #tpu.memory_space<vmem>>, vector<16xf32>,
          %parallel_loop3A_814 = arith.constant 1464 : i32
          %parallel_loop3A_815 = tpu.memref_slice %arg9[%parallel_loop3A_814] : memref<1536xf32, #tpu.memory_space<vmem>> -> memref<24xf32, #tpu.memory_space<vmem>>
          tpu.vector_store_idx %parallel_loop3A_815[%parallel_loop3A_703], %parallel_loop3A_813 {add = true} : memref<24xf32, #tpu.memory_space<vmem>>[vector<16xi32>], vector<16xf32>,
          %parallel_loop3A_816 = arith.constant 14 : i32
          %parallel_loop3A_817 = arith.constant 3 : i32
          %parallel_loop3A_818 = arith.index_cast %parallel_loop3A_816 : i32 to index
          %parallel_loop3A_819 = arith.index_cast %parallel_loop3A_817 : i32 to index
          %parallel_loop3A_820 = arith.index_cast %parallel_loop3A_303 : i32 to index
          %parallel_loop3A_821 = tpu.vector_load %arg5[%parallel_loop3A_818, %parallel_loop3A_819, %parallel_loop3A_820] {strides = array<i32>} : memref<16x4x512xf32, #tpu.memory_space<vmem>>, vector<16xf32>,
          %parallel_loop3A_822 = arith.constant 1488 : i32
          %parallel_loop3A_823 = tpu.memref_slice %arg9[%parallel_loop3A_822] : memref<1536xf32, #tpu.memory_space<vmem>> -> memref<24xf32, #tpu.memory_space<vmem>>
          tpu.vector_store_idx %parallel_loop3A_823[%parallel_loop3A_703], %parallel_loop3A_821 {add = true} : memref<24xf32, #tpu.memory_space<vmem>>[vector<16xi32>], vector<16xf32>,
          %parallel_loop3A_824 = arith.constant 15 : i32
          %parallel_loop3A_825 = arith.constant 3 : i32
          %parallel_loop3A_826 = arith.index_cast %parallel_loop3A_824 : i32 to index
          %parallel_loop3A_827 = arith.index_cast %parallel_loop3A_825 : i32 to index
          %parallel_loop3A_828 = arith.index_cast %parallel_loop3A_303 : i32 to index
          %parallel_loop3A_829 = tpu.vector_load %arg5[%parallel_loop3A_826, %parallel_loop3A_827, %parallel_loop3A_828] {strides = array<i32>} : memref<16x4x512xf32, #tpu.memory_space<vmem>>, vector<16xf32>,
          %parallel_loop3A_830 = arith.constant 1512 : i32
          %parallel_loop3A_831 = tpu.memref_slice %arg9[%parallel_loop3A_830] : memref<1536xf32, #tpu.memory_space<vmem>> -> memref<24xf32, #tpu.memory_space<vmem>>
          tpu.vector_store_idx %parallel_loop3A_831[%parallel_loop3A_703], %parallel_loop3A_829 {add = true} : memref<24xf32, #tpu.memory_space<vmem>>[vector<16xi32>], vector<16xf32>,
        } {sc.loop_unroll_factor = 4 : i64, sc.parallel_access}
        %mul3A_292 = arith.constant 4 : i32
        %mul3A_293 = arith.muli %scan3A_50, %mul3A_292 : i32
        %add3A_294 = arith.addi %mul3A_2, %mul3A_293 : i32
        %mul3A_295 = arith.constant 16 : i32
        %mul3A_296 = arith.muli %add3A_294, %mul3A_295 : i32
        %mul3A_297 = arith.constant 24 : i32
        %mul3A_298 = arith.muli %mul3A_296, %mul3A_297 : i32
        %dma_start3A_299 = tpu.memref_slice %arg4[%mul3A_298] : memref<786432xf32, #tpu.memory_space<hbm>> -> memref<1536xf32, #tpu.memory_space<hbm>>
        %dma_start3A_300 = tpu.memref_slice %arg4[%mul3A_298] : memref<786432xf32, #tpu.memory_space<hbm>> -> memref<1536xf32, #tpu.memory_space<hbm>>
        tpu.enqueue_dma source(%arg9 : memref<1536xf32, #tpu.memory_space<vmem>>) target(%dma_start3A_300 : memref<1536xf32, #tpu.memory_space<hbm>>) target_semaphore(%arg15 : memref<!tpu.dma_semaphore, #tpu.memory_space<semaphore_mem>>)
      } else {
        %add3A_68 = arith.constant 1 : i32
        %add3A_69 = arith.addi %scan3A_50, %add3A_68 : i32
        %lt3A_70 = arith.constant 16 : i32
        %lt3A_71 = arith.cmpi slt, %add3A_69, %lt3A_70 : i32
        %convert_element_type3A_72 = arith.extui %lt3A_71 : i1 to i32
        %cond3A_73 = arith.constant 0 : i32
        %cond3A_74 = arith.cmpi ne, %convert_element_type3A_72, %cond3A_73 : i32
        scf.if %cond3A_74 {
          %add3A_301 = arith.constant 1 : i32
          %add3A_302 = arith.addi %scan3A_50, %add3A_301 : i32
          %mul3A_303 = arith.constant 4 : i32
          %mul3A_304 = arith.muli %add3A_302, %mul3A_303 : i32
          %add3A_305 = arith.addi %mul3A_2, %mul3A_304 : i32
          %mul3A_306 = arith.constant 512 : i32
          %mul3A_307 = arith.muli %select_n3A, %mul3A_306 : i32
          %sub3A_308 = arith.subi %add3A_305, %mul3A_307 : i32
          %dma_start3A_309 = arith.constant 0 : i32
          %dma_start3A_310 = arith.constant 0 : i32
          %dma_start3A_311 = tpu.memref_slice %arg2[%select_n3A, %dma_start3A_309, %sub3A_308, %dma_start3A_310] : memref<4x16x512x512xf32, #tpu.memory_space<hbm>> -> memref<1x16x4x512xf32, #tpu.memory_space<hbm>>
          %dma_start3A_312 = tpu.memref_squeeze %dma_start3A_311 : memref<1x16x4x512xf32, #tpu.memory_space<hbm>> -> memref<16x4x512xf32, #tpu.memory_space<hbm>>
          %dma_start3A_313 = arith.constant 0 : i32
          %dma_start3A_314 = arith.constant 0 : i32
          %dma_start3A_315 = tpu.memref_slice %arg2[%select_n3A, %dma_start3A_313, %sub3A_308, %dma_start3A_314] : memref<4x16x512x512xf32, #tpu.memory_space<hbm>> -> memref<1x16x4x512xf32, #tpu.memory_space<hbm>>
          %dma_start3A_316 = tpu.memref_squeeze %dma_start3A_315 : memref<1x16x4x512xf32, #tpu.memory_space<hbm>> -> memref<16x4x512xf32, #tpu.memory_space<hbm>>
          tpu.enqueue_dma source(%dma_start3A_316 : memref<16x4x512xf32, #tpu.memory_space<hbm>>) target(%arg5 : memref<16x4x512xf32, #tpu.memory_space<vmem>>) target_semaphore(%arg11 : memref<!tpu.dma_semaphore, #tpu.memory_space<semaphore_mem>>)
          %dma_start3A_317 = arith.constant 0 : i32
          %dma_start3A_318 = tpu.memref_slice %arg3[%select_n3A, %sub3A_308, %dma_start3A_317] : memref<4x512x512xi32, #tpu.memory_space<hbm>> -> memref<1x4x512xi32, #tpu.memory_space<hbm>>
          %dma_start3A_319 = tpu.memref_squeeze %dma_start3A_318 : memref<1x4x512xi32, #tpu.memory_space<hbm>> -> memref<4x512xi32, #tpu.memory_space<hbm>>
          %dma_start3A_320 = arith.constant 0 : i32
          %dma_start3A_321 = tpu.memref_slice %arg3[%select_n3A, %sub3A_308, %dma_start3A_320] : memref<4x512x512xi32, #tpu.memory_space<hbm>> -> memref<1x4x512xi32, #tpu.memory_space<hbm>>
          %dma_start3A_322 = tpu.memref_squeeze %dma_start3A_321 : memref<1x4x512xi32, #tpu.memory_space<hbm>> -> memref<4x512xi32, #tpu.memory_space<hbm>>
          tpu.enqueue_dma source(%dma_start3A_322 : memref<4x512xi32, #tpu.memory_space<hbm>>) target(%arg7 : memref<4x512xi32, #tpu.memory_space<vmem>>) target_semaphore(%arg13 : memref<!tpu.dma_semaphore, #tpu.memory_space<semaphore_mem>>)
        } else {
        }
        %ge3A = arith.constant 2 : i32
        %ge3A_75 = arith.cmpi sge, %scan3A_50, %ge3A : i32
        %convert_element_type3A_76 = arith.extui %ge3A_75 : i1 to i32
        %cond3A_77 = arith.constant 0 : i32
        %cond3A_78 = arith.cmpi ne, %convert_element_type3A_76, %cond3A_77 : i32
        scf.if %cond3A_78 {
          %dma_wait3A_301 = arith.constant 0 : i32
          %dma_wait3A_302 = tpu.memref_slice %arg4[%dma_wait3A_301] : memref<786432xf32, #tpu.memory_space<hbm>> -> memref<1536xf32, #tpu.memory_space<hbm>>
          %dma_wait3A_303 = arith.constant 0 : i32
          %dma_wait3A_304 = tpu.memref_slice %arg4[%dma_wait3A_303] : memref<786432xf32, #tpu.memory_space<hbm>> -> memref<1536xf32, #tpu.memory_space<hbm>>
          tpu.wait_dma2 semaphore(%arg16 : memref<!tpu.dma_semaphore, #tpu.memory_space<semaphore_mem>>) src(%arg10 : memref<1536xf32, #tpu.memory_space<vmem>>) dst(%dma_wait3A_304 : memref<1536xf32, #tpu.memory_space<hbm>>)
        } else {
        }
        %dma_wait3A_79 = arith.constant 0 : i32
        %dma_wait3A_80 = arith.constant 0 : i32
        %dma_wait3A_81 = arith.constant 0 : i32
        %dma_wait3A_82 = arith.constant 0 : i32
        %dma_wait3A_83 = tpu.memref_slice %arg2[%dma_wait3A_79, %dma_wait3A_80, %dma_wait3A_81, %dma_wait3A_82] : memref<4x16x512x512xf32, #tpu.memory_space<hbm>> -> memref<1x16x4x512xf32, #tpu.memory_space<hbm>>
        %dma_wait3A_84 = tpu.memref_squeeze %dma_wait3A_83 : memref<1x16x4x512xf32, #tpu.memory_space<hbm>> -> memref<16x4x512xf32, #tpu.memory_space<hbm>>
        %dma_wait3A_85 = arith.constant 0 : i32
        %dma_wait3A_86 = arith.constant 0 : i32
        %dma_wait3A_87 = arith.constant 0 : i32
        %dma_wait3A_88 = tpu.memref_slice %arg2[%dma_wait3A_79, %dma_wait3A_85, %dma_wait3A_86, %dma_wait3A_87] : memref<4x16x512x512xf32, #tpu.memory_space<hbm>> -> memref<1x16x4x512xf32, #tpu.memory_space<hbm>>
        %dma_wait3A_89 = tpu.memref_squeeze %dma_wait3A_88 : memref<1x16x4x512xf32, #tpu.memory_space<hbm>> -> memref<16x4x512xf32, #tpu.memory_space<hbm>>
        tpu.wait_dma2 semaphore(%arg12 : memref<!tpu.dma_semaphore, #tpu.memory_space<semaphore_mem>>) src(%dma_wait3A_89 : memref<16x4x512xf32, #tpu.memory_space<hbm>>) dst(%arg6 : memref<16x4x512xf32, #tpu.memory_space<vmem>>)
        %dma_wait3A_90 = arith.constant 0 : i32
        %dma_wait3A_91 = arith.constant 0 : i32
        %dma_wait3A_92 = arith.constant 0 : i32
        %dma_wait3A_93 = tpu.memref_slice %arg3[%dma_wait3A_90, %dma_wait3A_91, %dma_wait3A_92] : memref<4x512x512xi32, #tpu.memory_space<hbm>> -> memref<1x4x512xi32, #tpu.memory_space<hbm>>
        %dma_wait3A_94 = tpu.memref_squeeze %dma_wait3A_93 : memref<1x4x512xi32, #tpu.memory_space<hbm>> -> memref<4x512xi32, #tpu.memory_space<hbm>>
        %dma_wait3A_95 = arith.constant 0 : i32
        %dma_wait3A_96 = arith.constant 0 : i32
        %dma_wait3A_97 = tpu.memref_slice %arg3[%dma_wait3A_90, %dma_wait3A_95, %dma_wait3A_96] : memref<4x512x512xi32, #tpu.memory_space<hbm>> -> memref<1x4x512xi32, #tpu.memory_space<hbm>>
        %dma_wait3A_98 = tpu.memref_squeeze %dma_wait3A_97 : memref<1x4x512xi32, #tpu.memory_space<hbm>> -> memref<4x512xi32, #tpu.memory_space<hbm>>
        tpu.wait_dma2 semaphore(%arg14 : memref<!tpu.dma_semaphore, #tpu.memory_space<semaphore_mem>>) src(%dma_wait3A_98 : memref<4x512xi32, #tpu.memory_space<hbm>>) dst(%arg8 : memref<4x512xi32, #tpu.memory_space<vmem>>)
        %swap3A = arith.constant 0 : index
        %swap3A_99 = tpu.vector_load %arg10[%swap3A] {strides = array<i32>} : memref<1536xf32, #tpu.memory_space<vmem>>, vector<16xf32>,
        tpu.vector_store %arg10[%swap3A], %broadcast_in_dim3A_19 {strides = array<i32>} : memref<1536xf32, #tpu.memory_space<vmem>>, vector<16xf32>,
        %swap3A_100 = arith.constant 16 : index
        %swap3A_101 = tpu.vector_load %arg10[%swap3A_100] {strides = array<i32>} : memref<1536xf32, #tpu.memory_space<vmem>>, vector<16xf32>,
        tpu.vector_store %arg10[%swap3A_100], %broadcast_in_dim3A_19 {strides = array<i32>} : memref<1536xf32, #tpu.memory_space<vmem>>, vector<16xf32>,
        %swap3A_102 = arith.constant 32 : index
        %swap3A_103 = tpu.vector_load %arg10[%swap3A_102] {strides = array<i32>} : memref<1536xf32, #tpu.memory_space<vmem>>, vector<16xf32>,
        tpu.vector_store %arg10[%swap3A_102], %broadcast_in_dim3A_19 {strides = array<i32>} : memref<1536xf32, #tpu.memory_space<vmem>>, vector<16xf32>,
        %swap3A_104 = arith.constant 48 : index
        %swap3A_105 = tpu.vector_load %arg10[%swap3A_104] {strides = array<i32>} : memref<1536xf32, #tpu.memory_space<vmem>>, vector<16xf32>,
        tpu.vector_store %arg10[%swap3A_104], %broadcast_in_dim3A_19 {strides = array<i32>} : memref<1536xf32, #tpu.memory_space<vmem>>, vector<16xf32>,
        %swap3A_106 = arith.constant 64 : index
        %swap3A_107 = tpu.vector_load %arg10[%swap3A_106] {strides = array<i32>} : memref<1536xf32, #tpu.memory_space<vmem>>, vector<16xf32>,
        tpu.vector_store %arg10[%swap3A_106], %broadcast_in_dim3A_19 {strides = array<i32>} : memref<1536xf32, #tpu.memory_space<vmem>>, vector<16xf32>,
        %swap3A_108 = arith.constant 80 : index
        %swap3A_109 = tpu.vector_load %arg10[%swap3A_108] {strides = array<i32>} : memref<1536xf32, #tpu.memory_space<vmem>>, vector<16xf32>,
        tpu.vector_store %arg10[%swap3A_108], %broadcast_in_dim3A_19 {strides = array<i32>} : memref<1536xf32, #tpu.memory_space<vmem>>, vector<16xf32>,
        %swap3A_110 = arith.constant 96 : index
        %swap3A_111 = tpu.vector_load %arg10[%swap3A_110] {strides = array<i32>} : memref<1536xf32, #tpu.memory_space<vmem>>, vector<16xf32>,
        tpu.vector_store %arg10[%swap3A_110], %broadcast_in_dim3A_19 {strides = array<i32>} : memref<1536xf32, #tpu.memory_space<vmem>>, vector<16xf32>,
        %swap3A_112 = arith.constant 112 : index
        %swap3A_113 = tpu.vector_load %arg10[%swap3A_112] {strides = array<i32>} : memref<1536xf32, #tpu.memory_space<vmem>>, vector<16xf32>,
        tpu.vector_store %arg10[%swap3A_112], %broadcast_in_dim3A_19 {strides = array<i32>} : memref<1536xf32, #tpu.memory_space<vmem>>, vector<16xf32>,
        %swap3A_114 = arith.constant 128 : index
        %swap3A_115 = tpu.vector_load %arg10[%swap3A_114] {strides = array<i32>} : memref<1536xf32, #tpu.memory_space<vmem>>, vector<16xf32>,
        tpu.vector_store %arg10[%swap3A_114], %broadcast_in_dim3A_19 {strides = array<i32>} : memref<1536xf32, #tpu.memory_space<vmem>>, vector<16xf32>,
        %swap3A_116 = arith.constant 144 : index
        %swap3A_117 = tpu.vector_load %arg10[%swap3A_116] {strides = array<i32>} : memref<1536xf32, #tpu.memory_space<vmem>>, vector<16xf32>,
        tpu.vector_store %arg10[%swap3A_116], %broadcast_in_dim3A_19 {strides = array<i32>} : memref<1536xf32, #tpu.memory_space<vmem>>, vector<16xf32>,
        %swap3A_118 = arith.constant 160 : index
        %swap3A_119 = tpu.vector_load %arg10[%swap3A_118] {strides = array<i32>} : memref<1536xf32, #tpu.memory_space<vmem>>, vector<16xf32>,
        tpu.vector_store %arg10[%swap3A_118], %broadcast_in_dim3A_19 {strides = array<i32>} : memref<1536xf32, #tpu.memory_space<vmem>>, vector<16xf32>,
        %swap3A_120 = arith.constant 176 : index
        %swap3A_121 = tpu.vector_load %arg10[%swap3A_120] {strides = array<i32>} : memref<1536xf32, #tpu.memory_space<vmem>>, vector<16xf32>,
        tpu.vector_store %arg10[%swap3A_120], %broadcast_in_dim3A_19 {strides = array<i32>} : memref<1536xf32, #tpu.memory_space<vmem>>, vector<16xf32>,
        %swap3A_122 = arith.constant 192 : index
        %swap3A_123 = tpu.vector_load %arg10[%swap3A_122] {strides = array<i32>} : memref<1536xf32, #tpu.memory_space<vmem>>, vector<16xf32>,
        tpu.vector_store %arg10[%swap3A_122], %broadcast_in_dim3A_19 {strides = array<i32>} : memref<1536xf32, #tpu.memory_space<vmem>>, vector<16xf32>,
        %swap3A_124 = arith.constant 208 : index
        %swap3A_125 = tpu.vector_load %arg10[%swap3A_124] {strides = array<i32>} : memref<1536xf32, #tpu.memory_space<vmem>>, vector<16xf32>,
        tpu.vector_store %arg10[%swap3A_124], %broadcast_in_dim3A_19 {strides = array<i32>} : memref<1536xf32, #tpu.memory_space<vmem>>, vector<16xf32>,
        %swap3A_126 = arith.constant 224 : index
        %swap3A_127 = tpu.vector_load %arg10[%swap3A_126] {strides = array<i32>} : memref<1536xf32, #tpu.memory_space<vmem>>, vector<16xf32>,
        tpu.vector_store %arg10[%swap3A_126], %broadcast_in_dim3A_19 {strides = array<i32>} : memref<1536xf32, #tpu.memory_space<vmem>>, vector<16xf32>,
        %swap3A_128 = arith.constant 240 : index
        %swap3A_129 = tpu.vector_load %arg10[%swap3A_128] {strides = array<i32>} : memref<1536xf32, #tpu.memory_space<vmem>>, vector<16xf32>,
        tpu.vector_store %arg10[%swap3A_128], %broadcast_in_dim3A_19 {strides = array<i32>} : memref<1536xf32, #tpu.memory_space<vmem>>, vector<16xf32>,
        %swap3A_130 = arith.constant 256 : index
        %swap3A_131 = tpu.vector_load %arg10[%swap3A_130] {strides = array<i32>} : memref<1536xf32, #tpu.memory_space<vmem>>, vector<16xf32>,
        tpu.vector_store %arg10[%swap3A_130], %broadcast_in_dim3A_19 {strides = array<i32>} : memref<1536xf32, #tpu.memory_space<vmem>>, vector<16xf32>,
        %swap3A_132 = arith.constant 272 : index
        %swap3A_133 = tpu.vector_load %arg10[%swap3A_132] {strides = array<i32>} : memref<1536xf32, #tpu.memory_space<vmem>>, vector<16xf32>,
        tpu.vector_store %arg10[%swap3A_132], %broadcast_in_dim3A_19 {strides = array<i32>} : memref<1536xf32, #tpu.memory_space<vmem>>, vector<16xf32>,
        %swap3A_134 = arith.constant 288 : index
        %swap3A_135 = tpu.vector_load %arg10[%swap3A_134] {strides = array<i32>} : memref<1536xf32, #tpu.memory_space<vmem>>, vector<16xf32>,
        tpu.vector_store %arg10[%swap3A_134], %broadcast_in_dim3A_19 {strides = array<i32>} : memref<1536xf32, #tpu.memory_space<vmem>>, vector<16xf32>,
        %swap3A_136 = arith.constant 304 : index
        %swap3A_137 = tpu.vector_load %arg10[%swap3A_136] {strides = array<i32>} : memref<1536xf32, #tpu.memory_space<vmem>>, vector<16xf32>,
        tpu.vector_store %arg10[%swap3A_136], %broadcast_in_dim3A_19 {strides = array<i32>} : memref<1536xf32, #tpu.memory_space<vmem>>, vector<16xf32>,
        %swap3A_138 = arith.constant 320 : index
        %swap3A_139 = tpu.vector_load %arg10[%swap3A_138] {strides = array<i32>} : memref<1536xf32, #tpu.memory_space<vmem>>, vector<16xf32>,
        tpu.vector_store %arg10[%swap3A_138], %broadcast_in_dim3A_19 {strides = array<i32>} : memref<1536xf32, #tpu.memory_space<vmem>>, vector<16xf32>,
        %swap3A_140 = arith.constant 336 : index
        %swap3A_141 = tpu.vector_load %arg10[%swap3A_140] {strides = array<i32>} : memref<1536xf32, #tpu.memory_space<vmem>>, vector<16xf32>,
        tpu.vector_store %arg10[%swap3A_140], %broadcast_in_dim3A_19 {strides = array<i32>} : memref<1536xf32, #tpu.memory_space<vmem>>, vector<16xf32>,
        %swap3A_142 = arith.constant 352 : index
        %swap3A_143 = tpu.vector_load %arg10[%swap3A_142] {strides = array<i32>} : memref<1536xf32, #tpu.memory_space<vmem>>, vector<16xf32>,
        tpu.vector_store %arg10[%swap3A_142], %broadcast_in_dim3A_19 {strides = array<i32>} : memref<1536xf32, #tpu.memory_space<vmem>>, vector<16xf32>,
        %swap3A_144 = arith.constant 368 : index
        %swap3A_145 = tpu.vector_load %arg10[%swap3A_144] {strides = array<i32>} : memref<1536xf32, #tpu.memory_space<vmem>>, vector<16xf32>,
        tpu.vector_store %arg10[%swap3A_144], %broadcast_in_dim3A_19 {strides = array<i32>} : memref<1536xf32, #tpu.memory_space<vmem>>, vector<16xf32>,
        %swap3A_146 = arith.constant 384 : index
        %swap3A_147 = tpu.vector_load %arg10[%swap3A_146] {strides = array<i32>} : memref<1536xf32, #tpu.memory_space<vmem>>, vector<16xf32>,
        tpu.vector_store %arg10[%swap3A_146], %broadcast_in_dim3A_19 {strides = array<i32>} : memref<1536xf32, #tpu.memory_space<vmem>>, vector<16xf32>,
        %swap3A_148 = arith.constant 400 : index
        %swap3A_149 = tpu.vector_load %arg10[%swap3A_148] {strides = array<i32>} : memref<1536xf32, #tpu.memory_space<vmem>>, vector<16xf32>,
        tpu.vector_store %arg10[%swap3A_148], %broadcast_in_dim3A_19 {strides = array<i32>} : memref<1536xf32, #tpu.memory_space<vmem>>, vector<16xf32>,
        %swap3A_150 = arith.constant 416 : index
        %swap3A_151 = tpu.vector_load %arg10[%swap3A_150] {strides = array<i32>} : memref<1536xf32, #tpu.memory_space<vmem>>, vector<16xf32>,
        tpu.vector_store %arg10[%swap3A_150], %broadcast_in_dim3A_19 {strides = array<i32>} : memref<1536xf32, #tpu.memory_space<vmem>>, vector<16xf32>,
        %swap3A_152 = arith.constant 432 : index
        %swap3A_153 = tpu.vector_load %arg10[%swap3A_152] {strides = array<i32>} : memref<1536xf32, #tpu.memory_space<vmem>>, vector<16xf32>,
        tpu.vector_store %arg10[%swap3A_152], %broadcast_in_dim3A_19 {strides = array<i32>} : memref<1536xf32, #tpu.memory_space<vmem>>, vector<16xf32>,
        %swap3A_154 = arith.constant 448 : index
        %swap3A_155 = tpu.vector_load %arg10[%swap3A_154] {strides = array<i32>} : memref<1536xf32, #tpu.memory_space<vmem>>, vector<16xf32>,
        tpu.vector_store %arg10[%swap3A_154], %broadcast_in_dim3A_19 {strides = array<i32>} : memref<1536xf32, #tpu.memory_space<vmem>>, vector<16xf32>,
        %swap3A_156 = arith.constant 464 : index
        %swap3A_157 = tpu.vector_load %arg10[%swap3A_156] {strides = array<i32>} : memref<1536xf32, #tpu.memory_space<vmem>>, vector<16xf32>,
        tpu.vector_store %arg10[%swap3A_156], %broadcast_in_dim3A_19 {strides = array<i32>} : memref<1536xf32, #tpu.memory_space<vmem>>, vector<16xf32>,
        %swap3A_158 = arith.constant 480 : index
        %swap3A_159 = tpu.vector_load %arg10[%swap3A_158] {strides = array<i32>} : memref<1536xf32, #tpu.memory_space<vmem>>, vector<16xf32>,
        tpu.vector_store %arg10[%swap3A_158], %broadcast_in_dim3A_19 {strides = array<i32>} : memref<1536xf32, #tpu.memory_space<vmem>>, vector<16xf32>,
        %swap3A_160 = arith.constant 496 : index
        %swap3A_161 = tpu.vector_load %arg10[%swap3A_160] {strides = array<i32>} : memref<1536xf32, #tpu.memory_space<vmem>>, vector<16xf32>,
        tpu.vector_store %arg10[%swap3A_160], %broadcast_in_dim3A_19 {strides = array<i32>} : memref<1536xf32, #tpu.memory_space<vmem>>, vector<16xf32>,
        %swap3A_162 = arith.constant 512 : index
        %swap3A_163 = tpu.vector_load %arg10[%swap3A_162] {strides = array<i32>} : memref<1536xf32, #tpu.memory_space<vmem>>, vector<16xf32>,
        tpu.vector_store %arg10[%swap3A_162], %broadcast_in_dim3A_19 {strides = array<i32>} : memref<1536xf32, #tpu.memory_space<vmem>>, vector<16xf32>,
        %swap3A_164 = arith.constant 528 : index
        %swap3A_165 = tpu.vector_load %arg10[%swap3A_164] {strides = array<i32>} : memref<1536xf32, #tpu.memory_space<vmem>>, vector<16xf32>,
        tpu.vector_store %arg10[%swap3A_164], %broadcast_in_dim3A_19 {strides = array<i32>} : memref<1536xf32, #tpu.memory_space<vmem>>, vector<16xf32>,
        %swap3A_166 = arith.constant 544 : index
        %swap3A_167 = tpu.vector_load %arg10[%swap3A_166] {strides = array<i32>} : memref<1536xf32, #tpu.memory_space<vmem>>, vector<16xf32>,
        tpu.vector_store %arg10[%swap3A_166], %broadcast_in_dim3A_19 {strides = array<i32>} : memref<1536xf32, #tpu.memory_space<vmem>>, vector<16xf32>,
        %swap3A_168 = arith.constant 560 : index
        %swap3A_169 = tpu.vector_load %arg10[%swap3A_168] {strides = array<i32>} : memref<1536xf32, #tpu.memory_space<vmem>>, vector<16xf32>,
        tpu.vector_store %arg10[%swap3A_168], %broadcast_in_dim3A_19 {strides = array<i32>} : memref<1536xf32, #tpu.memory_space<vmem>>, vector<16xf32>,
        %swap3A_170 = arith.constant 576 : index
        %swap3A_171 = tpu.vector_load %arg10[%swap3A_170] {strides = array<i32>} : memref<1536xf32, #tpu.memory_space<vmem>>, vector<16xf32>,
        tpu.vector_store %arg10[%swap3A_170], %broadcast_in_dim3A_19 {strides = array<i32>} : memref<1536xf32, #tpu.memory_space<vmem>>, vector<16xf32>,
        %swap3A_172 = arith.constant 592 : index
        %swap3A_173 = tpu.vector_load %arg10[%swap3A_172] {strides = array<i32>} : memref<1536xf32, #tpu.memory_space<vmem>>, vector<16xf32>,
        tpu.vector_store %arg10[%swap3A_172], %broadcast_in_dim3A_19 {strides = array<i32>} : memref<1536xf32, #tpu.memory_space<vmem>>, vector<16xf32>,
        %swap3A_174 = arith.constant 608 : index
        %swap3A_175 = tpu.vector_load %arg10[%swap3A_174] {strides = array<i32>} : memref<1536xf32, #tpu.memory_space<vmem>>, vector<16xf32>,
        tpu.vector_store %arg10[%swap3A_174], %broadcast_in_dim3A_19 {strides = array<i32>} : memref<1536xf32, #tpu.memory_space<vmem>>, vector<16xf32>,
        %swap3A_176 = arith.constant 624 : index
        %swap3A_177 = tpu.vector_load %arg10[%swap3A_176] {strides = array<i32>} : memref<1536xf32, #tpu.memory_space<vmem>>, vector<16xf32>,
        tpu.vector_store %arg10[%swap3A_176], %broadcast_in_dim3A_19 {strides = array<i32>} : memref<1536xf32, #tpu.memory_space<vmem>>, vector<16xf32>,
        %swap3A_178 = arith.constant 640 : index
        %swap3A_179 = tpu.vector_load %arg10[%swap3A_178] {strides = array<i32>} : memref<1536xf32, #tpu.memory_space<vmem>>, vector<16xf32>,
        tpu.vector_store %arg10[%swap3A_178], %broadcast_in_dim3A_19 {strides = array<i32>} : memref<1536xf32, #tpu.memory_space<vmem>>, vector<16xf32>,
        %swap3A_180 = arith.constant 656 : index
        %swap3A_181 = tpu.vector_load %arg10[%swap3A_180] {strides = array<i32>} : memref<1536xf32, #tpu.memory_space<vmem>>, vector<16xf32>,
        tpu.vector_store %arg10[%swap3A_180], %broadcast_in_dim3A_19 {strides = array<i32>} : memref<1536xf32, #tpu.memory_space<vmem>>, vector<16xf32>,
        %swap3A_182 = arith.constant 672 : index
        %swap3A_183 = tpu.vector_load %arg10[%swap3A_182] {strides = array<i32>} : memref<1536xf32, #tpu.memory_space<vmem>>, vector<16xf32>,
        tpu.vector_store %arg10[%swap3A_182], %broadcast_in_dim3A_19 {strides = array<i32>} : memref<1536xf32, #tpu.memory_space<vmem>>, vector<16xf32>,
        %swap3A_184 = arith.constant 688 : index
        %swap3A_185 = tpu.vector_load %arg10[%swap3A_184] {strides = array<i32>} : memref<1536xf32, #tpu.memory_space<vmem>>, vector<16xf32>,
        tpu.vector_store %arg10[%swap3A_184], %broadcast_in_dim3A_19 {strides = array<i32>} : memref<1536xf32, #tpu.memory_space<vmem>>, vector<16xf32>,
        %swap3A_186 = arith.constant 704 : index
        %swap3A_187 = tpu.vector_load %arg10[%swap3A_186] {strides = array<i32>} : memref<1536xf32, #tpu.memory_space<vmem>>, vector<16xf32>,
        tpu.vector_store %arg10[%swap3A_186], %broadcast_in_dim3A_19 {strides = array<i32>} : memref<1536xf32, #tpu.memory_space<vmem>>, vector<16xf32>,
        %swap3A_188 = arith.constant 720 : index
        %swap3A_189 = tpu.vector_load %arg10[%swap3A_188] {strides = array<i32>} : memref<1536xf32, #tpu.memory_space<vmem>>, vector<16xf32>,
        tpu.vector_store %arg10[%swap3A_188], %broadcast_in_dim3A_19 {strides = array<i32>} : memref<1536xf32, #tpu.memory_space<vmem>>, vector<16xf32>,
        %swap3A_190 = arith.constant 736 : index
        %swap3A_191 = tpu.vector_load %arg10[%swap3A_190] {strides = array<i32>} : memref<1536xf32, #tpu.memory_space<vmem>>, vector<16xf32>,
        tpu.vector_store %arg10[%swap3A_190], %broadcast_in_dim3A_19 {strides = array<i32>} : memref<1536xf32, #tpu.memory_space<vmem>>, vector<16xf32>,
        %swap3A_192 = arith.constant 752 : index
        %swap3A_193 = tpu.vector_load %arg10[%swap3A_192] {strides = array<i32>} : memref<1536xf32, #tpu.memory_space<vmem>>, vector<16xf32>,
        tpu.vector_store %arg10[%swap3A_192], %broadcast_in_dim3A_19 {strides = array<i32>} : memref<1536xf32, #tpu.memory_space<vmem>>, vector<16xf32>,
        %swap3A_194 = arith.constant 768 : index
        %swap3A_195 = tpu.vector_load %arg10[%swap3A_194] {strides = array<i32>} : memref<1536xf32, #tpu.memory_space<vmem>>, vector<16xf32>,
        tpu.vector_store %arg10[%swap3A_194], %broadcast_in_dim3A_19 {strides = array<i32>} : memref<1536xf32, #tpu.memory_space<vmem>>, vector<16xf32>,
        %swap3A_196 = arith.constant 784 : index
        %swap3A_197 = tpu.vector_load %arg10[%swap3A_196] {strides = array<i32>} : memref<1536xf32, #tpu.memory_space<vmem>>, vector<16xf32>,
        tpu.vector_store %arg10[%swap3A_196], %broadcast_in_dim3A_19 {strides = array<i32>} : memref<1536xf32, #tpu.memory_space<vmem>>, vector<16xf32>,
        %swap3A_198 = arith.constant 800 : index
        %swap3A_199 = tpu.vector_load %arg10[%swap3A_198] {strides = array<i32>} : memref<1536xf32, #tpu.memory_space<vmem>>, vector<16xf32>,
        tpu.vector_store %arg10[%swap3A_198], %broadcast_in_dim3A_19 {strides = array<i32>} : memref<1536xf32, #tpu.memory_space<vmem>>, vector<16xf32>,
        %swap3A_200 = arith.constant 816 : index
        %swap3A_201 = tpu.vector_load %arg10[%swap3A_200] {strides = array<i32>} : memref<1536xf32, #tpu.memory_space<vmem>>, vector<16xf32>,
        tpu.vector_store %arg10[%swap3A_200], %broadcast_in_dim3A_19 {strides = array<i32>} : memref<1536xf32, #tpu.memory_space<vmem>>, vector<16xf32>,
        %swap3A_202 = arith.constant 832 : index
        %swap3A_203 = tpu.vector_load %arg10[%swap3A_202] {strides = array<i32>} : memref<1536xf32, #tpu.memory_space<vmem>>, vector<16xf32>,
        tpu.vector_store %arg10[%swap3A_202], %broadcast_in_dim3A_19 {strides = array<i32>} : memref<1536xf32, #tpu.memory_space<vmem>>, vector<16xf32>,
        %swap3A_204 = arith.constant 848 : index
        %swap3A_205 = tpu.vector_load %arg10[%swap3A_204] {strides = array<i32>} : memref<1536xf32, #tpu.memory_space<vmem>>, vector<16xf32>,
        tpu.vector_store %arg10[%swap3A_204], %broadcast_in_dim3A_19 {strides = array<i32>} : memref<1536xf32, #tpu.memory_space<vmem>>, vector<16xf32>,
        %swap3A_206 = arith.constant 864 : index
        %swap3A_207 = tpu.vector_load %arg10[%swap3A_206] {strides = array<i32>} : memref<1536xf32, #tpu.memory_space<vmem>>, vector<16xf32>,
        tpu.vector_store %arg10[%swap3A_206], %broadcast_in_dim3A_19 {strides = array<i32>} : memref<1536xf32, #tpu.memory_space<vmem>>, vector<16xf32>,
        %swap3A_208 = arith.constant 880 : index
        %swap3A_209 = tpu.vector_load %arg10[%swap3A_208] {strides = array<i32>} : memref<1536xf32, #tpu.memory_space<vmem>>, vector<16xf32>,
        tpu.vector_store %arg10[%swap3A_208], %broadcast_in_dim3A_19 {strides = array<i32>} : memref<1536xf32, #tpu.memory_space<vmem>>, vector<16xf32>,
        %swap3A_210 = arith.constant 896 : index
        %swap3A_211 = tpu.vector_load %arg10[%swap3A_210] {strides = array<i32>} : memref<1536xf32, #tpu.memory_space<vmem>>, vector<16xf32>,
        tpu.vector_store %arg10[%swap3A_210], %broadcast_in_dim3A_19 {strides = array<i32>} : memref<1536xf32, #tpu.memory_space<vmem>>, vector<16xf32>,
        %swap3A_212 = arith.constant 912 : index
        %swap3A_213 = tpu.vector_load %arg10[%swap3A_212] {strides = array<i32>} : memref<1536xf32, #tpu.memory_space<vmem>>, vector<16xf32>,
        tpu.vector_store %arg10[%swap3A_212], %broadcast_in_dim3A_19 {strides = array<i32>} : memref<1536xf32, #tpu.memory_space<vmem>>, vector<16xf32>,
        %swap3A_214 = arith.constant 928 : index
        %swap3A_215 = tpu.vector_load %arg10[%swap3A_214] {strides = array<i32>} : memref<1536xf32, #tpu.memory_space<vmem>>, vector<16xf32>,
        tpu.vector_store %arg10[%swap3A_214], %broadcast_in_dim3A_19 {strides = array<i32>} : memref<1536xf32, #tpu.memory_space<vmem>>, vector<16xf32>,
        %swap3A_216 = arith.constant 944 : index
        %swap3A_217 = tpu.vector_load %arg10[%swap3A_216] {strides = array<i32>} : memref<1536xf32, #tpu.memory_space<vmem>>, vector<16xf32>,
        tpu.vector_store %arg10[%swap3A_216], %broadcast_in_dim3A_19 {strides = array<i32>} : memref<1536xf32, #tpu.memory_space<vmem>>, vector<16xf32>,
        %swap3A_218 = arith.constant 960 : index
        %swap3A_219 = tpu.vector_load %arg10[%swap3A_218] {strides = array<i32>} : memref<1536xf32, #tpu.memory_space<vmem>>, vector<16xf32>,
        tpu.vector_store %arg10[%swap3A_218], %broadcast_in_dim3A_19 {strides = array<i32>} : memref<1536xf32, #tpu.memory_space<vmem>>, vector<16xf32>,
        %swap3A_220 = arith.constant 976 : index
        %swap3A_221 = tpu.vector_load %arg10[%swap3A_220] {strides = array<i32>} : memref<1536xf32, #tpu.memory_space<vmem>>, vector<16xf32>,
        tpu.vector_store %arg10[%swap3A_220], %broadcast_in_dim3A_19 {strides = array<i32>} : memref<1536xf32, #tpu.memory_space<vmem>>, vector<16xf32>,
        %swap3A_222 = arith.constant 992 : index
        %swap3A_223 = tpu.vector_load %arg10[%swap3A_222] {strides = array<i32>} : memref<1536xf32, #tpu.memory_space<vmem>>, vector<16xf32>,
        tpu.vector_store %arg10[%swap3A_222], %broadcast_in_dim3A_19 {strides = array<i32>} : memref<1536xf32, #tpu.memory_space<vmem>>, vector<16xf32>,
        %swap3A_224 = arith.constant 1008 : index
        %swap3A_225 = tpu.vector_load %arg10[%swap3A_224] {strides = array<i32>} : memref<1536xf32, #tpu.memory_space<vmem>>, vector<16xf32>,
        tpu.vector_store %arg10[%swap3A_224], %broadcast_in_dim3A_19 {strides = array<i32>} : memref<1536xf32, #tpu.memory_space<vmem>>, vector<16xf32>,
        %swap3A_226 = arith.constant 1024 : index
        %swap3A_227 = tpu.vector_load %arg10[%swap3A_226] {strides = array<i32>} : memref<1536xf32, #tpu.memory_space<vmem>>, vector<16xf32>,
        tpu.vector_store %arg10[%swap3A_226], %broadcast_in_dim3A_19 {strides = array<i32>} : memref<1536xf32, #tpu.memory_space<vmem>>, vector<16xf32>,
        %swap3A_228 = arith.constant 1040 : index
        %swap3A_229 = tpu.vector_load %arg10[%swap3A_228] {strides = array<i32>} : memref<1536xf32, #tpu.memory_space<vmem>>, vector<16xf32>,
        tpu.vector_store %arg10[%swap3A_228], %broadcast_in_dim3A_19 {strides = array<i32>} : memref<1536xf32, #tpu.memory_space<vmem>>, vector<16xf32>,
        %swap3A_230 = arith.constant 1056 : index
        %swap3A_231 = tpu.vector_load %arg10[%swap3A_230] {strides = array<i32>} : memref<1536xf32, #tpu.memory_space<vmem>>, vector<16xf32>,
        tpu.vector_store %arg10[%swap3A_230], %broadcast_in_dim3A_19 {strides = array<i32>} : memref<1536xf32, #tpu.memory_space<vmem>>, vector<16xf32>,
        %swap3A_232 = arith.constant 1072 : index
        %swap3A_233 = tpu.vector_load %arg10[%swap3A_232] {strides = array<i32>} : memref<1536xf32, #tpu.memory_space<vmem>>, vector<16xf32>,
        tpu.vector_store %arg10[%swap3A_232], %broadcast_in_dim3A_19 {strides = array<i32>} : memref<1536xf32, #tpu.memory_space<vmem>>, vector<16xf32>,
        %swap3A_234 = arith.constant 1088 : index
        %swap3A_235 = tpu.vector_load %arg10[%swap3A_234] {strides = array<i32>} : memref<1536xf32, #tpu.memory_space<vmem>>, vector<16xf32>,
        tpu.vector_store %arg10[%swap3A_234], %broadcast_in_dim3A_19 {strides = array<i32>} : memref<1536xf32, #tpu.memory_space<vmem>>, vector<16xf32>,
        %swap3A_236 = arith.constant 1104 : index
        %swap3A_237 = tpu.vector_load %arg10[%swap3A_236] {strides = array<i32>} : memref<1536xf32, #tpu.memory_space<vmem>>, vector<16xf32>,
        tpu.vector_store %arg10[%swap3A_236], %broadcast_in_dim3A_19 {strides = array<i32>} : memref<1536xf32, #tpu.memory_space<vmem>>, vector<16xf32>,
        %swap3A_238 = arith.constant 1120 : index
        %swap3A_239 = tpu.vector_load %arg10[%swap3A_238] {strides = array<i32>} : memref<1536xf32, #tpu.memory_space<vmem>>, vector<16xf32>,
        tpu.vector_store %arg10[%swap3A_238], %broadcast_in_dim3A_19 {strides = array<i32>} : memref<1536xf32, #tpu.memory_space<vmem>>, vector<16xf32>,
        %swap3A_240 = arith.constant 1136 : index
        %swap3A_241 = tpu.vector_load %arg10[%swap3A_240] {strides = array<i32>} : memref<1536xf32, #tpu.memory_space<vmem>>, vector<16xf32>,
        tpu.vector_store %arg10[%swap3A_240], %broadcast_in_dim3A_19 {strides = array<i32>} : memref<1536xf32, #tpu.memory_space<vmem>>, vector<16xf32>,
        %swap3A_242 = arith.constant 1152 : index
        %swap3A_243 = tpu.vector_load %arg10[%swap3A_242] {strides = array<i32>} : memref<1536xf32, #tpu.memory_space<vmem>>, vector<16xf32>,
        tpu.vector_store %arg10[%swap3A_242], %broadcast_in_dim3A_19 {strides = array<i32>} : memref<1536xf32, #tpu.memory_space<vmem>>, vector<16xf32>,
        %swap3A_244 = arith.constant 1168 : index
        %swap3A_245 = tpu.vector_load %arg10[%swap3A_244] {strides = array<i32>} : memref<1536xf32, #tpu.memory_space<vmem>>, vector<16xf32>,
        tpu.vector_store %arg10[%swap3A_244], %broadcast_in_dim3A_19 {strides = array<i32>} : memref<1536xf32, #tpu.memory_space<vmem>>, vector<16xf32>,
        %swap3A_246 = arith.constant 1184 : index
        %swap3A_247 = tpu.vector_load %arg10[%swap3A_246] {strides = array<i32>} : memref<1536xf32, #tpu.memory_space<vmem>>, vector<16xf32>,
        tpu.vector_store %arg10[%swap3A_246], %broadcast_in_dim3A_19 {strides = array<i32>} : memref<1536xf32, #tpu.memory_space<vmem>>, vector<16xf32>,
        %swap3A_248 = arith.constant 1200 : index
        %swap3A_249 = tpu.vector_load %arg10[%swap3A_248] {strides = array<i32>} : memref<1536xf32, #tpu.memory_space<vmem>>, vector<16xf32>,
        tpu.vector_store %arg10[%swap3A_248], %broadcast_in_dim3A_19 {strides = array<i32>} : memref<1536xf32, #tpu.memory_space<vmem>>, vector<16xf32>,
        %swap3A_250 = arith.constant 1216 : index
        %swap3A_251 = tpu.vector_load %arg10[%swap3A_250] {strides = array<i32>} : memref<1536xf32, #tpu.memory_space<vmem>>, vector<16xf32>,
        tpu.vector_store %arg10[%swap3A_250], %broadcast_in_dim3A_19 {strides = array<i32>} : memref<1536xf32, #tpu.memory_space<vmem>>, vector<16xf32>,
        %swap3A_252 = arith.constant 1232 : index
        %swap3A_253 = tpu.vector_load %arg10[%swap3A_252] {strides = array<i32>} : memref<1536xf32, #tpu.memory_space<vmem>>, vector<16xf32>,
        tpu.vector_store %arg10[%swap3A_252], %broadcast_in_dim3A_19 {strides = array<i32>} : memref<1536xf32, #tpu.memory_space<vmem>>, vector<16xf32>,
        %swap3A_254 = arith.constant 1248 : index
        %swap3A_255 = tpu.vector_load %arg10[%swap3A_254] {strides = array<i32>} : memref<1536xf32, #tpu.memory_space<vmem>>, vector<16xf32>,
        tpu.vector_store %arg10[%swap3A_254], %broadcast_in_dim3A_19 {strides = array<i32>} : memref<1536xf32, #tpu.memory_space<vmem>>, vector<16xf32>,
        %swap3A_256 = arith.constant 1264 : index
        %swap3A_257 = tpu.vector_load %arg10[%swap3A_256] {strides = array<i32>} : memref<1536xf32, #tpu.memory_space<vmem>>, vector<16xf32>,
        tpu.vector_store %arg10[%swap3A_256], %broadcast_in_dim3A_19 {strides = array<i32>} : memref<1536xf32, #tpu.memory_space<vmem>>, vector<16xf32>,
        %swap3A_258 = arith.constant 1280 : index
        %swap3A_259 = tpu.vector_load %arg10[%swap3A_258] {strides = array<i32>} : memref<1536xf32, #tpu.memory_space<vmem>>, vector<16xf32>,
        tpu.vector_store %arg10[%swap3A_258], %broadcast_in_dim3A_19 {strides = array<i32>} : memref<1536xf32, #tpu.memory_space<vmem>>, vector<16xf32>,
        %swap3A_260 = arith.constant 1296 : index
        %swap3A_261 = tpu.vector_load %arg10[%swap3A_260] {strides = array<i32>} : memref<1536xf32, #tpu.memory_space<vmem>>, vector<16xf32>,
        tpu.vector_store %arg10[%swap3A_260], %broadcast_in_dim3A_19 {strides = array<i32>} : memref<1536xf32, #tpu.memory_space<vmem>>, vector<16xf32>,
        %swap3A_262 = arith.constant 1312 : index
        %swap3A_263 = tpu.vector_load %arg10[%swap3A_262] {strides = array<i32>} : memref<1536xf32, #tpu.memory_space<vmem>>, vector<16xf32>,
        tpu.vector_store %arg10[%swap3A_262], %broadcast_in_dim3A_19 {strides = array<i32>} : memref<1536xf32, #tpu.memory_space<vmem>>, vector<16xf32>,
        %swap3A_264 = arith.constant 1328 : index
        %swap3A_265 = tpu.vector_load %arg10[%swap3A_264] {strides = array<i32>} : memref<1536xf32, #tpu.memory_space<vmem>>, vector<16xf32>,
        tpu.vector_store %arg10[%swap3A_264], %broadcast_in_dim3A_19 {strides = array<i32>} : memref<1536xf32, #tpu.memory_space<vmem>>, vector<16xf32>,
        %swap3A_266 = arith.constant 1344 : index
        %swap3A_267 = tpu.vector_load %arg10[%swap3A_266] {strides = array<i32>} : memref<1536xf32, #tpu.memory_space<vmem>>, vector<16xf32>,
        tpu.vector_store %arg10[%swap3A_266], %broadcast_in_dim3A_19 {strides = array<i32>} : memref<1536xf32, #tpu.memory_space<vmem>>, vector<16xf32>,
        %swap3A_268 = arith.constant 1360 : index
        %swap3A_269 = tpu.vector_load %arg10[%swap3A_268] {strides = array<i32>} : memref<1536xf32, #tpu.memory_space<vmem>>, vector<16xf32>,
        tpu.vector_store %arg10[%swap3A_268], %broadcast_in_dim3A_19 {strides = array<i32>} : memref<1536xf32, #tpu.memory_space<vmem>>, vector<16xf32>,
        %swap3A_270 = arith.constant 1376 : index
        %swap3A_271 = tpu.vector_load %arg10[%swap3A_270] {strides = array<i32>} : memref<1536xf32, #tpu.memory_space<vmem>>, vector<16xf32>,
        tpu.vector_store %arg10[%swap3A_270], %broadcast_in_dim3A_19 {strides = array<i32>} : memref<1536xf32, #tpu.memory_space<vmem>>, vector<16xf32>,
        %swap3A_272 = arith.constant 1392 : index
        %swap3A_273 = tpu.vector_load %arg10[%swap3A_272] {strides = array<i32>} : memref<1536xf32, #tpu.memory_space<vmem>>, vector<16xf32>,
        tpu.vector_store %arg10[%swap3A_272], %broadcast_in_dim3A_19 {strides = array<i32>} : memref<1536xf32, #tpu.memory_space<vmem>>, vector<16xf32>,
        %swap3A_274 = arith.constant 1408 : index
        %swap3A_275 = tpu.vector_load %arg10[%swap3A_274] {strides = array<i32>} : memref<1536xf32, #tpu.memory_space<vmem>>, vector<16xf32>,
        tpu.vector_store %arg10[%swap3A_274], %broadcast_in_dim3A_19 {strides = array<i32>} : memref<1536xf32, #tpu.memory_space<vmem>>, vector<16xf32>,
        %swap3A_276 = arith.constant 1424 : index
        %swap3A_277 = tpu.vector_load %arg10[%swap3A_276] {strides = array<i32>} : memref<1536xf32, #tpu.memory_space<vmem>>, vector<16xf32>,
        tpu.vector_store %arg10[%swap3A_276], %broadcast_in_dim3A_19 {strides = array<i32>} : memref<1536xf32, #tpu.memory_space<vmem>>, vector<16xf32>,
        %swap3A_278 = arith.constant 1440 : index
        %swap3A_279 = tpu.vector_load %arg10[%swap3A_278] {strides = array<i32>} : memref<1536xf32, #tpu.memory_space<vmem>>, vector<16xf32>,
        tpu.vector_store %arg10[%swap3A_278], %broadcast_in_dim3A_19 {strides = array<i32>} : memref<1536xf32, #tpu.memory_space<vmem>>, vector<16xf32>,
        %swap3A_280 = arith.constant 1456 : index
        %swap3A_281 = tpu.vector_load %arg10[%swap3A_280] {strides = array<i32>} : memref<1536xf32, #tpu.memory_space<vmem>>, vector<16xf32>,
        tpu.vector_store %arg10[%swap3A_280], %broadcast_in_dim3A_19 {strides = array<i32>} : memref<1536xf32, #tpu.memory_space<vmem>>, vector<16xf32>,
        %swap3A_282 = arith.constant 1472 : index
        %swap3A_283 = tpu.vector_load %arg10[%swap3A_282] {strides = array<i32>} : memref<1536xf32, #tpu.memory_space<vmem>>, vector<16xf32>,
        tpu.vector_store %arg10[%swap3A_282], %broadcast_in_dim3A_19 {strides = array<i32>} : memref<1536xf32, #tpu.memory_space<vmem>>, vector<16xf32>,
        %swap3A_284 = arith.constant 1488 : index
        %swap3A_285 = tpu.vector_load %arg10[%swap3A_284] {strides = array<i32>} : memref<1536xf32, #tpu.memory_space<vmem>>, vector<16xf32>,
        tpu.vector_store %arg10[%swap3A_284], %broadcast_in_dim3A_19 {strides = array<i32>} : memref<1536xf32, #tpu.memory_space<vmem>>, vector<16xf32>,
        %swap3A_286 = arith.constant 1504 : index
        %swap3A_287 = tpu.vector_load %arg10[%swap3A_286] {strides = array<i32>} : memref<1536xf32, #tpu.memory_space<vmem>>, vector<16xf32>,
        tpu.vector_store %arg10[%swap3A_286], %broadcast_in_dim3A_19 {strides = array<i32>} : memref<1536xf32, #tpu.memory_space<vmem>>, vector<16xf32>,
        %swap3A_288 = arith.constant 1520 : index
        %swap3A_289 = tpu.vector_load %arg10[%swap3A_288] {strides = array<i32>} : memref<1536xf32, #tpu.memory_space<vmem>>, vector<16xf32>,
        tpu.vector_store %arg10[%swap3A_288], %broadcast_in_dim3A_19 {strides = array<i32>} : memref<1536xf32, #tpu.memory_space<vmem>>, vector<16xf32>,
        %parallel_loop3A = arith.constant 0 : i32
        %parallel_loop3A_290 = arith.constant 32 : i32
        %parallel_loop3A_291 = arith.constant 1 : i32
        scf.for %parallel_loop3A_301 = %parallel_loop3A to %parallel_loop3A_290 step %parallel_loop3A_291  : i32 {
          %parallel_loop3A_302 = arith.constant 16 : i32
          %parallel_loop3A_303 = arith.muli %parallel_loop3A_301, %parallel_loop3A_302 : i32
          %parallel_loop3A_304 = arith.constant 0 : i32
          %parallel_loop3A_305 = arith.index_cast %parallel_loop3A_304 : i32 to index
          %parallel_loop3A_306 = arith.index_cast %parallel_loop3A_303 : i32 to index
          %parallel_loop3A_307 = tpu.vector_load %arg8[%parallel_loop3A_305, %parallel_loop3A_306] {strides = array<i32>} : memref<4x512xi32, #tpu.memory_space<vmem>>, vector<16xi32>,
          %parallel_loop3A_308 = arith.constant 0 : i32
          %parallel_loop3A_309 = arith.constant 0 : i32
          %parallel_loop3A_310 = arith.index_cast %parallel_loop3A_308 : i32 to index
          %parallel_loop3A_311 = arith.index_cast %parallel_loop3A_309 : i32 to index
          %parallel_loop3A_312 = arith.index_cast %parallel_loop3A_303 : i32 to index
          %parallel_loop3A_313 = tpu.vector_load %arg6[%parallel_loop3A_310, %parallel_loop3A_311, %parallel_loop3A_312] {strides = array<i32>} : memref<16x4x512xf32, #tpu.memory_space<vmem>>, vector<16xf32>,
          %parallel_loop3A_314 = arith.constant 0 : i32
          %parallel_loop3A_315 = tpu.memref_slice %arg10[%parallel_loop3A_314] : memref<1536xf32, #tpu.memory_space<vmem>> -> memref<24xf32, #tpu.memory_space<vmem>>
          tpu.vector_store_idx %parallel_loop3A_315[%parallel_loop3A_307], %parallel_loop3A_313 {add = true} : memref<24xf32, #tpu.memory_space<vmem>>[vector<16xi32>], vector<16xf32>,
          %parallel_loop3A_316 = arith.constant 1 : i32
          %parallel_loop3A_317 = arith.constant 0 : i32
          %parallel_loop3A_318 = arith.index_cast %parallel_loop3A_316 : i32 to index
          %parallel_loop3A_319 = arith.index_cast %parallel_loop3A_317 : i32 to index
          %parallel_loop3A_320 = arith.index_cast %parallel_loop3A_303 : i32 to index
          %parallel_loop3A_321 = tpu.vector_load %arg6[%parallel_loop3A_318, %parallel_loop3A_319, %parallel_loop3A_320] {strides = array<i32>} : memref<16x4x512xf32, #tpu.memory_space<vmem>>, vector<16xf32>,
          %parallel_loop3A_322 = arith.constant 24 : i32
          %parallel_loop3A_323 = tpu.memref_slice %arg10[%parallel_loop3A_322] : memref<1536xf32, #tpu.memory_space<vmem>> -> memref<24xf32, #tpu.memory_space<vmem>>
          tpu.vector_store_idx %parallel_loop3A_323[%parallel_loop3A_307], %parallel_loop3A_321 {add = true} : memref<24xf32, #tpu.memory_space<vmem>>[vector<16xi32>], vector<16xf32>,
          %parallel_loop3A_324 = arith.constant 2 : i32
          %parallel_loop3A_325 = arith.constant 0 : i32
          %parallel_loop3A_326 = arith.index_cast %parallel_loop3A_324 : i32 to index
          %parallel_loop3A_327 = arith.index_cast %parallel_loop3A_325 : i32 to index
          %parallel_loop3A_328 = arith.index_cast %parallel_loop3A_303 : i32 to index
          %parallel_loop3A_329 = tpu.vector_load %arg6[%parallel_loop3A_326, %parallel_loop3A_327, %parallel_loop3A_328] {strides = array<i32>} : memref<16x4x512xf32, #tpu.memory_space<vmem>>, vector<16xf32>,
          %parallel_loop3A_330 = arith.constant 48 : i32
          %parallel_loop3A_331 = tpu.memref_slice %arg10[%parallel_loop3A_330] : memref<1536xf32, #tpu.memory_space<vmem>> -> memref<24xf32, #tpu.memory_space<vmem>>
          tpu.vector_store_idx %parallel_loop3A_331[%parallel_loop3A_307], %parallel_loop3A_329 {add = true} : memref<24xf32, #tpu.memory_space<vmem>>[vector<16xi32>], vector<16xf32>,
          %parallel_loop3A_332 = arith.constant 3 : i32
          %parallel_loop3A_333 = arith.constant 0 : i32
          %parallel_loop3A_334 = arith.index_cast %parallel_loop3A_332 : i32 to index
          %parallel_loop3A_335 = arith.index_cast %parallel_loop3A_333 : i32 to index
          %parallel_loop3A_336 = arith.index_cast %parallel_loop3A_303 : i32 to index
          %parallel_loop3A_337 = tpu.vector_load %arg6[%parallel_loop3A_334, %parallel_loop3A_335, %parallel_loop3A_336] {strides = array<i32>} : memref<16x4x512xf32, #tpu.memory_space<vmem>>, vector<16xf32>,
          %parallel_loop3A_338 = arith.constant 72 : i32
          %parallel_loop3A_339 = tpu.memref_slice %arg10[%parallel_loop3A_338] : memref<1536xf32, #tpu.memory_space<vmem>> -> memref<24xf32, #tpu.memory_space<vmem>>
          tpu.vector_store_idx %parallel_loop3A_339[%parallel_loop3A_307], %parallel_loop3A_337 {add = true} : memref<24xf32, #tpu.memory_space<vmem>>[vector<16xi32>], vector<16xf32>,
          %parallel_loop3A_340 = arith.constant 4 : i32
          %parallel_loop3A_341 = arith.constant 0 : i32
          %parallel_loop3A_342 = arith.index_cast %parallel_loop3A_340 : i32 to index
          %parallel_loop3A_343 = arith.index_cast %parallel_loop3A_341 : i32 to index
          %parallel_loop3A_344 = arith.index_cast %parallel_loop3A_303 : i32 to index
          %parallel_loop3A_345 = tpu.vector_load %arg6[%parallel_loop3A_342, %parallel_loop3A_343, %parallel_loop3A_344] {strides = array<i32>} : memref<16x4x512xf32, #tpu.memory_space<vmem>>, vector<16xf32>,
          %parallel_loop3A_346 = arith.constant 96 : i32
          %parallel_loop3A_347 = tpu.memref_slice %arg10[%parallel_loop3A_346] : memref<1536xf32, #tpu.memory_space<vmem>> -> memref<24xf32, #tpu.memory_space<vmem>>
          tpu.vector_store_idx %parallel_loop3A_347[%parallel_loop3A_307], %parallel_loop3A_345 {add = true} : memref<24xf32, #tpu.memory_space<vmem>>[vector<16xi32>], vector<16xf32>,
          %parallel_loop3A_348 = arith.constant 5 : i32
          %parallel_loop3A_349 = arith.constant 0 : i32
          %parallel_loop3A_350 = arith.index_cast %parallel_loop3A_348 : i32 to index
          %parallel_loop3A_351 = arith.index_cast %parallel_loop3A_349 : i32 to index
          %parallel_loop3A_352 = arith.index_cast %parallel_loop3A_303 : i32 to index
          %parallel_loop3A_353 = tpu.vector_load %arg6[%parallel_loop3A_350, %parallel_loop3A_351, %parallel_loop3A_352] {strides = array<i32>} : memref<16x4x512xf32, #tpu.memory_space<vmem>>, vector<16xf32>,
          %parallel_loop3A_354 = arith.constant 120 : i32
          %parallel_loop3A_355 = tpu.memref_slice %arg10[%parallel_loop3A_354] : memref<1536xf32, #tpu.memory_space<vmem>> -> memref<24xf32, #tpu.memory_space<vmem>>
          tpu.vector_store_idx %parallel_loop3A_355[%parallel_loop3A_307], %parallel_loop3A_353 {add = true} : memref<24xf32, #tpu.memory_space<vmem>>[vector<16xi32>], vector<16xf32>,
          %parallel_loop3A_356 = arith.constant 6 : i32
          %parallel_loop3A_357 = arith.constant 0 : i32
          %parallel_loop3A_358 = arith.index_cast %parallel_loop3A_356 : i32 to index
          %parallel_loop3A_359 = arith.index_cast %parallel_loop3A_357 : i32 to index
          %parallel_loop3A_360 = arith.index_cast %parallel_loop3A_303 : i32 to index
          %parallel_loop3A_361 = tpu.vector_load %arg6[%parallel_loop3A_358, %parallel_loop3A_359, %parallel_loop3A_360] {strides = array<i32>} : memref<16x4x512xf32, #tpu.memory_space<vmem>>, vector<16xf32>,
          %parallel_loop3A_362 = arith.constant 144 : i32
          %parallel_loop3A_363 = tpu.memref_slice %arg10[%parallel_loop3A_362] : memref<1536xf32, #tpu.memory_space<vmem>> -> memref<24xf32, #tpu.memory_space<vmem>>
          tpu.vector_store_idx %parallel_loop3A_363[%parallel_loop3A_307], %parallel_loop3A_361 {add = true} : memref<24xf32, #tpu.memory_space<vmem>>[vector<16xi32>], vector<16xf32>,
          %parallel_loop3A_364 = arith.constant 7 : i32
          %parallel_loop3A_365 = arith.constant 0 : i32
          %parallel_loop3A_366 = arith.index_cast %parallel_loop3A_364 : i32 to index
          %parallel_loop3A_367 = arith.index_cast %parallel_loop3A_365 : i32 to index
          %parallel_loop3A_368 = arith.index_cast %parallel_loop3A_303 : i32 to index
          %parallel_loop3A_369 = tpu.vector_load %arg6[%parallel_loop3A_366, %parallel_loop3A_367, %parallel_loop3A_368] {strides = array<i32>} : memref<16x4x512xf32, #tpu.memory_space<vmem>>, vector<16xf32>,
          %parallel_loop3A_370 = arith.constant 168 : i32
          %parallel_loop3A_371 = tpu.memref_slice %arg10[%parallel_loop3A_370] : memref<1536xf32, #tpu.memory_space<vmem>> -> memref<24xf32, #tpu.memory_space<vmem>>
          tpu.vector_store_idx %parallel_loop3A_371[%parallel_loop3A_307], %parallel_loop3A_369 {add = true} : memref<24xf32, #tpu.memory_space<vmem>>[vector<16xi32>], vector<16xf32>,
          %parallel_loop3A_372 = arith.constant 8 : i32
          %parallel_loop3A_373 = arith.constant 0 : i32
          %parallel_loop3A_374 = arith.index_cast %parallel_loop3A_372 : i32 to index
          %parallel_loop3A_375 = arith.index_cast %parallel_loop3A_373 : i32 to index
          %parallel_loop3A_376 = arith.index_cast %parallel_loop3A_303 : i32 to index
          %parallel_loop3A_377 = tpu.vector_load %arg6[%parallel_loop3A_374, %parallel_loop3A_375, %parallel_loop3A_376] {strides = array<i32>} : memref<16x4x512xf32, #tpu.memory_space<vmem>>, vector<16xf32>,
          %parallel_loop3A_378 = arith.constant 192 : i32
          %parallel_loop3A_379 = tpu.memref_slice %arg10[%parallel_loop3A_378] : memref<1536xf32, #tpu.memory_space<vmem>> -> memref<24xf32, #tpu.memory_space<vmem>>
          tpu.vector_store_idx %parallel_loop3A_379[%parallel_loop3A_307], %parallel_loop3A_377 {add = true} : memref<24xf32, #tpu.memory_space<vmem>>[vector<16xi32>], vector<16xf32>,
          %parallel_loop3A_380 = arith.constant 9 : i32
          %parallel_loop3A_381 = arith.constant 0 : i32
          %parallel_loop3A_382 = arith.index_cast %parallel_loop3A_380 : i32 to index
          %parallel_loop3A_383 = arith.index_cast %parallel_loop3A_381 : i32 to index
          %parallel_loop3A_384 = arith.index_cast %parallel_loop3A_303 : i32 to index
          %parallel_loop3A_385 = tpu.vector_load %arg6[%parallel_loop3A_382, %parallel_loop3A_383, %parallel_loop3A_384] {strides = array<i32>} : memref<16x4x512xf32, #tpu.memory_space<vmem>>, vector<16xf32>,
          %parallel_loop3A_386 = arith.constant 216 : i32
          %parallel_loop3A_387 = tpu.memref_slice %arg10[%parallel_loop3A_386] : memref<1536xf32, #tpu.memory_space<vmem>> -> memref<24xf32, #tpu.memory_space<vmem>>
          tpu.vector_store_idx %parallel_loop3A_387[%parallel_loop3A_307], %parallel_loop3A_385 {add = true} : memref<24xf32, #tpu.memory_space<vmem>>[vector<16xi32>], vector<16xf32>,
          %parallel_loop3A_388 = arith.constant 10 : i32
          %parallel_loop3A_389 = arith.constant 0 : i32
          %parallel_loop3A_390 = arith.index_cast %parallel_loop3A_388 : i32 to index
          %parallel_loop3A_391 = arith.index_cast %parallel_loop3A_389 : i32 to index
          %parallel_loop3A_392 = arith.index_cast %parallel_loop3A_303 : i32 to index
          %parallel_loop3A_393 = tpu.vector_load %arg6[%parallel_loop3A_390, %parallel_loop3A_391, %parallel_loop3A_392] {strides = array<i32>} : memref<16x4x512xf32, #tpu.memory_space<vmem>>, vector<16xf32>,
          %parallel_loop3A_394 = arith.constant 240 : i32
          %parallel_loop3A_395 = tpu.memref_slice %arg10[%parallel_loop3A_394] : memref<1536xf32, #tpu.memory_space<vmem>> -> memref<24xf32, #tpu.memory_space<vmem>>
          tpu.vector_store_idx %parallel_loop3A_395[%parallel_loop3A_307], %parallel_loop3A_393 {add = true} : memref<24xf32, #tpu.memory_space<vmem>>[vector<16xi32>], vector<16xf32>,
          %parallel_loop3A_396 = arith.constant 11 : i32
          %parallel_loop3A_397 = arith.constant 0 : i32
          %parallel_loop3A_398 = arith.index_cast %parallel_loop3A_396 : i32 to index
          %parallel_loop3A_399 = arith.index_cast %parallel_loop3A_397 : i32 to index
          %parallel_loop3A_400 = arith.index_cast %parallel_loop3A_303 : i32 to index
          %parallel_loop3A_401 = tpu.vector_load %arg6[%parallel_loop3A_398, %parallel_loop3A_399, %parallel_loop3A_400] {strides = array<i32>} : memref<16x4x512xf32, #tpu.memory_space<vmem>>, vector<16xf32>,
          %parallel_loop3A_402 = arith.constant 264 : i32
          %parallel_loop3A_403 = tpu.memref_slice %arg10[%parallel_loop3A_402] : memref<1536xf32, #tpu.memory_space<vmem>> -> memref<24xf32, #tpu.memory_space<vmem>>
          tpu.vector_store_idx %parallel_loop3A_403[%parallel_loop3A_307], %parallel_loop3A_401 {add = true} : memref<24xf32, #tpu.memory_space<vmem>>[vector<16xi32>], vector<16xf32>,
          %parallel_loop3A_404 = arith.constant 12 : i32
          %parallel_loop3A_405 = arith.constant 0 : i32
          %parallel_loop3A_406 = arith.index_cast %parallel_loop3A_404 : i32 to index
          %parallel_loop3A_407 = arith.index_cast %parallel_loop3A_405 : i32 to index
          %parallel_loop3A_408 = arith.index_cast %parallel_loop3A_303 : i32 to index
          %parallel_loop3A_409 = tpu.vector_load %arg6[%parallel_loop3A_406, %parallel_loop3A_407, %parallel_loop3A_408] {strides = array<i32>} : memref<16x4x512xf32, #tpu.memory_space<vmem>>, vector<16xf32>,
          %parallel_loop3A_410 = arith.constant 288 : i32
          %parallel_loop3A_411 = tpu.memref_slice %arg10[%parallel_loop3A_410] : memref<1536xf32, #tpu.memory_space<vmem>> -> memref<24xf32, #tpu.memory_space<vmem>>
          tpu.vector_store_idx %parallel_loop3A_411[%parallel_loop3A_307], %parallel_loop3A_409 {add = true} : memref<24xf32, #tpu.memory_space<vmem>>[vector<16xi32>], vector<16xf32>,
          %parallel_loop3A_412 = arith.constant 13 : i32
          %parallel_loop3A_413 = arith.constant 0 : i32
          %parallel_loop3A_414 = arith.index_cast %parallel_loop3A_412 : i32 to index
          %parallel_loop3A_415 = arith.index_cast %parallel_loop3A_413 : i32 to index
          %parallel_loop3A_416 = arith.index_cast %parallel_loop3A_303 : i32 to index
          %parallel_loop3A_417 = tpu.vector_load %arg6[%parallel_loop3A_414, %parallel_loop3A_415, %parallel_loop3A_416] {strides = array<i32>} : memref<16x4x512xf32, #tpu.memory_space<vmem>>, vector<16xf32>,
          %parallel_loop3A_418 = arith.constant 312 : i32
          %parallel_loop3A_419 = tpu.memref_slice %arg10[%parallel_loop3A_418] : memref<1536xf32, #tpu.memory_space<vmem>> -> memref<24xf32, #tpu.memory_space<vmem>>
          tpu.vector_store_idx %parallel_loop3A_419[%parallel_loop3A_307], %parallel_loop3A_417 {add = true} : memref<24xf32, #tpu.memory_space<vmem>>[vector<16xi32>], vector<16xf32>,
          %parallel_loop3A_420 = arith.constant 14 : i32
          %parallel_loop3A_421 = arith.constant 0 : i32
          %parallel_loop3A_422 = arith.index_cast %parallel_loop3A_420 : i32 to index
          %parallel_loop3A_423 = arith.index_cast %parallel_loop3A_421 : i32 to index
          %parallel_loop3A_424 = arith.index_cast %parallel_loop3A_303 : i32 to index
          %parallel_loop3A_425 = tpu.vector_load %arg6[%parallel_loop3A_422, %parallel_loop3A_423, %parallel_loop3A_424] {strides = array<i32>} : memref<16x4x512xf32, #tpu.memory_space<vmem>>, vector<16xf32>,
          %parallel_loop3A_426 = arith.constant 336 : i32
          %parallel_loop3A_427 = tpu.memref_slice %arg10[%parallel_loop3A_426] : memref<1536xf32, #tpu.memory_space<vmem>> -> memref<24xf32, #tpu.memory_space<vmem>>
          tpu.vector_store_idx %parallel_loop3A_427[%parallel_loop3A_307], %parallel_loop3A_425 {add = true} : memref<24xf32, #tpu.memory_space<vmem>>[vector<16xi32>], vector<16xf32>,
          %parallel_loop3A_428 = arith.constant 15 : i32
          %parallel_loop3A_429 = arith.constant 0 : i32
          %parallel_loop3A_430 = arith.index_cast %parallel_loop3A_428 : i32 to index
          %parallel_loop3A_431 = arith.index_cast %parallel_loop3A_429 : i32 to index
          %parallel_loop3A_432 = arith.index_cast %parallel_loop3A_303 : i32 to index
          %parallel_loop3A_433 = tpu.vector_load %arg6[%parallel_loop3A_430, %parallel_loop3A_431, %parallel_loop3A_432] {strides = array<i32>} : memref<16x4x512xf32, #tpu.memory_space<vmem>>, vector<16xf32>,
          %parallel_loop3A_434 = arith.constant 360 : i32
          %parallel_loop3A_435 = tpu.memref_slice %arg10[%parallel_loop3A_434] : memref<1536xf32, #tpu.memory_space<vmem>> -> memref<24xf32, #tpu.memory_space<vmem>>
          tpu.vector_store_idx %parallel_loop3A_435[%parallel_loop3A_307], %parallel_loop3A_433 {add = true} : memref<24xf32, #tpu.memory_space<vmem>>[vector<16xi32>], vector<16xf32>,
          %parallel_loop3A_436 = arith.constant 1 : i32
          %parallel_loop3A_437 = arith.index_cast %parallel_loop3A_436 : i32 to index
          %parallel_loop3A_438 = arith.index_cast %parallel_loop3A_303 : i32 to index
          %parallel_loop3A_439 = tpu.vector_load %arg8[%parallel_loop3A_437, %parallel_loop3A_438] {strides = array<i32>} : memref<4x512xi32, #tpu.memory_space<vmem>>, vector<16xi32>,
          %parallel_loop3A_440 = arith.constant 0 : i32
          %parallel_loop3A_441 = arith.constant 1 : i32
          %parallel_loop3A_442 = arith.index_cast %parallel_loop3A_440 : i32 to index
          %parallel_loop3A_443 = arith.index_cast %parallel_loop3A_441 : i32 to index
          %parallel_loop3A_444 = arith.index_cast %parallel_loop3A_303 : i32 to index
          %parallel_loop3A_445 = tpu.vector_load %arg6[%parallel_loop3A_442, %parallel_loop3A_443, %parallel_loop3A_444] {strides = array<i32>} : memref<16x4x512xf32, #tpu.memory_space<vmem>>, vector<16xf32>,
          %parallel_loop3A_446 = arith.constant 384 : i32
          %parallel_loop3A_447 = tpu.memref_slice %arg10[%parallel_loop3A_446] : memref<1536xf32, #tpu.memory_space<vmem>> -> memref<24xf32, #tpu.memory_space<vmem>>
          tpu.vector_store_idx %parallel_loop3A_447[%parallel_loop3A_439], %parallel_loop3A_445 {add = true} : memref<24xf32, #tpu.memory_space<vmem>>[vector<16xi32>], vector<16xf32>,
          %parallel_loop3A_448 = arith.constant 1 : i32
          %parallel_loop3A_449 = arith.constant 1 : i32
          %parallel_loop3A_450 = arith.index_cast %parallel_loop3A_448 : i32 to index
          %parallel_loop3A_451 = arith.index_cast %parallel_loop3A_449 : i32 to index
          %parallel_loop3A_452 = arith.index_cast %parallel_loop3A_303 : i32 to index
          %parallel_loop3A_453 = tpu.vector_load %arg6[%parallel_loop3A_450, %parallel_loop3A_451, %parallel_loop3A_452] {strides = array<i32>} : memref<16x4x512xf32, #tpu.memory_space<vmem>>, vector<16xf32>,
          %parallel_loop3A_454 = arith.constant 408 : i32
          %parallel_loop3A_455 = tpu.memref_slice %arg10[%parallel_loop3A_454] : memref<1536xf32, #tpu.memory_space<vmem>> -> memref<24xf32, #tpu.memory_space<vmem>>
          tpu.vector_store_idx %parallel_loop3A_455[%parallel_loop3A_439], %parallel_loop3A_453 {add = true} : memref<24xf32, #tpu.memory_space<vmem>>[vector<16xi32>], vector<16xf32>,
          %parallel_loop3A_456 = arith.constant 2 : i32
          %parallel_loop3A_457 = arith.constant 1 : i32
          %parallel_loop3A_458 = arith.index_cast %parallel_loop3A_456 : i32 to index
          %parallel_loop3A_459 = arith.index_cast %parallel_loop3A_457 : i32 to index
          %parallel_loop3A_460 = arith.index_cast %parallel_loop3A_303 : i32 to index
          %parallel_loop3A_461 = tpu.vector_load %arg6[%parallel_loop3A_458, %parallel_loop3A_459, %parallel_loop3A_460] {strides = array<i32>} : memref<16x4x512xf32, #tpu.memory_space<vmem>>, vector<16xf32>,
          %parallel_loop3A_462 = arith.constant 432 : i32
          %parallel_loop3A_463 = tpu.memref_slice %arg10[%parallel_loop3A_462] : memref<1536xf32, #tpu.memory_space<vmem>> -> memref<24xf32, #tpu.memory_space<vmem>>
          tpu.vector_store_idx %parallel_loop3A_463[%parallel_loop3A_439], %parallel_loop3A_461 {add = true} : memref<24xf32, #tpu.memory_space<vmem>>[vector<16xi32>], vector<16xf32>,
          %parallel_loop3A_464 = arith.constant 3 : i32
          %parallel_loop3A_465 = arith.constant 1 : i32
          %parallel_loop3A_466 = arith.index_cast %parallel_loop3A_464 : i32 to index
          %parallel_loop3A_467 = arith.index_cast %parallel_loop3A_465 : i32 to index
          %parallel_loop3A_468 = arith.index_cast %parallel_loop3A_303 : i32 to index
          %parallel_loop3A_469 = tpu.vector_load %arg6[%parallel_loop3A_466, %parallel_loop3A_467, %parallel_loop3A_468] {strides = array<i32>} : memref<16x4x512xf32, #tpu.memory_space<vmem>>, vector<16xf32>,
          %parallel_loop3A_470 = arith.constant 456 : i32
          %parallel_loop3A_471 = tpu.memref_slice %arg10[%parallel_loop3A_470] : memref<1536xf32, #tpu.memory_space<vmem>> -> memref<24xf32, #tpu.memory_space<vmem>>
          tpu.vector_store_idx %parallel_loop3A_471[%parallel_loop3A_439], %parallel_loop3A_469 {add = true} : memref<24xf32, #tpu.memory_space<vmem>>[vector<16xi32>], vector<16xf32>,
          %parallel_loop3A_472 = arith.constant 4 : i32
          %parallel_loop3A_473 = arith.constant 1 : i32
          %parallel_loop3A_474 = arith.index_cast %parallel_loop3A_472 : i32 to index
          %parallel_loop3A_475 = arith.index_cast %parallel_loop3A_473 : i32 to index
          %parallel_loop3A_476 = arith.index_cast %parallel_loop3A_303 : i32 to index
          %parallel_loop3A_477 = tpu.vector_load %arg6[%parallel_loop3A_474, %parallel_loop3A_475, %parallel_loop3A_476] {strides = array<i32>} : memref<16x4x512xf32, #tpu.memory_space<vmem>>, vector<16xf32>,
          %parallel_loop3A_478 = arith.constant 480 : i32
          %parallel_loop3A_479 = tpu.memref_slice %arg10[%parallel_loop3A_478] : memref<1536xf32, #tpu.memory_space<vmem>> -> memref<24xf32, #tpu.memory_space<vmem>>
          tpu.vector_store_idx %parallel_loop3A_479[%parallel_loop3A_439], %parallel_loop3A_477 {add = true} : memref<24xf32, #tpu.memory_space<vmem>>[vector<16xi32>], vector<16xf32>,
          %parallel_loop3A_480 = arith.constant 5 : i32
          %parallel_loop3A_481 = arith.constant 1 : i32
          %parallel_loop3A_482 = arith.index_cast %parallel_loop3A_480 : i32 to index
          %parallel_loop3A_483 = arith.index_cast %parallel_loop3A_481 : i32 to index
          %parallel_loop3A_484 = arith.index_cast %parallel_loop3A_303 : i32 to index
          %parallel_loop3A_485 = tpu.vector_load %arg6[%parallel_loop3A_482, %parallel_loop3A_483, %parallel_loop3A_484] {strides = array<i32>} : memref<16x4x512xf32, #tpu.memory_space<vmem>>, vector<16xf32>,
          %parallel_loop3A_486 = arith.constant 504 : i32
          %parallel_loop3A_487 = tpu.memref_slice %arg10[%parallel_loop3A_486] : memref<1536xf32, #tpu.memory_space<vmem>> -> memref<24xf32, #tpu.memory_space<vmem>>
          tpu.vector_store_idx %parallel_loop3A_487[%parallel_loop3A_439], %parallel_loop3A_485 {add = true} : memref<24xf32, #tpu.memory_space<vmem>>[vector<16xi32>], vector<16xf32>,
          %parallel_loop3A_488 = arith.constant 6 : i32
          %parallel_loop3A_489 = arith.constant 1 : i32
          %parallel_loop3A_490 = arith.index_cast %parallel_loop3A_488 : i32 to index
          %parallel_loop3A_491 = arith.index_cast %parallel_loop3A_489 : i32 to index
          %parallel_loop3A_492 = arith.index_cast %parallel_loop3A_303 : i32 to index
          %parallel_loop3A_493 = tpu.vector_load %arg6[%parallel_loop3A_490, %parallel_loop3A_491, %parallel_loop3A_492] {strides = array<i32>} : memref<16x4x512xf32, #tpu.memory_space<vmem>>, vector<16xf32>,
          %parallel_loop3A_494 = arith.constant 528 : i32
          %parallel_loop3A_495 = tpu.memref_slice %arg10[%parallel_loop3A_494] : memref<1536xf32, #tpu.memory_space<vmem>> -> memref<24xf32, #tpu.memory_space<vmem>>
          tpu.vector_store_idx %parallel_loop3A_495[%parallel_loop3A_439], %parallel_loop3A_493 {add = true} : memref<24xf32, #tpu.memory_space<vmem>>[vector<16xi32>], vector<16xf32>,
          %parallel_loop3A_496 = arith.constant 7 : i32
          %parallel_loop3A_497 = arith.constant 1 : i32
          %parallel_loop3A_498 = arith.index_cast %parallel_loop3A_496 : i32 to index
          %parallel_loop3A_499 = arith.index_cast %parallel_loop3A_497 : i32 to index
          %parallel_loop3A_500 = arith.index_cast %parallel_loop3A_303 : i32 to index
          %parallel_loop3A_501 = tpu.vector_load %arg6[%parallel_loop3A_498, %parallel_loop3A_499, %parallel_loop3A_500] {strides = array<i32>} : memref<16x4x512xf32, #tpu.memory_space<vmem>>, vector<16xf32>,
          %parallel_loop3A_502 = arith.constant 552 : i32
          %parallel_loop3A_503 = tpu.memref_slice %arg10[%parallel_loop3A_502] : memref<1536xf32, #tpu.memory_space<vmem>> -> memref<24xf32, #tpu.memory_space<vmem>>
          tpu.vector_store_idx %parallel_loop3A_503[%parallel_loop3A_439], %parallel_loop3A_501 {add = true} : memref<24xf32, #tpu.memory_space<vmem>>[vector<16xi32>], vector<16xf32>,
          %parallel_loop3A_504 = arith.constant 8 : i32
          %parallel_loop3A_505 = arith.constant 1 : i32
          %parallel_loop3A_506 = arith.index_cast %parallel_loop3A_504 : i32 to index
          %parallel_loop3A_507 = arith.index_cast %parallel_loop3A_505 : i32 to index
          %parallel_loop3A_508 = arith.index_cast %parallel_loop3A_303 : i32 to index
          %parallel_loop3A_509 = tpu.vector_load %arg6[%parallel_loop3A_506, %parallel_loop3A_507, %parallel_loop3A_508] {strides = array<i32>} : memref<16x4x512xf32, #tpu.memory_space<vmem>>, vector<16xf32>,
          %parallel_loop3A_510 = arith.constant 576 : i32
          %parallel_loop3A_511 = tpu.memref_slice %arg10[%parallel_loop3A_510] : memref<1536xf32, #tpu.memory_space<vmem>> -> memref<24xf32, #tpu.memory_space<vmem>>
          tpu.vector_store_idx %parallel_loop3A_511[%parallel_loop3A_439], %parallel_loop3A_509 {add = true} : memref<24xf32, #tpu.memory_space<vmem>>[vector<16xi32>], vector<16xf32>,
          %parallel_loop3A_512 = arith.constant 9 : i32
          %parallel_loop3A_513 = arith.constant 1 : i32
          %parallel_loop3A_514 = arith.index_cast %parallel_loop3A_512 : i32 to index
          %parallel_loop3A_515 = arith.index_cast %parallel_loop3A_513 : i32 to index
          %parallel_loop3A_516 = arith.index_cast %parallel_loop3A_303 : i32 to index
          %parallel_loop3A_517 = tpu.vector_load %arg6[%parallel_loop3A_514, %parallel_loop3A_515, %parallel_loop3A_516] {strides = array<i32>} : memref<16x4x512xf32, #tpu.memory_space<vmem>>, vector<16xf32>,
          %parallel_loop3A_518 = arith.constant 600 : i32
          %parallel_loop3A_519 = tpu.memref_slice %arg10[%parallel_loop3A_518] : memref<1536xf32, #tpu.memory_space<vmem>> -> memref<24xf32, #tpu.memory_space<vmem>>
          tpu.vector_store_idx %parallel_loop3A_519[%parallel_loop3A_439], %parallel_loop3A_517 {add = true} : memref<24xf32, #tpu.memory_space<vmem>>[vector<16xi32>], vector<16xf32>,
          %parallel_loop3A_520 = arith.constant 10 : i32
          %parallel_loop3A_521 = arith.constant 1 : i32
          %parallel_loop3A_522 = arith.index_cast %parallel_loop3A_520 : i32 to index
          %parallel_loop3A_523 = arith.index_cast %parallel_loop3A_521 : i32 to index
          %parallel_loop3A_524 = arith.index_cast %parallel_loop3A_303 : i32 to index
          %parallel_loop3A_525 = tpu.vector_load %arg6[%parallel_loop3A_522, %parallel_loop3A_523, %parallel_loop3A_524] {strides = array<i32>} : memref<16x4x512xf32, #tpu.memory_space<vmem>>, vector<16xf32>,
          %parallel_loop3A_526 = arith.constant 624 : i32
          %parallel_loop3A_527 = tpu.memref_slice %arg10[%parallel_loop3A_526] : memref<1536xf32, #tpu.memory_space<vmem>> -> memref<24xf32, #tpu.memory_space<vmem>>
          tpu.vector_store_idx %parallel_loop3A_527[%parallel_loop3A_439], %parallel_loop3A_525 {add = true} : memref<24xf32, #tpu.memory_space<vmem>>[vector<16xi32>], vector<16xf32>,
          %parallel_loop3A_528 = arith.constant 11 : i32
          %parallel_loop3A_529 = arith.constant 1 : i32
          %parallel_loop3A_530 = arith.index_cast %parallel_loop3A_528 : i32 to index
          %parallel_loop3A_531 = arith.index_cast %parallel_loop3A_529 : i32 to index
          %parallel_loop3A_532 = arith.index_cast %parallel_loop3A_303 : i32 to index
          %parallel_loop3A_533 = tpu.vector_load %arg6[%parallel_loop3A_530, %parallel_loop3A_531, %parallel_loop3A_532] {strides = array<i32>} : memref<16x4x512xf32, #tpu.memory_space<vmem>>, vector<16xf32>,
          %parallel_loop3A_534 = arith.constant 648 : i32
          %parallel_loop3A_535 = tpu.memref_slice %arg10[%parallel_loop3A_534] : memref<1536xf32, #tpu.memory_space<vmem>> -> memref<24xf32, #tpu.memory_space<vmem>>
          tpu.vector_store_idx %parallel_loop3A_535[%parallel_loop3A_439], %parallel_loop3A_533 {add = true} : memref<24xf32, #tpu.memory_space<vmem>>[vector<16xi32>], vector<16xf32>,
          %parallel_loop3A_536 = arith.constant 12 : i32
          %parallel_loop3A_537 = arith.constant 1 : i32
          %parallel_loop3A_538 = arith.index_cast %parallel_loop3A_536 : i32 to index
          %parallel_loop3A_539 = arith.index_cast %parallel_loop3A_537 : i32 to index
          %parallel_loop3A_540 = arith.index_cast %parallel_loop3A_303 : i32 to index
          %parallel_loop3A_541 = tpu.vector_load %arg6[%parallel_loop3A_538, %parallel_loop3A_539, %parallel_loop3A_540] {strides = array<i32>} : memref<16x4x512xf32, #tpu.memory_space<vmem>>, vector<16xf32>,
          %parallel_loop3A_542 = arith.constant 672 : i32
          %parallel_loop3A_543 = tpu.memref_slice %arg10[%parallel_loop3A_542] : memref<1536xf32, #tpu.memory_space<vmem>> -> memref<24xf32, #tpu.memory_space<vmem>>
          tpu.vector_store_idx %parallel_loop3A_543[%parallel_loop3A_439], %parallel_loop3A_541 {add = true} : memref<24xf32, #tpu.memory_space<vmem>>[vector<16xi32>], vector<16xf32>,
          %parallel_loop3A_544 = arith.constant 13 : i32
          %parallel_loop3A_545 = arith.constant 1 : i32
          %parallel_loop3A_546 = arith.index_cast %parallel_loop3A_544 : i32 to index
          %parallel_loop3A_547 = arith.index_cast %parallel_loop3A_545 : i32 to index
          %parallel_loop3A_548 = arith.index_cast %parallel_loop3A_303 : i32 to index
          %parallel_loop3A_549 = tpu.vector_load %arg6[%parallel_loop3A_546, %parallel_loop3A_547, %parallel_loop3A_548] {strides = array<i32>} : memref<16x4x512xf32, #tpu.memory_space<vmem>>, vector<16xf32>,
          %parallel_loop3A_550 = arith.constant 696 : i32
          %parallel_loop3A_551 = tpu.memref_slice %arg10[%parallel_loop3A_550] : memref<1536xf32, #tpu.memory_space<vmem>> -> memref<24xf32, #tpu.memory_space<vmem>>
          tpu.vector_store_idx %parallel_loop3A_551[%parallel_loop3A_439], %parallel_loop3A_549 {add = true} : memref<24xf32, #tpu.memory_space<vmem>>[vector<16xi32>], vector<16xf32>,
          %parallel_loop3A_552 = arith.constant 14 : i32
          %parallel_loop3A_553 = arith.constant 1 : i32
          %parallel_loop3A_554 = arith.index_cast %parallel_loop3A_552 : i32 to index
          %parallel_loop3A_555 = arith.index_cast %parallel_loop3A_553 : i32 to index
          %parallel_loop3A_556 = arith.index_cast %parallel_loop3A_303 : i32 to index
          %parallel_loop3A_557 = tpu.vector_load %arg6[%parallel_loop3A_554, %parallel_loop3A_555, %parallel_loop3A_556] {strides = array<i32>} : memref<16x4x512xf32, #tpu.memory_space<vmem>>, vector<16xf32>,
          %parallel_loop3A_558 = arith.constant 720 : i32
          %parallel_loop3A_559 = tpu.memref_slice %arg10[%parallel_loop3A_558] : memref<1536xf32, #tpu.memory_space<vmem>> -> memref<24xf32, #tpu.memory_space<vmem>>
          tpu.vector_store_idx %parallel_loop3A_559[%parallel_loop3A_439], %parallel_loop3A_557 {add = true} : memref<24xf32, #tpu.memory_space<vmem>>[vector<16xi32>], vector<16xf32>,
          %parallel_loop3A_560 = arith.constant 15 : i32
          %parallel_loop3A_561 = arith.constant 1 : i32
          %parallel_loop3A_562 = arith.index_cast %parallel_loop3A_560 : i32 to index
          %parallel_loop3A_563 = arith.index_cast %parallel_loop3A_561 : i32 to index
          %parallel_loop3A_564 = arith.index_cast %parallel_loop3A_303 : i32 to index
          %parallel_loop3A_565 = tpu.vector_load %arg6[%parallel_loop3A_562, %parallel_loop3A_563, %parallel_loop3A_564] {strides = array<i32>} : memref<16x4x512xf32, #tpu.memory_space<vmem>>, vector<16xf32>,
          %parallel_loop3A_566 = arith.constant 744 : i32
          %parallel_loop3A_567 = tpu.memref_slice %arg10[%parallel_loop3A_566] : memref<1536xf32, #tpu.memory_space<vmem>> -> memref<24xf32, #tpu.memory_space<vmem>>
          tpu.vector_store_idx %parallel_loop3A_567[%parallel_loop3A_439], %parallel_loop3A_565 {add = true} : memref<24xf32, #tpu.memory_space<vmem>>[vector<16xi32>], vector<16xf32>,
          %parallel_loop3A_568 = arith.constant 2 : i32
          %parallel_loop3A_569 = arith.index_cast %parallel_loop3A_568 : i32 to index
          %parallel_loop3A_570 = arith.index_cast %parallel_loop3A_303 : i32 to index
          %parallel_loop3A_571 = tpu.vector_load %arg8[%parallel_loop3A_569, %parallel_loop3A_570] {strides = array<i32>} : memref<4x512xi32, #tpu.memory_space<vmem>>, vector<16xi32>,
          %parallel_loop3A_572 = arith.constant 0 : i32
          %parallel_loop3A_573 = arith.constant 2 : i32
          %parallel_loop3A_574 = arith.index_cast %parallel_loop3A_572 : i32 to index
          %parallel_loop3A_575 = arith.index_cast %parallel_loop3A_573 : i32 to index
          %parallel_loop3A_576 = arith.index_cast %parallel_loop3A_303 : i32 to index
          %parallel_loop3A_577 = tpu.vector_load %arg6[%parallel_loop3A_574, %parallel_loop3A_575, %parallel_loop3A_576] {strides = array<i32>} : memref<16x4x512xf32, #tpu.memory_space<vmem>>, vector<16xf32>,
          %parallel_loop3A_578 = arith.constant 768 : i32
          %parallel_loop3A_579 = tpu.memref_slice %arg10[%parallel_loop3A_578] : memref<1536xf32, #tpu.memory_space<vmem>> -> memref<24xf32, #tpu.memory_space<vmem>>
          tpu.vector_store_idx %parallel_loop3A_579[%parallel_loop3A_571], %parallel_loop3A_577 {add = true} : memref<24xf32, #tpu.memory_space<vmem>>[vector<16xi32>], vector<16xf32>,
          %parallel_loop3A_580 = arith.constant 1 : i32
          %parallel_loop3A_581 = arith.constant 2 : i32
          %parallel_loop3A_582 = arith.index_cast %parallel_loop3A_580 : i32 to index
          %parallel_loop3A_583 = arith.index_cast %parallel_loop3A_581 : i32 to index
          %parallel_loop3A_584 = arith.index_cast %parallel_loop3A_303 : i32 to index
          %parallel_loop3A_585 = tpu.vector_load %arg6[%parallel_loop3A_582, %parallel_loop3A_583, %parallel_loop3A_584] {strides = array<i32>} : memref<16x4x512xf32, #tpu.memory_space<vmem>>, vector<16xf32>,
          %parallel_loop3A_586 = arith.constant 792 : i32
          %parallel_loop3A_587 = tpu.memref_slice %arg10[%parallel_loop3A_586] : memref<1536xf32, #tpu.memory_space<vmem>> -> memref<24xf32, #tpu.memory_space<vmem>>
          tpu.vector_store_idx %parallel_loop3A_587[%parallel_loop3A_571], %parallel_loop3A_585 {add = true} : memref<24xf32, #tpu.memory_space<vmem>>[vector<16xi32>], vector<16xf32>,
          %parallel_loop3A_588 = arith.constant 2 : i32
          %parallel_loop3A_589 = arith.constant 2 : i32
          %parallel_loop3A_590 = arith.index_cast %parallel_loop3A_588 : i32 to index
          %parallel_loop3A_591 = arith.index_cast %parallel_loop3A_589 : i32 to index
          %parallel_loop3A_592 = arith.index_cast %parallel_loop3A_303 : i32 to index
          %parallel_loop3A_593 = tpu.vector_load %arg6[%parallel_loop3A_590, %parallel_loop3A_591, %parallel_loop3A_592] {strides = array<i32>} : memref<16x4x512xf32, #tpu.memory_space<vmem>>, vector<16xf32>,
          %parallel_loop3A_594 = arith.constant 816 : i32
          %parallel_loop3A_595 = tpu.memref_slice %arg10[%parallel_loop3A_594] : memref<1536xf32, #tpu.memory_space<vmem>> -> memref<24xf32, #tpu.memory_space<vmem>>
          tpu.vector_store_idx %parallel_loop3A_595[%parallel_loop3A_571], %parallel_loop3A_593 {add = true} : memref<24xf32, #tpu.memory_space<vmem>>[vector<16xi32>], vector<16xf32>,
          %parallel_loop3A_596 = arith.constant 3 : i32
          %parallel_loop3A_597 = arith.constant 2 : i32
          %parallel_loop3A_598 = arith.index_cast %parallel_loop3A_596 : i32 to index
          %parallel_loop3A_599 = arith.index_cast %parallel_loop3A_597 : i32 to index
          %parallel_loop3A_600 = arith.index_cast %parallel_loop3A_303 : i32 to index
          %parallel_loop3A_601 = tpu.vector_load %arg6[%parallel_loop3A_598, %parallel_loop3A_599, %parallel_loop3A_600] {strides = array<i32>} : memref<16x4x512xf32, #tpu.memory_space<vmem>>, vector<16xf32>,
          %parallel_loop3A_602 = arith.constant 840 : i32
          %parallel_loop3A_603 = tpu.memref_slice %arg10[%parallel_loop3A_602] : memref<1536xf32, #tpu.memory_space<vmem>> -> memref<24xf32, #tpu.memory_space<vmem>>
          tpu.vector_store_idx %parallel_loop3A_603[%parallel_loop3A_571], %parallel_loop3A_601 {add = true} : memref<24xf32, #tpu.memory_space<vmem>>[vector<16xi32>], vector<16xf32>,
          %parallel_loop3A_604 = arith.constant 4 : i32
          %parallel_loop3A_605 = arith.constant 2 : i32
          %parallel_loop3A_606 = arith.index_cast %parallel_loop3A_604 : i32 to index
          %parallel_loop3A_607 = arith.index_cast %parallel_loop3A_605 : i32 to index
          %parallel_loop3A_608 = arith.index_cast %parallel_loop3A_303 : i32 to index
          %parallel_loop3A_609 = tpu.vector_load %arg6[%parallel_loop3A_606, %parallel_loop3A_607, %parallel_loop3A_608] {strides = array<i32>} : memref<16x4x512xf32, #tpu.memory_space<vmem>>, vector<16xf32>,
          %parallel_loop3A_610 = arith.constant 864 : i32
          %parallel_loop3A_611 = tpu.memref_slice %arg10[%parallel_loop3A_610] : memref<1536xf32, #tpu.memory_space<vmem>> -> memref<24xf32, #tpu.memory_space<vmem>>
          tpu.vector_store_idx %parallel_loop3A_611[%parallel_loop3A_571], %parallel_loop3A_609 {add = true} : memref<24xf32, #tpu.memory_space<vmem>>[vector<16xi32>], vector<16xf32>,
          %parallel_loop3A_612 = arith.constant 5 : i32
          %parallel_loop3A_613 = arith.constant 2 : i32
          %parallel_loop3A_614 = arith.index_cast %parallel_loop3A_612 : i32 to index
          %parallel_loop3A_615 = arith.index_cast %parallel_loop3A_613 : i32 to index
          %parallel_loop3A_616 = arith.index_cast %parallel_loop3A_303 : i32 to index
          %parallel_loop3A_617 = tpu.vector_load %arg6[%parallel_loop3A_614, %parallel_loop3A_615, %parallel_loop3A_616] {strides = array<i32>} : memref<16x4x512xf32, #tpu.memory_space<vmem>>, vector<16xf32>,
          %parallel_loop3A_618 = arith.constant 888 : i32
          %parallel_loop3A_619 = tpu.memref_slice %arg10[%parallel_loop3A_618] : memref<1536xf32, #tpu.memory_space<vmem>> -> memref<24xf32, #tpu.memory_space<vmem>>
          tpu.vector_store_idx %parallel_loop3A_619[%parallel_loop3A_571], %parallel_loop3A_617 {add = true} : memref<24xf32, #tpu.memory_space<vmem>>[vector<16xi32>], vector<16xf32>,
          %parallel_loop3A_620 = arith.constant 6 : i32
          %parallel_loop3A_621 = arith.constant 2 : i32
          %parallel_loop3A_622 = arith.index_cast %parallel_loop3A_620 : i32 to index
          %parallel_loop3A_623 = arith.index_cast %parallel_loop3A_621 : i32 to index
          %parallel_loop3A_624 = arith.index_cast %parallel_loop3A_303 : i32 to index
          %parallel_loop3A_625 = tpu.vector_load %arg6[%parallel_loop3A_622, %parallel_loop3A_623, %parallel_loop3A_624] {strides = array<i32>} : memref<16x4x512xf32, #tpu.memory_space<vmem>>, vector<16xf32>,
          %parallel_loop3A_626 = arith.constant 912 : i32
          %parallel_loop3A_627 = tpu.memref_slice %arg10[%parallel_loop3A_626] : memref<1536xf32, #tpu.memory_space<vmem>> -> memref<24xf32, #tpu.memory_space<vmem>>
          tpu.vector_store_idx %parallel_loop3A_627[%parallel_loop3A_571], %parallel_loop3A_625 {add = true} : memref<24xf32, #tpu.memory_space<vmem>>[vector<16xi32>], vector<16xf32>,
          %parallel_loop3A_628 = arith.constant 7 : i32
          %parallel_loop3A_629 = arith.constant 2 : i32
          %parallel_loop3A_630 = arith.index_cast %parallel_loop3A_628 : i32 to index
          %parallel_loop3A_631 = arith.index_cast %parallel_loop3A_629 : i32 to index
          %parallel_loop3A_632 = arith.index_cast %parallel_loop3A_303 : i32 to index
          %parallel_loop3A_633 = tpu.vector_load %arg6[%parallel_loop3A_630, %parallel_loop3A_631, %parallel_loop3A_632] {strides = array<i32>} : memref<16x4x512xf32, #tpu.memory_space<vmem>>, vector<16xf32>,
          %parallel_loop3A_634 = arith.constant 936 : i32
          %parallel_loop3A_635 = tpu.memref_slice %arg10[%parallel_loop3A_634] : memref<1536xf32, #tpu.memory_space<vmem>> -> memref<24xf32, #tpu.memory_space<vmem>>
          tpu.vector_store_idx %parallel_loop3A_635[%parallel_loop3A_571], %parallel_loop3A_633 {add = true} : memref<24xf32, #tpu.memory_space<vmem>>[vector<16xi32>], vector<16xf32>,
          %parallel_loop3A_636 = arith.constant 8 : i32
          %parallel_loop3A_637 = arith.constant 2 : i32
          %parallel_loop3A_638 = arith.index_cast %parallel_loop3A_636 : i32 to index
          %parallel_loop3A_639 = arith.index_cast %parallel_loop3A_637 : i32 to index
          %parallel_loop3A_640 = arith.index_cast %parallel_loop3A_303 : i32 to index
          %parallel_loop3A_641 = tpu.vector_load %arg6[%parallel_loop3A_638, %parallel_loop3A_639, %parallel_loop3A_640] {strides = array<i32>} : memref<16x4x512xf32, #tpu.memory_space<vmem>>, vector<16xf32>,
          %parallel_loop3A_642 = arith.constant 960 : i32
          %parallel_loop3A_643 = tpu.memref_slice %arg10[%parallel_loop3A_642] : memref<1536xf32, #tpu.memory_space<vmem>> -> memref<24xf32, #tpu.memory_space<vmem>>
          tpu.vector_store_idx %parallel_loop3A_643[%parallel_loop3A_571], %parallel_loop3A_641 {add = true} : memref<24xf32, #tpu.memory_space<vmem>>[vector<16xi32>], vector<16xf32>,
          %parallel_loop3A_644 = arith.constant 9 : i32
          %parallel_loop3A_645 = arith.constant 2 : i32
          %parallel_loop3A_646 = arith.index_cast %parallel_loop3A_644 : i32 to index
          %parallel_loop3A_647 = arith.index_cast %parallel_loop3A_645 : i32 to index
          %parallel_loop3A_648 = arith.index_cast %parallel_loop3A_303 : i32 to index
          %parallel_loop3A_649 = tpu.vector_load %arg6[%parallel_loop3A_646, %parallel_loop3A_647, %parallel_loop3A_648] {strides = array<i32>} : memref<16x4x512xf32, #tpu.memory_space<vmem>>, vector<16xf32>,
          %parallel_loop3A_650 = arith.constant 984 : i32
          %parallel_loop3A_651 = tpu.memref_slice %arg10[%parallel_loop3A_650] : memref<1536xf32, #tpu.memory_space<vmem>> -> memref<24xf32, #tpu.memory_space<vmem>>
          tpu.vector_store_idx %parallel_loop3A_651[%parallel_loop3A_571], %parallel_loop3A_649 {add = true} : memref<24xf32, #tpu.memory_space<vmem>>[vector<16xi32>], vector<16xf32>,
          %parallel_loop3A_652 = arith.constant 10 : i32
          %parallel_loop3A_653 = arith.constant 2 : i32
          %parallel_loop3A_654 = arith.index_cast %parallel_loop3A_652 : i32 to index
          %parallel_loop3A_655 = arith.index_cast %parallel_loop3A_653 : i32 to index
          %parallel_loop3A_656 = arith.index_cast %parallel_loop3A_303 : i32 to index
          %parallel_loop3A_657 = tpu.vector_load %arg6[%parallel_loop3A_654, %parallel_loop3A_655, %parallel_loop3A_656] {strides = array<i32>} : memref<16x4x512xf32, #tpu.memory_space<vmem>>, vector<16xf32>,
          %parallel_loop3A_658 = arith.constant 1008 : i32
          %parallel_loop3A_659 = tpu.memref_slice %arg10[%parallel_loop3A_658] : memref<1536xf32, #tpu.memory_space<vmem>> -> memref<24xf32, #tpu.memory_space<vmem>>
          tpu.vector_store_idx %parallel_loop3A_659[%parallel_loop3A_571], %parallel_loop3A_657 {add = true} : memref<24xf32, #tpu.memory_space<vmem>>[vector<16xi32>], vector<16xf32>,
          %parallel_loop3A_660 = arith.constant 11 : i32
          %parallel_loop3A_661 = arith.constant 2 : i32
          %parallel_loop3A_662 = arith.index_cast %parallel_loop3A_660 : i32 to index
          %parallel_loop3A_663 = arith.index_cast %parallel_loop3A_661 : i32 to index
          %parallel_loop3A_664 = arith.index_cast %parallel_loop3A_303 : i32 to index
          %parallel_loop3A_665 = tpu.vector_load %arg6[%parallel_loop3A_662, %parallel_loop3A_663, %parallel_loop3A_664] {strides = array<i32>} : memref<16x4x512xf32, #tpu.memory_space<vmem>>, vector<16xf32>,
          %parallel_loop3A_666 = arith.constant 1032 : i32
          %parallel_loop3A_667 = tpu.memref_slice %arg10[%parallel_loop3A_666] : memref<1536xf32, #tpu.memory_space<vmem>> -> memref<24xf32, #tpu.memory_space<vmem>>
          tpu.vector_store_idx %parallel_loop3A_667[%parallel_loop3A_571], %parallel_loop3A_665 {add = true} : memref<24xf32, #tpu.memory_space<vmem>>[vector<16xi32>], vector<16xf32>,
          %parallel_loop3A_668 = arith.constant 12 : i32
          %parallel_loop3A_669 = arith.constant 2 : i32
          %parallel_loop3A_670 = arith.index_cast %parallel_loop3A_668 : i32 to index
          %parallel_loop3A_671 = arith.index_cast %parallel_loop3A_669 : i32 to index
          %parallel_loop3A_672 = arith.index_cast %parallel_loop3A_303 : i32 to index
          %parallel_loop3A_673 = tpu.vector_load %arg6[%parallel_loop3A_670, %parallel_loop3A_671, %parallel_loop3A_672] {strides = array<i32>} : memref<16x4x512xf32, #tpu.memory_space<vmem>>, vector<16xf32>,
          %parallel_loop3A_674 = arith.constant 1056 : i32
          %parallel_loop3A_675 = tpu.memref_slice %arg10[%parallel_loop3A_674] : memref<1536xf32, #tpu.memory_space<vmem>> -> memref<24xf32, #tpu.memory_space<vmem>>
          tpu.vector_store_idx %parallel_loop3A_675[%parallel_loop3A_571], %parallel_loop3A_673 {add = true} : memref<24xf32, #tpu.memory_space<vmem>>[vector<16xi32>], vector<16xf32>,
          %parallel_loop3A_676 = arith.constant 13 : i32
          %parallel_loop3A_677 = arith.constant 2 : i32
          %parallel_loop3A_678 = arith.index_cast %parallel_loop3A_676 : i32 to index
          %parallel_loop3A_679 = arith.index_cast %parallel_loop3A_677 : i32 to index
          %parallel_loop3A_680 = arith.index_cast %parallel_loop3A_303 : i32 to index
          %parallel_loop3A_681 = tpu.vector_load %arg6[%parallel_loop3A_678, %parallel_loop3A_679, %parallel_loop3A_680] {strides = array<i32>} : memref<16x4x512xf32, #tpu.memory_space<vmem>>, vector<16xf32>,
          %parallel_loop3A_682 = arith.constant 1080 : i32
          %parallel_loop3A_683 = tpu.memref_slice %arg10[%parallel_loop3A_682] : memref<1536xf32, #tpu.memory_space<vmem>> -> memref<24xf32, #tpu.memory_space<vmem>>
          tpu.vector_store_idx %parallel_loop3A_683[%parallel_loop3A_571], %parallel_loop3A_681 {add = true} : memref<24xf32, #tpu.memory_space<vmem>>[vector<16xi32>], vector<16xf32>,
          %parallel_loop3A_684 = arith.constant 14 : i32
          %parallel_loop3A_685 = arith.constant 2 : i32
          %parallel_loop3A_686 = arith.index_cast %parallel_loop3A_684 : i32 to index
          %parallel_loop3A_687 = arith.index_cast %parallel_loop3A_685 : i32 to index
          %parallel_loop3A_688 = arith.index_cast %parallel_loop3A_303 : i32 to index
          %parallel_loop3A_689 = tpu.vector_load %arg6[%parallel_loop3A_686, %parallel_loop3A_687, %parallel_loop3A_688] {strides = array<i32>} : memref<16x4x512xf32, #tpu.memory_space<vmem>>, vector<16xf32>,
          %parallel_loop3A_690 = arith.constant 1104 : i32
          %parallel_loop3A_691 = tpu.memref_slice %arg10[%parallel_loop3A_690] : memref<1536xf32, #tpu.memory_space<vmem>> -> memref<24xf32, #tpu.memory_space<vmem>>
          tpu.vector_store_idx %parallel_loop3A_691[%parallel_loop3A_571], %parallel_loop3A_689 {add = true} : memref<24xf32, #tpu.memory_space<vmem>>[vector<16xi32>], vector<16xf32>,
          %parallel_loop3A_692 = arith.constant 15 : i32
          %parallel_loop3A_693 = arith.constant 2 : i32
          %parallel_loop3A_694 = arith.index_cast %parallel_loop3A_692 : i32 to index
          %parallel_loop3A_695 = arith.index_cast %parallel_loop3A_693 : i32 to index
          %parallel_loop3A_696 = arith.index_cast %parallel_loop3A_303 : i32 to index
          %parallel_loop3A_697 = tpu.vector_load %arg6[%parallel_loop3A_694, %parallel_loop3A_695, %parallel_loop3A_696] {strides = array<i32>} : memref<16x4x512xf32, #tpu.memory_space<vmem>>, vector<16xf32>,
          %parallel_loop3A_698 = arith.constant 1128 : i32
          %parallel_loop3A_699 = tpu.memref_slice %arg10[%parallel_loop3A_698] : memref<1536xf32, #tpu.memory_space<vmem>> -> memref<24xf32, #tpu.memory_space<vmem>>
          tpu.vector_store_idx %parallel_loop3A_699[%parallel_loop3A_571], %parallel_loop3A_697 {add = true} : memref<24xf32, #tpu.memory_space<vmem>>[vector<16xi32>], vector<16xf32>,
          %parallel_loop3A_700 = arith.constant 3 : i32
          %parallel_loop3A_701 = arith.index_cast %parallel_loop3A_700 : i32 to index
          %parallel_loop3A_702 = arith.index_cast %parallel_loop3A_303 : i32 to index
          %parallel_loop3A_703 = tpu.vector_load %arg8[%parallel_loop3A_701, %parallel_loop3A_702] {strides = array<i32>} : memref<4x512xi32, #tpu.memory_space<vmem>>, vector<16xi32>,
          %parallel_loop3A_704 = arith.constant 0 : i32
          %parallel_loop3A_705 = arith.constant 3 : i32
          %parallel_loop3A_706 = arith.index_cast %parallel_loop3A_704 : i32 to index
          %parallel_loop3A_707 = arith.index_cast %parallel_loop3A_705 : i32 to index
          %parallel_loop3A_708 = arith.index_cast %parallel_loop3A_303 : i32 to index
          %parallel_loop3A_709 = tpu.vector_load %arg6[%parallel_loop3A_706, %parallel_loop3A_707, %parallel_loop3A_708] {strides = array<i32>} : memref<16x4x512xf32, #tpu.memory_space<vmem>>, vector<16xf32>,
          %parallel_loop3A_710 = arith.constant 1152 : i32
          %parallel_loop3A_711 = tpu.memref_slice %arg10[%parallel_loop3A_710] : memref<1536xf32, #tpu.memory_space<vmem>> -> memref<24xf32, #tpu.memory_space<vmem>>
          tpu.vector_store_idx %parallel_loop3A_711[%parallel_loop3A_703], %parallel_loop3A_709 {add = true} : memref<24xf32, #tpu.memory_space<vmem>>[vector<16xi32>], vector<16xf32>,
          %parallel_loop3A_712 = arith.constant 1 : i32
          %parallel_loop3A_713 = arith.constant 3 : i32
          %parallel_loop3A_714 = arith.index_cast %parallel_loop3A_712 : i32 to index
          %parallel_loop3A_715 = arith.index_cast %parallel_loop3A_713 : i32 to index
          %parallel_loop3A_716 = arith.index_cast %parallel_loop3A_303 : i32 to index
          %parallel_loop3A_717 = tpu.vector_load %arg6[%parallel_loop3A_714, %parallel_loop3A_715, %parallel_loop3A_716] {strides = array<i32>} : memref<16x4x512xf32, #tpu.memory_space<vmem>>, vector<16xf32>,
          %parallel_loop3A_718 = arith.constant 1176 : i32
          %parallel_loop3A_719 = tpu.memref_slice %arg10[%parallel_loop3A_718] : memref<1536xf32, #tpu.memory_space<vmem>> -> memref<24xf32, #tpu.memory_space<vmem>>
          tpu.vector_store_idx %parallel_loop3A_719[%parallel_loop3A_703], %parallel_loop3A_717 {add = true} : memref<24xf32, #tpu.memory_space<vmem>>[vector<16xi32>], vector<16xf32>,
          %parallel_loop3A_720 = arith.constant 2 : i32
          %parallel_loop3A_721 = arith.constant 3 : i32
          %parallel_loop3A_722 = arith.index_cast %parallel_loop3A_720 : i32 to index
          %parallel_loop3A_723 = arith.index_cast %parallel_loop3A_721 : i32 to index
          %parallel_loop3A_724 = arith.index_cast %parallel_loop3A_303 : i32 to index
          %parallel_loop3A_725 = tpu.vector_load %arg6[%parallel_loop3A_722, %parallel_loop3A_723, %parallel_loop3A_724] {strides = array<i32>} : memref<16x4x512xf32, #tpu.memory_space<vmem>>, vector<16xf32>,
          %parallel_loop3A_726 = arith.constant 1200 : i32
          %parallel_loop3A_727 = tpu.memref_slice %arg10[%parallel_loop3A_726] : memref<1536xf32, #tpu.memory_space<vmem>> -> memref<24xf32, #tpu.memory_space<vmem>>
          tpu.vector_store_idx %parallel_loop3A_727[%parallel_loop3A_703], %parallel_loop3A_725 {add = true} : memref<24xf32, #tpu.memory_space<vmem>>[vector<16xi32>], vector<16xf32>,
          %parallel_loop3A_728 = arith.constant 3 : i32
          %parallel_loop3A_729 = arith.constant 3 : i32
          %parallel_loop3A_730 = arith.index_cast %parallel_loop3A_728 : i32 to index
          %parallel_loop3A_731 = arith.index_cast %parallel_loop3A_729 : i32 to index
          %parallel_loop3A_732 = arith.index_cast %parallel_loop3A_303 : i32 to index
          %parallel_loop3A_733 = tpu.vector_load %arg6[%parallel_loop3A_730, %parallel_loop3A_731, %parallel_loop3A_732] {strides = array<i32>} : memref<16x4x512xf32, #tpu.memory_space<vmem>>, vector<16xf32>,
          %parallel_loop3A_734 = arith.constant 1224 : i32
          %parallel_loop3A_735 = tpu.memref_slice %arg10[%parallel_loop3A_734] : memref<1536xf32, #tpu.memory_space<vmem>> -> memref<24xf32, #tpu.memory_space<vmem>>
          tpu.vector_store_idx %parallel_loop3A_735[%parallel_loop3A_703], %parallel_loop3A_733 {add = true} : memref<24xf32, #tpu.memory_space<vmem>>[vector<16xi32>], vector<16xf32>,
          %parallel_loop3A_736 = arith.constant 4 : i32
          %parallel_loop3A_737 = arith.constant 3 : i32
          %parallel_loop3A_738 = arith.index_cast %parallel_loop3A_736 : i32 to index
          %parallel_loop3A_739 = arith.index_cast %parallel_loop3A_737 : i32 to index
          %parallel_loop3A_740 = arith.index_cast %parallel_loop3A_303 : i32 to index
          %parallel_loop3A_741 = tpu.vector_load %arg6[%parallel_loop3A_738, %parallel_loop3A_739, %parallel_loop3A_740] {strides = array<i32>} : memref<16x4x512xf32, #tpu.memory_space<vmem>>, vector<16xf32>,
          %parallel_loop3A_742 = arith.constant 1248 : i32
          %parallel_loop3A_743 = tpu.memref_slice %arg10[%parallel_loop3A_742] : memref<1536xf32, #tpu.memory_space<vmem>> -> memref<24xf32, #tpu.memory_space<vmem>>
          tpu.vector_store_idx %parallel_loop3A_743[%parallel_loop3A_703], %parallel_loop3A_741 {add = true} : memref<24xf32, #tpu.memory_space<vmem>>[vector<16xi32>], vector<16xf32>,
          %parallel_loop3A_744 = arith.constant 5 : i32
          %parallel_loop3A_745 = arith.constant 3 : i32
          %parallel_loop3A_746 = arith.index_cast %parallel_loop3A_744 : i32 to index
          %parallel_loop3A_747 = arith.index_cast %parallel_loop3A_745 : i32 to index
          %parallel_loop3A_748 = arith.index_cast %parallel_loop3A_303 : i32 to index
          %parallel_loop3A_749 = tpu.vector_load %arg6[%parallel_loop3A_746, %parallel_loop3A_747, %parallel_loop3A_748] {strides = array<i32>} : memref<16x4x512xf32, #tpu.memory_space<vmem>>, vector<16xf32>,
          %parallel_loop3A_750 = arith.constant 1272 : i32
          %parallel_loop3A_751 = tpu.memref_slice %arg10[%parallel_loop3A_750] : memref<1536xf32, #tpu.memory_space<vmem>> -> memref<24xf32, #tpu.memory_space<vmem>>
          tpu.vector_store_idx %parallel_loop3A_751[%parallel_loop3A_703], %parallel_loop3A_749 {add = true} : memref<24xf32, #tpu.memory_space<vmem>>[vector<16xi32>], vector<16xf32>,
          %parallel_loop3A_752 = arith.constant 6 : i32
          %parallel_loop3A_753 = arith.constant 3 : i32
          %parallel_loop3A_754 = arith.index_cast %parallel_loop3A_752 : i32 to index
          %parallel_loop3A_755 = arith.index_cast %parallel_loop3A_753 : i32 to index
          %parallel_loop3A_756 = arith.index_cast %parallel_loop3A_303 : i32 to index
          %parallel_loop3A_757 = tpu.vector_load %arg6[%parallel_loop3A_754, %parallel_loop3A_755, %parallel_loop3A_756] {strides = array<i32>} : memref<16x4x512xf32, #tpu.memory_space<vmem>>, vector<16xf32>,
          %parallel_loop3A_758 = arith.constant 1296 : i32
          %parallel_loop3A_759 = tpu.memref_slice %arg10[%parallel_loop3A_758] : memref<1536xf32, #tpu.memory_space<vmem>> -> memref<24xf32, #tpu.memory_space<vmem>>
          tpu.vector_store_idx %parallel_loop3A_759[%parallel_loop3A_703], %parallel_loop3A_757 {add = true} : memref<24xf32, #tpu.memory_space<vmem>>[vector<16xi32>], vector<16xf32>,
          %parallel_loop3A_760 = arith.constant 7 : i32
          %parallel_loop3A_761 = arith.constant 3 : i32
          %parallel_loop3A_762 = arith.index_cast %parallel_loop3A_760 : i32 to index
          %parallel_loop3A_763 = arith.index_cast %parallel_loop3A_761 : i32 to index
          %parallel_loop3A_764 = arith.index_cast %parallel_loop3A_303 : i32 to index
          %parallel_loop3A_765 = tpu.vector_load %arg6[%parallel_loop3A_762, %parallel_loop3A_763, %parallel_loop3A_764] {strides = array<i32>} : memref<16x4x512xf32, #tpu.memory_space<vmem>>, vector<16xf32>,
          %parallel_loop3A_766 = arith.constant 1320 : i32
          %parallel_loop3A_767 = tpu.memref_slice %arg10[%parallel_loop3A_766] : memref<1536xf32, #tpu.memory_space<vmem>> -> memref<24xf32, #tpu.memory_space<vmem>>
          tpu.vector_store_idx %parallel_loop3A_767[%parallel_loop3A_703], %parallel_loop3A_765 {add = true} : memref<24xf32, #tpu.memory_space<vmem>>[vector<16xi32>], vector<16xf32>,
          %parallel_loop3A_768 = arith.constant 8 : i32
          %parallel_loop3A_769 = arith.constant 3 : i32
          %parallel_loop3A_770 = arith.index_cast %parallel_loop3A_768 : i32 to index
          %parallel_loop3A_771 = arith.index_cast %parallel_loop3A_769 : i32 to index
          %parallel_loop3A_772 = arith.index_cast %parallel_loop3A_303 : i32 to index
          %parallel_loop3A_773 = tpu.vector_load %arg6[%parallel_loop3A_770, %parallel_loop3A_771, %parallel_loop3A_772] {strides = array<i32>} : memref<16x4x512xf32, #tpu.memory_space<vmem>>, vector<16xf32>,
          %parallel_loop3A_774 = arith.constant 1344 : i32
          %parallel_loop3A_775 = tpu.memref_slice %arg10[%parallel_loop3A_774] : memref<1536xf32, #tpu.memory_space<vmem>> -> memref<24xf32, #tpu.memory_space<vmem>>
          tpu.vector_store_idx %parallel_loop3A_775[%parallel_loop3A_703], %parallel_loop3A_773 {add = true} : memref<24xf32, #tpu.memory_space<vmem>>[vector<16xi32>], vector<16xf32>,
          %parallel_loop3A_776 = arith.constant 9 : i32
          %parallel_loop3A_777 = arith.constant 3 : i32
          %parallel_loop3A_778 = arith.index_cast %parallel_loop3A_776 : i32 to index
          %parallel_loop3A_779 = arith.index_cast %parallel_loop3A_777 : i32 to index
          %parallel_loop3A_780 = arith.index_cast %parallel_loop3A_303 : i32 to index
          %parallel_loop3A_781 = tpu.vector_load %arg6[%parallel_loop3A_778, %parallel_loop3A_779, %parallel_loop3A_780] {strides = array<i32>} : memref<16x4x512xf32, #tpu.memory_space<vmem>>, vector<16xf32>,
          %parallel_loop3A_782 = arith.constant 1368 : i32
          %parallel_loop3A_783 = tpu.memref_slice %arg10[%parallel_loop3A_782] : memref<1536xf32, #tpu.memory_space<vmem>> -> memref<24xf32, #tpu.memory_space<vmem>>
          tpu.vector_store_idx %parallel_loop3A_783[%parallel_loop3A_703], %parallel_loop3A_781 {add = true} : memref<24xf32, #tpu.memory_space<vmem>>[vector<16xi32>], vector<16xf32>,
          %parallel_loop3A_784 = arith.constant 10 : i32
          %parallel_loop3A_785 = arith.constant 3 : i32
          %parallel_loop3A_786 = arith.index_cast %parallel_loop3A_784 : i32 to index
          %parallel_loop3A_787 = arith.index_cast %parallel_loop3A_785 : i32 to index
          %parallel_loop3A_788 = arith.index_cast %parallel_loop3A_303 : i32 to index
          %parallel_loop3A_789 = tpu.vector_load %arg6[%parallel_loop3A_786, %parallel_loop3A_787, %parallel_loop3A_788] {strides = array<i32>} : memref<16x4x512xf32, #tpu.memory_space<vmem>>, vector<16xf32>,
          %parallel_loop3A_790 = arith.constant 1392 : i32
          %parallel_loop3A_791 = tpu.memref_slice %arg10[%parallel_loop3A_790] : memref<1536xf32, #tpu.memory_space<vmem>> -> memref<24xf32, #tpu.memory_space<vmem>>
          tpu.vector_store_idx %parallel_loop3A_791[%parallel_loop3A_703], %parallel_loop3A_789 {add = true} : memref<24xf32, #tpu.memory_space<vmem>>[vector<16xi32>], vector<16xf32>,
          %parallel_loop3A_792 = arith.constant 11 : i32
          %parallel_loop3A_793 = arith.constant 3 : i32
          %parallel_loop3A_794 = arith.index_cast %parallel_loop3A_792 : i32 to index
          %parallel_loop3A_795 = arith.index_cast %parallel_loop3A_793 : i32 to index
          %parallel_loop3A_796 = arith.index_cast %parallel_loop3A_303 : i32 to index
          %parallel_loop3A_797 = tpu.vector_load %arg6[%parallel_loop3A_794, %parallel_loop3A_795, %parallel_loop3A_796] {strides = array<i32>} : memref<16x4x512xf32, #tpu.memory_space<vmem>>, vector<16xf32>,
          %parallel_loop3A_798 = arith.constant 1416 : i32
          %parallel_loop3A_799 = tpu.memref_slice %arg10[%parallel_loop3A_798] : memref<1536xf32, #tpu.memory_space<vmem>> -> memref<24xf32, #tpu.memory_space<vmem>>
          tpu.vector_store_idx %parallel_loop3A_799[%parallel_loop3A_703], %parallel_loop3A_797 {add = true} : memref<24xf32, #tpu.memory_space<vmem>>[vector<16xi32>], vector<16xf32>,
          %parallel_loop3A_800 = arith.constant 12 : i32
          %parallel_loop3A_801 = arith.constant 3 : i32
          %parallel_loop3A_802 = arith.index_cast %parallel_loop3A_800 : i32 to index
          %parallel_loop3A_803 = arith.index_cast %parallel_loop3A_801 : i32 to index
          %parallel_loop3A_804 = arith.index_cast %parallel_loop3A_303 : i32 to index
          %parallel_loop3A_805 = tpu.vector_load %arg6[%parallel_loop3A_802, %parallel_loop3A_803, %parallel_loop3A_804] {strides = array<i32>} : memref<16x4x512xf32, #tpu.memory_space<vmem>>, vector<16xf32>,
          %parallel_loop3A_806 = arith.constant 1440 : i32
          %parallel_loop3A_807 = tpu.memref_slice %arg10[%parallel_loop3A_806] : memref<1536xf32, #tpu.memory_space<vmem>> -> memref<24xf32, #tpu.memory_space<vmem>>
          tpu.vector_store_idx %parallel_loop3A_807[%parallel_loop3A_703], %parallel_loop3A_805 {add = true} : memref<24xf32, #tpu.memory_space<vmem>>[vector<16xi32>], vector<16xf32>,
          %parallel_loop3A_808 = arith.constant 13 : i32
          %parallel_loop3A_809 = arith.constant 3 : i32
          %parallel_loop3A_810 = arith.index_cast %parallel_loop3A_808 : i32 to index
          %parallel_loop3A_811 = arith.index_cast %parallel_loop3A_809 : i32 to index
          %parallel_loop3A_812 = arith.index_cast %parallel_loop3A_303 : i32 to index
          %parallel_loop3A_813 = tpu.vector_load %arg6[%parallel_loop3A_810, %parallel_loop3A_811, %parallel_loop3A_812] {strides = array<i32>} : memref<16x4x512xf32, #tpu.memory_space<vmem>>, vector<16xf32>,
          %parallel_loop3A_814 = arith.constant 1464 : i32
          %parallel_loop3A_815 = tpu.memref_slice %arg10[%parallel_loop3A_814] : memref<1536xf32, #tpu.memory_space<vmem>> -> memref<24xf32, #tpu.memory_space<vmem>>
          tpu.vector_store_idx %parallel_loop3A_815[%parallel_loop3A_703], %parallel_loop3A_813 {add = true} : memref<24xf32, #tpu.memory_space<vmem>>[vector<16xi32>], vector<16xf32>,
          %parallel_loop3A_816 = arith.constant 14 : i32
          %parallel_loop3A_817 = arith.constant 3 : i32
          %parallel_loop3A_818 = arith.index_cast %parallel_loop3A_816 : i32 to index
          %parallel_loop3A_819 = arith.index_cast %parallel_loop3A_817 : i32 to index
          %parallel_loop3A_820 = arith.index_cast %parallel_loop3A_303 : i32 to index
          %parallel_loop3A_821 = tpu.vector_load %arg6[%parallel_loop3A_818, %parallel_loop3A_819, %parallel_loop3A_820] {strides = array<i32>} : memref<16x4x512xf32, #tpu.memory_space<vmem>>, vector<16xf32>,
          %parallel_loop3A_822 = arith.constant 1488 : i32
          %parallel_loop3A_823 = tpu.memref_slice %arg10[%parallel_loop3A_822] : memref<1536xf32, #tpu.memory_space<vmem>> -> memref<24xf32, #tpu.memory_space<vmem>>
          tpu.vector_store_idx %parallel_loop3A_823[%parallel_loop3A_703], %parallel_loop3A_821 {add = true} : memref<24xf32, #tpu.memory_space<vmem>>[vector<16xi32>], vector<16xf32>,
          %parallel_loop3A_824 = arith.constant 15 : i32
          %parallel_loop3A_825 = arith.constant 3 : i32
          %parallel_loop3A_826 = arith.index_cast %parallel_loop3A_824 : i32 to index
          %parallel_loop3A_827 = arith.index_cast %parallel_loop3A_825 : i32 to index
          %parallel_loop3A_828 = arith.index_cast %parallel_loop3A_303 : i32 to index
          %parallel_loop3A_829 = tpu.vector_load %arg6[%parallel_loop3A_826, %parallel_loop3A_827, %parallel_loop3A_828] {strides = array<i32>} : memref<16x4x512xf32, #tpu.memory_space<vmem>>, vector<16xf32>,
          %parallel_loop3A_830 = arith.constant 1512 : i32
          %parallel_loop3A_831 = tpu.memref_slice %arg10[%parallel_loop3A_830] : memref<1536xf32, #tpu.memory_space<vmem>> -> memref<24xf32, #tpu.memory_space<vmem>>
          tpu.vector_store_idx %parallel_loop3A_831[%parallel_loop3A_703], %parallel_loop3A_829 {add = true} : memref<24xf32, #tpu.memory_space<vmem>>[vector<16xi32>], vector<16xf32>,
        } {sc.loop_unroll_factor = 4 : i64, sc.parallel_access}
        %mul3A_292 = arith.constant 4 : i32
        %mul3A_293 = arith.muli %scan3A_50, %mul3A_292 : i32
        %add3A_294 = arith.addi %mul3A_2, %mul3A_293 : i32
        %mul3A_295 = arith.constant 16 : i32
        %mul3A_296 = arith.muli %add3A_294, %mul3A_295 : i32
        %mul3A_297 = arith.constant 24 : i32
        %mul3A_298 = arith.muli %mul3A_296, %mul3A_297 : i32
        %dma_start3A_299 = tpu.memref_slice %arg4[%mul3A_298] : memref<786432xf32, #tpu.memory_space<hbm>> -> memref<1536xf32, #tpu.memory_space<hbm>>
        %dma_start3A_300 = tpu.memref_slice %arg4[%mul3A_298] : memref<786432xf32, #tpu.memory_space<hbm>> -> memref<1536xf32, #tpu.memory_space<hbm>>
        tpu.enqueue_dma source(%arg10 : memref<1536xf32, #tpu.memory_space<vmem>>) target(%dma_start3A_300 : memref<1536xf32, #tpu.memory_space<hbm>>) target_semaphore(%arg16 : memref<!tpu.dma_semaphore, #tpu.memory_space<semaphore_mem>>)
      }
    }
    %scan3A_42 = arith.constant 16 : i32
    %dma_wait3A = arith.constant 0 : i32
    %dma_wait3A_43 = tpu.memref_slice %arg4[%dma_wait3A] : memref<786432xf32, #tpu.memory_space<hbm>> -> memref<1536xf32, #tpu.memory_space<hbm>>
    %dma_wait3A_44 = arith.constant 0 : i32
    %dma_wait3A_45 = tpu.memref_slice %arg4[%dma_wait3A_44] : memref<786432xf32, #tpu.memory_space<hbm>> -> memref<1536xf32, #tpu.memory_space<hbm>>
    tpu.wait_dma2 semaphore(%arg15 : memref<!tpu.dma_semaphore, #tpu.memory_space<semaphore_mem>>) src(%arg9 : memref<1536xf32, #tpu.memory_space<vmem>>) dst(%dma_wait3A_45 : memref<1536xf32, #tpu.memory_space<hbm>>)
    %dma_wait3A_46 = arith.constant 0 : i32
    %dma_wait3A_47 = tpu.memref_slice %arg4[%dma_wait3A_46] : memref<786432xf32, #tpu.memory_space<hbm>> -> memref<1536xf32, #tpu.memory_space<hbm>>
    %dma_wait3A_48 = arith.constant 0 : i32
    %dma_wait3A_49 = tpu.memref_slice %arg4[%dma_wait3A_48] : memref<786432xf32, #tpu.memory_space<hbm>> -> memref<1536xf32, #tpu.memory_space<hbm>>
    tpu.wait_dma2 semaphore(%arg16 : memref<!tpu.dma_semaphore, #tpu.memory_space<semaphore_mem>>) src(%arg10 : memref<1536xf32, #tpu.memory_space<vmem>>) dst(%dma_wait3A_49 : memref<1536xf32, #tpu.memory_space<hbm>>)
    return
  }
}

module attributes {stable_mosaic.version = 14 : i64} {
  func.func @_tc_body(%arg0: i32, %arg1: memref<1x512x384xf32, #tpu.memory_space<vmem>>, %arg2: memref<384x1024xf32, #tpu.memory_space<vmem>>, %arg3: memref<1x16x512x64xf32, #tpu.memory_space<vmem>>) attributes {dimension_semantics = [#tpu.dimension_semantics<arbitrary>], iteration_bounds = array<i64: 4>, scalar_prefetch = 0 : i64, scratch_operands = 0 : i64, tpu.core_type = #tpu.core_type<tc>, window_params = [{transform_indices = @transform_0, window_bounds = array<i64: 1, 512, 384>}, {pipeline_mode = #tpu.pipeline_mode<synchronous>, transform_indices = @transform_1, window_bounds = array<i64: 384, 1024>}, {transform_indices = @transform_2, window_bounds = array<i64: 1, 16, 512, 64>}]} {
    %get3A = arith.constant 0 : index
    %get3A_0 = arith.constant 0 : index
    %get3A_1 = arith.constant 0 : index
    %get3A_2 = vector.load %arg1[%get3A, %get3A_0, %get3A_1] : memref<1x512x384xf32, #tpu.memory_space<vmem>>, vector<1x512x384xf32>
    %get3A_3 = vector.shape_cast %get3A_2 : vector<1x512x384xf32> to vector<512x384xf32>
    %get3A_4 = arith.constant 0 : index
    %get3A_5 = arith.constant 0 : index
    %get3A_6 = vector.load %arg2[%get3A_4, %get3A_5] : memref<384x1024xf32, #tpu.memory_space<vmem>>, vector<384x1024xf32>
    %dot_general3A = arith.constant dense<0.000000e+00> : vector<512x1024xf32>
    %dot_general3A_7 = tpu.matmul %get3A_3, %get3A_6, %dot_general3A {dimension_numbers = #tpu.dot_dimension_numbers<[1], [0], [0], [1], [0, 0, 1, 1], [], []>, transpose_lhs_hint = false} : vector<512x384xf32>, vector<384x1024xf32>, vector<512x1024xf32> -> vector<512x1024xf32>
    %reshape3A = vector.shape_cast %dot_general3A_7 : vector<512x1024xf32> to vector<512x16x64xf32>
    %transpose3A = tpu.transpose %reshape3A, [1, 0, 2] : vector<512x16x64xf32> -> vector<16x512x64xf32>
    %swap3A = arith.constant 0 : index
    %swap3A_8 = arith.constant 0 : index
    %swap3A_9 = arith.constant 0 : index
    %swap3A_10 = arith.constant 0 : index
    %swap3A_11 = vector.load %arg3[%swap3A, %swap3A_8, %swap3A_9, %swap3A_10] : memref<1x16x512x64xf32, #tpu.memory_space<vmem>>, vector<1x16x512x64xf32>
    %swap3A_12 = vector.shape_cast %swap3A_11 : vector<1x16x512x64xf32> to vector<16x512x64xf32>
    %swap3A_13 = vector.shape_cast %transpose3A : vector<16x512x64xf32> to vector<1x16x512x64xf32>
    tpu.vector_store %arg3[%swap3A, %swap3A_8, %swap3A_9, %swap3A_10], %swap3A_13 {strides = array<i32>} : memref<1x16x512x64xf32, #tpu.memory_space<vmem>>, vector<1x16x512x64xf32>,
    return
  }
  func.func @transform_0(%arg0: i32) -> (i32, i32, i32) {
    %c0_i32 = arith.constant 0 : i32
    %c0_i32_0 = arith.constant 0 : i32
    %c0_i32_1 = arith.constant 0 : i32
    return %arg0, %c0_i32, %c0_i32_0 : i32, i32, i32
  }
  func.func @transform_1(%arg0: i32) -> (i32, i32) {
    %c0_i32 = arith.constant 0 : i32
    %c0_i32_0 = arith.constant 0 : i32
    %c0_i32_1 = arith.constant 0 : i32
    return %c0_i32, %c0_i32_0 : i32, i32
  }
  func.func @transform_2(%arg0: i32) -> (i32, i32, i32, i32) {
    %c0_i32 = arith.constant 0 : i32
    %c0_i32_0 = arith.constant 0 : i32
    %c0_i32_1 = arith.constant 0 : i32
    %c0_i32_2 = arith.constant 0 : i32
    return %arg0, %c0_i32, %c0_i32_0, %c0_i32_1 : i32, i32, i32, i32
  }
}

</mosaic_0001>

<sc_bundles>
// kernel: kernel.4.cloned.1.call-start
scs
__scs_entry_jumppad:
0x0: {  	(pc) =	sbr.rel $0x88, $3  }
0x1: {  	(tag) =	ssettag $0x0;
	lr =	simm.s32 $0x1  }
0x2: {  	[smem:$0x3F9E] =	sst lr;
	_ =	strace $0xD0000000  }
0x3: {  	_ = 	snop  }
0x4: {  	_ = 	snop  }
0x5: {  	_ = 	snop  }
0x6: {  	_ = 	snop  }
0x7: {  	_ = 	snop  }
__scs_overlays_trampoline_lowered:
0x8: {  	[smem:$0x3FAD] =	sst s0  }
0x9: {  	[smem:$0x3FAE] =	sst s1  }
0xa: {  	[smem:$0x3FAF] =	sst s2  }
0xb: {  	[smem:$0x3FB0] =	sst s3  }
0xc: {  	[smem:$0x3FB1] =	sst s4  }
0xd: {  	[smem:$0x3FB2] =	sst s5  }
0xe: {  	[smem:$0x3FB3] =	sst s6  }
0xf: {  	[smem:$0x3FB4] =	sst s7  }
0x10: {  	[smem:$0x3FB5] =	sst s8  }
0x11: {  	[smem:$0x3FB6] =	sst s9;
	s0 =	simm.s32 @!p0 $0x0  }
0x12: {  	s1 =	sld [smem:$0x3F9C];
	s0 =	simm.s32 @p0 $0x1  }
0x13: {  	[smem:$0x3FB7] =	sst s0;
	s0 =	simm.s32 @!p1 $0x0  }
0x14: {  	s2 =	sld [smem:$0x3F9B];
	s0 =	simm.s32 @p1 $0x1  }
0x15: {  	[smem:$0x3FB8] =	sst s0;
	s0 =	simm.s32 @!p2 $0x0  }
0x16: {  	s3 =	sld [smem:$0x3FDB];
	s0 =	simm.s32 @p2 $0x1  }
0x17: {  	s4 =	simm.s32 $0x1BF5;
	[smem:$0x3FBA] =	sst s0  }
0x18: {  	s0 =	sld [smem:$0x3F9D];
	_ =	swait.ge [sflag:s4], $0x0  }
0x19: {  	s7 =	sld [smem:$0x3F9E]  }
0x1a: {  	s8 =	sadd.s32 $0xFFFFE003, lr  }
0x1b: {  	s9 =	sadd.s32 $0xFFFFFEF7, lr;
	s5 =	simm.s32 $0xFFFFFFFF;
	p2 =	slt.u32 s8, $0xFFFFF086  }
0x1c: {  	p1 =	slt.u32 s9, $0xF7A;
	s5 =	simm.s32 @!p2 $0x0  }
0x1d: {  	s5 =	simm.s32 @p1 $0x1;
	p0 =	seq.s32 s7, s2  }
0x1e: {  	s7 =	smul.u32 @!p0 $0xF7A, s2;
	p2 =	seq.s32 @!p0 s5, $0x0  }
0x1f: {  	s9 =	smul.u32 $0xF7A, s1;
	s8 =	simm.s32 @!p0 $0x1BF5;
	p2 =	por !p2, p0  }
0x20: {  	[sflag:s8] =	ssyncset.s32 @!p0 $0xFFFFF086;
	s6 =	sadd.s32 @!p0 s3, s7;
	s7 =	simm.s32 @!p0 $0x108  }
0x21: {  	s3 =	sadd.s32 s3, s9;
	s6 =	sadd.s32 @!p0 $0x88, s6;
	s7 =	simm.s32 @p2 $0x1082  }
0x22: {  	[simem:s7], [sflag:s8] =	dma.local @!p0 [hbm:s6], $0xF7A  }
0x23: {  	s9 =	sor.u32 $0xD0000000, s2;
	s6 =	simm.s32 $0x108;
	_ =	swait.ge @!p0 [sflag:s8], $0x0  }
0x24: {  	s3 =	sadd.s32 $0x88, s3;
	s6 =	simm.s32 @!p1 $0x1082;
	[sflag:s4] =	ssyncset.s32 $0xFFFFF086  }
0x25: {  	[simem:s6], [sflag:s4] =	dma.local [hbm:s3], $0xF7A  }
0x26: {  	[smem:$0x3F9E] =	sst s1;
	(tag) =	ssettag s2;
	_ =	strace s9  }
0x27: {  	s1 =	sld [smem:$0x3FAE]  }
0x28: {  	s2 =	sld [smem:$0x3FAF]  }
0x29: {  	s4 =	sld [smem:$0x3FB1]  }
0x2a: {  	p0 =	seq.s32 s5, $0x0;
	s5 =	sld [smem:$0x3FB2]  }
0x2b: {  	s6 =	sld [smem:$0x3FB3]  }
0x2c: {  	s7 =	sld [smem:$0x3FB4]  }
0x2d: {  	s3 =	simm.s32 $0x108;
	s8 =	sld [smem:$0x3FB5]  }
0x2e: {  	s3 =	simm.s32 @!p0 $0x1082;
	s9 =	sld [smem:$0x3FB6]  }
0x2f: {  	lr =	sadd.s32 s0, s3;
	s0 =	sld [smem:$0x3FAD]  }
0x30: {  	s3 =	sld [smem:$0x3FB0]  }
0x31: {  	[smem:$0x3FB9] =	sst s10  }
0x32: {  	s10 =	sld [smem:$0x3FB7];
	_ =	sdelay $0x3  }
0x33: {  	p0 =	seq.s32 s10, $0x1;
	s10 =	sld [smem:$0x3FB9];
	_ =	sdelay $0x3  }
0x34: {  	[smem:$0x3FB9] =	sst s10  }
0x35: {  	s10 =	sld [smem:$0x3FB8];
	_ =	sdelay $0x3  }
0x36: {  	p1 =	seq.s32 s10, $0x1;
	s10 =	sld [smem:$0x3FB9];
	_ =	sdelay $0x3  }
0x37: {  	[smem:$0x3FB9] =	sst s10  }
0x38: {  	s10 =	sld [smem:$0x3FBA]  }
0x39: {  	_ = 	snop;
	(pc) =	sbr.ind lr, $3  }
0x3a: {  	_ = 	snop  }
0x3b: {  	_ = 	snop  }
0x3c: {  	p2 =	seq.s32 s10, $0x1;
	s10 =	sld [smem:$0x3FB9]  }
0x3d: {  	_ =	shalt  }
0x3e: {  	_ =	shalt  }
0x3f: {  	_ =	shalt  }
0x40: {  	_ =	shalt  }
0x41: {  	_ =	shalt  }
0x42: {  	_ =	shalt  }
0x43: {  	_ =	shalt  }
0x44: {  	_ =	shalt  }
0x45: {  	_ =	shalt  }
0x46: {  	_ =	shalt  }
0x47: {  	_ =	shalt  }
0x48: {  	_ =	shalt  }
0x49: {  	_ =	shalt  }
0x4a: {  	_ =	shalt  }
0x4b: {  	_ =	shalt  }
0x4c: {  	_ =	shalt  }
0x4d: {  	_ =	shalt  }
0x4e: {  	_ =	shalt  }
0x4f: {  	_ =	shalt  }
0x50: {  	_ =	shalt  }
0x51: {  	_ =	shalt  }
0x52: {  	_ =	shalt  }
0x53: {  	_ =	shalt  }
0x54: {  	_ =	shalt  }
0x55: {  	_ =	shalt  }
0x56: {  	_ =	shalt  }
0x57: {  	_ =	shalt  }
0x58: {  	_ =	shalt  }
0x59: {  	_ =	shalt  }
0x5a: {  	_ =	shalt  }
0x5b: {  	_ =	shalt  }
0x5c: {  	_ =	shalt  }
0x5d: {  	_ =	shalt  }
0x5e: {  	_ =	shalt  }
0x5f: {  	_ =	shalt  }
0x60: {  	_ =	shalt  }
0x61: {  	_ =	shalt  }
0x62: {  	_ =	shalt  }
0x63: {  	_ =	shalt  }
0x64: {  	_ =	shalt  }
0x65: {  	_ =	shalt  }
0x66: {  	_ =	shalt  }
0x67: {  	_ =	shalt  }
0x68: {  	_ =	shalt  }
0x69: {  	_ =	shalt  }
0x6a: {  	_ =	shalt  }
0x6b: {  	_ =	shalt  }
0x6c: {  	_ =	shalt  }
0x6d: {  	_ =	shalt  }
0x6e: {  	_ =	shalt  }
0x6f: {  	_ =	shalt  }
0x70: {  	_ =	shalt  }
0x71: {  	_ =	shalt  }
0x72: {  	_ =	shalt  }
0x73: {  	_ =	shalt  }
0x74: {  	_ =	shalt  }
0x75: {  	_ =	shalt  }
0x76: {  	_ =	shalt  }
0x77: {  	_ =	shalt  }
0x78: {  	_ =	shalt  }
0x79: {  	_ =	shalt  }
0x7a: {  	_ =	shalt  }
0x7b: {  	_ =	shalt  }
0x7c: {  	_ =	shalt  }
0x7d: {  	_ =	shalt  }
0x7e: {  	_ =	shalt  }
0x7f: {  	_ =	shalt  }
0x80: {  	_ =	shalt  }
0x81: {  	_ =	shalt  }
0x82: {  	_ =	shalt  }
0x83: {  	_ =	shalt  }
0x84: {  	_ =	shalt  }
0x85: {  	_ =	shalt  }
0x86: {  	_ =	shalt  }
0x87: {  	_ =	shalt  }
.Lfunc_end0:
.L_simem_size_0:
called_computation_lowered:
.L_overlay_start_0:
0x88: {  	s2 =	sld [smem:$0x3FD9]  }
0x89: {  	s3 =	sld [smem:$0x3FFE];
	_ =	sdelay $0x1  }
0x8a: {  	s1 =	srdreg.scid  }
0x8b: {  	s0 =	sand.u32 $0x1, s1  }
0x8c: {  	s18 =	sshll.u32 s0, $0xA;
	s2 =	sadd.s32 s3, s2  }
0x8d: {  	s2 =	sadd.s32 s2, s18  }
0x8e: {  	[smem:$0x3FC5] =	sst s2  }
0x8f: {  	_ = 	snop  }
0x90: {  	s2 =	sld [smem:$0x3FC9]  }
0x91: {  	s19 =	sld [smem:$0x3FC8]  }
0x92: {  	s4 =	sld [smem:$0x3FD0];
	(tm) =	ssettm $0x1  }
0x93: {  	s5 =	sld [smem:$0x3FFB];
	_ =	sdelay $0x3  }
0x94: {  	_ =	strace s5  }
0x95: {  	s5 =	sld [smem:$0x3FFC];
	_ =	sdelay $0x3  }
0x96: {  	_ =	strace s5  }
0x97: {  	s5 =	sld [smem:$0x3FFD];
	_ =	sdelay $0x3  }
0x98: {  	_ =	strace s5  }
0x99: {  	_ =	strace $0x8FFFFFFF  }
0x9a: {  	s20 =	sld [smem:$0x3FDB];
	_ =	sdelay $0x1  }
0x9b: {  	s6 =	simm.s32 $_scs_section_size  }
0x9c: {  	s7 =	simm.s32 $_size__tile_overlayer_lowered;
	s8 =	simm.s32 $_tile_overlayer_lowered  }
0x9d: {  	s23 =	simm.s32 $0x1BFF;
	s22 =	sshll.u32 s8, $0x1;
	s5 =	sadd.s32 s6, s20  }
0x9e: {  	s9 =	simm.s32 $0x0;
	s21 =	sshll.u32 s7, $0x1;
	s7 =	sadd.s32 s22, s5  }
0x9f: {  	[timem:s9], [sflag:s23] =	dma.local [hbm:s7], s21  }
0xa0: {  	_ =	swait.ge [sflag:s23], s21  }
0xa1: {  	s6 =	ssub.s32 $0x0, s21;
	[sflag:s23] =	ssyncset.done $0x0  }
0xa2: {  	[sflag:s23] =	ssyncadd.s32 s6;
	_ =	sdelay $0x1  }
0xa3: {  	s24 =	simm.s32 $0x1B8B  }
0xa4: {  	_ =	swait.ge [sflag:s24], $0x1  }
0xa5: {  	[sflag:s24] =	ssyncset.done $0x0  }
0xa6: {  	s25 =	simm.s32 $0x1B8E;
	[sflag:s24] =	ssyncadd.s32 $0xFFFFFFFF  }
0xa7: {  	s26 =	simm.s32 $execute0_lowered;
	[smem:$0x3FD2] =	sst s25  }
0xa8: {  	s6 =	sshll.u32 s26, $0x1;
	_ =	strace $0x80000046;
	[dreg:$0x1] =	wrdreg $0xFFFFFFFF  }
0xa9: {  	s28 =	simm.s32 $_size_execute0_lowered;
	s5 =	sadd.s32 s5, s6;
	[dreg:$0x0] =	wrdreg $0x0  }
0xaa: {  	s6 =	sshll.u32 s28, $0x1;
	[dreg:$0x2] =	wrdreg s5  }
0xab: {  	[dreg:$0x3] =	wrdreg s6  }
0xac: {  	[dreg:$0x4] =	wrdreg $0xC0  }
0xad: {  	_ =	task [dreg:s9], $0x5FFFF  }
0xae: {  	[dreg:$0x1] =	wrdreg $0xFFFFFFFF  }
0xaf: {  	[dreg:$0x0] =	wrdreg $0x60  }
0xb0: {  	[dreg:$0x2] =	wrdreg s2  }
0xb1: {  	[dreg:$0x3] =	wrdreg s19  }
0xb2: {  	[dreg:$0x4] =	wrdreg s4  }
0xb3: {  	[dreg:$0x5] =	wrdreg $0x9  }
0xb4: {  	_ =	task.clear_ibuf [dreg:s9], $0x6FFFF;
	_ =	strace $0x90000046  }
0xb5: {  	s29 =	simm.s32 $0x9;
	_ =	strace $0x80000048  }
0xb6: {  	_ =	swait.ge [sflag:s29], $0x1  }
0xb7: {  	[sflag:s29] =	ssyncadd.s32 $0xFFFFFFFF  }
0xb8: {  	_ =	strace $0x90000048  }
0xb9: {  	_ =	sfence  }
0xba: {  	s30 =	sld [smem:$0x0];
	_ =	sdelay $0x2  }
0xbb: {  	s31 =	sshll.u32 s1, $0xD;
	s1 =	sshrl.u32 s1, $0x2  }
0xbc: {  	s3 =	sand.u32 $0x4000, s31;
	s1 =	sadd.s32 s1, s30  }
0xbd: {  	s0 =	sor.u32 s3, s0;
	s1 =	sshll.u32 s1, $0x11  }
0xbe: {  	s0 =	sor.u32 s1, s0  }
0xbf: {  	s0 =	sadd.s32 $0x8F2B, s0  }
0xc0: {  	[sflag:s0] =	ssyncadd.remote.s32 $0x1  }
0xc1: {  	_ =	sfence.sel $0xFFFF  }
0xc2: {  	[dreg:$0x0] =	wrdreg $0xFFFFFFFF;
	(pc) =	sbr.abs _section_cstart, $3  }
0xc3: {  	[dreg:$0x1] =	wrdreg $0xFFFFFFFF  }
0xc4: {  	_ =	task.clear_ibuf [dreg:s9], $0x2FFFF;
	_ =	strace $0x9FFFFFFF  }
0xc5: {  	(tm) =	ssettm $0x7FFFFFFF  }
tec
execute0_lowered:
.L_overlay_start_1:
0x0: {  	(tag) =	ssettag $0x1  }
0x1: {  	s4 =	rddreg [dreg:$0x0]  }
0x2: {  	s5 =	rddreg [dreg:$0x1];
	s1 =	simm.s32 $0x0;
	s0 =	srdreg.scid  }
0x3: {  	s6 =	stileid.u32;
	[smem:$0x7FF] =	sst s1;
	s0 =	sand.u32 $0x1, s0  }
0x4: {  	s2 =	sshll.u32 s6, $0x7;
	s26 =	sshrl.u32 s6, $0x2;
	s10 =	sadd.s32 $0x40, s4  }
0x5: {  	s11 =	sadd.s32 $0x40, s5;
	_ =	strace $0x80000047;
	[smem:$0x7EA] =	sst s10  }
0x6: {  	s24 =	ssub.s32 $0x2, s0;
	s6 =	sshll.u32 s26, $0x16;
	[smem:$0x7EB] =	sst s11  }
0x7: {  	s0 =	sshll.u32 s0, $0x6;
	s8 =	sshll.u32 s26, $0x12;
	[smem:$0x7E5] =	sst s6  }
0x8: {  	s9 =	sand.u32 $0x600, s2;
	s7 =	sor.u32 s0, s2;
	[smem:$0x7E6] =	sst s8  }
0x9: {  	s3 =	sshrl.u32 s24, $0x1;
	[smem:$0x7E9] =	sst s9;
	s28 =	sshll.u32 s7, $0x9  }
0xa: {  	s25 =	ssub.s32 s24, s3;
	[smem:$0x7E7] =	sst s7;
	s3 =	sand.u32 $0x38000, s28  }
0xb: {  	s0 =	smax.u32 s25, $0x1;
	s2 =	sor.u32 s6, s3;
	s3 =	sor.u32 s8, s3  }
0xc: {  	s6 =	sor.u32 $0x4, s7;
	s1 =	sshrl.u32 s2, $0x3;
	s2 =	sshrl.u32 s3, $0x3  }
0xd: {  	[smem:$0x7EC] =	sst s0;
	s9 =	ssub.s32 s6, s9;
	s8 =	sadd.s32 s5, s2  }
0xe: {  	s22 =	sshll.u32 s9, $0x9;
	[smem:$0x7E8] =	sst s8  }
0xf: {  	s7 =	sadd.s32 s4, s1;
	[smem:$0x7F7] =	sst s22  }
0x10: {  	s12 =	sadd.s32 $0x8000, s7;
	[smem:$0x7FC] =	sst s7  }
0x11: {  	s13 =	sadd.s32 $0x10000, s7;
	[smem:$0x7ED] =	sst s12  }
0x12: {  	s14 =	sadd.s32 $0x18000, s7;
	[smem:$0x7EE] =	sst s13  }
0x13: {  	s15 =	sadd.s32 $0x20000, s7;
	[smem:$0x7EF] =	sst s14  }
0x14: {  	s29 =	simm.s32 $0x11048;
	s16 =	sadd.s32 $0x28000, s7;
	[smem:$0x7F0] =	sst s15  }
0x15: {  	s30 =	simm.s32 $0x11060;
	s17 =	sadd.s32 $0x30000, s7;
	[smem:$0x7F1] =	sst s16  }
0x16: {  	s31 =	simm.s32 $0x11078;
	s18 =	sadd.s32 $0x38000, s7;
	[smem:$0x7F2] =	sst s17  }
0x17: {  	s10 =	simm.s32 $0x11630;
	s19 =	sadd.s32 $0x40000, s7;
	[smem:$0x7F3] =	sst s18  }
0x18: {  	s11 =	simm.s32 $0x11648;
	s20 =	sadd.s32 $0x48000, s7;
	[smem:$0x7F4] =	sst s19  }
0x19: {  	s6 =	simm.s32 $0x11090;
	s21 =	sadd.s32 $0x50000, s7;
	[smem:$0x7F5] =	sst s20  }
0x1a: {  	s9 =	simm.s32 $0x11618;
	s23 =	sadd.s32 $0x58000, s7;
	[smem:$0x7F6] =	sst s21  }
0x1b: {  	s2 =	simm.s32 $0x0;
	s24 =	sadd.s32 $0x60000, s7;
	[smem:$0x7F8] =	sst s23  }
0x1c: {  	s25 =	sadd.s32 $0x68000, s7;
	s26 =	sadd.s32 $0x70000, s7;
	[smem:$0x7F9] =	sst s24  }
.Ltmp0:
0x1d: {  	s28 =	sadd.s32 $0x78000, s7;
	[smem:$0x7FA] =	sst s25;
	(pc) =	sbr.rel .LBB2_1-.Ltmp0, $4  }
0x1e: {  	s7 =	simm.s32 $0x110A8;
	s22 =	simm.s32 $0x11108;
	[smem:$0x7FB] =	sst s26  }
0x1f: {  	s8 =	simm.s32 $0x11600;
	[smem:$0x7FD] =	sst s28;
	s15 =	simm.s32 $0x11000  }
0x20: {  	s14 =	simm.s32 $0x11018;
	s13 =	simm.s32 $0x11030;
	s18 =	simm.s32 $0x110C0  }
0x21: {  	v0 =	vimm.f32 $0.0e+00;
	s20 =	simm.s32 $0x110D8;
	s21 =	simm.s32 $0x110F0;
	s23 =	simm.s32 $0x11660  }
.LBB2_10:
0x22: {  	s0 =	simm.s32 $0x5  }
0x23: {  	_ =	swait.ge [sflag:s0], $0x600  }
0x24: {  	[sflag:s0] =	ssyncset.done $0x0  }
0x25: {  	s1 =	simm.s32 $0x6;
	[sflag:s0] =	ssyncadd.s32 $0xFFFFFA00  }
0x26: {  	_ =	swait.ge [sflag:s1], $0x600  }
0x27: {  	s2 =	sld [smem:$0x7E4]  }
0x28: {  	s28 =	sld [smem:$0x7EC];
	_ =	sdelay $0x1  }
0x29: {  	s2 =	sadd.s32 $0x1, s2  }
0x2a: {  	p0 =	sne.s32 s2, s28  }
.Ltmp1:
0x2b: {  	_ = 	snop;
	(pc) =	sbr.rel @!p0 .LBB2_11-.Ltmp1, $3  }
0x2c: {  	_ =	sdelay $0x1  }
0x2d: {  	[sflag:s1] =	ssyncset.done $0x0  }
0x2e: {  	[sflag:s1] =	ssyncadd.s32 $0xFFFFFA00  }
.LBB2_1:
0x2f: {  	s1 =	sld [smem:$0x7FC]  }
0x30: {  	[smem:$0x7E4] =	sst s2;
	s0 =	simm.s32 $0x0  }
0x31: {  	s2 =	simm.s32 $0x200;
	s3 =	simm.s32 $0x400;
	s26 =	sld [smem:$0x7ED]  }
0x32: {  	[tilespmem:s0], [sflag:$0x1] =	stream.strided.gather [hbm4b:s1+s2], $0x800, s3, s2, $0x38;
	[tilespmem:$0x11C00] =	vst v63  }
0x33: {  	s28 =	simm.s32 $0x800;
	s4 =	sld [smem:$0x7EE]  }
0x34: {  	[tilespmem:s28], [sflag:$0x1] =	stream.strided.gather [hbm4b:s26+s2], $0x800, s3, s2, $0x38;
	[tilespmem:$0x11C00] =	vst v63  }
0x35: {  	s5 =	simm.s32 $0x1000;
	s12 =	sld [smem:$0x7EF]  }
0x36: {  	[tilespmem:s5], [sflag:$0x1] =	stream.strided.gather [hbm4b:s4+s2], $0x800, s3, s2, $0x38;
	[tilespmem:$0x11C00] =	vst v63  }
0x37: {  	s16 =	simm.s32 $0x1800;
	s17 =	sld [smem:$0x7F0]  }
0x38: {  	[tilespmem:s16], [sflag:$0x1] =	stream.strided.gather [hbm4b:s12+s2], $0x800, s3, s2, $0x38;
	[tilespmem:$0x11C00] =	vst v63  }
0x39: {  	s19 =	simm.s32 $0x2000;
	s24 =	sld [smem:$0x7F1]  }
0x3a: {  	[tilespmem:s19], [sflag:$0x1] =	stream.strided.gather [hbm4b:s17+s2], $0x800, s3, s2, $0x38;
	[tilespmem:$0x11C00] =	vst v63  }
0x3b: {  	s25 =	simm.s32 $0x2800;
	s26 =	sld [smem:$0x7F2]  }
0x3c: {  	[tilespmem:s25], [sflag:$0x1] =	stream.strided.gather [hbm4b:s24+s2], $0x800, s3, s2, $0x38;
	[tilespmem:$0x11C00] =	vst v63  }
0x3d: {  	s28 =	simm.s32 $0x3000;
	s4 =	sld [smem:$0x7F3]  }
0x3e: {  	[tilespmem:s28], [sflag:$0x1] =	stream.strided.gather [hbm4b:s26+s2], $0x800, s3, s2, $0x38;
	[tilespmem:$0x11C00] =	vst v63  }
0x3f: {  	s5 =	simm.s32 $0x3800;
	s12 =	sld [smem:$0x7F4]  }
0x40: {  	[tilespmem:s5], [sflag:$0x1] =	stream.strided.gather [hbm4b:s4+s2], $0x800, s3, s2, $0x38;
	[tilespmem:$0x11C00] =	vst v63  }
0x41: {  	s16 =	simm.s32 $0x4000;
	s17 =	sld [smem:$0x7F5]  }
0x42: {  	[tilespmem:s16], [sflag:$0x1] =	stream.strided.gather [hbm4b:s12+s2], $0x800, s3, s2, $0x38;
	[tilespmem:$0x11C00] =	vst v63  }
0x43: {  	s19 =	simm.s32 $0x4800;
	s24 =	sld [smem:$0x7F6]  }
0x44: {  	[tilespmem:s19], [sflag:$0x1] =	stream.strided.gather [hbm4b:s17+s2], $0x800, s3, s2, $0x38;
	[tilespmem:$0x11C00] =	vst v63  }
0x45: {  	s25 =	simm.s32 $0x5000;
	s26 =	sld [smem:$0x7F8]  }
0x46: {  	[tilespmem:s25], [sflag:$0x1] =	stream.strided.gather [hbm4b:s24+s2], $0x800, s3, s2, $0x38;
	[tilespmem:$0x11C00] =	vst v63  }
0x47: {  	s28 =	simm.s32 $0x5800;
	s4 =	sld [smem:$0x7F9]  }
0x48: {  	[tilespmem:s28], [sflag:$0x1] =	stream.strided.gather [hbm4b:s26+s2], $0x800, s3, s2, $0x38;
	[tilespmem:$0x11C00] =	vst v63  }
0x49: {  	s5 =	simm.s32 $0x6000;
	s12 =	sld [smem:$0x7FA]  }
0x4a: {  	[tilespmem:s5], [sflag:$0x1] =	stream.strided.gather [hbm4b:s4+s2], $0x800, s3, s2, $0x38;
	[tilespmem:$0x11C00] =	vst v63  }
0x4b: {  	s16 =	simm.s32 $0x6800;
	s17 =	sld [smem:$0x7FB]  }
0x4c: {  	[tilespmem:s16], [sflag:$0x1] =	stream.strided.gather [hbm4b:s12+s2], $0x800, s3, s2, $0x38;
	[tilespmem:$0x11C00] =	vst v63  }
0x4d: {  	s19 =	simm.s32 $0x7000;
	s24 =	sld [smem:$0x7FD]  }
0x4e: {  	[tilespmem:s19], [sflag:$0x1] =	stream.strided.gather [hbm4b:s17+s2], $0x800, s3, s2, $0x38;
	[tilespmem:$0x11C00] =	vst v63  }
.Ltmp2:
0x4f: {  	_ = 	snop;
	(pc) =	sbr.rel .LBB2_2-.Ltmp2, $4  }
0x50: {  	s25 =	simm.s32 $0x7800;
	s26 =	sld [smem:$0x7E8]  }
0x51: {  	[tilespmem:s25], [sflag:$0x1] =	stream.strided.gather [hbm4b:s24+s2], $0x800, s3, s2, $0x38;
	[tilespmem:$0x11C00] =	vst v63  }
0x52: {  	s28 =	simm.s32 $0x10000;
	s12 =	simm.s32 $0x0  }
0x53: {  	[tilespmem:s28], [sflag:$0x3] =	stream.strided.gather [hbm4b:s26+s2], $0x800, s3, s2, $0x38;
	[tilespmem:$0x11C00] =	vst v63  }
.LBB2_8:
0x54: {  	_ =	sdelay $0x3  }
0x55: {  	[tilespmem:v1+s6+$0x0] =	vst.idx.add.f32.msk $0xffff, v6  }
0x56: {  	[tilespmem:v2+s6+$0x0] =	vst.idx.add.f32.msk $0xffff, v4  }
0x57: {  	v3 =	vld [tilespmem:s29+$0x0]  }
0x58: {  	v4 =	vld [tilespmem:s9+$0x0];
	_ =	sdelay $0x1  }
0x59: {  	[tilespmem:v5+s7+$0x0] =	vst.idx.add.f32.msk $0xffff, v7  }
0x5a: {  	v63 =	vld [tilespmem:s5+$0x0]  }
0x5b: {  	[tilespmem:v1+s7+$0x0] =	vst.idx.add.f32.msk $0xffff, v3  }
0x5c: {  	[tilespmem:v2+s7+$0x0] =	vst.idx.add.f32.msk $0xffff, v4  }
0x5d: {  	v3 =	vld [tilespmem:s13+$0x0]  }
0x5e: {  	v4 =	vld [tilespmem:s3+$0x0];
	_ =	sdelay $0x1  }
0x5f: {  	[tilespmem:v5+s8+$0x0] =	vst.idx.add.f32.msk $0xffff, v63  }
0x60: {  	v6 =	vld [tilespmem:s25+$0x0]  }
0x61: {  	[tilespmem:v1+s8+$0x0] =	vst.idx.add.f32.msk $0xffff, v3  }
0x62: {  	[tilespmem:v2+s8+$0x0] =	vst.idx.add.f32.msk $0xffff, v4  }
0x63: {  	v3 =	vld [tilespmem:s12+$0x0]  }
0x64: {  	v4 =	vld [tilespmem:s17+$0x0]  }
0x65: {  	s10 =	simm.s32 $0x11B28  }
0x66: {  	[tilespmem:v5+s10+$0x0] =	vst.idx.add.f32.msk $0xffff, v6  }
0x67: {  	v6 =	vld [tilespmem:s30+$0x0]  }
0x68: {  	[tilespmem:v1+s10+$0x0] =	vst.idx.add.f32.msk $0xffff, v3  }
0x69: {  	[tilespmem:v2+s10+$0x0] =	vst.idx.add.f32.msk $0xffff, v4  }
0x6a: {  	v3 =	vld [tilespmem:s18+$0x0]  }
0x6b: {  	v4 =	vld [tilespmem:s19+$0x0]  }
0x6c: {  	s11 =	simm.s32 $0x11B40  }
0x6d: {  	[tilespmem:v5+s11+$0x0] =	vst.idx.add.f32.msk $0xffff, v6  }
0x6e: {  	v6 =	vld [tilespmem:s31+$0x0]  }
0x6f: {  	[tilespmem:v1+s11+$0x0] =	vst.idx.add.f32.msk $0xffff, v3  }
0x70: {  	[tilespmem:v2+s11+$0x0] =	vst.idx.add.f32.msk $0xffff, v4  }
0x71: {  	v3 =	vld [tilespmem:s16+$0x0]  }
0x72: {  	s12 =	simm.s32 $0x11B58;
	v4 =	vld [tilespmem:s0+$0x0]  }
0x73: {  	[tilespmem:v5+s12+$0x0] =	vst.idx.add.f32.msk $0xffff, v6  }
0x74: {  	v6 =	vld [tilespmem:s14+$0x0];
	_ =	sdelay $0x1  }
0x75: {  	[tilespmem:v1+s12+$0x0] =	vst.idx.add.f32.msk $0xffff, v3  }
0x76: {  	[tilespmem:v2+s12+$0x0] =	vst.idx.add.f32.msk $0xffff, v4  }
0x77: {  	s13 =	simm.s32 $0x11B70;
	v3 =	vld [tilespmem:s2+$0x0];
	s0 =	sld [smem:$0x77D]  }
0x78: {  	[tilespmem:v5+s13+$0x0] =	vst.idx.add.f32.msk $0xffff, v6  }
0x79: {  	v6 =	vld [tilespmem:s15+$0x0]  }
0x7a: {  	v4 =	vld [tilespmem:s0+$0x0];
	_ =	sdelay $0x1  }
0x7b: {  	[tilespmem:v1+s13+$0x0] =	vst.idx.add.f32.msk $0xffff, v3  }
0x7c: {  	s14 =	simm.s32 $0x11B88;
	v3 =	vld [tilespmem:s1+$0x0]  }
0x7d: {  	[tilespmem:v5+s14+$0x0] =	vst.idx.add.f32.msk $0xffff, v6  }
0x7e: {  	[tilespmem:v2+s13+$0x0] =	vst.idx.add.f32.msk $0xffff, v4  }
0x7f: {  	s15 =	sld [smem:$0x77E]  }
0x80: {  	v4 =	vld [tilespmem:s28+$0x0]  }
0x81: {  	[tilespmem:v1+s14+$0x0] =	vst.idx.add.f32.msk $0xffff, v3  }
0x82: {  	v6 =	vld [tilespmem:s15+$0x0]  }
0x83: {  	s16 =	sld [smem:$0x77F];
	_ =	sdelay $0x1  }
0x84: {  	[tilespmem:v2+s14+$0x0] =	vst.idx.add.f32.msk $0xffff, v4  }
0x85: {  	s17 =	simm.s32 $0x11BA0;
	v3 =	vld [tilespmem:s16+$0x0]  }
0x86: {  	s0 =	rddreg [dreg:$0x1c];
	[tilespmem:v5+s17+$0x0] =	vst.idx.add.f32.msk $0xffff, v6  }
0x87: {  	v4 =	vld [tilespmem:s0+$0x0];
	s18 =	sld [smem:$0x780];
	_ =	sdelay $0x2  }
0x88: {  	v6 =	vld [tilespmem:s18+$0x0]  }
0x89: {  	[tilespmem:v1+s17+$0x0] =	vst.idx.add.f32.msk $0xffff, v3  }
0x8a: {  	s19 =	rddreg [dreg:$0x1e];
	[tilespmem:v2+s17+$0x0] =	vst.idx.add.f32.msk $0xffff, v4  }
0x8b: {  	v3 =	vld [tilespmem:s19+$0x0];
	s0 =	rddreg [dreg:$0x16]  }
0x8c: {  	s20 =	simm.s32 $0x11BB8;
	v4 =	vld [tilespmem:s0+$0x0]  }
0x8d: {  	[tilespmem:v5+s20+$0x0] =	vst.idx.add.f32.msk $0xffff, v6  }
0x8e: {  	s23 =	rddreg [dreg:$0x1a]  }
0x8f: {  	v6 =	vld [tilespmem:s23+$0x0]  }
0x90: {  	[tilespmem:v1+s20+$0x0] =	vst.idx.add.f32.msk $0xffff, v3  }
0x91: {  	s24 =	rddreg [dreg:$0x14];
	[tilespmem:v2+s20+$0x0] =	vst.idx.add.f32.msk $0xffff, v4  }
0x92: {  	v3 =	vld [tilespmem:s24+$0x0]  }
0x93: {  	s25 =	simm.s32 $0x11BD0;
	v4 =	vld [tilespmem:s26+$0x0]  }
0x94: {  	[tilespmem:v5+s25+$0x0] =	vst.idx.add.f32.msk $0xffff, v6  }
0x95: {  	s26 =	rddreg [dreg:$0x18]  }
0x96: {  	v6 =	vld [tilespmem:s26+$0x0];
	_ =	sdelay $0x1  }
0x97: {  	[tilespmem:v1+s25+$0x0] =	vst.idx.add.f32.msk $0xffff, v3  }
0x98: {  	[tilespmem:v2+s25+$0x0] =	vst.idx.add.f32.msk $0xffff, v4  }
0x99: {  	s28 =	simm.s32 $0x11BE8;
	v3 =	vld [tilespmem:s22+$0x0]  }
0x9a: {  	[tilespmem:v5+s28+$0x0] =	vst.idx.add.f32.msk $0xffff, v6  }
0x9b: {  	v4 =	vld [tilespmem:s21+$0x0];
	s0 =	sld [smem:$0x7E3]  }
0x9c: {  	s6 =	simm.s32 $0x11090;
	s29 =	rddreg [dreg:$0x2]  }
0x9d: {  	s7 =	simm.s32 $0x110A8;
	s8 =	simm.s32 $0x11600;
	s30 =	simm.s32 $0x0  }
0x9e: {  	s31 =	simm.s32 $0x11600;
	s13 =	simm.s32 $0x11030;
	s0 =	smul.u32 $0x30, s0  }
0x9f: {  	s15 =	simm.s32 $0x11000;
	s14 =	simm.s32 $0x11018;
	s20 =	simm.s32 $0x110D8;
	[tilespmem:v1+s28+$0x0] =	vst.idx.add.f32.msk $0xffff, v3  }
0xa0: {  	s21 =	simm.s32 $0x110F0;
	s22 =	simm.s32 $0x11108;
	[tilespmem:v2+s28+$0x0] =	vst.idx.add.f32.msk $0xffff, v4;
	s0 =	sadd.s32 s29, s0  }
0xa1: {  	[hbm4b:s0+s30] =	stream.linear.scatter [tilespmem:s31], [sflag:$0x6], $0x600, $0x38;
	[tilespmem:$0x11C00] =	vst v63  }
.LBB2_9:
0xa2: {  	s12 =	sld [smem:$0x7E2];
	_ =	sdelay $0x2  }
0xa3: {  	s12 =	sadd.s32 $0x1, s12  }
0xa4: {  	p0 =	sne.s32 s12, $0x10  }
.Ltmp3:
0xa5: {  	_ = 	snop;
	(pc) =	sbr.rel @!p0 .LBB2_10-.Ltmp3, $4  }
0xa6: {  	_ = 	snop  }
0xa7: {  	s29 =	simm.s32 $0x11048;
	s30 =	simm.s32 $0x11060  }
0xa8: {  	s31 =	simm.s32 $0x11078;
	s18 =	simm.s32 $0x110C0;
	s9 =	simm.s32 $0x11618  }
0xa9: {  	s10 =	simm.s32 $0x11630;
	s11 =	simm.s32 $0x11648;
	s23 =	simm.s32 $0x11660  }
.LBB2_2:
0xaa: {  	s0 =	sand.u32 $0x1, s12  }
0xab: {  	p0 =	seq.s32 s0, $0x1  }
.Ltmp4:
0xac: {  	s1 =	sld [smem:$0x7E7];
	(pc) =	sbr.rel @p0 .LBB2_6-.Ltmp4, $4  }
0xad: {  	_ = 	snop  }
0xae: {  	s28 =	sshll.u32 s12, $0x2  }
0xaf: {  	[smem:$0x7E2] =	sst s12;
	s1 =	sadd.s32 s1, s28  }
0xb0: {  	[smem:$0x7E3] =	sst s1  }
0xb1: {  	s0 =	sld [smem:$0x7E9];
	_ =	sdelay $0x1  }
0xb2: {  	s8 =	sld [smem:$0x7E5]  }
0xb3: {  	s0 =	ssub.s32 s1, s0  }
0xb4: {  	s2 =	sld [smem:$0x7EA];
	s0 =	sshll.u32 s0, $0x9  }
0xb5: {  	s1 =	sadd.s32 s8, s0  }
0xb6: {  	s3 =	simm.s32 $0x200;
	s1 =	sshrl.u32 s1, $0x3  }
0xb7: {  	s4 =	simm.s32 $0x400;
	s9 =	simm.s32 $0x8000;
	s1 =	sadd.s32 s1, s2  }
0xb8: {  	[tilespmem:s9], [sflag:$0x2] =	stream.strided.gather [hbm4b:s1+s3], $0x800, s4, s3, $0x38;
	[tilespmem:$0x11C00] =	vst v63  }
0xb9: {  	s5 =	simm.s32 $0x8800;
	s10 =	sadd.s32 $0x8000, s1  }
0xba: {  	[tilespmem:s5], [sflag:$0x2] =	stream.strided.gather [hbm4b:s10+s3], $0x800, s4, s3, $0x38;
	[tilespmem:$0x11C00] =	vst v63  }
0xbb: {  	s16 =	simm.s32 $0x9000;
	s11 =	sadd.s32 $0x10000, s1  }
0xbc: {  	[tilespmem:s16], [sflag:$0x2] =	stream.strided.gather [hbm4b:s11+s3], $0x800, s4, s3, $0x38;
	[tilespmem:$0x11C00] =	vst v63  }
0xbd: {  	s19 =	simm.s32 $0x9800;
	s17 =	sadd.s32 $0x18000, s1  }
0xbe: {  	[tilespmem:s19], [sflag:$0x2] =	stream.strided.gather [hbm4b:s17+s3], $0x800, s4, s3, $0x38;
	[tilespmem:$0x11C00] =	vst v63  }
0xbf: {  	s24 =	simm.s32 $0xA000;
	s23 =	sadd.s32 $0x20000, s1  }
0xc0: {  	[tilespmem:s24], [sflag:$0x2] =	stream.strided.gather [hbm4b:s23+s3], $0x800, s4, s3, $0x38;
	[tilespmem:$0x11C00] =	vst v63  }
0xc1: {  	s26 =	simm.s32 $0xA800;
	s25 =	sadd.s32 $0x28000, s1  }
0xc2: {  	[tilespmem:s26], [sflag:$0x2] =	stream.strided.gather [hbm4b:s25+s3], $0x800, s4, s3, $0x38;
	[tilespmem:$0x11C00] =	vst v63  }
0xc3: {  	s8 =	simm.s32 $0xB000;
	s5 =	sadd.s32 $0x30000, s1  }
0xc4: {  	[tilespmem:s8], [sflag:$0x2] =	stream.strided.gather [hbm4b:s5+s3], $0x800, s4, s3, $0x38;
	[tilespmem:$0x11C00] =	vst v63  }
0xc5: {  	s9 =	sadd.s32 $0x38000, s1;
	s10 =	simm.s32 $0xB800  }
0xc6: {  	[tilespmem:s10], [sflag:$0x2] =	stream.strided.gather [hbm4b:s9+s3], $0x800, s4, s3, $0x38;
	[tilespmem:$0x11C00] =	vst v63  }
0xc7: {  	s11 =	sadd.s32 $0x40000, s1;
	s16 =	simm.s32 $0xC000  }
0xc8: {  	[tilespmem:s16], [sflag:$0x2] =	stream.strided.gather [hbm4b:s11+s3], $0x800, s4, s3, $0x38;
	[tilespmem:$0x11C00] =	vst v63  }
0xc9: {  	s17 =	sadd.s32 $0x48000, s1;
	s19 =	simm.s32 $0xC800  }
0xca: {  	[tilespmem:s19], [sflag:$0x2] =	stream.strided.gather [hbm4b:s17+s3], $0x800, s4, s3, $0x38;
	[tilespmem:$0x11C00] =	vst v63  }
0xcb: {  	s23 =	sadd.s32 $0x50000, s1;
	s24 =	simm.s32 $0xD000  }
0xcc: {  	[tilespmem:s24], [sflag:$0x2] =	stream.strided.gather [hbm4b:s23+s3], $0x800, s4, s3, $0x38;
	[tilespmem:$0x11C00] =	vst v63  }
0xcd: {  	s25 =	sadd.s32 $0x58000, s1;
	s26 =	simm.s32 $0xD800  }
0xce: {  	[tilespmem:s26], [sflag:$0x2] =	stream.strided.gather [hbm4b:s25+s3], $0x800, s4, s3, $0x38;
	[tilespmem:$0x11C00] =	vst v63  }
0xcf: {  	s8 =	sadd.s32 $0x60000, s1;
	s9 =	simm.s32 $0xE000;
	s23 =	sld [smem:$0x7E6]  }
0xd0: {  	[tilespmem:s9], [sflag:$0x2] =	stream.strided.gather [hbm4b:s8+s3], $0x800, s4, s3, $0x38;
	[tilespmem:$0x11C00] =	vst v63  }
0xd1: {  	s10 =	sadd.s32 $0x68000, s1;
	s11 =	simm.s32 $0xE800;
	s16 =	sadd.s32 $0x70000, s1  }
0xd2: {  	[tilespmem:s11], [sflag:$0x2] =	stream.strided.gather [hbm4b:s10+s3], $0x800, s4, s3, $0x38;
	[tilespmem:$0x11C00] =	vst v63  }
0xd3: {  	s17 =	simm.s32 $0xF000;
	s24 =	sld [smem:$0x7EB];
	s0 =	sadd.s32 s23, s0  }
0xd4: {  	[tilespmem:s17], [sflag:$0x2] =	stream.strided.gather [hbm4b:s16+s3], $0x800, s4, s3, $0x38;
	[tilespmem:$0x11C00] =	vst v63  }
0xd5: {  	s1 =	sadd.s32 $0x78000, s1;
	s19 =	simm.s32 $0xF800;
	s0 =	sshrl.u32 s0, $0x3  }
0xd6: {  	[tilespmem:s19], [sflag:$0x2] =	stream.strided.gather [hbm4b:s1+s3], $0x800, s4, s3, $0x38;
	[tilespmem:$0x11C00] =	vst v63  }
0xd7: {  	p0 =	slt.u32 s12, $0x2;
	s25 =	simm.s32 $0x10800;
	s0 =	sadd.s32 s0, s24  }
0xd8: {  	[tilespmem:s25], [sflag:$0x4] =	stream.strided.gather [hbm4b:s0+s3], $0x800, s4, s3, $0x38;
	[tilespmem:$0x11C00] =	vst v63  }
0xd9: {  	s0 =	simm.s32 @!p0 $0x5  }
0xda: {  	_ =	swait.ge @!p0 [sflag:s0], $0x600  }
0xdb: {  	[sflag:s0] =	ssyncset.done @!p0 $0x0  }
0xdc: {  	s26 =	simm.s32 $0x1;
	[sflag:s0] =	ssyncadd.s32 @!p0 $0xFFFFFA00  }
0xdd: {  	_ =	swait.ge [sflag:s26], $0x8000  }
0xde: {  	[sflag:s26] =	ssyncset.done $0x0  }
0xdf: {  	s1 =	simm.s32 $0x3;
	[sflag:s26] =	ssyncadd.s32 $0xFFFF8000  }
0xe0: {  	_ =	swait.ge [sflag:s1], $0x800  }
0xe1: {  	[sflag:s1] =	ssyncset.done $0x0  }
0xe2: {  	[sflag:s1] =	ssyncadd.s32 $0xFFFFF800  }
0xe3: {  	[tilespmem:$0x11000] =	vst v0  }
0xe4: {  	[tilespmem:$0x11010] =	vst v0  }
0xe5: {  	[tilespmem:$0x11020] =	vst v0  }
0xe6: {  	[tilespmem:$0x11030] =	vst v0  }
0xe7: {  	[tilespmem:$0x11040] =	vst v0  }
0xe8: {  	[tilespmem:$0x11050] =	vst v0  }
0xe9: {  	[tilespmem:$0x11060] =	vst v0  }
0xea: {  	[tilespmem:$0x11070] =	vst v0  }
0xeb: {  	[tilespmem:$0x11080] =	vst v0  }
0xec: {  	[tilespmem:$0x11090] =	vst v0  }
0xed: {  	[tilespmem:$0x110A0] =	vst v0  }
0xee: {  	[tilespmem:$0x110B0] =	vst v0  }
0xef: {  	[tilespmem:$0x110C0] =	vst v0  }
0xf0: {  	[tilespmem:$0x110D0] =	vst v0  }
0xf1: {  	[tilespmem:$0x110E0] =	vst v0  }
0xf2: {  	[tilespmem:$0x110F0] =	vst v0  }
0xf3: {  	[tilespmem:$0x11100] =	vst v0  }
0xf4: {  	[tilespmem:$0x11110] =	vst v0  }
0xf5: {  	[tilespmem:$0x11120] =	vst v0  }
0xf6: {  	[tilespmem:$0x11130] =	vst v0  }
0xf7: {  	[tilespmem:$0x11140] =	vst v0  }
0xf8: {  	[tilespmem:$0x11150] =	vst v0  }
0xf9: {  	[tilespmem:$0x11160] =	vst v0  }
0xfa: {  	[tilespmem:$0x11170] =	vst v0  }
0xfb: {  	[tilespmem:$0x11180] =	vst v0  }
0xfc: {  	[tilespmem:$0x11190] =	vst v0  }
0xfd: {  	[tilespmem:$0x111A0] =	vst v0  }
0xfe: {  	[tilespmem:$0x111B0] =	vst v0  }
0xff: {  	[tilespmem:$0x111C0] =	vst v0  }
0x100: {  	[tilespmem:$0x111D0] =	vst v0  }
0x101: {  	[tilespmem:$0x111E0] =	vst v0  }
0x102: {  	[tilespmem:$0x111F0] =	vst v0  }
0x103: {  	[tilespmem:$0x11200] =	vst v0  }
0x104: {  	[tilespmem:$0x11210] =	vst v0  }
0x105: {  	[tilespmem:$0x11220] =	vst v0  }
0x106: {  	[tilespmem:$0x11230] =	vst v0  }
0x107: {  	[tilespmem:$0x11240] =	vst v0  }
0x108: {  	[tilespmem:$0x11250] =	vst v0  }
0x109: {  	[tilespmem:$0x11260] =	vst v0  }
0x10a: {  	[tilespmem:$0x11270] =	vst v0  }
0x10b: {  	[tilespmem:$0x11280] =	vst v0  }
0x10c: {  	[tilespmem:$0x11290] =	vst v0  }
0x10d: {  	[tilespmem:$0x112A0] =	vst v0  }
0x10e: {  	[tilespmem:$0x112B0] =	vst v0  }
0x10f: {  	[tilespmem:$0x112C0] =	vst v0  }
0x110: {  	[tilespmem:$0x112D0] =	vst v0  }
0x111: {  	[tilespmem:$0x112E0] =	vst v0  }
0x112: {  	[tilespmem:$0x112F0] =	vst v0  }
0x113: {  	[tilespmem:$0x11300] =	vst v0  }
0x114: {  	[tilespmem:$0x11310] =	vst v0  }
0x115: {  	[tilespmem:$0x11320] =	vst v0  }
0x116: {  	[tilespmem:$0x11330] =	vst v0  }
0x117: {  	[tilespmem:$0x11340] =	vst v0  }
0x118: {  	[tilespmem:$0x11350] =	vst v0  }
0x119: {  	[tilespmem:$0x11360] =	vst v0  }
0x11a: {  	[tilespmem:$0x11370] =	vst v0  }
0x11b: {  	[tilespmem:$0x11380] =	vst v0  }
0x11c: {  	[tilespmem:$0x11390] =	vst v0  }
0x11d: {  	[tilespmem:$0x113A0] =	vst v0  }
0x11e: {  	[tilespmem:$0x113B0] =	vst v0  }
0x11f: {  	[tilespmem:$0x113C0] =	vst v0  }
0x120: {  	[tilespmem:$0x113D0] =	vst v0  }
0x121: {  	[tilespmem:$0x113E0] =	vst v0  }
0x122: {  	[tilespmem:$0x113F0] =	vst v0  }
0x123: {  	[tilespmem:$0x11400] =	vst v0  }
0x124: {  	[tilespmem:$0x11410] =	vst v0  }
0x125: {  	[tilespmem:$0x11420] =	vst v0  }
0x126: {  	[tilespmem:$0x11430] =	vst v0  }
0x127: {  	[tilespmem:$0x11440] =	vst v0  }
0x128: {  	[tilespmem:$0x11450] =	vst v0  }
0x129: {  	[tilespmem:$0x11460] =	vst v0  }
0x12a: {  	[tilespmem:$0x11470] =	vst v0  }
0x12b: {  	[tilespmem:$0x11480] =	vst v0  }
0x12c: {  	[tilespmem:$0x11490] =	vst v0  }
0x12d: {  	[tilespmem:$0x114A0] =	vst v0  }
0x12e: {  	[tilespmem:$0x114B0] =	vst v0  }
0x12f: {  	[tilespmem:$0x114C0] =	vst v0  }
0x130: {  	[tilespmem:$0x114D0] =	vst v0  }
0x131: {  	[tilespmem:$0x114E0] =	vst v0  }
0x132: {  	[tilespmem:$0x114F0] =	vst v0  }
0x133: {  	[tilespmem:$0x11500] =	vst v0  }
0x134: {  	[tilespmem:$0x11510] =	vst v0  }
0x135: {  	[tilespmem:$0x11520] =	vst v0  }
0x136: {  	[tilespmem:$0x11530] =	vst v0  }
0x137: {  	[tilespmem:$0x11540] =	vst v0  }
0x138: {  	[tilespmem:$0x11550] =	vst v0  }
0x139: {  	[tilespmem:$0x11560] =	vst v0  }
0x13a: {  	[tilespmem:$0x11570] =	vst v0  }
0x13b: {  	[tilespmem:$0x11580] =	vst v0  }
0x13c: {  	[tilespmem:$0x11590] =	vst v0  }
0x13d: {  	[tilespmem:$0x115A0] =	vst v0  }
0x13e: {  	[tilespmem:$0x115B0] =	vst v0  }
0x13f: {  	[tilespmem:$0x115C0] =	vst v0  }
0x140: {  	s2 =	simm.s32 $0x0;
	[tilespmem:$0x115D0] =	vst v0  }
0x141: {  	s24 =	sand.u32 $0x40, s2;
	s19 =	sand.u32 $0x600, s2;
	[tilespmem:$0x115E0] =	vst v0  }
0x142: {  	s25 =	sor.u32 s24, s19;
	[tilespmem:$0x115F0] =	vst v0  }
0x143: {  	v1 =	vld [tilespmem:s25+$0x10000];
	_ =	sdelay $0x2  }
0x144: {  	v2 =	vld [tilespmem:s25+$0x0];
	_ =	sdelay $0x3  }
0x145: {  	s16 =	sor.u32 $0x800, s19  }
0x146: {  	s3 =	sor.u32 s24, s16;
	[tilespmem:v1+s15+$0x0] =	vst.idx.add.f32.msk $0xffff, v2  }
0x147: {  	v2 =	vld [tilespmem:s3+$0x0];
	_ =	sdelay $0x3  }
0x148: {  	s15 =	sor.u32 $0x1000, s19  }
0x149: {  	s4 =	sor.u32 s24, s15;
	[tilespmem:v1+s14+$0x0] =	vst.idx.add.f32.msk $0xffff, v2  }
0x14a: {  	v2 =	vld [tilespmem:s4+$0x0];
	_ =	sdelay $0x3  }
0x14b: {  	s14 =	sor.u32 $0x1800, s19  }
0x14c: {  	s5 =	sor.u32 s24, s14;
	[tilespmem:v1+s13+$0x0] =	vst.idx.add.f32.msk $0xffff, v2  }
0x14d: {  	v2 =	vld [tilespmem:s5+$0x0];
	_ =	sdelay $0x3  }
0x14e: {  	s13 =	sor.u32 $0x2000, s19  }
0x14f: {  	s8 =	sor.u32 s24, s13;
	[tilespmem:v1+s29+$0x0] =	vst.idx.add.f32.msk $0xffff, v2  }
0x150: {  	v2 =	vld [tilespmem:s8+$0x0];
	_ =	sdelay $0x3  }
0x151: {  	s12 =	sor.u32 $0x2800, s19  }
0x152: {  	s9 =	sor.u32 s24, s12;
	[tilespmem:v1+s30+$0x0] =	vst.idx.add.f32.msk $0xffff, v2  }
0x153: {  	v2 =	vld [tilespmem:s9+$0x0];
	_ =	sdelay $0x3  }
0x154: {  	s11 =	sor.u32 $0x3000, s19  }
0x155: {  	s10 =	sor.u32 s24, s11;
	[tilespmem:v1+s31+$0x0] =	vst.idx.add.f32.msk $0xffff, v2  }
0x156: {  	v2 =	vld [tilespmem:s10+$0x0];
	_ =	sdelay $0x3  }
0x157: {  	s10 =	sor.u32 $0x3800, s19  }
0x158: {  	s23 =	sor.u32 s24, s10;
	[tilespmem:v1+s6+$0x0] =	vst.idx.add.f32.msk $0xffff, v2  }
0x159: {  	v2 =	vld [tilespmem:s23+$0x0];
	_ =	sdelay $0x3  }
0x15a: {  	s9 =	sor.u32 $0x4000, s19  }
0x15b: {  	s26 =	sor.u32 s24, s9;
	[tilespmem:v1+s7+$0x0] =	vst.idx.add.f32.msk $0xffff, v2  }
0x15c: {  	v2 =	vld [tilespmem:s26+$0x0];
	_ =	sdelay $0x3  }
0x15d: {  	s8 =	sor.u32 $0x4800, s19  }
0x15e: {  	s2 =	sor.u32 s24, s8;
	[tilespmem:v1+s18+$0x0] =	vst.idx.add.f32.msk $0xffff, v2  }
0x15f: {  	v2 =	vld [tilespmem:s2+$0x0];
	_ =	sdelay $0x3  }
0x160: {  	s7 =	sor.u32 $0x5000, s19  }
0x161: {  	s3 =	sor.u32 s24, s7;
	[tilespmem:v1+s20+$0x0] =	vst.idx.add.f32.msk $0xffff, v2  }
0x162: {  	v2 =	vld [tilespmem:s3+$0x0];
	_ =	sdelay $0x3  }
0x163: {  	s5 =	sor.u32 $0x5800, s19  }
0x164: {  	s4 =	sor.u32 s24, s5;
	[tilespmem:v1+s21+$0x0] =	vst.idx.add.f32.msk $0xffff, v2  }
0x165: {  	s21 =	sor.u32 $0x30, s24;
	v2 =	vld [tilespmem:s4+$0x0]  }
0x166: {  	s3 =	sor.u32 s19, s21  }
0x167: {  	v4 =	vld [tilespmem:s3+$0x10000];
	_ =	sdelay $0x1  }
0x168: {  	s4 =	sor.u32 $0x6000, s19;
	v5 =	vld [tilespmem:s3+$0x0]  }
0x169: {  	s23 =	sor.u32 $0x10, s24;
	s6 =	sor.u32 s24, s4;
	[tilespmem:v1+s22+$0x0] =	vst.idx.add.f32.msk $0xffff, v2  }
0x16a: {  	s1 =	sor.u32 s19, s23;
	v3 =	vld [tilespmem:s6+$0x0]  }
0x16b: {  	s22 =	sor.u32 $0x20, s24;
	v2 =	vld [tilespmem:s1+$0x10000]  }
0x16c: {  	v6 =	vld [tilespmem:s1+$0x0];
	s2 =	sor.u32 s19, s22  }
0x16d: {  	s0 =	simm.s32 $0x11000;
	v8 =	vld [tilespmem:s2+$0x0]  }
0x16e: {  	s18 =	simm.s32 $0x11120;
	[tilespmem:v4+s0+$0x0] =	vst.idx.add.f32.msk $0xffff, v5  }
0x16f: {  	[tilespmem:v1+s18+$0x0] =	vst.idx.add.f32.msk $0xffff, v3  }
0x170: {  	s6 =	sor.u32 $0x6800, s19;
	v3 =	vld [tilespmem:s2+$0x10000];
	s18 =	sor.u32 s21, s16  }
0x171: {  	s20 =	sor.u32 s24, s6;
	v5 =	vld [tilespmem:s18+$0x0]  }
0x172: {  	v7 =	vld [tilespmem:s20+$0x0]  }
0x173: {  	s20 =	sor.u32 s23, s16;
	[tilespmem:v2+s0+$0x0] =	vst.idx.add.f32.msk $0xffff, v6  }
0x174: {  	v6 =	vld [tilespmem:s20+$0x0]  }
0x175: {  	s17 =	simm.s32 $0x11018  }
0x176: {  	s20 =	sor.u32 s21, s15;
	[tilespmem:v4+s17+$0x0] =	vst.idx.add.f32.msk $0xffff, v5  }
0x177: {  	v5 =	vld [tilespmem:s20+$0x0]  }
0x178: {  	[tilespmem:v3+s0+$0x0] =	vst.idx.add.f32.msk $0xffff, v8  }
0x179: {  	s16 =	sor.u32 s22, s16;
	[tilespmem:v2+s17+$0x0] =	vst.idx.add.f32.msk $0xffff, v6  }
0x17a: {  	s0 =	sor.u32 s23, s15;
	v8 =	vld [tilespmem:s16+$0x0]  }
0x17b: {  	v6 =	vld [tilespmem:s0+$0x0]  }
0x17c: {  	s28 =	simm.s32 $0x11030  }
0x17d: {  	s18 =	sor.u32 s21, s14;
	[tilespmem:v4+s28+$0x0] =	vst.idx.add.f32.msk $0xffff, v5  }
0x17e: {  	v5 =	vld [tilespmem:s18+$0x0]  }
0x17f: {  	[tilespmem:v3+s17+$0x0] =	vst.idx.add.f32.msk $0xffff, v8  }
0x180: {  	s15 =	sor.u32 s22, s15;
	[tilespmem:v2+s28+$0x0] =	vst.idx.add.f32.msk $0xffff, v6  }
0x181: {  	s20 =	sor.u32 s23, s14;
	v8 =	vld [tilespmem:s15+$0x0]  }
0x182: {  	v6 =	vld [tilespmem:s20+$0x0];
	_ =	sdelay $0x1  }
0x183: {  	s0 =	sor.u32 s21, s13;
	[tilespmem:v4+s29+$0x0] =	vst.idx.add.f32.msk $0xffff, v5  }
0x184: {  	v5 =	vld [tilespmem:s0+$0x0]  }
0x185: {  	[tilespmem:v3+s28+$0x0] =	vst.idx.add.f32.msk $0xffff, v8  }
0x186: {  	s14 =	sor.u32 s22, s14;
	[tilespmem:v2+s29+$0x0] =	vst.idx.add.f32.msk $0xffff, v6  }
0x187: {  	s16 =	sor.u32 s23, s13;
	v8 =	vld [tilespmem:s14+$0x0]  }
0x188: {  	v6 =	vld [tilespmem:s16+$0x0];
	_ =	sdelay $0x1  }
0x189: {  	s17 =	sor.u32 s21, s12;
	[tilespmem:v4+s30+$0x0] =	vst.idx.add.f32.msk $0xffff, v5  }
0x18a: {  	v5 =	vld [tilespmem:s17+$0x0]  }
0x18b: {  	[tilespmem:v3+s29+$0x0] =	vst.idx.add.f32.msk $0xffff, v8  }
0x18c: {  	s13 =	sor.u32 s22, s13;
	[tilespmem:v2+s30+$0x0] =	vst.idx.add.f32.msk $0xffff, v6  }
0x18d: {  	s18 =	sor.u32 s23, s12;
	v8 =	vld [tilespmem:s13+$0x0]  }
0x18e: {  	v6 =	vld [tilespmem:s18+$0x0];
	_ =	sdelay $0x1  }
0x18f: {  	s20 =	sor.u32 s21, s11;
	[tilespmem:v4+s31+$0x0] =	vst.idx.add.f32.msk $0xffff, v5  }
0x190: {  	v5 =	vld [tilespmem:s20+$0x0]  }
0x191: {  	[tilespmem:v3+s30+$0x0] =	vst.idx.add.f32.msk $0xffff, v8  }
0x192: {  	s12 =	sor.u32 s22, s12;
	[tilespmem:v2+s31+$0x0] =	vst.idx.add.f32.msk $0xffff, v6  }
0x193: {  	s0 =	sor.u32 s23, s11;
	v8 =	vld [tilespmem:s12+$0x0]  }
0x194: {  	v6 =	vld [tilespmem:s0+$0x0]  }
0x195: {  	s26 =	simm.s32 $0x11090  }
0x196: {  	s13 =	sor.u32 s21, s10;
	[tilespmem:v4+s26+$0x0] =	vst.idx.add.f32.msk $0xffff, v5  }
0x197: {  	v5 =	vld [tilespmem:s13+$0x0]  }
0x198: {  	[tilespmem:v3+s31+$0x0] =	vst.idx.add.f32.msk $0xffff, v8  }
0x199: {  	s11 =	sor.u32 s22, s11;
	[tilespmem:v2+s26+$0x0] =	vst.idx.add.f32.msk $0xffff, v6  }
0x19a: {  	s14 =	sor.u32 s23, s10;
	v8 =	vld [tilespmem:s11+$0x0]  }
0x19b: {  	v6 =	vld [tilespmem:s14+$0x0]  }
0x19c: {  	s15 =	simm.s32 $0x110A8  }
0x19d: {  	s16 =	sor.u32 s21, s9;
	[tilespmem:v4+s15+$0x0] =	vst.idx.add.f32.msk $0xffff, v5  }
0x19e: {  	v5 =	vld [tilespmem:s16+$0x0]  }
0x19f: {  	[tilespmem:v3+s26+$0x0] =	vst.idx.add.f32.msk $0xffff, v8  }
0x1a0: {  	s10 =	sor.u32 s22, s10;
	[tilespmem:v2+s15+$0x0] =	vst.idx.add.f32.msk $0xffff, v6  }
0x1a1: {  	s17 =	sor.u32 s23, s9;
	v8 =	vld [tilespmem:s10+$0x0]  }
0x1a2: {  	v6 =	vld [tilespmem:s17+$0x0]  }
0x1a3: {  	s20 =	simm.s32 $0x110C0  }
0x1a4: {  	s26 =	sor.u32 s21, s8;
	[tilespmem:v4+s20+$0x0] =	vst.idx.add.f32.msk $0xffff, v5  }
0x1a5: {  	s18 =	simm.s32 $0x110A8;
	v5 =	vld [tilespmem:s26+$0x0]  }
0x1a6: {  	[tilespmem:v3+s18+$0x0] =	vst.idx.add.f32.msk $0xffff, v8  }
0x1a7: {  	s9 =	sor.u32 s22, s9;
	[tilespmem:v2+s20+$0x0] =	vst.idx.add.f32.msk $0xffff, v6  }
0x1a8: {  	s10 =	sor.u32 s23, s8;
	v8 =	vld [tilespmem:s9+$0x0]  }
0x1a9: {  	v6 =	vld [tilespmem:s10+$0x0]  }
0x1aa: {  	s12 =	simm.s32 $0x110D8  }
0x1ab: {  	s13 =	sor.u32 s21, s7;
	[tilespmem:v4+s12+$0x0] =	vst.idx.add.f32.msk $0xffff, v5  }
0x1ac: {  	s11 =	simm.s32 $0x110C0;
	v5 =	vld [tilespmem:s13+$0x0]  }
0x1ad: {  	[tilespmem:v3+s11+$0x0] =	vst.idx.add.f32.msk $0xffff, v8  }
0x1ae: {  	s8 =	sor.u32 s22, s8;
	[tilespmem:v2+s12+$0x0] =	vst.idx.add.f32.msk $0xffff, v6  }
0x1af: {  	s14 =	sor.u32 s23, s7;
	v8 =	vld [tilespmem:s8+$0x0]  }
0x1b0: {  	v6 =	vld [tilespmem:s14+$0x0]  }
0x1b1: {  	s16 =	simm.s32 $0x110F0  }
0x1b2: {  	s17 =	sor.u32 s21, s5;
	[tilespmem:v4+s16+$0x0] =	vst.idx.add.f32.msk $0xffff, v5  }
0x1b3: {  	s15 =	simm.s32 $0x110D8;
	v5 =	vld [tilespmem:s17+$0x0]  }
0x1b4: {  	[tilespmem:v3+s15+$0x0] =	vst.idx.add.f32.msk $0xffff, v8  }
0x1b5: {  	s7 =	sor.u32 s22, s7;
	[tilespmem:v2+s16+$0x0] =	vst.idx.add.f32.msk $0xffff, v6  }
0x1b6: {  	s18 =	sor.u32 s23, s5;
	v8 =	vld [tilespmem:s7+$0x0]  }
0x1b7: {  	v6 =	vld [tilespmem:s18+$0x0]  }
0x1b8: {  	s26 =	simm.s32 $0x11108  }
0x1b9: {  	s9 =	sor.u32 s21, s4;
	[tilespmem:v4+s26+$0x0] =	vst.idx.add.f32.msk $0xffff, v5  }
0x1ba: {  	s20 =	simm.s32 $0x110F0;
	v5 =	vld [tilespmem:s9+$0x0]  }
0x1bb: {  	[tilespmem:v3+s20+$0x0] =	vst.idx.add.f32.msk $0xffff, v8  }
0x1bc: {  	s5 =	sor.u32 s22, s5;
	[tilespmem:v2+s26+$0x0] =	vst.idx.add.f32.msk $0xffff, v6  }
0x1bd: {  	s10 =	sor.u32 s23, s4;
	v8 =	vld [tilespmem:s5+$0x0]  }
0x1be: {  	v6 =	vld [tilespmem:s10+$0x0]  }
0x1bf: {  	s12 =	simm.s32 $0x11120  }
0x1c0: {  	s13 =	sor.u32 s21, s6;
	[tilespmem:v4+s12+$0x0] =	vst.idx.add.f32.msk $0xffff, v5  }
0x1c1: {  	s11 =	simm.s32 $0x11108;
	v5 =	vld [tilespmem:s13+$0x0]  }
0x1c2: {  	[tilespmem:v3+s11+$0x0] =	vst.idx.add.f32.msk $0xffff, v8  }
0x1c3: {  	s4 =	sor.u32 s22, s4;
	[tilespmem:v2+s12+$0x0] =	vst.idx.add.f32.msk $0xffff, v6  }
0x1c4: {  	s14 =	sor.u32 s23, s6;
	v8 =	vld [tilespmem:s4+$0x0]  }
0x1c5: {  	s17 =	simm.s32 $0x11138;
	v6 =	vld [tilespmem:s14+$0x0]  }
0x1c6: {  	s16 =	sor.u32 $0x7000, s19;
	[tilespmem:v1+s17+$0x0] =	vst.idx.add.f32.msk $0xffff, v7  }
0x1c7: {  	s18 =	sor.u32 s21, s16;
	[tilespmem:v4+s17+$0x0] =	vst.idx.add.f32.msk $0xffff, v5  }
0x1c8: {  	s15 =	simm.s32 $0x11120;
	v5 =	vld [tilespmem:s18+$0x0]  }
0x1c9: {  	[tilespmem:v3+s15+$0x0] =	vst.idx.add.f32.msk $0xffff, v8  }
0x1ca: {  	s5 =	sor.u32 s24, s16;
	[tilespmem:v2+s17+$0x0] =	vst.idx.add.f32.msk $0xffff, v6  }
0x1cb: {  	s20 =	sor.u32 s22, s6;
	v8 =	vld [tilespmem:s5+$0x0]  }
0x1cc: {  	s11 =	sor.u32 s23, s16;
	v7 =	vld [tilespmem:s20+$0x0]  }
0x1cd: {  	s0 =	simm.s32 $0x11150;
	s26 =	sor.u32 $0x7800, s19;
	v6 =	vld [tilespmem:s11+$0x0]  }
0x1ce: {  	s10 =	sor.u32 s21, s26;
	[tilespmem:v4+s0+$0x0] =	vst.idx.add.f32.msk $0xffff, v5  }
0x1cf: {  	v5 =	vld [tilespmem:s10+$0x0]  }
0x1d0: {  	[tilespmem:v1+s0+$0x0] =	vst.idx.add.f32.msk $0xffff, v8  }
0x1d1: {  	[tilespmem:v3+s17+$0x0] =	vst.idx.add.f32.msk $0xffff, v7  }
0x1d2: {  	s12 =	sor.u32 s22, s16;
	s16 =	sor.u32 s24, s26;
	[tilespmem:v2+s0+$0x0] =	vst.idx.add.f32.msk $0xffff, v6  }
0x1d3: {  	s13 =	simm.s32 $0x11168;
	v8 =	vld [tilespmem:s16+$0x0]  }
0x1d4: {  	[tilespmem:v4+s13+$0x0] =	vst.idx.add.f32.msk $0xffff, v5  }
0x1d5: {  	v4 =	vld [tilespmem:s3+$0x10080]  }
0x1d6: {  	s14 =	sor.u32 s23, s26;
	v7 =	vld [tilespmem:s12+$0x0]  }
0x1d7: {  	v6 =	vld [tilespmem:s14+$0x0]  }
0x1d8: {  	v5 =	vld [tilespmem:s3+$0x80];
	_ =	sdelay $0x1  }
0x1d9: {  	[tilespmem:v1+s13+$0x0] =	vst.idx.add.f32.msk $0xffff, v8  }
0x1da: {  	[tilespmem:v3+s0+$0x0] =	vst.idx.add.f32.msk $0xffff, v7  }
0x1db: {  	s18 =	simm.s32 $0x11180;
	s17 =	sor.u32 $0x880, s19;
	[tilespmem:v2+s13+$0x0] =	vst.idx.add.f32.msk $0xffff, v6  }
0x1dc: {  	s20 =	sor.u32 s21, s17;
	[tilespmem:v4+s18+$0x0] =	vst.idx.add.f32.msk $0xffff, v5  }
0x1dd: {  	v5 =	vld [tilespmem:s20+$0x0]  }
0x1de: {  	v1 =	vld [tilespmem:s25+$0x10080]  }
0x1df: {  	s15 =	sor.u32 s22, s26;
	v8 =	vld [tilespmem:s25+$0x80]  }
0x1e0: {  	v7 =	vld [tilespmem:s15+$0x0]  }
0x1e1: {  	s4 =	sor.u32 $0x1080, s19;
	s26 =	simm.s32 $0x11198;
	v2 =	vld [tilespmem:s1+$0x10080]  }
0x1e2: {  	s10 =	sor.u32 s21, s4;
	[tilespmem:v4+s26+$0x0] =	vst.idx.add.f32.msk $0xffff, v5  }
0x1e3: {  	v5 =	vld [tilespmem:s10+$0x0]  }
0x1e4: {  	v6 =	vld [tilespmem:s1+$0x80]  }
0x1e5: {  	[tilespmem:v3+s13+$0x0] =	vst.idx.add.f32.msk $0xffff, v7  }
0x1e6: {  	v3 =	vld [tilespmem:s2+$0x10080]  }
0x1e7: {  	s8 =	simm.s32 $0x111B0;
	v7 =	vld [tilespmem:s2+$0x80];
	s2 =	sor.u32 $0x1880, s19  }
0x1e8: {  	s11 =	sor.u32 s21, s2;
	[tilespmem:v4+s8+$0x0] =	vst.idx.add.f32.msk $0xffff, v5  }
0x1e9: {  	v5 =	vld [tilespmem:s11+$0x0]  }
0x1ea: {  	[tilespmem:v1+s18+$0x0] =	vst.idx.add.f32.msk $0xffff, v8  }
0x1eb: {  	s12 =	sor.u32 s23, s17;
	[tilespmem:v2+s18+$0x0] =	vst.idx.add.f32.msk $0xffff, v6  }
0x1ec: {  	s15 =	sor.u32 s24, s17;
	v6 =	vld [tilespmem:s12+$0x0]  }
0x1ed: {  	s9 =	simm.s32 $0x111C8;
	s5 =	sor.u32 $0x2080, s19;
	v8 =	vld [tilespmem:s15+$0x0]  }
0x1ee: {  	s13 =	sor.u32 s21, s5;
	[tilespmem:v4+s9+$0x0] =	vst.idx.add.f32.msk $0xffff, v5  }
0x1ef: {  	v5 =	vld [tilespmem:s13+$0x0]  }
0x1f0: {  	[tilespmem:v3+s18+$0x0] =	vst.idx.add.f32.msk $0xffff, v7  }
0x1f1: {  	s14 =	sor.u32 s22, s17;
	[tilespmem:v2+s26+$0x0] =	vst.idx.add.f32.msk $0xffff, v6  }
0x1f2: {  	s17 =	sor.u32 s23, s4;
	v7 =	vld [tilespmem:s14+$0x0]  }
0x1f3: {  	s3 =	sor.u32 $0x2880, s19;
	s10 =	simm.s32 $0x111E0;
	v6 =	vld [tilespmem:s17+$0x0]  }
0x1f4: {  	s16 =	sor.u32 s21, s3;
	[tilespmem:v4+s10+$0x0] =	vst.idx.add.f32.msk $0xffff, v5  }
0x1f5: {  	v5 =	vld [tilespmem:s16+$0x0]  }
0x1f6: {  	[tilespmem:v1+s26+$0x0] =	vst.idx.add.f32.msk $0xffff, v8;
	s18 =	sor.u32 s22, s4;
	s4 =	sor.u32 s24, s4  }
0x1f7: {  	v8 =	vld [tilespmem:s4+$0x0]  }
0x1f8: {  	[tilespmem:v3+s26+$0x0] =	vst.idx.add.f32.msk $0xffff, v7  }
0x1f9: {  	s1 =	sor.u32 $0x3080, s19;
	s11 =	simm.s32 $0x111F8;
	[tilespmem:v2+s8+$0x0] =	vst.idx.add.f32.msk $0xffff, v6  }
0x1fa: {  	s20 =	sor.u32 s21, s1;
	[tilespmem:v4+s11+$0x0] =	vst.idx.add.f32.msk $0xffff, v5  }
0x1fb: {  	v5 =	vld [tilespmem:s20+$0x0]  }
0x1fc: {  	[tilespmem:v1+s8+$0x0] =	vst.idx.add.f32.msk $0xffff, v8  }
0x1fd: {  	s25 =	sor.u32 s23, s2;
	v7 =	vld [tilespmem:s18+$0x0]  }
0x1fe: {  	s6 =	sor.u32 s22, s2;
	s2 =	sor.u32 s24, s2;
	v6 =	vld [tilespmem:s25+$0x0]  }
0x1ff: {  	s0 =	sor.u32 $0x3880, s19;
	s12 =	simm.s32 $0x11210;
	v8 =	vld [tilespmem:s2+$0x0]  }
0x200: {  	s26 =	sor.u32 s21, s0;
	[tilespmem:v4+s12+$0x0] =	vst.idx.add.f32.msk $0xffff, v5  }
0x201: {  	v5 =	vld [tilespmem:s26+$0x0]  }
0x202: {  	[tilespmem:v3+s8+$0x0] =	vst.idx.add.f32.msk $0xffff, v7  }
0x203: {  	[tilespmem:v2+s9+$0x0] =	vst.idx.add.f32.msk $0xffff, v6  }
0x204: {  	[tilespmem:v1+s9+$0x0] =	vst.idx.add.f32.msk $0xffff, v8  }
0x205: {  	s2 =	sor.u32 $0x4080, s19;
	s13 =	simm.s32 $0x11228;
	v7 =	vld [tilespmem:s6+$0x0]  }
0x206: {  	s7 =	sor.u32 s21, s2;
	[tilespmem:v4+s13+$0x0] =	vst.idx.add.f32.msk $0xffff, v5  }
0x207: {  	s8 =	sor.u32 s23, s5;
	v5 =	vld [tilespmem:s7+$0x0]  }
0x208: {  	s14 =	sor.u32 s22, s5;
	s5 =	sor.u32 s24, s5;
	v6 =	vld [tilespmem:s8+$0x0]  }
0x209: {  	v8 =	vld [tilespmem:s5+$0x0]  }
0x20a: {  	[tilespmem:v3+s9+$0x0] =	vst.idx.add.f32.msk $0xffff, v7  }
0x20b: {  	s6 =	sor.u32 $0x4880, s19;
	v7 =	vld [tilespmem:s14+$0x0];
	s14 =	simm.s32 $0x11240  }
0x20c: {  	s15 =	sor.u32 s21, s6;
	[tilespmem:v4+s14+$0x0] =	vst.idx.add.f32.msk $0xffff, v5  }
0x20d: {  	v5 =	vld [tilespmem:s15+$0x0];
	_ =	sdelay $0x1  }
0x20e: {  	[tilespmem:v2+s10+$0x0] =	vst.idx.add.f32.msk $0xffff, v6  }
0x20f: {  	s16 =	sor.u32 s23, s3;
	[tilespmem:v1+s10+$0x0] =	vst.idx.add.f32.msk $0xffff, v8  }
0x210: {  	s5 =	sor.u32 $0x5080, s19;
	v6 =	vld [tilespmem:s16+$0x0];
	s15 =	simm.s32 $0x11258  }
0x211: {  	s17 =	sor.u32 s21, s5;
	[tilespmem:v4+s15+$0x0] =	vst.idx.add.f32.msk $0xffff, v5  }
0x212: {  	s18 =	sor.u32 s22, s3;
	s3 =	sor.u32 s24, s3;
	v5 =	vld [tilespmem:s17+$0x0]  }
0x213: {  	v8 =	vld [tilespmem:s3+$0x0]  }
0x214: {  	[tilespmem:v3+s10+$0x0] =	vst.idx.add.f32.msk $0xffff, v7  }
0x215: {  	[tilespmem:v2+s11+$0x0] =	vst.idx.add.f32.msk $0xffff, v6  }
0x216: {  	s4 =	sor.u32 $0x5880, s19;
	s16 =	simm.s32 $0x11270;
	v7 =	vld [tilespmem:s18+$0x0]  }
0x217: {  	s20 =	sor.u32 s21, s4;
	[tilespmem:v4+s16+$0x0] =	vst.idx.add.f32.msk $0xffff, v5  }
0x218: {  	v5 =	vld [tilespmem:s20+$0x0]  }
0x219: {  	s25 =	sor.u32 s23, s1;
	[tilespmem:v1+s11+$0x0] =	vst.idx.add.f32.msk $0xffff, v8  }
0x21a: {  	v6 =	vld [tilespmem:s25+$0x0]  }
0x21b: {  	s26 =	sor.u32 s22, s1;
	s1 =	sor.u32 s24, s1;
	[tilespmem:v3+s11+$0x0] =	vst.idx.add.f32.msk $0xffff, v7  }
0x21c: {  	v8 =	vld [tilespmem:s1+$0x0];
	s7 =	sor.u32 $0x6080, s19;
	s17 =	simm.s32 $0x11288  }
0x21d: {  	s8 =	sor.u32 s21, s7;
	[tilespmem:v4+s17+$0x0] =	vst.idx.add.f32.msk $0xffff, v5  }
0x21e: {  	v5 =	vld [tilespmem:s8+$0x0]  }
0x21f: {  	[tilespmem:v2+s12+$0x0] =	vst.idx.add.f32.msk $0xffff, v6  }
0x220: {  	s9 =	sor.u32 s23, s0;
	v7 =	vld [tilespmem:s26+$0x0]  }
0x221: {  	v6 =	vld [tilespmem:s9+$0x0]  }
0x222: {  	s18 =	simm.s32 $0x112A0;
	[tilespmem:v1+s12+$0x0] =	vst.idx.add.f32.msk $0xffff, v8;
	s8 =	sor.u32 $0x6880, s19  }
0x223: {  	s10 =	sor.u32 s21, s8;
	[tilespmem:v4+s18+$0x0] =	vst.idx.add.f32.msk $0xffff, v5  }
0x224: {  	v5 =	vld [tilespmem:s10+$0x0]  }
0x225: {  	s11 =	sor.u32 s22, s0;
	s0 =	sor.u32 s24, s0;
	[tilespmem:v3+s12+$0x0] =	vst.idx.add.f32.msk $0xffff, v7  }
0x226: {  	v8 =	vld [tilespmem:s0+$0x0]  }
0x227: {  	[tilespmem:v2+s13+$0x0] =	vst.idx.add.f32.msk $0xffff, v6  }
0x228: {  	s1 =	sor.u32 $0x7080, s19;
	v7 =	vld [tilespmem:s11+$0x0];
	s20 =	simm.s32 $0x112B8  }
0x229: {  	s12 =	sor.u32 s21, s1;
	[tilespmem:v4+s20+$0x0] =	vst.idx.add.f32.msk $0xffff, v5  }
0x22a: {  	s25 =	sor.u32 s23, s2;
	v5 =	vld [tilespmem:s12+$0x0]  }
0x22b: {  	v6 =	vld [tilespmem:s25+$0x0]  }
0x22c: {  	[tilespmem:v1+s13+$0x0] =	vst.idx.add.f32.msk $0xffff, v8  }
0x22d: {  	s26 =	sor.u32 s22, s2;
	s2 =	sor.u32 s24, s2;
	[tilespmem:v3+s13+$0x0] =	vst.idx.add.f32.msk $0xffff, v7  }
0x22e: {  	s0 =	sor.u32 $0x7880, s19;
	s13 =	simm.s32 $0x112D0;
	v8 =	vld [tilespmem:s2+$0x0]  }
0x22f: {  	s9 =	sor.u32 s21, s0;
	[tilespmem:v4+s13+$0x0] =	vst.idx.add.f32.msk $0xffff, v5  }
0x230: {  	p0 =	por $0x0, $0x0;
	s3 =	simm.s32 $0x1;
	v5 =	vld [tilespmem:s9+$0x0]  }
0x231: {  	s3 =	simm.s32 @!p0 $0x0;
	[tilespmem:v2+s14+$0x0] =	vst.idx.add.f32.msk $0xffff, v6  }
0x232: {  	s11 =	sor.u32 s23, s6;
	v7 =	vld [tilespmem:s26+$0x0];
	s10 =	sshll.u32 s3, $0x6  }
0x233: {  	v6 =	vld [tilespmem:s11+$0x0];
	s3 =	sadd.s32 $0x0, s10  }
0x234: {  	s25 =	simm.s32 $0x112E8;
	[tilespmem:v1+s14+$0x0] =	vst.idx.add.f32.msk $0xffff, v8;
	s2 =	sadd.s32 $0x30, s3  }
0x235: {  	s12 =	sor.u32 $0x100, s2;
	[tilespmem:v4+s25+$0x0] =	vst.idx.add.f32.msk $0xffff, v5  }
0x236: {  	v5 =	vld [tilespmem:s12+$0x10000]  }
0x237: {  	s26 =	sor.u32 s22, s6;
	[tilespmem:v3+s14+$0x0] =	vst.idx.add.f32.msk $0xffff, v7  }
0x238: {  	v4 =	vld [tilespmem:s26+$0x0]  }
0x239: {  	s6 =	sor.u32 s24, s6;
	v7 =	vld [tilespmem:s12+$0x0]  }
0x23a: {  	v8 =	vld [tilespmem:s6+$0x0]  }
0x23b: {  	[tilespmem:v2+s15+$0x0] =	vst.idx.add.f32.msk $0xffff, v6;
	s9 =	sor.u32 s23, s5  }
0x23c: {  	v6 =	vld [tilespmem:s9+$0x0]  }
0x23d: {  	s6 =	sor.u32 $0x900, s19;
	s26 =	simm.s32 $0x11300;
	[tilespmem:v3+s15+$0x0] =	vst.idx.add.f32.msk $0xffff, v4  }
0x23e: {  	s10 =	sor.u32 s21, s6;
	[tilespmem:v5+s26+$0x0] =	vst.idx.add.f32.msk $0xffff, v7  }
0x23f: {  	v4 =	vld [tilespmem:s10+$0x0]  }
0x240: {  	s11 =	sor.u32 s22, s5;
	[tilespmem:v1+s15+$0x0] =	vst.idx.add.f32.msk $0xffff, v8;
	s5 =	sor.u32 s24, s5  }
0x241: {  	v8 =	vld [tilespmem:s5+$0x0]  }
0x242: {  	[tilespmem:v2+s16+$0x0] =	vst.idx.add.f32.msk $0xffff, v6  }
0x243: {  	s28 =	simm.s32 $0x11318;
	s5 =	sor.u32 $0x1100, s19;
	v7 =	vld [tilespmem:s11+$0x0]  }
0x244: {  	s12 =	sor.u32 s21, s5;
	[tilespmem:v5+s28+$0x0] =	vst.idx.add.f32.msk $0xffff, v4  }
0x245: {  	v4 =	vld [tilespmem:s12+$0x0]  }
0x246: {  	s14 =	sor.u32 s23, s4;
	[tilespmem:v1+s16+$0x0] =	vst.idx.add.f32.msk $0xffff, v8  }
0x247: {  	v6 =	vld [tilespmem:s14+$0x0];
	s15 =	sor.u32 s22, s4;
	s4 =	sor.u32 s24, s4  }
0x248: {  	v8 =	vld [tilespmem:s4+$0x0]  }
0x249: {  	s29 =	simm.s32 $0x11330;
	s11 =	sor.u32 $0x1900, s19;
	[tilespmem:v3+s16+$0x0] =	vst.idx.add.f32.msk $0xffff, v7  }
0x24a: {  	s16 =	sor.u32 s21, s11;
	[tilespmem:v5+s29+$0x0] =	vst.idx.add.f32.msk $0xffff, v4  }
0x24b: {  	v4 =	vld [tilespmem:s16+$0x0]  }
0x24c: {  	[tilespmem:v2+s17+$0x0] =	vst.idx.add.f32.msk $0xffff, v6;
	s10 =	sor.u32 s23, s7  }
0x24d: {  	v6 =	vld [tilespmem:s10+$0x0]  }
0x24e: {  	[tilespmem:v1+s17+$0x0] =	vst.idx.add.f32.msk $0xffff, v8  }
0x24f: {  	s30 =	simm.s32 $0x11348;
	s4 =	sor.u32 $0x2100, s19;
	v7 =	vld [tilespmem:s15+$0x0]  }
0x250: {  	s12 =	sor.u32 s21, s4;
	[tilespmem:v5+s30+$0x0] =	vst.idx.add.f32.msk $0xffff, v4  }
0x251: {  	s14 =	sor.u32 s22, s7;
	s7 =	sor.u32 s24, s7;
	v4 =	vld [tilespmem:s12+$0x0]  }
0x252: {  	v8 =	vld [tilespmem:s7+$0x0]  }
0x253: {  	[tilespmem:v2+s18+$0x0] =	vst.idx.add.f32.msk $0xffff, v6  }
0x254: {  	[tilespmem:v3+s17+$0x0] =	vst.idx.add.f32.msk $0xffff, v7  }
0x255: {  	s7 =	sor.u32 $0x2900, s19;
	s17 =	simm.s32 $0x11360;
	v7 =	vld [tilespmem:s14+$0x0]  }
0x256: {  	s15 =	sor.u32 s21, s7;
	[tilespmem:v5+s17+$0x0] =	vst.idx.add.f32.msk $0xffff, v4  }
0x257: {  	v4 =	vld [tilespmem:s15+$0x0]  }
0x258: {  	[tilespmem:v1+s18+$0x0] =	vst.idx.add.f32.msk $0xffff, v8;
	s16 =	sor.u32 s23, s8  }
0x259: {  	v6 =	vld [tilespmem:s16+$0x0]  }
0x25a: {  	[tilespmem:v3+s18+$0x0] =	vst.idx.add.f32.msk $0xffff, v7;
	s18 =	sor.u32 s22, s8  }
0x25b: {  	s31 =	simm.s32 $0x11378;
	s10 =	sor.u32 $0x3100, s19;
	v7 =	vld [tilespmem:s18+$0x0]  }
0x25c: {  	s14 =	sor.u32 s21, s10;
	[tilespmem:v5+s31+$0x0] =	vst.idx.add.f32.msk $0xffff, v4  }
0x25d: {  	s8 =	sor.u32 s24, s8;
	v4 =	vld [tilespmem:s14+$0x0]  }
0x25e: {  	v8 =	vld [tilespmem:s8+$0x0]  }
0x25f: {  	[tilespmem:v2+s20+$0x0] =	vst.idx.add.f32.msk $0xffff, v6  }
0x260: {  	s9 =	sor.u32 s22, s1;
	[tilespmem:v3+s20+$0x0] =	vst.idx.add.f32.msk $0xffff, v7  }
0x261: {  	s16 =	simm.s32 $0x11390;
	v7 =	vld [tilespmem:s9+$0x0];
	s14 =	sor.u32 $0x3900, s19  }
0x262: {  	s18 =	sor.u32 s21, s14;
	[tilespmem:v5+s16+$0x0] =	vst.idx.add.f32.msk $0xffff, v4  }
0x263: {  	v4 =	vld [tilespmem:s18+$0x0]  }
0x264: {  	[tilespmem:v1+s20+$0x0] =	vst.idx.add.f32.msk $0xffff, v8;
	s15 =	sor.u32 s23, s1  }
0x265: {  	s1 =	sor.u32 s24, s1;
	v6 =	vld [tilespmem:s15+$0x0]  }
0x266: {  	v8 =	vld [tilespmem:s1+$0x0]  }
0x267: {  	s20 =	simm.s32 $0x113A8;
	s15 =	sor.u32 $0x4100, s19;
	[tilespmem:v3+s13+$0x0] =	vst.idx.add.f32.msk $0xffff, v7  }
0x268: {  	s12 =	sor.u32 s21, s15;
	[tilespmem:v5+s20+$0x0] =	vst.idx.add.f32.msk $0xffff, v4  }
0x269: {  	v4 =	vld [tilespmem:s12+$0x0]  }
0x26a: {  	[tilespmem:v2+s13+$0x0] =	vst.idx.add.f32.msk $0xffff, v6  }
0x26b: {  	[tilespmem:v1+s13+$0x0] =	vst.idx.add.f32.msk $0xffff, v8;
	s16 =	sor.u32 s23, s0  }
0x26c: {  	s18 =	sor.u32 s22, s0;
	v6 =	vld [tilespmem:s16+$0x0]  }
0x26d: {  	s8 =	simm.s32 $0x113C0;
	s13 =	sor.u32 $0x4900, s19;
	v7 =	vld [tilespmem:s18+$0x0]  }
0x26e: {  	s9 =	sor.u32 s21, s13;
	[tilespmem:v5+s8+$0x0] =	vst.idx.add.f32.msk $0xffff, v4  }
0x26f: {  	v4 =	vld [tilespmem:s9+$0x0]  }
0x270: {  	s0 =	sor.u32 s24, s0;
	s12 =	sadd.s32 $0x10, s3  }
0x271: {  	v8 =	vld [tilespmem:s0+$0x0];
	[smem:$0x7DD] =	sst s12  }
0x272: {  	[tilespmem:v2+s25+$0x0] =	vst.idx.add.f32.msk $0xffff, v6  }
0x273: {  	s0 =	simm.s32 $0x113D8;
	[tilespmem:v3+s25+$0x0] =	vst.idx.add.f32.msk $0xffff, v7  }
0x274: {  	s18 =	sadd.s32 $0x20, s3;
	s8 =	sor.u32 $0x100, s12;
	s12 =	sor.u32 $0x5100, s19;
	[tilespmem:v5+s0+$0x0] =	vst.idx.add.f32.msk $0xffff, v4  }
0x275: {  	s16 =	sor.u32 s21, s12;
	v2 =	vld [tilespmem:s8+$0x10000];
	[smem:$0x7DE] =	sst s18  }
0x276: {  	v3 =	vld [tilespmem:s16+$0x0]  }
0x277: {  	s1 =	sor.u32 $0x100, s18;
	[tilespmem:v1+s25+$0x0] =	vst.idx.add.f32.msk $0xffff, v8  }
0x278: {  	v1 =	vld [tilespmem:s1+$0x10000]  }
0x279: {  	v6 =	vld [tilespmem:s8+$0x0]  }
0x27a: {  	s3 =	sor.u32 $0x100, s3;
	v7 =	vld [tilespmem:s1+$0x0]  }
0x27b: {  	s9 =	sor.u32 $0x5900, s19;
	s1 =	simm.s32 $0x113F0;
	v4 =	vld [tilespmem:s3+$0x10000]  }
0x27c: {  	s18 =	sor.u32 s21, s9;
	[tilespmem:v5+s1+$0x0] =	vst.idx.add.f32.msk $0xffff, v3  }
0x27d: {  	v3 =	vld [tilespmem:s18+$0x0]  }
0x27e: {  	v8 =	vld [tilespmem:s3+$0x0]  }
0x27f: {  	[tilespmem:v2+s26+$0x0] =	vst.idx.add.f32.msk $0xffff, v6;
	s18 =	sor.u32 s23, s6  }
0x280: {  	v6 =	vld [tilespmem:s18+$0x0]  }
0x281: {  	s8 =	sor.u32 $0x6100, s19;
	s25 =	simm.s32 $0x11408;
	[tilespmem:v1+s26+$0x0] =	vst.idx.add.f32.msk $0xffff, v7  }
0x282: {  	s16 =	sor.u32 s21, s8;
	[tilespmem:v5+s25+$0x0] =	vst.idx.add.f32.msk $0xffff, v3  }
0x283: {  	v3 =	vld [tilespmem:s16+$0x0]  }
0x284: {  	[tilespmem:v4+s26+$0x0] =	vst.idx.add.f32.msk $0xffff, v8;
	s25 =	sor.u32 s22, s6  }
0x285: {  	v7 =	vld [tilespmem:s25+$0x0]  }
0x286: {  	s16 =	sor.u32 s24, s6;
	[tilespmem:v2+s28+$0x0] =	vst.idx.add.f32.msk $0xffff, v6  }
0x287: {  	s18 =	simm.s32 $0x11420;
	s6 =	sor.u32 $0x6900, s19;
	v8 =	vld [tilespmem:s16+$0x0]  }
0x288: {  	s25 =	sor.u32 s21, s6;
	[tilespmem:v5+s18+$0x0] =	vst.idx.add.f32.msk $0xffff, v3  }
0x289: {  	s26 =	sor.u32 s23, s5;
	v3 =	vld [tilespmem:s25+$0x0]  }
0x28a: {  	v6 =	vld [tilespmem:s26+$0x0]  }
0x28b: {  	[tilespmem:v1+s28+$0x0] =	vst.idx.add.f32.msk $0xffff, v7  }
0x28c: {  	s26 =	sor.u32 s22, s5;
	[tilespmem:v4+s28+$0x0] =	vst.idx.add.f32.msk $0xffff, v8  }
0x28d: {  	s3 =	sor.u32 $0x7100, s19;
	s18 =	simm.s32 $0x11438;
	v7 =	vld [tilespmem:s26+$0x0]  }
0x28e: {  	s25 =	sor.u32 s21, s3;
	[tilespmem:v5+s18+$0x0] =	vst.idx.add.f32.msk $0xffff, v3  }
0x28f: {  	v3 =	vld [tilespmem:s25+$0x0]  }
0x290: {  	s5 =	sor.u32 s24, s5;
	[tilespmem:v2+s29+$0x0] =	vst.idx.add.f32.msk $0xffff, v6  }
0x291: {  	v8 =	vld [tilespmem:s5+$0x0]  }
0x292: {  	s18 =	sor.u32 s23, s11;
	[tilespmem:v1+s29+$0x0] =	vst.idx.add.f32.msk $0xffff, v7  }
0x293: {  	s5 =	sor.u32 $0x7900, s19;
	v6 =	vld [tilespmem:s18+$0x0];
	s25 =	simm.s32 $0x11450  }
0x294: {  	s26 =	sor.u32 s21, s5;
	[tilespmem:v5+s25+$0x0] =	vst.idx.add.f32.msk $0xffff, v3  }
0x295: {  	v3 =	vld [tilespmem:s26+$0x0]  }
0x296: {  	s18 =	sor.u32 s22, s11;
	[tilespmem:v4+s29+$0x0] =	vst.idx.add.f32.msk $0xffff, v8  }
0x297: {  	s11 =	sor.u32 s24, s11;
	v7 =	vld [tilespmem:s18+$0x0]  }
0x298: {  	v8 =	vld [tilespmem:s11+$0x0]  }
0x299: {  	s29 =	simm.s32 $0x11468;
	[tilespmem:v2+s30+$0x0] =	vst.idx.add.f32.msk $0xffff, v6  }
0x29a: {  	s2 =	sor.u32 $0x180, s2;
	[tilespmem:v5+s29+$0x0] =	vst.idx.add.f32.msk $0xffff, v3  }
0x29b: {  	v3 =	vld [tilespmem:s2+$0x10000]  }
0x29c: {  	s25 =	sor.u32 s23, s4;
	[tilespmem:v1+s30+$0x0] =	vst.idx.add.f32.msk $0xffff, v7  }
0x29d: {  	v6 =	vld [tilespmem:s25+$0x0]  }
0x29e: {  	v5 =	vld [tilespmem:s2+$0x0]  }
0x29f: {  	[tilespmem:v4+s30+$0x0] =	vst.idx.add.f32.msk $0xffff, v8;
	s26 =	sor.u32 s22, s4  }
0x2a0: {  	s4 =	sor.u32 s24, s4;
	v7 =	vld [tilespmem:s26+$0x0]  }
0x2a1: {  	v8 =	vld [tilespmem:s4+$0x0]  }
0x2a2: {  	s18 =	sor.u32 $0x980, s19;
	s30 =	simm.s32 $0x11480;
	[tilespmem:v2+s17+$0x0] =	vst.idx.add.f32.msk $0xffff, v6  }
0x2a3: {  	s11 =	sor.u32 s21, s18;
	[tilespmem:v3+s30+$0x0] =	vst.idx.add.f32.msk $0xffff, v5  }
0x2a4: {  	v5 =	vld [tilespmem:s11+$0x0]  }
0x2a5: {  	[tilespmem:v1+s17+$0x0] =	vst.idx.add.f32.msk $0xffff, v7  }
0x2a6: {  	s16 =	sor.u32 s23, s7;
	[tilespmem:v4+s17+$0x0] =	vst.idx.add.f32.msk $0xffff, v8  }
0x2a7: {  	s26 =	sor.u32 s22, s7;
	v6 =	vld [tilespmem:s16+$0x0]  }
0x2a8: {  	s2 =	sor.u32 $0x1180, s19;
	s17 =	simm.s32 $0x11498;
	v7 =	vld [tilespmem:s26+$0x0]  }
0x2a9: {  	s25 =	sor.u32 s21, s2;
	[tilespmem:v3+s17+$0x0] =	vst.idx.add.f32.msk $0xffff, v5  }
0x2aa: {  	s7 =	sor.u32 s24, s7;
	v5 =	vld [tilespmem:s25+$0x0]  }
0x2ab: {  	v8 =	vld [tilespmem:s7+$0x0]  }
0x2ac: {  	[tilespmem:v2+s31+$0x0] =	vst.idx.add.f32.msk $0xffff, v6  }
0x2ad: {  	s7 =	sor.u32 s22, s10;
	[tilespmem:v1+s31+$0x0] =	vst.idx.add.f32.msk $0xffff, v7  }
0x2ae: {  	s16 =	simm.s32 $0x114B0;
	v7 =	vld [tilespmem:s7+$0x0];
	s25 =	sor.u32 $0x1980, s19  }
0x2af: {  	s26 =	sor.u32 s21, s25;
	[tilespmem:v3+s16+$0x0] =	vst.idx.add.f32.msk $0xffff, v5  }
0x2b0: {  	v5 =	vld [tilespmem:s26+$0x0]  }
0x2b1: {  	[tilespmem:v4+s31+$0x0] =	vst.idx.add.f32.msk $0xffff, v8;
	s11 =	sor.u32 s23, s10  }
0x2b2: {  	v6 =	vld [tilespmem:s11+$0x0];
	s11 =	sor.u32 s24, s10  }
0x2b3: {  	s7 =	simm.s32 $0x11390;
	v8 =	vld [tilespmem:s11+$0x0]  }
0x2b4: {  	s10 =	sor.u32 $0x2180, s19;
	[tilespmem:v1+s7+$0x0] =	vst.idx.add.f32.msk $0xffff, v7;
	s16 =	simm.s32 $0x114C8  }
0x2b5: {  	s26 =	sor.u32 s21, s10;
	[tilespmem:v3+s16+$0x0] =	vst.idx.add.f32.msk $0xffff, v5  }
0x2b6: {  	v5 =	vld [tilespmem:s26+$0x0]  }
0x2b7: {  	[tilespmem:v2+s7+$0x0] =	vst.idx.add.f32.msk $0xffff, v6;
	s16 =	sor.u32 s23, s14  }
0x2b8: {  	s11 =	simm.s32 $0x11390;
	v6 =	vld [tilespmem:s16+$0x0]  }
0x2b9: {  	[tilespmem:v4+s11+$0x0] =	vst.idx.add.f32.msk $0xffff, v8;
	s16 =	sor.u32 s22, s14  }
0x2ba: {  	s11 =	sor.u32 $0x2980, s19;
	s26 =	simm.s32 $0x114E0;
	v7 =	vld [tilespmem:s16+$0x0]  }
0x2bb: {  	s7 =	sor.u32 s21, s11;
	[tilespmem:v3+s26+$0x0] =	vst.idx.add.f32.msk $0xffff, v5  }
0x2bc: {  	v5 =	vld [tilespmem:s7+$0x0]  }
0x2bd: {  	s26 =	sor.u32 s24, s14;
	[tilespmem:v2+s20+$0x0] =	vst.idx.add.f32.msk $0xffff, v6  }
0x2be: {  	v8 =	vld [tilespmem:s26+$0x0]  }
0x2bf: {  	s7 =	sor.u32 s23, s15;
	[tilespmem:v1+s20+$0x0] =	vst.idx.add.f32.msk $0xffff, v7  }
0x2c0: {  	s16 =	simm.s32 $0x114F8;
	s14 =	sor.u32 $0x3180, s19;
	v6 =	vld [tilespmem:s7+$0x0]  }
0x2c1: {  	s26 =	sor.u32 s21, s14;
	[tilespmem:v3+s16+$0x0] =	vst.idx.add.f32.msk $0xffff, v5  }
0x2c2: {  	s7 =	sor.u32 s22, s15;
	v5 =	vld [tilespmem:s26+$0x0]  }
0x2c3: {  	v7 =	vld [tilespmem:s7+$0x0]  }
0x2c4: {  	[tilespmem:v4+s20+$0x0] =	vst.idx.add.f32.msk $0xffff, v8;
	s16 =	sor.u32 s24, s15  }
0x2c5: {  	s7 =	simm.s32 $0x113C0;
	v8 =	vld [tilespmem:s16+$0x0]  }
0x2c6: {  	s15 =	sor.u32 $0x3980, s19;
	s20 =	simm.s32 $0x11510;
	[tilespmem:v2+s7+$0x0] =	vst.idx.add.f32.msk $0xffff, v6  }
0x2c7: {  	s26 =	sor.u32 s21, s15;
	[tilespmem:v3+s20+$0x0] =	vst.idx.add.f32.msk $0xffff, v5  }
0x2c8: {  	v5 =	vld [tilespmem:s26+$0x0]  }
0x2c9: {  	[tilespmem:v1+s7+$0x0] =	vst.idx.add.f32.msk $0xffff, v7;
	s20 =	sor.u32 s23, s13  }
0x2ca: {  	s16 =	simm.s32 $0x113C0;
	v6 =	vld [tilespmem:s20+$0x0]  }
0x2cb: {  	[tilespmem:v4+s16+$0x0] =	vst.idx.add.f32.msk $0xffff, v8;
	s20 =	sor.u32 s22, s13  }
0x2cc: {  	s16 =	sor.u32 $0x4180, s19;
	s26 =	simm.s32 $0x11528;
	v7 =	vld [tilespmem:s20+$0x0]  }
0x2cd: {  	s7 =	sor.u32 s21, s16;
	[tilespmem:v3+s26+$0x0] =	vst.idx.add.f32.msk $0xffff, v5  }
0x2ce: {  	v5 =	vld [tilespmem:s7+$0x0]  }
0x2cf: {  	s26 =	sor.u32 s24, s13;
	[tilespmem:v2+s0+$0x0] =	vst.idx.add.f32.msk $0xffff, v6  }
0x2d0: {  	v8 =	vld [tilespmem:s26+$0x0]  }
0x2d1: {  	s7 =	sor.u32 s23, s12;
	[tilespmem:v1+s0+$0x0] =	vst.idx.add.f32.msk $0xffff, v7  }
0x2d2: {  	s13 =	simm.s32 $0x11540;
	s26 =	sor.u32 $0x4980, s19;
	v6 =	vld [tilespmem:s7+$0x0]  }
0x2d3: {  	s20 =	sor.u32 s21, s26;
	[tilespmem:v3+s13+$0x0] =	vst.idx.add.f32.msk $0xffff, v5  }
0x2d4: {  	s7 =	sor.u32 s22, s12;
	v5 =	vld [tilespmem:s20+$0x0]  }
0x2d5: {  	v7 =	vld [tilespmem:s7+$0x0]  }
0x2d6: {  	[tilespmem:v4+s0+$0x0] =	vst.idx.add.f32.msk $0xffff, v8;
	s13 =	sor.u32 s24, s12  }
0x2d7: {  	v8 =	vld [tilespmem:s13+$0x0]  }
0x2d8: {  	s28 =	sor.u32 $0x5180, s19;
	s20 =	simm.s32 $0x11558;
	[tilespmem:v2+s1+$0x0] =	vst.idx.add.f32.msk $0xffff, v6  }
0x2d9: {  	s0 =	sor.u32 s21, s28;
	[tilespmem:v3+s20+$0x0] =	vst.idx.add.f32.msk $0xffff, v5  }
0x2da: {  	v5 =	vld [tilespmem:s0+$0x0]  }
0x2db: {  	s7 =	sor.u32 s23, s9;
	[tilespmem:v1+s1+$0x0] =	vst.idx.add.f32.msk $0xffff, v7  }
0x2dc: {  	v6 =	vld [tilespmem:s7+$0x0]  }
0x2dd: {  	[tilespmem:v4+s1+$0x0] =	vst.idx.add.f32.msk $0xffff, v8;
	s0 =	sor.u32 s22, s9  }
0x2de: {  	s12 =	simm.s32 $0x11570;
	s20 =	sor.u32 $0x5980, s19;
	v7 =	vld [tilespmem:s0+$0x0]  }
0x2df: {  	s13 =	sor.u32 s21, s20;
	[tilespmem:v3+s12+$0x0] =	vst.idx.add.f32.msk $0xffff, v5  }
0x2e0: {  	s1 =	sor.u32 s24, s9;
	v5 =	vld [tilespmem:s13+$0x0]  }
0x2e1: {  	v8 =	vld [tilespmem:s1+$0x0];
	s12 =	simm.s32 $0x11408  }
0x2e2: {  	[tilespmem:v2+s12+$0x0] =	vst.idx.add.f32.msk $0xffff, v6  }
0x2e3: {  	s9 =	sor.u32 s23, s8;
	[tilespmem:v1+s12+$0x0] =	vst.idx.add.f32.msk $0xffff, v7  }
0x2e4: {  	s4 =	sor.u32 $0x6180, s19;
	s13 =	simm.s32 $0x11588;
	v6 =	vld [tilespmem:s9+$0x0]  }
0x2e5: {  	s0 =	sor.u32 s21, s4;
	[tilespmem:v3+s13+$0x0] =	vst.idx.add.f32.msk $0xffff, v5  }
0x2e6: {  	s12 =	sor.u32 s22, s8;
	v5 =	vld [tilespmem:s0+$0x0]  }
0x2e7: {  	s9 =	simm.s32 $0x11408;
	v7 =	vld [tilespmem:s12+$0x0]  }
0x2e8: {  	s8 =	sor.u32 s24, s8;
	[tilespmem:v4+s9+$0x0] =	vst.idx.add.f32.msk $0xffff, v8  }
0x2e9: {  	s9 =	simm.s32 $0x11420;
	v8 =	vld [tilespmem:s8+$0x0]  }
0x2ea: {  	s8 =	sor.u32 $0x6980, s19;
	s13 =	simm.s32 $0x115A0;
	[tilespmem:v2+s9+$0x0] =	vst.idx.add.f32.msk $0xffff, v6  }
0x2eb: {  	s1 =	sor.u32 s21, s8;
	[tilespmem:v3+s13+$0x0] =	vst.idx.add.f32.msk $0xffff, v5  }
0x2ec: {  	v5 =	vld [tilespmem:s1+$0x0]  }
0x2ed: {  	s12 =	simm.s32 $0x11420;
	[tilespmem:v1+s9+$0x0] =	vst.idx.add.f32.msk $0xffff, v7  }
0x2ee: {  	[tilespmem:v4+s12+$0x0] =	vst.idx.add.f32.msk $0xffff, v8;
	s13 =	sor.u32 s23, s6  }
0x2ef: {  	s12 =	sor.u32 s24, s6;
	v6 =	vld [tilespmem:s13+$0x0]  }
0x2f0: {  	s9 =	simm.s32 $0x115B8;
	v7 =	vld [tilespmem:s12+$0x0]  }
0x2f1: {  	s1 =	sor.u32 s22, s6;
	s6 =	sor.u32 $0x7180, s19;
	[tilespmem:v3+s9+$0x0] =	vst.idx.add.f32.msk $0xffff, v5  }
0x2f2: {  	s13 =	sor.u32 s21, s6;
	v5 =	vld [tilespmem:s1+$0x0]  }
0x2f3: {  	s1 =	simm.s32 $0x11438;
	v8 =	vld [tilespmem:s13+$0x0]  }
0x2f4: {  	s9 =	simm.s32 $0x11438;
	[tilespmem:v2+s1+$0x0] =	vst.idx.add.f32.msk $0xffff, v6  }
0x2f5: {  	s0 =	sor.u32 s23, s3;
	[tilespmem:v4+s9+$0x0] =	vst.idx.add.f32.msk $0xffff, v7  }
0x2f6: {  	s12 =	sor.u32 s22, s3;
	s3 =	sor.u32 s24, s3;
	v6 =	vld [tilespmem:s0+$0x0]  }
0x2f7: {  	v7 =	vld [tilespmem:s3+$0x0]  }
0x2f8: {  	[tilespmem:v1+s1+$0x0] =	vst.idx.add.f32.msk $0xffff, v5  }
0x2f9: {  	s13 =	simm.s32 $0x115D0;
	v5 =	vld [tilespmem:s12+$0x0]  }
0x2fa: {  	s1 =	simm.s32 $0x11450;
	[tilespmem:v3+s13+$0x0] =	vst.idx.add.f32.msk $0xffff, v8  }
0x2fb: {  	s0 =	sor.u32 s23, s5;
	[tilespmem:v2+s1+$0x0] =	vst.idx.add.f32.msk $0xffff, v6  }
0x2fc: {  	s7 =	simm.s32 $0x11450;
	v6 =	vld [tilespmem:s0+$0x0]  }
0x2fd: {  	[tilespmem:v4+s7+$0x0] =	vst.idx.add.f32.msk $0xffff, v7  }
0x2fe: {  	[tilespmem:v1+s1+$0x0] =	vst.idx.add.f32.msk $0xffff, v5  }
0x2ff: {  	s9 =	sor.u32 s22, s5;
	s0 =	sld [smem:$0x7DD]  }
0x300: {  	v7 =	vld [tilespmem:s9+$0x0]  }
0x301: {  	s5 =	sor.u32 s24, s5;
	[tilespmem:v2+s29+$0x0] =	vst.idx.add.f32.msk $0xffff, v6  }
0x302: {  	v8 =	vld [tilespmem:s5+$0x0];
	s12 =	sld [smem:$0x7DE];
	s0 =	sor.u32 $0x180, s0  }
0x303: {  	v5 =	vld [tilespmem:s0+$0x10000]  }
0x304: {  	v6 =	vld [tilespmem:s0+$0x0]  }
0x305: {  	s13 =	simm.s32 $0x0;
	s0 =	sor.u32 $0x180, s12;
	[tilespmem:v1+s29+$0x0] =	vst.idx.add.f32.msk $0xffff, v7  }
0x306: {  	s1 =	sor.u32 s13, s13;
	v1 =	vld [tilespmem:s0+$0x10000]  }
0x307: {  	s1 =	sor.u32 $0x180, s1;
	[tilespmem:v4+s29+$0x0] =	vst.idx.add.f32.msk $0xffff, v8  }
0x308: {  	v2 =	vld [tilespmem:s1+$0x10000]  }
0x309: {  	v4 =	vld [tilespmem:s0+$0x0];
	_ =	sdelay $0x1  }
0x30a: {  	v7 =	vld [tilespmem:s1+$0x0]  }
0x30b: {  	s1 =	sor.u32 s23, s18;
	[tilespmem:v5+s30+$0x0] =	vst.idx.add.f32.msk $0xffff, v6  }
0x30c: {  	v6 =	vld [tilespmem:s1+$0x0]  }
0x30d: {  	s3 =	sor.u32 s22, s18;
	[tilespmem:v1+s30+$0x0] =	vst.idx.add.f32.msk $0xffff, v4  }
0x30e: {  	v4 =	vld [tilespmem:s3+$0x0]  }
0x30f: {  	s5 =	sor.u32 s24, s18;
	[tilespmem:v2+s30+$0x0] =	vst.idx.add.f32.msk $0xffff, v7  }
0x310: {  	v7 =	vld [tilespmem:s5+$0x0]  }
0x311: {  	s9 =	sor.u32 s23, s2;
	[tilespmem:v5+s17+$0x0] =	vst.idx.add.f32.msk $0xffff, v6  }
0x312: {  	v6 =	vld [tilespmem:s9+$0x0]  }
0x313: {  	s12 =	sor.u32 s22, s2;
	[tilespmem:v1+s17+$0x0] =	vst.idx.add.f32.msk $0xffff, v4  }
0x314: {  	v4 =	vld [tilespmem:s12+$0x0]  }
0x315: {  	s13 =	sor.u32 s24, s2;
	[tilespmem:v2+s17+$0x0] =	vst.idx.add.f32.msk $0xffff, v7  }
0x316: {  	s18 =	simm.s32 $0x114B0;
	v7 =	vld [tilespmem:s13+$0x0]  }
0x317: {  	s17 =	sor.u32 s23, s25;
	[tilespmem:v5+s18+$0x0] =	vst.idx.add.f32.msk $0xffff, v6  }
0x318: {  	s31 =	sor.u32 s23, s10;
	s7 =	sor.u32 $0x7980, s19;
	v6 =	vld [tilespmem:s17+$0x0]  }
0x319: {  	s19 =	sor.u32 s24, s25;
	s21 =	sor.u32 s21, s7;
	s13 =	sor.u32 s23, s11;
	[tilespmem:v1+s18+$0x0] =	vst.idx.add.f32.msk $0xffff, v4  }
0x31a: {  	v8 =	vld [tilespmem:s21+$0x0];
	s21 =	sor.u32 s24, s10;
	s5 =	sor.u32 s22, s25;
	[smem:$0x7E1] =	sst s13  }
0x31b: {  	s10 =	sor.u32 s22, s10;
	s29 =	sor.u32 s22, s11;
	s12 =	simm.s32 $0x114B0;
	v4 =	vld [tilespmem:s5+$0x0]  }
0x31c: {  	s2 =	sor.u32 s24, s28;
	s1 =	sor.u32 s22, s20;
	s3 =	sor.u32 s24, s14;
	[tilespmem:v2+s12+$0x0] =	vst.idx.add.f32.msk $0xffff, v7  }
0x31d: {  	s13 =	sor.u32 s22, s14;
	s5 =	sor.u32 s23, s14;
	s14 =	simm.s32 $0x114C8;
	v7 =	vld [tilespmem:s19+$0x0]  }
0x31e: {  	s9 =	sor.u32 s24, s11;
	s11 =	sor.u32 s22, s28;
	s25 =	sor.u32 s23, s15;
	[tilespmem:v5+s14+$0x0] =	vst.idx.add.f32.msk $0xffff, v6  }
0x31f: {  	s17 =	sor.u32 s24, s15;
	s12 =	sor.u32 s22, s15;
	s15 =	sor.u32 s23, s28;
	v9 =	vld [tilespmem:s31+$0x0]  }
0x320: {  	s28 =	sor.u32 s24, s20;
	[tilespmem:v1+s14+$0x0] =	vst.idx.add.f32.msk $0xffff, v4;
	s14 =	sor.u32 s23, s20;
	s20 =	sor.u32 s24, s4  }
0x321: {  	v6 =	vld [tilespmem:s10+$0x0];
	[dreg:$0x1b] =	wrdreg s20;
	s20 =	sor.u32 s23, s4  }
0x322: {  	s4 =	sor.u32 s22, s4;
	[smem:$0x7DF] =	sst s20  }
0x323: {  	[dreg:$0x1f] =	wrdreg s4;
	s20 =	simm.s32 $0x114C8  }
0x324: {  	s10 =	sor.u32 s23, s8;
	[tilespmem:v2+s20+$0x0] =	vst.idx.add.f32.msk $0xffff, v7  }
0x325: {  	s20 =	sor.u32 s22, s8;
	v4 =	vld [tilespmem:s21+$0x0];
	[smem:$0x7E0] =	sst s10  }
0x326: {  	s21 =	sor.u32 s24, s8;
	[dreg:$0x1d] =	wrdreg s20  }
0x327: {  	s8 =	sor.u32 s23, s6;
	[dreg:$0x15] =	wrdreg s21  }
0x328: {  	s10 =	sor.u32 s22, s6;
	[dreg:$0x19] =	wrdreg s8  }
0x329: {  	s0 =	sor.u32 s24, s26;
	s21 =	sor.u32 s24, s6;
	[dreg:$0x13] =	wrdreg s10  }
0x32a: {  	s30 =	sor.u32 s23, s16;
	s6 =	simm.s32 $0x114E0;
	[dreg:$0x12] =	wrdreg s21  }
0x32b: {  	s18 =	sor.u32 s22, s16;
	s19 =	sor.u32 s24, s16;
	s16 =	sor.u32 s22, s26;
	[tilespmem:v5+s6+$0x0] =	vst.idx.add.f32.msk $0xffff, v9  }
0x32c: {  	s31 =	sor.u32 s23, s26;
	s20 =	sor.u32 s23, s7;
	s23 =	sld [smem:$0x7E1]  }
0x32d: {  	s21 =	sor.u32 s24, s7;
	s24 =	simm.s32 $0x115E8;
	[dreg:$0x17] =	wrdreg s20  }
0x32e: {  	s26 =	simm.s32 $0x11510;
	s4 =	simm.s32 $0x0;
	s22 =	sor.u32 s22, s7;
	[tilespmem:v3+s24+$0x0] =	vst.idx.add.f32.msk $0xffff, v8  }
0x32f: {  	s8 =	simm.s32 $0x100;
	s10 =	simm.s32 $0x40;
	s7 =	simm.s32 $0x114F8;
	v7 =	vld [tilespmem:s23+$0x0]  }
.LBB2_4:
0x330: {  	_ = 	snop  }
0x331: {  	[smem:$0x788] =	sst s21;
	s20 =	sand.u32 $0x40, s10;
	s21 =	sand.u32 $0x600, s8;
	[tilespmem:v1+s6+$0x0] =	vst.idx.add.f32.msk $0xffff, v6  }
0x332: {  	s24 =	sor.u32 s20, s21;
	v3 =	vld [tilespmem:s29+$0x0]  }
0x333: {  	v6 =	vld [tilespmem:s24+$0x10000]  }
0x334: {  	[tilespmem:v2+s6+$0x0] =	vst.idx.add.f32.msk $0xffff, v4  }
0x335: {  	[tilespmem:v5+s7+$0x0] =	vst.idx.add.f32.msk $0xffff, v7  }
0x336: {  	v4 =	vld [tilespmem:s9+$0x0]  }
0x337: {  	v8 =	vld [tilespmem:s24+$0x0]  }
0x338: {  	[smem:$0x785] =	sst s22;
	[tilespmem:v1+s7+$0x0] =	vst.idx.add.f32.msk $0xffff, v3  }
0x339: {  	[dreg:$0x8] =	wrdreg s10;
	s4 =	sadd.s32 $0x4, s4;
	v3 =	vld [tilespmem:s5+$0x0]  }
0x33a: {  	s10 =	sor.u32 s8, s10;
	[dreg:$0x4] =	wrdreg s4;
	p1 =	slt.u32 s4, $0x1C;
	v7 =	vld [tilespmem:s13+$0x0]  }
0x33b: {  	s4 =	sor.u32 $0x180, s10;
	s10 =	sor.u32 $0x800, s21;
	s9 =	simm.s32 $0x11000;
	[tilespmem:v2+s7+$0x0] =	vst.idx.add.f32.msk $0xffff, v4  }
0x33c: {  	s22 =	sor.u32 $0x10, s20;
	[dreg:$0x11] =	wrdreg s24;
	s24 =	sor.u32 s20, s10;
	[tilespmem:v6+s9+$0x0] =	vst.idx.add.f32.msk $0xffff, v8  }
0x33d: {  	s23 =	sor.u32 s21, s22;
	v4 =	vld [tilespmem:s24+$0x0]  }
0x33e: {  	[smem:$0x782] =	sst s23;
	s23 =	sor.u32 $0x20, s20;
	v8 =	vld [tilespmem:s3+$0x0]  }
0x33f: {  	[dreg:$0x6] =	wrdreg s8;
	s8 =	sor.u32 s21, s23;
	[tilespmem:v5+s26+$0x0] =	vst.idx.add.f32.msk $0xffff, v3  }
0x340: {  	[smem:$0x79F] =	sst s8;
	s8 =	simm.s32 $0x11510;
	v3 =	vld [tilespmem:s25+$0x0]  }
0x341: {  	[tilespmem:v1+s8+$0x0] =	vst.idx.add.f32.msk $0xffff, v7  }
0x342: {  	s9 =	simm.s32 $0x11018;
	s26 =	sor.u32 $0x1000, s21;
	v7 =	vld [tilespmem:s12+$0x0]  }
0x343: {  	s13 =	sor.u32 s20, s26;
	[tilespmem:v6+s9+$0x0] =	vst.idx.add.f32.msk $0xffff, v4  }
0x344: {  	v4 =	vld [tilespmem:s13+$0x0]  }
0x345: {  	s12 =	simm.s32 $0x11528;
	[tilespmem:v2+s8+$0x0] =	vst.idx.add.f32.msk $0xffff, v8  }
0x346: {  	[tilespmem:v5+s12+$0x0] =	vst.idx.add.f32.msk $0xffff, v3  }
0x347: {  	v8 =	vld [tilespmem:s17+$0x0]  }
0x348: {  	[tilespmem:v1+s12+$0x0] =	vst.idx.add.f32.msk $0xffff, v7  }
0x349: {  	s6 =	sor.u32 s22, s10;
	s5 =	simm.s32 $0x11030;
	s8 =	sor.u32 $0x1800, s21;
	v3 =	vld [tilespmem:s30+$0x0]  }
0x34a: {  	[smem:$0x783] =	sst s6;
	s6 =	sor.u32 s20, s8;
	[tilespmem:v6+s5+$0x0] =	vst.idx.add.f32.msk $0xffff, v4  }
0x34b: {  	v4 =	vld [tilespmem:s6+$0x0]  }
0x34c: {  	v7 =	vld [tilespmem:s18+$0x0]  }
0x34d: {  	[tilespmem:v2+s12+$0x0] =	vst.idx.add.f32.msk $0xffff, v8;
	s6 =	simm.s32 $0x11540  }
0x34e: {  	[tilespmem:v5+s6+$0x0] =	vst.idx.add.f32.msk $0xffff, v3  }
0x34f: {  	s24 =	sor.u32 s22, s26;
	s13 =	simm.s32 $0x11048;
	s17 =	sor.u32 $0x2000, s21;
	v3 =	vld [tilespmem:s31+$0x0]  }
0x350: {  	[smem:$0x786] =	sst s24;
	s24 =	sor.u32 s20, s17;
	[tilespmem:v6+s13+$0x0] =	vst.idx.add.f32.msk $0xffff, v4  }
0x351: {  	v4 =	vld [tilespmem:s24+$0x0]  }
0x352: {  	[tilespmem:v1+s6+$0x0] =	vst.idx.add.f32.msk $0xffff, v7  }
0x353: {  	[dreg:$0xb] =	wrdreg s4;
	s4 =	simm.s32 $0x11558;
	s7 =	sor.u32 s23, s10;
	v7 =	vld [tilespmem:s16+$0x0]  }
0x354: {  	[smem:$0x784] =	sst s7;
	s7 =	sor.u32 s22, s8;
	s9 =	sor.u32 s23, s8;
	v8 =	vld [tilespmem:s19+$0x0]  }
0x355: {  	[smem:$0x789] =	sst s7;
	s7 =	simm.s32 $0x11060;
	s19 =	sor.u32 $0x2800, s21;
	[tilespmem:v5+s4+$0x0] =	vst.idx.add.f32.msk $0xffff, v3  }
0x356: {  	[smem:$0x78A] =	sst s9;
	s9 =	sor.u32 s20, s19;
	[tilespmem:v6+s7+$0x0] =	vst.idx.add.f32.msk $0xffff, v4  }
0x357: {  	v4 =	vld [tilespmem:s9+$0x0]  }
0x358: {  	[tilespmem:v1+s4+$0x0] =	vst.idx.add.f32.msk $0xffff, v7  }
0x359: {  	v3 =	vld [tilespmem:s15+$0x0]  }
0x35a: {  	[tilespmem:v2+s6+$0x0] =	vst.idx.add.f32.msk $0xffff, v8  }
0x35b: {  	s31 =	simm.s32 $0x11078;
	s7 =	sor.u32 $0x3000, s21;
	v8 =	vld [tilespmem:s0+$0x0]  }
0x35c: {  	s18 =	sor.u32 s20, s7;
	[tilespmem:v6+s31+$0x0] =	vst.idx.add.f32.msk $0xffff, v4  }
0x35d: {  	s13 =	sor.u32 s23, s19;
	v4 =	vld [tilespmem:s18+$0x0]  }
0x35e: {  	[smem:$0x78E] =	sst s13;
	v7 =	vld [tilespmem:s11+$0x0];
	s13 =	simm.s32 $0x11570  }
0x35f: {  	[tilespmem:v5+s13+$0x0] =	vst.idx.add.f32.msk $0xffff, v3  }
0x360: {  	v3 =	vld [tilespmem:s14+$0x0]  }
0x361: {  	s30 =	simm.s32 $0x11090;
	s5 =	sor.u32 s23, s17;
	s6 =	sor.u32 $0x3800, s21;
	[tilespmem:v2+s4+$0x0] =	vst.idx.add.f32.msk $0xffff, v8  }
0x362: {  	[smem:$0x78C] =	sst s5;
	s5 =	sor.u32 s20, s6;
	[tilespmem:v6+s30+$0x0] =	vst.idx.add.f32.msk $0xffff, v4  }
0x363: {  	v4 =	vld [tilespmem:s5+$0x0]  }
0x364: {  	[tilespmem:v1+s13+$0x0] =	vst.idx.add.f32.msk $0xffff, v7  }
0x365: {  	s3 =	simm.s32 $0x11588;
	v7 =	vld [tilespmem:s1+$0x0]  }
0x366: {  	s9 =	sor.u32 s22, s6;
	[tilespmem:v5+s3+$0x0] =	vst.idx.add.f32.msk $0xffff, v3  }
0x367: {  	s29 =	simm.s32 $0x110A8;
	[smem:$0x791] =	sst s9;
	v8 =	vld [tilespmem:s2+$0x0];
	s5 =	sor.u32 $0x4000, s21  }
0x368: {  	s9 =	sld [smem:$0x7DF];
	s15 =	sor.u32 s20, s5;
	[tilespmem:v6+s29+$0x0] =	vst.idx.add.f32.msk $0xffff, v4  }
0x369: {  	s25 =	sor.u32 s23, s26;
	v4 =	vld [tilespmem:s15+$0x0]  }
0x36a: {  	[smem:$0x787] =	sst s25;
	s24 =	sor.u32 s22, s7;
	[tilespmem:v1+s3+$0x0] =	vst.idx.add.f32.msk $0xffff, v7  }
0x36b: {  	[smem:$0x78F] =	sst s24;
	v3 =	vld [tilespmem:s9+$0x0]  }
0x36c: {  	s14 =	rddreg [dreg:$0x1f];
	[tilespmem:v2+s13+$0x0] =	vst.idx.add.f32.msk $0xffff, v8  }
0x36d: {  	s4 =	sor.u32 $0x4800, s21;
	s18 =	sor.u32 s23, s5;
	v8 =	vld [tilespmem:s28+$0x0];
	s28 =	simm.s32 $0x110C0  }
0x36e: {  	s24 =	sor.u32 s20, s4;
	[smem:$0x794] =	sst s18;
	[tilespmem:v6+s28+$0x0] =	vst.idx.add.f32.msk $0xffff, v4  }
0x36f: {  	s16 =	sor.u32 s22, s5;
	s18 =	sld [smem:$0x7E0];
	v4 =	vld [tilespmem:s24+$0x0]  }
0x370: {  	s25 =	sor.u32 s22, s17;
	v7 =	vld [tilespmem:s14+$0x0];
	[smem:$0x793] =	sst s16;
	s16 =	simm.s32 $0x115A0  }
0x371: {  	[smem:$0x78B] =	sst s25;
	s25 =	sor.u32 s23, s7;
	[tilespmem:v5+s16+$0x0] =	vst.idx.add.f32.msk $0xffff, v3  }
0x372: {  	[smem:$0x790] =	sst s25;
	s25 =	sor.u32 s22, s4;
	v3 =	vld [tilespmem:s18+$0x0]  }
0x373: {  	[smem:$0x795] =	sst s25;
	s25 =	simm.s32 $0x110D8;
	[tilespmem:v2+s3+$0x0] =	vst.idx.add.f32.msk $0xffff, v8;
	s3 =	sor.u32 $0x5000, s21  }
0x374: {  	s11 =	sor.u32 s20, s3;
	[tilespmem:v6+s25+$0x0] =	vst.idx.add.f32.msk $0xffff, v4  }
0x375: {  	s13 =	sor.u32 s23, s3;
	v4 =	vld [tilespmem:s11+$0x0]  }
0x376: {  	s1 =	simm.s32 $0x115B8;
	[tilespmem:v1+s16+$0x0] =	vst.idx.add.f32.msk $0xffff, v7;
	[smem:$0x798] =	sst s13  }
0x377: {  	[tilespmem:v5+s1+$0x0] =	vst.idx.add.f32.msk $0xffff, v3;
	s13 =	rddreg [dreg:$0x1d]  }
0x378: {  	s2 =	sor.u32 s23, s4;
	s15 =	rddreg [dreg:$0x1b];
	v7 =	vld [tilespmem:s13+$0x0]  }
0x379: {  	[smem:$0x796] =	sst s2;
	s2 =	sor.u32 $0x5800, s21;
	s18 =	simm.s32 $0x110F0;
	v8 =	vld [tilespmem:s15+$0x0]  }
0x37a: {  	s24 =	sor.u32 s20, s2;
	[tilespmem:v6+s18+$0x0] =	vst.idx.add.f32.msk $0xffff, v4  }
0x37b: {  	s9 =	rddreg [dreg:$0x19];
	v4 =	vld [tilespmem:s24+$0x0]  }
0x37c: {  	v3 =	vld [tilespmem:s9+$0x0]  }
0x37d: {  	[tilespmem:v1+s1+$0x0] =	vst.idx.add.f32.msk $0xffff, v7  }
0x37e: {  	s12 =	sor.u32 s22, s19;
	s14 =	rddreg [dreg:$0x15];
	[tilespmem:v2+s16+$0x0] =	vst.idx.add.f32.msk $0xffff, v8  }
0x37f: {  	s0 =	sld [smem:$0x79F];
	s13 =	sor.u32 $0x6000, s21;
	v8 =	vld [tilespmem:s14+$0x0];
	s14 =	simm.s32 $0x11108  }
0x380: {  	[smem:$0x78D] =	sst s12;
	s12 =	sor.u32 s23, s6;
	s15 =	sor.u32 s20, s13;
	[tilespmem:v6+s14+$0x0] =	vst.idx.add.f32.msk $0xffff, v4  }
0x381: {  	[smem:$0x792] =	sst s12;
	v4 =	vld [tilespmem:s15+$0x0]  }
0x382: {  	s9 =	rddreg [dreg:$0x12];
	s12 =	sor.u32 s22, s3;
	v9 =	vld [tilespmem:s0+$0x10000]  }
0x383: {  	[smem:$0x797] =	sst s12;
	v13 =	vld [tilespmem:s0+$0x0]  }
0x384: {  	s12 =	sor.u32 s23, s2;
	s11 =	sor.u32 s22, s2;
	[tilespmem:v2+s1+$0x0] =	vst.idx.add.f32.msk $0xffff, v8;
	s1 =	rddreg [dreg:$0x13]  }
0x385: {  	[smem:$0x799] =	sst s11;
	s11 =	sor.u32 $0x6800, s21;
	s15 =	simm.s32 $0x11120;
	v11 =	vld [tilespmem:s1+$0x0]  }
0x386: {  	[smem:$0x79A] =	sst s12;
	s12 =	sor.u32 s20, s11;
	s24 =	sor.u32 s23, s13;
	[tilespmem:v6+s15+$0x0] =	vst.idx.add.f32.msk $0xffff, v4  }
0x387: {  	[smem:$0x79C] =	sst s24;
	s24 =	sor.u32 s23, s11;
	v4 =	vld [tilespmem:s12+$0x0]  }
0x388: {  	[smem:$0x79E] =	sst s24;
	s24 =	sor.u32 $0x30, s20;
	v12 =	vld [tilespmem:s9+$0x0];
	s12 =	simm.s32 $0x115D0  }
0x389: {  	s9 =	sor.u32 s21, s24;
	[tilespmem:v5+s12+$0x0] =	vst.idx.add.f32.msk $0xffff, v3  }
0x38a: {  	s16 =	sor.u32 s22, s13;
	s1 =	simm.s32 $0x115D0;
	v8 =	vld [tilespmem:s9+$0x10000];
	s12 =	sld [smem:$0x782]  }
0x38b: {  	[smem:$0x79B] =	sst s16;
	s16 =	sor.u32 s22, s11;
	[tilespmem:v1+s1+$0x0] =	vst.idx.add.f32.msk $0xffff, v11  }
0x38c: {  	[smem:$0x79D] =	sst s16;
	v3 =	vld [tilespmem:s9+$0x0]  }
0x38d: {  	s16 =	rddreg [dreg:$0x17];
	v7 =	vld [tilespmem:s12+$0x10000]  }
0x38e: {  	v10 =	vld [tilespmem:s16+$0x0];
	s16 =	simm.s32 $0x11138  }
0x38f: {  	[tilespmem:v6+s16+$0x0] =	vst.idx.add.f32.msk $0xffff, v4  }
0x390: {  	v4 =	vld [tilespmem:s12+$0x0]  }
0x391: {  	[tilespmem:v2+s1+$0x0] =	vst.idx.add.f32.msk $0xffff, v12;
	s1 =	simm.s32 $0x11000  }
0x392: {  	s10 =	sor.u32 s24, s10;
	[tilespmem:v8+s1+$0x0] =	vst.idx.add.f32.msk $0xffff, v3  }
0x393: {  	v3 =	vld [tilespmem:s10+$0x0];
	s10 =	simm.s32 $0x11000  }
0x394: {  	[tilespmem:v9+s10+$0x0] =	vst.idx.add.f32.msk $0xffff, v13;
	s10 =	sld [smem:$0x784]  }
0x395: {  	[tilespmem:v7+s1+$0x0] =	vst.idx.add.f32.msk $0xffff, v4;
	s1 =	sld [smem:$0x783];
	_ =	sdelay $0x1  }
0x396: {  	v11 =	vld [tilespmem:s10+$0x0]  }
0x397: {  	v4 =	vld [tilespmem:s1+$0x0];
	s1 =	simm.s32 $0x11018  }
0x398: {  	s0 =	sor.u32 s24, s26;
	s10 =	sld [smem:$0x785];
	[tilespmem:v8+s1+$0x0] =	vst.idx.add.f32.msk $0xffff, v3  }
0x399: {  	v42 =	vld [tilespmem:s0+$0x0];
	_ =	sdelay $0x1  }
0x39a: {  	v3 =	vld [tilespmem:s10+$0x0]  }
0x39b: {  	s26 =	simm.s32 $0x11018;
	[tilespmem:v7+s1+$0x0] =	vst.idx.add.f32.msk $0xffff, v4;
	s1 =	sld [smem:$0x786]  }
0x39c: {  	s10 =	simm.s32 $0x11030;
	[tilespmem:v9+s26+$0x0] =	vst.idx.add.f32.msk $0xffff, v11  }
0x39d: {  	[tilespmem:v8+s10+$0x0] =	vst.idx.add.f32.msk $0xffff, v42  }
0x39e: {  	s8 =	sor.u32 s24, s8;
	v43 =	vld [tilespmem:s1+$0x0]  }
0x39f: {  	s26 =	sld [smem:$0x787];
	v12 =	vld [tilespmem:s8+$0x0];
	_ =	sdelay $0x2  }
0x3a0: {  	v13 =	vld [tilespmem:s26+$0x0]  }
0x3a1: {  	s1 =	simm.s32 $0x11048;
	[tilespmem:v7+s10+$0x0] =	vst.idx.add.f32.msk $0xffff, v43;
	s10 =	sld [smem:$0x789]  }
0x3a2: {  	s26 =	sor.u32 s24, s17;
	[tilespmem:v8+s1+$0x0] =	vst.idx.add.f32.msk $0xffff, v12  }
0x3a3: {  	v12 =	vld [tilespmem:s26+$0x0]  }
0x3a4: {  	v11 =	vld [tilespmem:s10+$0x0];
	s10 =	sld [smem:$0x78A]  }
0x3a5: {  	s0 =	simm.s32 $0x11030  }
0x3a6: {  	[tilespmem:v9+s0+$0x0] =	vst.idx.add.f32.msk $0xffff, v13  }
0x3a7: {  	s26 =	simm.s32 $0x11060;
	v13 =	vld [tilespmem:s10+$0x0]  }
0x3a8: {  	s17 =	sld [smem:$0x78B];
	[tilespmem:v8+s26+$0x0] =	vst.idx.add.f32.msk $0xffff, v12;
	s10 =	sor.u32 s24, s19  }
0x3a9: {  	v12 =	vld [tilespmem:s10+$0x0]  }
0x3aa: {  	[tilespmem:v7+s1+$0x0] =	vst.idx.add.f32.msk $0xffff, v11  }
0x3ab: {  	v11 =	vld [tilespmem:s17+$0x0];
	s17 =	sld [smem:$0x78C]  }
0x3ac: {  	s0 =	simm.s32 $0x11048  }
0x3ad: {  	[tilespmem:v9+s0+$0x0] =	vst.idx.add.f32.msk $0xffff, v13  }
0x3ae: {  	v13 =	vld [tilespmem:s17+$0x0]  }
0x3af: {  	s8 =	sld [smem:$0x788];
	[tilespmem:v8+s31+$0x0] =	vst.idx.add.f32.msk $0xffff, v12  }
0x3b0: {  	s7 =	sor.u32 s24, s7;
	[tilespmem:v7+s26+$0x0] =	vst.idx.add.f32.msk $0xffff, v11;
	s26 =	sld [smem:$0x78D]  }
0x3b1: {  	v12 =	vld [tilespmem:s7+$0x0]  }
0x3b2: {  	v4 =	vld [tilespmem:s8+$0x0];
	s8 =	sld [smem:$0x78E]  }
0x3b3: {  	s19 =	simm.s32 $0x11060;
	v11 =	vld [tilespmem:s26+$0x0]  }
0x3b4: {  	[tilespmem:v9+s19+$0x0] =	vst.idx.add.f32.msk $0xffff, v13  }
0x3b5: {  	v13 =	vld [tilespmem:s8+$0x0]  }
0x3b6: {  	s6 =	sor.u32 s24, s6;
	s10 =	sld [smem:$0x78F];
	[tilespmem:v8+s30+$0x0] =	vst.idx.add.f32.msk $0xffff, v12  }
0x3b7: {  	v12 =	vld [tilespmem:s6+$0x0]  }
0x3b8: {  	s17 =	sld [smem:$0x790];
	[tilespmem:v7+s31+$0x0] =	vst.idx.add.f32.msk $0xffff, v11  }
0x3b9: {  	v11 =	vld [tilespmem:s10+$0x0]  }
0x3ba: {  	[tilespmem:v9+s31+$0x0] =	vst.idx.add.f32.msk $0xffff, v13  }
0x3bb: {  	v13 =	vld [tilespmem:s17+$0x0]  }
0x3bc: {  	s5 =	sor.u32 s24, s5;
	s19 =	sld [smem:$0x791];
	[tilespmem:v8+s29+$0x0] =	vst.idx.add.f32.msk $0xffff, v12  }
0x3bd: {  	v12 =	vld [tilespmem:s5+$0x0]  }
0x3be: {  	s26 =	sld [smem:$0x792];
	[tilespmem:v7+s30+$0x0] =	vst.idx.add.f32.msk $0xffff, v11  }
0x3bf: {  	v11 =	vld [tilespmem:s19+$0x0]  }
0x3c0: {  	[tilespmem:v9+s30+$0x0] =	vst.idx.add.f32.msk $0xffff, v13  }
0x3c1: {  	v13 =	vld [tilespmem:s26+$0x0]  }
0x3c2: {  	s4 =	sor.u32 s24, s4;
	s1 =	sld [smem:$0x793];
	[tilespmem:v8+s28+$0x0] =	vst.idx.add.f32.msk $0xffff, v12  }
0x3c3: {  	v12 =	vld [tilespmem:s4+$0x0]  }
0x3c4: {  	s4 =	sld [smem:$0x794];
	[tilespmem:v7+s29+$0x0] =	vst.idx.add.f32.msk $0xffff, v11  }
0x3c5: {  	v11 =	vld [tilespmem:s1+$0x0]  }
0x3c6: {  	[tilespmem:v9+s29+$0x0] =	vst.idx.add.f32.msk $0xffff, v13  }
0x3c7: {  	v13 =	vld [tilespmem:s4+$0x0]  }
0x3c8: {  	s3 =	sor.u32 s24, s3;
	s5 =	sld [smem:$0x795];
	[tilespmem:v8+s25+$0x0] =	vst.idx.add.f32.msk $0xffff, v12  }
0x3c9: {  	v12 =	vld [tilespmem:s3+$0x0]  }
0x3ca: {  	s6 =	sld [smem:$0x796];
	[tilespmem:v7+s28+$0x0] =	vst.idx.add.f32.msk $0xffff, v11  }
0x3cb: {  	v11 =	vld [tilespmem:s5+$0x0]  }
0x3cc: {  	[tilespmem:v9+s28+$0x0] =	vst.idx.add.f32.msk $0xffff, v13  }
0x3cd: {  	v13 =	vld [tilespmem:s6+$0x0]  }
0x3ce: {  	s2 =	sor.u32 s24, s2;
	s7 =	sld [smem:$0x797];
	[tilespmem:v8+s18+$0x0] =	vst.idx.add.f32.msk $0xffff, v12  }
0x3cf: {  	v12 =	vld [tilespmem:s2+$0x0]  }
0x3d0: {  	s8 =	sld [smem:$0x798];
	[tilespmem:v7+s25+$0x0] =	vst.idx.add.f32.msk $0xffff, v11  }
0x3d1: {  	v11 =	vld [tilespmem:s7+$0x0]  }
0x3d2: {  	[tilespmem:v9+s25+$0x0] =	vst.idx.add.f32.msk $0xffff, v13  }
0x3d3: {  	v13 =	vld [tilespmem:s8+$0x0]  }
0x3d4: {  	s10 =	sld [smem:$0x799];
	s17 =	sor.u32 s24, s13;
	[tilespmem:v8+s14+$0x0] =	vst.idx.add.f32.msk $0xffff, v12  }
0x3d5: {  	v12 =	vld [tilespmem:s17+$0x0]  }
0x3d6: {  	[tilespmem:v7+s18+$0x0] =	vst.idx.add.f32.msk $0xffff, v11  }
0x3d7: {  	s19 =	sld [smem:$0x79A];
	v11 =	vld [tilespmem:s10+$0x0];
	_ =	sdelay $0x1  }
0x3d8: {  	[tilespmem:v9+s18+$0x0] =	vst.idx.add.f32.msk $0xffff, v13  }
0x3d9: {  	s25 =	sld [smem:$0x79B];
	v13 =	vld [tilespmem:s19+$0x0]  }
0x3da: {  	[tilespmem:v8+s15+$0x0] =	vst.idx.add.f32.msk $0xffff, v12  }
0x3db: {  	[tilespmem:v7+s14+$0x0] =	vst.idx.add.f32.msk $0xffff, v11  }
0x3dc: {  	s26 =	sor.u32 s24, s11;
	v11 =	vld [tilespmem:s25+$0x0]  }
0x3dd: {  	s1 =	sld [smem:$0x79C];
	v12 =	vld [tilespmem:s26+$0x0];
	_ =	sdelay $0x1  }
0x3de: {  	[tilespmem:v9+s14+$0x0] =	vst.idx.add.f32.msk $0xffff, v13  }
0x3df: {  	v13 =	vld [tilespmem:s1+$0x0]  }
0x3e0: {  	s2 =	sor.u32 $0x7000, s21;
	[tilespmem:v7+s15+$0x0] =	vst.idx.add.f32.msk $0xffff, v11  }
0x3e1: {  	s4 =	sor.u32 s20, s2;
	[tilespmem:v8+s16+$0x0] =	vst.idx.add.f32.msk $0xffff, v12  }
0x3e2: {  	s7 =	sor.u32 s24, s2;
	s3 =	sld [smem:$0x79D];
	v14 =	vld [tilespmem:s4+$0x0]  }
0x3e3: {  	s8 =	sld [smem:$0x79E];
	v12 =	vld [tilespmem:s7+$0x0]  }
0x3e4: {  	[tilespmem:v9+s15+$0x0] =	vst.idx.add.f32.msk $0xffff, v13  }
0x3e5: {  	v11 =	vld [tilespmem:s3+$0x0]  }
0x3e6: {  	s14 =	simm.s32 $0x11150;
	v13 =	vld [tilespmem:s8+$0x0]  }
0x3e7: {  	s10 =	sor.u32 $0x7800, s21;
	[tilespmem:v6+s14+$0x0] =	vst.idx.add.f32.msk $0xffff, v14  }
0x3e8: {  	s15 =	sor.u32 s24, s10;
	[tilespmem:v8+s14+$0x0] =	vst.idx.add.f32.msk $0xffff, v12  }
0x3e9: {  	v12 =	vld [tilespmem:s15+$0x0]  }
0x3ea: {  	[tilespmem:v7+s16+$0x0] =	vst.idx.add.f32.msk $0xffff, v11  }
0x3eb: {  	s6 =	sor.u32 s22, s2;
	[tilespmem:v9+s16+$0x0] =	vst.idx.add.f32.msk $0xffff, v13  }
0x3ec: {  	s0 =	sor.u32 s23, s2;
	v11 =	vld [tilespmem:s6+$0x0]  }
0x3ed: {  	s11 =	sor.u32 s20, s10;
	v13 =	vld [tilespmem:s0+$0x0]  }
0x3ee: {  	v14 =	vld [tilespmem:s11+$0x0];
	s16 =	simm.s32 $0x11168  }
0x3ef: {  	[tilespmem:v8+s16+$0x0] =	vst.idx.add.f32.msk $0xffff, v12  }
0x3f0: {  	v8 =	vld [tilespmem:s9+$0x10080]  }
0x3f1: {  	[tilespmem:v7+s14+$0x0] =	vst.idx.add.f32.msk $0xffff, v11  }
0x3f2: {  	s13 =	sor.u32 s22, s10;
	[tilespmem:v9+s14+$0x0] =	vst.idx.add.f32.msk $0xffff, v13  }
0x3f3: {  	s3 =	sor.u32 s23, s10;
	v45 =	vld [tilespmem:s13+$0x0]  }
0x3f4: {  	v13 =	vld [tilespmem:s3+$0x0]  }
0x3f5: {  	v44 =	vld [tilespmem:s9+$0x80]  }
0x3f6: {  	s18 =	simm.s32 $0x115E8;
	[tilespmem:v6+s16+$0x0] =	vst.idx.add.f32.msk $0xffff, v14  }
0x3f7: {  	[tilespmem:v5+s18+$0x0] =	vst.idx.add.f32.msk $0xffff, v10  }
0x3f8: {  	[tilespmem:v7+s16+$0x0] =	vst.idx.add.f32.msk $0xffff, v45  }
0x3f9: {  	s5 =	simm.s32 $0x11180;
	s11 =	sld [smem:$0x79F];
	[tilespmem:v9+s16+$0x0] =	vst.idx.add.f32.msk $0xffff, v13  }
0x3fa: {  	[tilespmem:v8+s5+$0x0] =	vst.idx.add.f32.msk $0xffff, v44  }
0x3fb: {  	s17 =	sor.u32 $0x880, s21;
	v5 =	vld [tilespmem:s12+$0x10080]  }
0x3fc: {  	s25 =	sor.u32 s24, s17;
	v7 =	vld [tilespmem:s11+$0x10080]  }
0x3fd: {  	v46 =	vld [tilespmem:s25+$0x0]  }
0x3fe: {  	v48 =	vld [tilespmem:s12+$0x80]  }
0x3ff: {  	v49 =	vld [tilespmem:s11+$0x80];
	s12 =	rddreg [dreg:$0x11]  }
0x400: {  	v6 =	vld [tilespmem:s12+$0x10080]  }
0x401: {  	s8 =	sor.u32 $0x1080, s21;
	s14 =	simm.s32 $0x11198;
	v50 =	vld [tilespmem:s12+$0x80]  }
0x402: {  	s9 =	sor.u32 s24, s8;
	[tilespmem:v8+s14+$0x0] =	vst.idx.add.f32.msk $0xffff, v46  }
0x403: {  	v47 =	vld [tilespmem:s9+$0x0]  }
0x404: {  	[tilespmem:v5+s5+$0x0] =	vst.idx.add.f32.msk $0xffff, v48  }
0x405: {  	s19 =	sor.u32 s22, s17;
	[tilespmem:v7+s5+$0x0] =	vst.idx.add.f32.msk $0xffff, v49  }
0x406: {  	s26 =	sor.u32 s23, s17;
	v10 =	vld [tilespmem:s19+$0x0]  }
0x407: {  	s15 =	simm.s32 $0x111B0;
	s16 =	sor.u32 $0x1880, s21;
	v11 =	vld [tilespmem:s26+$0x0]  }
0x408: {  	s3 =	sor.u32 s20, s17;
	s17 =	sor.u32 s24, s16;
	[tilespmem:v8+s15+$0x0] =	vst.idx.add.f32.msk $0xffff, v47  }
0x409: {  	v9 =	vld [tilespmem:s17+$0x0]  }
0x40a: {  	[tilespmem:v6+s5+$0x0] =	vst.idx.add.f32.msk $0xffff, v50  }
0x40b: {  	v12 =	vld [tilespmem:s3+$0x0]  }
0x40c: {  	[tilespmem:v5+s14+$0x0] =	vst.idx.add.f32.msk $0xffff, v10  }
0x40d: {  	s18 =	sor.u32 $0x2080, s21;
	s17 =	simm.s32 $0x111C8;
	[tilespmem:v7+s14+$0x0] =	vst.idx.add.f32.msk $0xffff, v11  }
0x40e: {  	s19 =	sor.u32 s24, s18;
	[tilespmem:v8+s17+$0x0] =	vst.idx.add.f32.msk $0xffff, v9  }
0x40f: {  	v9 =	vld [tilespmem:s19+$0x0]  }
0x410: {  	s7 =	sor.u32 s22, s8;
	[tilespmem:v6+s14+$0x0] =	vst.idx.add.f32.msk $0xffff, v12  }
0x411: {  	s10 =	sor.u32 s23, s8;
	v10 =	vld [tilespmem:s7+$0x0]  }
0x412: {  	s2 =	sor.u32 s20, s8;
	v11 =	vld [tilespmem:s10+$0x0]  }
0x413: {  	s25 =	sor.u32 $0x2880, s21;
	v12 =	vld [tilespmem:s2+$0x0];
	s19 =	simm.s32 $0x111E0  }
0x414: {  	s26 =	sor.u32 s24, s25;
	[tilespmem:v8+s19+$0x0] =	vst.idx.add.f32.msk $0xffff, v9  }
0x415: {  	v9 =	vld [tilespmem:s26+$0x0]  }
0x416: {  	[tilespmem:v5+s15+$0x0] =	vst.idx.add.f32.msk $0xffff, v10  }
0x417: {  	s4 =	sor.u32 s22, s16;
	[tilespmem:v7+s15+$0x0] =	vst.idx.add.f32.msk $0xffff, v11  }
0x418: {  	s6 =	sor.u32 s23, s16;
	s8 =	sor.u32 s20, s25;
	s13 =	sor.u32 s22, s25;
	v10 =	vld [tilespmem:s4+$0x0]  }
0x419: {  	s12 =	sor.u32 s23, s25;
	s25 =	simm.s32 $0x111F8;
	s7 =	sor.u32 $0x3080, s21;
	v11 =	vld [tilespmem:s6+$0x0]  }
0x41a: {  	s10 =	sor.u32 s24, s7;
	[tilespmem:v8+s25+$0x0] =	vst.idx.add.f32.msk $0xffff, v9  }
0x41b: {  	v9 =	vld [tilespmem:s10+$0x0]  }
0x41c: {  	s0 =	sor.u32 s20, s16;
	[tilespmem:v6+s15+$0x0] =	vst.idx.add.f32.msk $0xffff, v12  }
0x41d: {  	v12 =	vld [tilespmem:s0+$0x0]  }
0x41e: {  	[tilespmem:v5+s17+$0x0] =	vst.idx.add.f32.msk $0xffff, v10  }
0x41f: {  	s31 =	simm.s32 $0x11210;
	s14 =	sor.u32 $0x3880, s21;
	[tilespmem:v7+s17+$0x0] =	vst.idx.add.f32.msk $0xffff, v11  }
0x420: {  	s26 =	sor.u32 s24, s14;
	[tilespmem:v8+s31+$0x0] =	vst.idx.add.f32.msk $0xffff, v9  }
0x421: {  	v9 =	vld [tilespmem:s26+$0x0]  }
0x422: {  	s1 =	sor.u32 s22, s18;
	[tilespmem:v6+s17+$0x0] =	vst.idx.add.f32.msk $0xffff, v12  }
0x423: {  	s9 =	sor.u32 s23, s18;
	v10 =	vld [tilespmem:s1+$0x0]  }
0x424: {  	s11 =	sor.u32 s20, s18;
	s2 =	sor.u32 s20, s14;
	s5 =	sor.u32 s22, s14;
	v11 =	vld [tilespmem:s9+$0x0]  }
0x425: {  	s4 =	sor.u32 s23, s14;
	s0 =	simm.s32 $0x11228;
	s14 =	sor.u32 $0x4080, s21;
	v12 =	vld [tilespmem:s11+$0x0]  }
0x426: {  	s15 =	sor.u32 s24, s14;
	[tilespmem:v8+s0+$0x0] =	vst.idx.add.f32.msk $0xffff, v9  }
0x427: {  	v9 =	vld [tilespmem:s15+$0x0]  }
0x428: {  	[tilespmem:v5+s19+$0x0] =	vst.idx.add.f32.msk $0xffff, v10  }
0x429: {  	[tilespmem:v7+s19+$0x0] =	vst.idx.add.f32.msk $0xffff, v11  }
0x42a: {  	v10 =	vld [tilespmem:s13+$0x0]  }
0x42b: {  	s17 =	sor.u32 $0x4880, s21;
	s1 =	simm.s32 $0x11240;
	v11 =	vld [tilespmem:s12+$0x0]  }
0x42c: {  	s6 =	sor.u32 s24, s17;
	[tilespmem:v8+s1+$0x0] =	vst.idx.add.f32.msk $0xffff, v9  }
0x42d: {  	v9 =	vld [tilespmem:s6+$0x0]  }
0x42e: {  	[tilespmem:v6+s19+$0x0] =	vst.idx.add.f32.msk $0xffff, v12  }
0x42f: {  	v12 =	vld [tilespmem:s8+$0x0]  }
0x430: {  	s3 =	sor.u32 s20, s7;
	s16 =	sor.u32 s22, s7;
	[tilespmem:v5+s25+$0x0] =	vst.idx.add.f32.msk $0xffff, v10  }
0x431: {  	s18 =	sor.u32 s23, s7;
	s7 =	sor.u32 $0x5080, s21;
	[tilespmem:v7+s25+$0x0] =	vst.idx.add.f32.msk $0xffff, v11;
	s6 =	simm.s32 $0x11258  }
0x432: {  	s11 =	sor.u32 s24, s7;
	[tilespmem:v8+s6+$0x0] =	vst.idx.add.f32.msk $0xffff, v9  }
0x433: {  	v9 =	vld [tilespmem:s11+$0x0]  }
0x434: {  	[tilespmem:v6+s25+$0x0] =	vst.idx.add.f32.msk $0xffff, v12  }
0x435: {  	s29 =	sor.u32 s20, s14;
	s28 =	sor.u32 s22, s14;
	v10 =	vld [tilespmem:s16+$0x0]  }
0x436: {  	s10 =	sor.u32 s20, s7;
	s13 =	sor.u32 s22, s7;
	s19 =	sor.u32 $0x5880, s21;
	v11 =	vld [tilespmem:s18+$0x0]  }
0x437: {  	s26 =	sor.u32 s23, s14;
	s14 =	sor.u32 s23, s7;
	s7 =	simm.s32 $0x11270;
	v12 =	vld [tilespmem:s3+$0x0]  }
0x438: {  	s12 =	sor.u32 s24, s19;
	[tilespmem:v8+s7+$0x0] =	vst.idx.add.f32.msk $0xffff, v9  }
0x439: {  	v9 =	vld [tilespmem:s12+$0x0]  }
0x43a: {  	[tilespmem:v5+s31+$0x0] =	vst.idx.add.f32.msk $0xffff, v10  }
0x43b: {  	[smem:$0x7A0] =	sst s10;
	s10 =	sor.u32 s20, s19;
	[tilespmem:v7+s31+$0x0] =	vst.idx.add.f32.msk $0xffff, v11  }
0x43c: {  	[smem:$0x7A2] =	sst s10;
	s10 =	simm.s32 $0x11288;
	v10 =	vld [tilespmem:s5+$0x0]  }
0x43d: {  	s15 =	sor.u32 s23, s19;
	v11 =	vld [tilespmem:s4+$0x0];
	s11 =	sor.u32 s22, s19;
	s19 =	sor.u32 $0x6080, s21  }
0x43e: {  	[smem:$0x7A1] =	sst s11;
	s11 =	sor.u32 s24, s19;
	[tilespmem:v8+s10+$0x0] =	vst.idx.add.f32.msk $0xffff, v9  }
0x43f: {  	v9 =	vld [tilespmem:s11+$0x0]  }
0x440: {  	[tilespmem:v6+s31+$0x0] =	vst.idx.add.f32.msk $0xffff, v12  }
0x441: {  	v12 =	vld [tilespmem:s2+$0x0]  }
0x442: {  	[tilespmem:v5+s0+$0x0] =	vst.idx.add.f32.msk $0xffff, v10  }
0x443: {  	[tilespmem:v7+s0+$0x0] =	vst.idx.add.f32.msk $0xffff, v11;
	s12 =	sor.u32 $0x6880, s21;
	s11 =	simm.s32 $0x112A0  }
0x444: {  	s8 =	sor.u32 s24, s12;
	[tilespmem:v8+s11+$0x0] =	vst.idx.add.f32.msk $0xffff, v9  }
0x445: {  	v9 =	vld [tilespmem:s8+$0x0]  }
0x446: {  	[tilespmem:v6+s0+$0x0] =	vst.idx.add.f32.msk $0xffff, v12;
	s25 =	sor.u32 s20, s19  }
0x447: {  	s5 =	simm.s32 $0x112B8;
	v10 =	vld [tilespmem:s28+$0x0];
	s18 =	sor.u32 s22, s19;
	[smem:$0x7A3] =	sst s25  }
0x448: {  	v11 =	vld [tilespmem:s26+$0x0];
	s25 =	sor.u32 s23, s19;
	s16 =	sor.u32 s20, s12;
	s19 =	sor.u32 s22, s12  }
0x449: {  	v12 =	vld [tilespmem:s29+$0x0];
	[smem:$0x7A5] =	sst s16;
	s16 =	sor.u32 s23, s12;
	s12 =	sor.u32 $0x7080, s21  }
0x44a: {  	s3 =	sor.u32 s24, s12;
	[tilespmem:v8+s5+$0x0] =	vst.idx.add.f32.msk $0xffff, v9  }
0x44b: {  	v9 =	vld [tilespmem:s3+$0x0]  }
0x44c: {  	s30 =	sor.u32 s20, s17;
	s9 =	sor.u32 s22, s17;
	s17 =	sor.u32 s23, s17;
	[tilespmem:v5+s1+$0x0] =	vst.idx.add.f32.msk $0xffff, v10  }
0x44d: {  	[tilespmem:v7+s1+$0x0] =	vst.idx.add.f32.msk $0xffff, v11;
	[smem:$0x7A4] =	sst s19;
	s19 =	sor.u32 s20, s12;
	s8 =	sor.u32 $0x7880, s21  }
0x44e: {  	v10 =	vld [tilespmem:s9+$0x0];
	s4 =	sor.u32 s22, s12;
	s2 =	sor.u32 s23, s12;
	s12 =	sor.u32 s20, s8  }
0x44f: {  	v51 =	vld [tilespmem:s17+$0x0];
	[smem:$0x7AA] =	sst s12;
	s12 =	simm.s32 $0x112D0  }
0x450: {  	[smem:$0x7A6] =	sst s2;
	s26 =	sor.u32 s24, s8;
	s2 =	sor.u32 s23, s8;
	[tilespmem:v8+s12+$0x0] =	vst.idx.add.f32.msk $0xffff, v9  }
0x451: {  	p0 =	por !p0, !p0;
	[smem:$0x7A9] =	sst s2;
	s2 =	simm.s32 $0x1;
	v9 =	vld [tilespmem:s26+$0x0]  }
0x452: {  	[tilespmem:v6+s1+$0x0] =	vst.idx.add.f32.msk $0xffff, v12;
	[smem:$0x7A7] =	sst s19;
	s2 =	simm.s32 @!p0 $0x0  }
0x453: {  	v12 =	vld [tilespmem:s30+$0x0];
	s19 =	sor.u32 s22, s8;
	s8 =	rddreg [dreg:$0x6];
	s3 =	sshll.u32 s2, $0x6  }
0x454: {  	[tilespmem:v5+s6+$0x0] =	vst.idx.add.f32.msk $0xffff, v10;
	s2 =	sadd.s32 s3, s8  }
0x455: {  	[tilespmem:v7+s6+$0x0] =	vst.idx.add.f32.msk $0xffff, v51;
	s8 =	simm.s32 $0x112E8;
	s28 =	sadd.s32 $0x30, s2  }
0x456: {  	s0 =	sor.u32 $0x100, s28;
	[tilespmem:v8+s8+$0x0] =	vst.idx.add.f32.msk $0xffff, v9  }
0x457: {  	v8 =	vld [tilespmem:s0+$0x10000]  }
0x458: {  	v54 =	vld [tilespmem:s14+$0x0]  }
0x459: {  	v10 =	vld [tilespmem:s13+$0x0];
	s13 =	sld [smem:$0x7A0]  }
0x45a: {  	s17 =	sor.u32 $0x900, s21;
	v52 =	vld [tilespmem:s0+$0x0]  }
0x45b: {  	s30 =	sor.u32 s22, s17;
	s1 =	sor.u32 s24, s17;
	[tilespmem:v6+s6+$0x0] =	vst.idx.add.f32.msk $0xffff, v12;
	s9 =	sadd.s32 $0x10, s2  }
0x45c: {  	s29 =	sor.u32 s23, s17;
	v12 =	vld [tilespmem:s13+$0x0];
	[smem:$0x7A8] =	sst s19;
	s19 =	sor.u32 $0x180, s9  }
0x45d: {  	s14 =	sor.u32 $0x1100, s21;
	[tilespmem:v7+s7+$0x0] =	vst.idx.add.f32.msk $0xffff, v54;
	s31 =	sadd.s32 $0x20, s2;
	[dreg:$0xf] =	wrdreg s19  }
0x45e: {  	v11 =	vld [tilespmem:s15+$0x0];
	s19 =	sor.u32 $0x180, s31;
	s26 =	sor.u32 $0x100, s9;
	s9 =	simm.s32 $0x11300  }
0x45f: {  	[dreg:$0xd] =	wrdreg s19;
	s19 =	sor.u32 s20, s17;
	s17 =	sor.u32 s20, s14;
	[tilespmem:v8+s9+$0x0] =	vst.idx.add.f32.msk $0xffff, v52  }
0x460: {  	[smem:$0x7AE] =	sst s17;
	v53 =	vld [tilespmem:s1+$0x0]  }
0x461: {  	[tilespmem:v5+s7+$0x0] =	vst.idx.add.f32.msk $0xffff, v10;
	s17 =	sld [smem:$0x7A2]  }
0x462: {  	[tilespmem:v6+s7+$0x0] =	vst.idx.add.f32.msk $0xffff, v12  }
0x463: {  	[tilespmem:v7+s10+$0x0] =	vst.idx.add.f32.msk $0xffff, v11  }
0x464: {  	s6 =	simm.s32 $0x11318;
	v12 =	vld [tilespmem:s17+$0x0]  }
0x465: {  	s3 =	sor.u32 $0x100, s31;
	s31 =	sor.u32 s24, s14;
	s1 =	sld [smem:$0x7A1];
	[tilespmem:v8+s6+$0x0] =	vst.idx.add.f32.msk $0xffff, v53  }
0x466: {  	v9 =	vld [tilespmem:s31+$0x0]  }
0x467: {  	s7 =	sor.u32 $0x1900, s21;
	v11 =	vld [tilespmem:s25+$0x0];
	s25 =	sld [smem:$0x7A3]  }
0x468: {  	s13 =	sor.u32 s20, s7;
	v10 =	vld [tilespmem:s1+$0x0]  }
0x469: {  	[smem:$0x7AF] =	sst s13;
	[tilespmem:v6+s10+$0x0] =	vst.idx.add.f32.msk $0xffff, v12  }
0x46a: {  	s13 =	simm.s32 $0x11330;
	[smem:$0x7AB] =	sst s19;
	v12 =	vld [tilespmem:s25+$0x0]  }
0x46b: {  	s19 =	sor.u32 s22, s14;
	s0 =	sor.u32 s23, s14;
	s14 =	sor.u32 s24, s7;
	[tilespmem:v8+s13+$0x0] =	vst.idx.add.f32.msk $0xffff, v9  }
0x46c: {  	v9 =	vld [tilespmem:s14+$0x0]  }
0x46d: {  	[smem:$0x7AC] =	sst s19;
	s19 =	sor.u32 s22, s7;
	[tilespmem:v5+s10+$0x0] =	vst.idx.add.f32.msk $0xffff, v10  }
0x46e: {  	[smem:$0x7AD] =	sst s0;
	s0 =	sor.u32 s23, s7;
	s7 =	sor.u32 $0x2100, s21;
	v10 =	vld [tilespmem:s18+$0x0]  }
0x46f: {  	[tilespmem:v7+s11+$0x0] =	vst.idx.add.f32.msk $0xffff, v11;
	s14 =	sor.u32 s20, s7  }
0x470: {  	[tilespmem:v6+s11+$0x0] =	vst.idx.add.f32.msk $0xffff, v12;
	[smem:$0x7B1] =	sst s14;
	s14 =	simm.s32 $0x11348  }
0x471: {  	s18 =	sor.u32 s24, s7;
	[tilespmem:v8+s14+$0x0] =	vst.idx.add.f32.msk $0xffff, v9  }
0x472: {  	v9 =	vld [tilespmem:s18+$0x0]  }
0x473: {  	[tilespmem:v5+s11+$0x0] =	vst.idx.add.f32.msk $0xffff, v10;
	s11 =	sld [smem:$0x7A4]  }
0x474: {  	s17 =	sor.u32 s22, s7;
	s31 =	sor.u32 s23, s7;
	s7 =	sor.u32 $0x2900, s21  }
0x475: {  	v11 =	vld [tilespmem:s16+$0x0];
	s10 =	sor.u32 s20, s7  }
0x476: {  	[smem:$0x7B4] =	sst s10;
	s10 =	simm.s32 $0x11360;
	v10 =	vld [tilespmem:s11+$0x0]  }
0x477: {  	s16 =	sld [smem:$0x7A5];
	s18 =	sor.u32 s24, s7;
	[tilespmem:v8+s10+$0x0] =	vst.idx.add.f32.msk $0xffff, v9  }
0x478: {  	s15 =	sor.u32 s22, s7;
	v9 =	vld [tilespmem:s18+$0x0]  }
0x479: {  	[smem:$0x7B2] =	sst s15;
	s15 =	sor.u32 $0x3100, s21  }
0x47a: {  	v12 =	vld [tilespmem:s16+$0x0];
	s18 =	sor.u32 s20, s15  }
0x47b: {  	s7 =	sor.u32 s23, s7;
	[tilespmem:v5+s5+$0x0] =	vst.idx.add.f32.msk $0xffff, v10;
	[smem:$0x7B6] =	sst s18;
	s18 =	sor.u32 $0x3900, s21  }
0x47c: {  	s11 =	simm.s32 $0x11378;
	[smem:$0x7B3] =	sst s7;
	v10 =	vld [tilespmem:s4+$0x0];
	s4 =	sor.u32 s20, s18  }
0x47d: {  	s7 =	sor.u32 s24, s15;
	[smem:$0x7B8] =	sst s4;
	[tilespmem:v8+s11+$0x0] =	vst.idx.add.f32.msk $0xffff, v9  }
0x47e: {  	s25 =	sor.u32 s22, s18;
	s4 =	sld [smem:$0x7A7];
	v9 =	vld [tilespmem:s7+$0x0]  }
0x47f: {  	[tilespmem:v7+s5+$0x0] =	vst.idx.add.f32.msk $0xffff, v11;
	s16 =	sor.u32 s23, s18;
	s7 =	sor.u32 s24, s18;
	s18 =	sld [smem:$0x7A6]  }
0x480: {  	[tilespmem:v6+s5+$0x0] =	vst.idx.add.f32.msk $0xffff, v12  }
0x481: {  	[smem:$0x7B0] =	sst s17;
	s17 =	sor.u32 s22, s15;
	s15 =	sor.u32 s23, s15;
	v12 =	vld [tilespmem:s4+$0x0]  }
0x482: {  	s5 =	sor.u32 $0x4100, s21;
	[smem:$0x7B5] =	sst s15;
	s15 =	simm.s32 $0x11390;
	v11 =	vld [tilespmem:s18+$0x0]  }
0x483: {  	[smem:$0x7B7] =	sst s16;
	s4 =	sor.u32 s23, s5;
	[tilespmem:v8+s15+$0x0] =	vst.idx.add.f32.msk $0xffff, v9  }
0x484: {  	[smem:$0x7BA] =	sst s4;
	v9 =	vld [tilespmem:s7+$0x0];
	s7 =	sor.u32 s20, s5  }
0x485: {  	s16 =	sor.u32 s22, s5;
	s4 =	sor.u32 $0x4900, s21;
	[smem:$0x7BB] =	sst s7  }
0x486: {  	s18 =	sor.u32 s24, s5;
	s5 =	sor.u32 s22, s4;
	s7 =	sld [smem:$0x7A8]  }
0x487: {  	[tilespmem:v5+s12+$0x0] =	vst.idx.add.f32.msk $0xffff, v10;
	[smem:$0x7BC] =	sst s5  }
0x488: {  	[tilespmem:v6+s12+$0x0] =	vst.idx.add.f32.msk $0xffff, v12;
	s5 =	sld [smem:$0x7AA]  }
0x489: {  	[tilespmem:v7+s12+$0x0] =	vst.idx.add.f32.msk $0xffff, v11  }
0x48a: {  	v10 =	vld [tilespmem:s7+$0x0]  }
0x48b: {  	[smem:$0x7B9] =	sst s16;
	s16 =	simm.s32 $0x113A8;
	v12 =	vld [tilespmem:s5+$0x0]  }
0x48c: {  	s12 =	sld [smem:$0x7A9];
	[tilespmem:v8+s16+$0x0] =	vst.idx.add.f32.msk $0xffff, v9  }
0x48d: {  	v9 =	vld [tilespmem:s18+$0x0];
	_ =	sdelay $0x1  }
0x48e: {  	v11 =	vld [tilespmem:s12+$0x0]  }
0x48f: {  	s18 =	sor.u32 s20, s4;
	[tilespmem:v5+s8+$0x0] =	vst.idx.add.f32.msk $0xffff, v10  }
0x490: {  	[smem:$0x7BE] =	sst s18;
	s18 =	simm.s32 $0x113C0;
	[tilespmem:v6+s8+$0x0] =	vst.idx.add.f32.msk $0xffff, v12  }
0x491: {  	s12 =	sor.u32 s24, s4;
	[tilespmem:v8+s18+$0x0] =	vst.idx.add.f32.msk $0xffff, v9  }
0x492: {  	v9 =	vld [tilespmem:s12+$0x0]  }
0x493: {  	s4 =	sor.u32 s23, s4;
	[tilespmem:v7+s8+$0x0] =	vst.idx.add.f32.msk $0xffff, v11  }
0x494: {  	[smem:$0x7BD] =	sst s4;
	s4 =	sor.u32 $0x5100, s21;
	v5 =	vld [tilespmem:s26+$0x10000]  }
0x495: {  	v55 =	vld [tilespmem:s26+$0x0];
	s12 =	sor.u32 s20, s4  }
0x496: {  	v6 =	vld [tilespmem:s3+$0x10000];
	[smem:$0x7C0] =	sst s12;
	s12 =	simm.s32 $0x113D8  }
0x497: {  	s1 =	sor.u32 s24, s4;
	[tilespmem:v8+s12+$0x0] =	vst.idx.add.f32.msk $0xffff, v9  }
0x498: {  	v7 =	vld [tilespmem:s1+$0x0]  }
0x499: {  	s5 =	sor.u32 s22, s4  }
0x49a: {  	[smem:$0x7BF] =	sst s5;
	s5 =	sor.u32 $0x5900, s21;
	v56 =	vld [tilespmem:s3+$0x0]  }
0x49b: {  	s8 =	sor.u32 s20, s5  }
0x49c: {  	[smem:$0x7C3] =	sst s8;
	s8 =	simm.s32 $0x113F0;
	[tilespmem:v5+s9+$0x0] =	vst.idx.add.f32.msk $0xffff, v55  }
0x49d: {  	s26 =	sor.u32 s24, s5;
	[tilespmem:v8+s8+$0x0] =	vst.idx.add.f32.msk $0xffff, v7  }
0x49e: {  	v57 =	vld [tilespmem:s26+$0x0]  }
0x49f: {  	s2 =	sor.u32 $0x100, s2;
	s1 =	sor.u32 s23, s5;
	[tilespmem:v6+s9+$0x0] =	vst.idx.add.f32.msk $0xffff, v56  }
0x4a0: {  	s12 =	sor.u32 s22, s5;
	[smem:$0x7C2] =	sst s1;
	s1 =	sor.u32 $0x6100, s21;
	v59 =	vld [tilespmem:s30+$0x0]  }
0x4a1: {  	[smem:$0x7C1] =	sst s12;
	s12 =	simm.s32 $0x11408;
	s3 =	sor.u32 s20, s1;
	v60 =	vld [tilespmem:s29+$0x0]  }
0x4a2: {  	s5 =	sor.u32 s22, s1;
	[smem:$0x7C6] =	sst s3;
	s3 =	sor.u32 $0x6900, s21;
	v7 =	vld [tilespmem:s2+$0x10000]  }
0x4a3: {  	[smem:$0x7C4] =	sst s5;
	s5 =	sor.u32 s20, s3;
	s26 =	sor.u32 s24, s1;
	[tilespmem:v8+s12+$0x0] =	vst.idx.add.f32.msk $0xffff, v57  }
0x4a4: {  	[smem:$0x7C9] =	sst s5;
	v58 =	vld [tilespmem:s26+$0x0]  }
0x4a5: {  	v12 =	vld [tilespmem:s2+$0x0];
	s5 =	sld [smem:$0x7AC]  }
0x4a6: {  	[tilespmem:v5+s6+$0x0] =	vst.idx.add.f32.msk $0xffff, v59  }
0x4a7: {  	[tilespmem:v6+s6+$0x0] =	vst.idx.add.f32.msk $0xffff, v60  }
0x4a8: {  	v10 =	vld [tilespmem:s5+$0x0];
	s12 =	simm.s32 $0x11420  }
0x4a9: {  	s2 =	sld [smem:$0x7AB];
	s26 =	sor.u32 s24, s3;
	[tilespmem:v8+s12+$0x0] =	vst.idx.add.f32.msk $0xffff, v58  }
0x4aa: {  	v9 =	vld [tilespmem:s26+$0x0]  }
0x4ab: {  	s1 =	sor.u32 s23, s1;
	[tilespmem:v7+s9+$0x0] =	vst.idx.add.f32.msk $0xffff, v12  }
0x4ac: {  	[smem:$0x7C5] =	sst s1;
	s1 =	sor.u32 s23, s3;
	v12 =	vld [tilespmem:s2+$0x0]  }
0x4ad: {  	[smem:$0x7C8] =	sst s1;
	[tilespmem:v5+s13+$0x0] =	vst.idx.add.f32.msk $0xffff, v10  }
0x4ae: {  	s9 =	sor.u32 s22, s3;
	s3 =	sor.u32 $0x7100, s21;
	v10 =	vld [tilespmem:s19+$0x0];
	s12 =	simm.s32 $0x11438  }
0x4af: {  	s5 =	sld [smem:$0x7AE];
	s26 =	sor.u32 s24, s3;
	[tilespmem:v8+s12+$0x0] =	vst.idx.add.f32.msk $0xffff, v9  }
0x4b0: {  	[smem:$0x7C7] =	sst s9;
	s9 =	sor.u32 s22, s3;
	v9 =	vld [tilespmem:s26+$0x0]  }
0x4b1: {  	s1 =	sor.u32 s23, s3;
	[tilespmem:v7+s6+$0x0] =	vst.idx.add.f32.msk $0xffff, v12;
	s6 =	sor.u32 s20, s3;
	s3 =	sld [smem:$0x7AD]  }
0x4b2: {  	[smem:$0x7CC] =	sst s6;
	v12 =	vld [tilespmem:s5+$0x0];
	s6 =	sor.u32 $0x7900, s21  }
0x4b3: {  	[smem:$0x7CA] =	sst s9;
	[tilespmem:v5+s14+$0x0] =	vst.idx.add.f32.msk $0xffff, v10;
	s9 =	sor.u32 s20, s6  }
0x4b4: {  	s19 =	simm.s32 $0x11450;
	v11 =	vld [tilespmem:s3+$0x0];
	[smem:$0x7CF] =	sst s9  }
0x4b5: {  	s9 =	sld [smem:$0x7B0];
	s26 =	sor.u32 s24, s6;
	[tilespmem:v8+s19+$0x0] =	vst.idx.add.f32.msk $0xffff, v9  }
0x4b6: {  	s3 =	sld [smem:$0x7AF];
	v9 =	vld [tilespmem:s26+$0x0]  }
0x4b7: {  	[tilespmem:v7+s13+$0x0] =	vst.idx.add.f32.msk $0xffff, v12  }
0x4b8: {  	v10 =	vld [tilespmem:s9+$0x0]  }
0x4b9: {  	v12 =	vld [tilespmem:s3+$0x0]  }
0x4ba: {  	[smem:$0x7CB] =	sst s1;
	s5 =	simm.s32 $0x11468;
	[tilespmem:v6+s13+$0x0] =	vst.idx.add.f32.msk $0xffff, v11  }
0x4bb: {  	s1 =	sor.u32 s23, s6;
	s12 =	sor.u32 s22, s6;
	s6 =	sor.u32 $0x180, s28;
	[tilespmem:v8+s5+$0x0] =	vst.idx.add.f32.msk $0xffff, v9  }
0x4bc: {  	v8 =	vld [tilespmem:s6+$0x10000]  }
0x4bd: {  	[smem:$0x7CD] =	sst s12;
	v11 =	vld [tilespmem:s0+$0x0]  }
0x4be: {  	s12 =	sld [smem:$0x7B1];
	[tilespmem:v5+s10+$0x0] =	vst.idx.add.f32.msk $0xffff, v10  }
0x4bf: {  	v9 =	vld [tilespmem:s6+$0x0]  }
0x4c0: {  	[tilespmem:v7+s14+$0x0] =	vst.idx.add.f32.msk $0xffff, v12  }
0x4c1: {  	s13 =	sor.u32 $0x980, s21;
	v12 =	vld [tilespmem:s12+$0x0]  }
0x4c2: {  	[tilespmem:v6+s14+$0x0] =	vst.idx.add.f32.msk $0xffff, v11;
	s14 =	sor.u32 s20, s13  }
0x4c3: {  	s26 =	simm.s32 $0x11480;
	v11 =	vld [tilespmem:s31+$0x0];
	[smem:$0x7D2] =	sst s14  }
0x4c4: {  	s2 =	sor.u32 s24, s13;
	s5 =	sld [smem:$0x7B2];
	[tilespmem:v8+s26+$0x0] =	vst.idx.add.f32.msk $0xffff, v9  }
0x4c5: {  	s14 =	sld [smem:$0x7B4];
	v9 =	vld [tilespmem:s2+$0x0]  }
0x4c6: {  	[tilespmem:v7+s10+$0x0] =	vst.idx.add.f32.msk $0xffff, v12  }
0x4c7: {  	v10 =	vld [tilespmem:s5+$0x0]  }
0x4c8: {  	s3 =	sor.u32 $0x1180, s21;
	s0 =	sor.u32 s23, s13;
	v12 =	vld [tilespmem:s14+$0x0]  }
0x4c9: {  	s19 =	sor.u32 s22, s13;
	s13 =	sld [smem:$0x7B3];
	[tilespmem:v6+s10+$0x0] =	vst.idx.add.f32.msk $0xffff, v11;
	s10 =	simm.s32 $0x11498  }
0x4ca: {  	s9 =	sor.u32 s22, s3;
	s12 =	sor.u32 s24, s3;
	[tilespmem:v8+s10+$0x0] =	vst.idx.add.f32.msk $0xffff, v9  }
0x4cb: {  	[smem:$0x7D3] =	sst s9;
	v9 =	vld [tilespmem:s12+$0x0]  }
0x4cc: {  	s9 =	sld [smem:$0x7B6];
	v11 =	vld [tilespmem:s13+$0x0]  }
0x4cd: {  	[smem:$0x7D1] =	sst s0;
	[tilespmem:v5+s11+$0x0] =	vst.idx.add.f32.msk $0xffff, v10  }
0x4ce: {  	s0 =	sor.u32 s23, s3;
	[smem:$0x7D0] =	sst s19;
	[tilespmem:v7+s11+$0x0] =	vst.idx.add.f32.msk $0xffff, v12  }
0x4cf: {  	s19 =	sor.u32 $0x1980, s21;
	s6 =	sor.u32 s20, s3;
	s3 =	simm.s32 $0x114B0;
	v10 =	vld [tilespmem:s17+$0x0]  }
0x4d0: {  	[smem:$0x7D5] =	sst s6;
	s5 =	sor.u32 s24, s19;
	[tilespmem:v8+s3+$0x0] =	vst.idx.add.f32.msk $0xffff, v9  }
0x4d1: {  	s6 =	sld [smem:$0x7B5];
	v9 =	vld [tilespmem:s5+$0x0]  }
0x4d2: {  	v12 =	vld [tilespmem:s9+$0x0]  }
0x4d3: {  	[tilespmem:v6+s11+$0x0] =	vst.idx.add.f32.msk $0xffff, v11  }
0x4d4: {  	v11 =	vld [tilespmem:s6+$0x0]  }
0x4d5: {  	s13 =	simm.s32 $0x114C8;
	[tilespmem:v5+s15+$0x0] =	vst.idx.add.f32.msk $0xffff, v10;
	s10 =	sor.u32 $0x2180, s21  }
0x4d6: {  	s14 =	sor.u32 s24, s10;
	[tilespmem:v8+s13+$0x0] =	vst.idx.add.f32.msk $0xffff, v9  }
0x4d7: {  	[smem:$0x7CE] =	sst s1;
	v9 =	vld [tilespmem:s14+$0x0]  }
0x4d8: {  	s1 =	sld [smem:$0x7B7];
	[tilespmem:v7+s15+$0x0] =	vst.idx.add.f32.msk $0xffff, v12  }
0x4d9: {  	[smem:$0x7D4] =	sst s0;
	s2 =	sor.u32 s22, s19;
	v10 =	vld [tilespmem:s25+$0x0]  }
0x4da: {  	s0 =	sor.u32 s23, s19;
	s26 =	sor.u32 s20, s19;
	[smem:$0x7D6] =	sst s2;
	[tilespmem:v6+s15+$0x0] =	vst.idx.add.f32.msk $0xffff, v11  }
0x4db: {  	s19 =	simm.s32 $0x114E0;
	s2 =	sld [smem:$0x7B8];
	s15 =	sor.u32 $0x2980, s21;
	v11 =	vld [tilespmem:s1+$0x0]  }
0x4dc: {  	s11 =	sor.u32 s20, s10;
	s25 =	sor.u32 s24, s15;
	[tilespmem:v8+s19+$0x0] =	vst.idx.add.f32.msk $0xffff, v9  }
0x4dd: {  	[smem:$0x7DB] =	sst s11;
	v9 =	vld [tilespmem:s25+$0x0]  }
0x4de: {  	v12 =	vld [tilespmem:s2+$0x0];
	s11 =	sld [smem:$0x7BA]  }
0x4df: {  	[tilespmem:v5+s16+$0x0] =	vst.idx.add.f32.msk $0xffff, v10  }
0x4e0: {  	s12 =	sor.u32 s22, s10;
	[tilespmem:v6+s16+$0x0] =	vst.idx.add.f32.msk $0xffff, v11  }
0x4e1: {  	s7 =	simm.s32 $0x114F8;
	[smem:$0x7D9] =	sst s12;
	s3 =	sor.u32 $0x3180, s21;
	v11 =	vld [tilespmem:s11+$0x0]  }
0x4e2: {  	s12 =	sld [smem:$0x7BB];
	s6 =	sor.u32 s24, s3;
	[tilespmem:v8+s7+$0x0] =	vst.idx.add.f32.msk $0xffff, v9  }
0x4e3: {  	s5 =	sld [smem:$0x7B9];
	v9 =	vld [tilespmem:s6+$0x0]  }
0x4e4: {  	[smem:$0x7D7] =	sst s0;
	[tilespmem:v7+s16+$0x0] =	vst.idx.add.f32.msk $0xffff, v12  }
0x4e5: {  	[smem:$0x7D8] =	sst s26;
	v12 =	vld [tilespmem:s12+$0x0]  }
0x4e6: {  	s26 =	simm.s32 $0x11510;
	s2 =	sld [smem:$0x7BD];
	s0 =	sor.u32 s23, s10;
	v10 =	vld [tilespmem:s5+$0x0]  }
0x4e7: {  	s10 =	sor.u32 s20, s15;
	s17 =	sor.u32 s22, s15;
	s14 =	sor.u32 $0x3980, s21;
	[tilespmem:v6+s18+$0x0] =	vst.idx.add.f32.msk $0xffff, v11  }
0x4e8: {  	s29 =	sor.u32 s23, s15;
	[smem:$0x7DC] =	sst s17;
	s15 =	sor.u32 s24, s14;
	[tilespmem:v8+s26+$0x0] =	vst.idx.add.f32.msk $0xffff, v9  }
0x4e9: {  	s17 =	sld [smem:$0x7BC];
	v9 =	vld [tilespmem:s15+$0x0]  }
0x4ea: {  	v11 =	vld [tilespmem:s2+$0x0]  }
0x4eb: {  	[tilespmem:v5+s18+$0x0] =	vst.idx.add.f32.msk $0xffff, v10  }
0x4ec: {  	v10 =	vld [tilespmem:s17+$0x0]  }
0x4ed: {  	s16 =	sor.u32 $0x4180, s21;
	[tilespmem:v7+s18+$0x0] =	vst.idx.add.f32.msk $0xffff, v12;
	s18 =	simm.s32 $0x11528  }
0x4ee: {  	s19 =	sor.u32 s24, s16;
	[tilespmem:v8+s18+$0x0] =	vst.idx.add.f32.msk $0xffff, v9  }
0x4ef: {  	s9 =	sor.u32 s20, s3;
	s2 =	simm.s32 $0x113D8;
	s6 =	sld [smem:$0x7BE];
	v9 =	vld [tilespmem:s19+$0x0]  }
0x4f0: {  	s30 =	sor.u32 s22, s16;
	s11 =	simm.s32 $0x113D8;
	[tilespmem:v6+s2+$0x0] =	vst.idx.add.f32.msk $0xffff, v11;
	s15 =	sld [smem:$0x7BF]  }
0x4f1: {  	s5 =	sor.u32 s22, s3;
	s13 =	sor.u32 s23, s3;
	s3 =	sor.u32 s20, s14;
	[tilespmem:v5+s11+$0x0] =	vst.idx.add.f32.msk $0xffff, v10  }
0x4f2: {  	s12 =	sor.u32 s23, s14;
	s17 =	sor.u32 s20, s16;
	s25 =	sor.u32 s22, s14;
	v12 =	vld [tilespmem:s6+$0x0]  }
0x4f3: {  	s14 =	sor.u32 $0x4980, s21;
	v10 =	vld [tilespmem:s15+$0x0];
	s18 =	sor.u32 s23, s16;
	s16 =	simm.s32 $0x11540  }
0x4f4: {  	[smem:$0x7DA] =	sst s0;
	s0 =	sor.u32 s24, s14;
	[tilespmem:v8+s16+$0x0] =	vst.idx.add.f32.msk $0xffff, v9  }
0x4f5: {  	s4 =	sor.u32 s23, s4;
	v9 =	vld [tilespmem:s0+$0x0]  }
0x4f6: {  	v11 =	vld [tilespmem:s4+$0x0];
	s4 =	sld [smem:$0x7C1]  }
0x4f7: {  	[tilespmem:v7+s2+$0x0] =	vst.idx.add.f32.msk $0xffff, v12  }
0x4f8: {  	s31 =	sor.u32 s22, s14;
	s11 =	sor.u32 $0x5180, s21;
	[tilespmem:v5+s8+$0x0] =	vst.idx.add.f32.msk $0xffff, v10  }
0x4f9: {  	s19 =	sor.u32 s20, s14;
	v10 =	vld [tilespmem:s4+$0x0];
	s16 =	sor.u32 s23, s14;
	s14 =	simm.s32 $0x11558  }
0x4fa: {  	s6 =	sld [smem:$0x7C0];
	s2 =	sor.u32 s24, s11;
	[tilespmem:v8+s14+$0x0] =	vst.idx.add.f32.msk $0xffff, v9  }
0x4fb: {  	s4 =	sld [smem:$0x7C2];
	v9 =	vld [tilespmem:s2+$0x0]  }
0x4fc: {  	[tilespmem:v6+s8+$0x0] =	vst.idx.add.f32.msk $0xffff, v11  }
0x4fd: {  	v12 =	vld [tilespmem:s6+$0x0]  }
0x4fe: {  	v11 =	vld [tilespmem:s4+$0x0];
	s4 =	simm.s32 $0x11408  }
0x4ff: {  	s1 =	sor.u32 $0x5980, s21;
	s6 =	simm.s32 $0x11570;
	[tilespmem:v5+s4+$0x0] =	vst.idx.add.f32.msk $0xffff, v10  }
0x500: {  	s2 =	sor.u32 s24, s1;
	[tilespmem:v8+s6+$0x0] =	vst.idx.add.f32.msk $0xffff, v9  }
0x501: {  	s4 =	sor.u32 $0x6180, s21;
	s6 =	sld [smem:$0x7C3];
	v9 =	vld [tilespmem:s2+$0x0]  }
0x502: {  	s2 =	sor.u32 s20, s4  }
0x503: {  	[tilespmem:v7+s8+$0x0] =	vst.idx.add.f32.msk $0xffff, v12;
	[dreg:$0x1b] =	wrdreg s2  }
0x504: {  	s2 =	sor.u32 s22, s4;
	v12 =	vld [tilespmem:s6+$0x0];
	s6 =	sld [smem:$0x7C4]  }
0x505: {  	[smem:$0x7DF] =	sst s2;
	s2 =	simm.s32 $0x11588  }
0x506: {  	[tilespmem:v8+s2+$0x0] =	vst.idx.add.f32.msk $0xffff, v9;
	s2 =	sor.u32 s24, s4;
	s4 =	sor.u32 s23, s4  }
0x507: {  	v10 =	vld [tilespmem:s6+$0x0];
	s6 =	simm.s32 $0x11408;
	[dreg:$0x1f] =	wrdreg s4  }
0x508: {  	[tilespmem:v6+s6+$0x0] =	vst.idx.add.f32.msk $0xffff, v11;
	s4 =	sld [smem:$0x7C5]  }
0x509: {  	[tilespmem:v7+s6+$0x0] =	vst.idx.add.f32.msk $0xffff, v12;
	s6 =	sld [smem:$0x7C6]  }
0x50a: {  	v9 =	vld [tilespmem:s2+$0x0]  }
0x50b: {  	v11 =	vld [tilespmem:s4+$0x0];
	s4 =	sor.u32 $0x6980, s21  }
0x50c: {  	v12 =	vld [tilespmem:s6+$0x0];
	s2 =	sor.u32 s20, s4  }
0x50d: {  	s6 =	simm.s32 $0x11420;
	[dreg:$0x15] =	wrdreg s2;
	s2 =	sor.u32 s22, s4  }
0x50e: {  	[tilespmem:v5+s6+$0x0] =	vst.idx.add.f32.msk $0xffff, v10;
	[smem:$0x7E0] =	sst s2;
	s2 =	simm.s32 $0x115A0  }
0x50f: {  	[tilespmem:v8+s2+$0x0] =	vst.idx.add.f32.msk $0xffff, v9;
	s2 =	sor.u32 s24, s4;
	s4 =	sor.u32 s23, s4  }
0x510: {  	[dreg:$0x1d] =	wrdreg s4;
	v9 =	vld [tilespmem:s2+$0x0];
	s4 =	simm.s32 $0x11420  }
0x511: {  	[tilespmem:v7+s4+$0x0] =	vst.idx.add.f32.msk $0xffff, v12;
	s4 =	sor.u32 $0x7180, s21  }
0x512: {  	[tilespmem:v6+s6+$0x0] =	vst.idx.add.f32.msk $0xffff, v11;
	s6 =	sld [smem:$0x7C7];
	s2 =	sor.u32 s20, s4  }
0x513: {  	[dreg:$0x12] =	wrdreg s2;
	s2 =	sor.u32 s22, s4  }
0x514: {  	[dreg:$0x19] =	wrdreg s2;
	s2 =	simm.s32 $0x115B8  }
0x515: {  	[tilespmem:v8+s2+$0x0] =	vst.idx.add.f32.msk $0xffff, v9;
	s2 =	sor.u32 s24, s4;
	s4 =	sor.u32 s23, s4  }
0x516: {  	[dreg:$0x13] =	wrdreg s4  }
0x517: {  	v10 =	vld [tilespmem:s6+$0x0];
	s4 =	sld [smem:$0x7C8]  }
0x518: {  	s6 =	sld [smem:$0x7C9]  }
0x519: {  	v9 =	vld [tilespmem:s2+$0x0]  }
0x51a: {  	v11 =	vld [tilespmem:s4+$0x0];
	s4 =	sor.u32 $0x7980, s21;
	s21 =	sld [smem:$0x7CA]  }
0x51b: {  	s28 =	sor.u32 s20, s1;
	v12 =	vld [tilespmem:s6+$0x0];
	s2 =	simm.s32 $0x11438  }
0x51c: {  	s15 =	sor.u32 s22, s11;
	s0 =	sor.u32 s20, s11;
	s14 =	sor.u32 s22, s1;
	[tilespmem:v5+s2+$0x0] =	vst.idx.add.f32.msk $0xffff, v10  }
0x51d: {  	v10 =	vld [tilespmem:s21+$0x0];
	s21 =	sor.u32 s20, s4;
	s20 =	sor.u32 s22, s4;
	s22 =	simm.s32 $0x115D0  }
0x51e: {  	s11 =	sor.u32 s23, s11;
	[dreg:$0x17] =	wrdreg s20;
	[tilespmem:v8+s22+$0x0] =	vst.idx.add.f32.msk $0xffff, v9  }
0x51f: {  	s20 =	sor.u32 s24, s4;
	s24 =	sld [smem:$0x7CB];
	[tilespmem:v6+s2+$0x0] =	vst.idx.add.f32.msk $0xffff, v11;
	s2 =	smov.u32 s0  }
0x520: {  	v9 =	vld [tilespmem:s20+$0x0];
	s0 =	smov.u32 s19;
	s19 =	smov.u32 s17;
	s17 =	smov.u32 s3  }
0x521: {  	s3 =	smov.u32 s9;
	s9 =	smov.u32 s10;
	s10 =	sld [smem:$0x7CC]  }
0x522: {  	s1 =	sor.u32 s23, s1;
	s22 =	sor.u32 s23, s4;
	s23 =	simm.s32 $0x11438;
	v11 =	vld [tilespmem:s24+$0x0]  }
0x523: {  	[tilespmem:v7+s23+$0x0] =	vst.idx.add.f32.msk $0xffff, v12  }
0x524: {  	s23 =	simm.s32 $0x115E8;
	v12 =	vld [tilespmem:s10+$0x0]  }
0x525: {  	s24 =	simm.s32 $0x11450;
	[tilespmem:v8+s23+$0x0] =	vst.idx.add.f32.msk $0xffff, v9;
	s23 =	sld [smem:$0x7CD]  }
0x526: {  	[tilespmem:v5+s24+$0x0] =	vst.idx.add.f32.msk $0xffff, v10  }
0x527: {  	[tilespmem:v6+s24+$0x0] =	vst.idx.add.f32.msk $0xffff, v11  }
0x528: {  	v8 =	vld [tilespmem:s23+$0x0]  }
0x529: {  	[tilespmem:v7+s24+$0x0] =	vst.idx.add.f32.msk $0xffff, v12;
	s24 =	sld [smem:$0x7CE]  }
0x52a: {  	s10 =	sld [smem:$0x7CF];
	_ =	sdelay $0x1  }
0x52b: {  	v61 =	vld [tilespmem:s24+$0x0]  }
0x52c: {  	s23 =	simm.s32 $0x11468;
	v62 =	vld [tilespmem:s10+$0x0]  }
0x52d: {  	s24 =	rddreg [dreg:$0xf];
	[tilespmem:v5+s23+$0x0] =	vst.idx.add.f32.msk $0xffff, v8  }
0x52e: {  	v5 =	vld [tilespmem:s24+$0x10000]  }
0x52f: {  	v8 =	vld [tilespmem:s24+$0x0]  }
0x530: {  	[tilespmem:v6+s23+$0x0] =	vst.idx.add.f32.msk $0xffff, v61;
	s23 =	simm.s32 $0x11468  }
0x531: {  	s24 =	rddreg [dreg:$0xd];
	[tilespmem:v7+s23+$0x0] =	vst.idx.add.f32.msk $0xffff, v62  }
0x532: {  	v6 =	vld [tilespmem:s24+$0x10000]  }
0x533: {  	s10 =	rddreg [dreg:$0xb];
	v7 =	vld [tilespmem:s24+$0x0]  }
0x534: {  	v63 =	vld [tilespmem:s10+$0x10000]  }
0x535: {  	s24 =	simm.s32 $0x115E8;
	v10 =	vld [tilespmem:s10+$0x0]  }
0x536: {  	s23 =	sld [smem:$0x7D0];
	[tilespmem:v1+s24+$0x0] =	vst.idx.add.f32.msk $0xffff, v3  }
0x537: {  	s10 =	simm.s32 $0x11480;
	[tilespmem:v2+s24+$0x0] =	vst.idx.add.f32.msk $0xffff, v4  }
0x538: {  	s24 =	sld [smem:$0x7D1];
	[tilespmem:v5+s10+$0x0] =	vst.idx.add.f32.msk $0xffff, v8  }
0x539: {  	v8 =	vld [tilespmem:s23+$0x0]  }
0x53a: {  	[tilespmem:v6+s10+$0x0] =	vst.idx.add.f32.msk $0xffff, v7;
	s10 =	sld [smem:$0x7D2]  }
0x53b: {  	s23 =	simm.s32 $0x11480;
	v3 =	vld [tilespmem:s24+$0x0]  }
0x53c: {  	v1 =	vmov v6;
	[tilespmem:v63+s23+$0x0] =	vst.idx.add.f32.msk $0xffff, v10;
	s24 =	sld [smem:$0x7D3]  }
0x53d: {  	s23 =	simm.s32 $0x11498;
	v4 =	vld [tilespmem:s10+$0x0]  }
0x53e: {  	[tilespmem:v5+s23+$0x0] =	vst.idx.add.f32.msk $0xffff, v8  }
0x53f: {  	v6 =	vld [tilespmem:s24+$0x0];
	s24 =	sld [smem:$0x7D4];
	_ =	sdelay $0x1  }
0x540: {  	s20 =	sld [smem:$0x7D5];
	[tilespmem:v1+s23+$0x0] =	vst.idx.add.f32.msk $0xffff, v3  }
0x541: {  	s23 =	simm.s32 $0x11498;
	v3 =	vld [tilespmem:s24+$0x0]  }
0x542: {  	s24 =	sld [smem:$0x7D6];
	[tilespmem:v63+s23+$0x0] =	vst.idx.add.f32.msk $0xffff, v4  }
0x543: {  	s23 =	simm.s32 $0x114B0;
	v4 =	vld [tilespmem:s20+$0x0]  }
0x544: {  	[tilespmem:v5+s23+$0x0] =	vst.idx.add.f32.msk $0xffff, v6  }
0x545: {  	v6 =	vld [tilespmem:s24+$0x0];
	s24 =	sld [smem:$0x7D7];
	_ =	sdelay $0x1  }
0x546: {  	s20 =	sld [smem:$0x7D8];
	[tilespmem:v1+s23+$0x0] =	vst.idx.add.f32.msk $0xffff, v3  }
0x547: {  	s23 =	simm.s32 $0x114B0;
	v3 =	vld [tilespmem:s24+$0x0]  }
0x548: {  	s24 =	sld [smem:$0x7D9];
	[tilespmem:v63+s23+$0x0] =	vst.idx.add.f32.msk $0xffff, v4  }
0x549: {  	s23 =	simm.s32 $0x114C8;
	v4 =	vld [tilespmem:s20+$0x0]  }
0x54a: {  	v2 =	vmov v63;
	[tilespmem:v5+s23+$0x0] =	vst.idx.add.f32.msk $0xffff, v6  }
0x54b: {  	v7 =	vld [tilespmem:s24+$0x0];
	s24 =	sld [smem:$0x7DA];
	_ =	sdelay $0x1  }
0x54c: {  	[tilespmem:v1+s23+$0x0] =	vst.idx.add.f32.msk $0xffff, v3  }
.Ltmp5:
0x54d: {  	s23 =	simm.s32 $0x114C8;
	v6 =	vld [tilespmem:s24+$0x0];
	s24 =	sld [smem:$0x7DC];
	(pc) =	sbr.rel @p1 .LBB2_4-.Ltmp5, $4  }
0x54e: {  	s6 =	simm.s32 $0x114E0;
	[tilespmem:v2+s23+$0x0] =	vst.idx.add.f32.msk $0xffff, v4;
	s23 =	sld [smem:$0x7DB]  }
0x54f: {  	s8 =	rddreg [dreg:$0x6];
	[tilespmem:v5+s6+$0x0] =	vst.idx.add.f32.msk $0xffff, v7  }
0x550: {  	s10 =	rddreg [dreg:$0x8];
	v7 =	vld [tilespmem:s24+$0x0]  }
0x551: {  	s8 =	sadd.s32 $0x100, s8;
	s4 =	rddreg [dreg:$0x4];
	s10 =	sadd.s32 $0x40, s10;
	v4 =	vld [tilespmem:s23+$0x0]  }
0x552: {  	_ =	sdelay $0x3  }
0x553: {  	[tilespmem:v1+s6+$0x0] =	vst.idx.add.f32.msk $0xffff, v6  }
0x554: {  	v3 =	vld [tilespmem:s29+$0x0]  }
0x555: {  	[tilespmem:v5+s7+$0x0] =	vst.idx.add.f32.msk $0xffff, v7  }
0x556: {  	[tilespmem:v2+s6+$0x0] =	vst.idx.add.f32.msk $0xffff, v4  }
0x557: {  	v63 =	vld [tilespmem:s5+$0x0]  }
0x558: {  	v4 =	vld [tilespmem:s9+$0x0];
	_ =	sdelay $0x1  }
0x559: {  	[tilespmem:v1+s7+$0x0] =	vst.idx.add.f32.msk $0xffff, v3  }
0x55a: {  	v3 =	vld [tilespmem:s13+$0x0]  }
0x55b: {  	[tilespmem:v5+s26+$0x0] =	vst.idx.add.f32.msk $0xffff, v63  }
0x55c: {  	[tilespmem:v2+s7+$0x0] =	vst.idx.add.f32.msk $0xffff, v4  }
0x55d: {  	v6 =	vld [tilespmem:s25+$0x0]  }
0x55e: {  	v4 =	vld [tilespmem:s3+$0x0];
	_ =	sdelay $0x1  }
0x55f: {  	[tilespmem:v1+s26+$0x0] =	vst.idx.add.f32.msk $0xffff, v3  }
0x560: {  	s9 =	simm.s32 $0x11528;
	v3 =	vld [tilespmem:s12+$0x0]  }
0x561: {  	[tilespmem:v5+s9+$0x0] =	vst.idx.add.f32.msk $0xffff, v6  }
0x562: {  	[tilespmem:v2+s26+$0x0] =	vst.idx.add.f32.msk $0xffff, v4  }
0x563: {  	v6 =	vld [tilespmem:s30+$0x0]  }
0x564: {  	v4 =	vld [tilespmem:s17+$0x0];
	_ =	sdelay $0x1  }
0x565: {  	[tilespmem:v1+s9+$0x0] =	vst.idx.add.f32.msk $0xffff, v3  }
0x566: {  	s10 =	simm.s32 $0x11540;
	v3 =	vld [tilespmem:s18+$0x0]  }
0x567: {  	[tilespmem:v5+s10+$0x0] =	vst.idx.add.f32.msk $0xffff, v6  }
0x568: {  	[tilespmem:v2+s9+$0x0] =	vst.idx.add.f32.msk $0xffff, v4  }
0x569: {  	v6 =	vld [tilespmem:s31+$0x0]  }
0x56a: {  	v4 =	vld [tilespmem:s19+$0x0];
	_ =	sdelay $0x1  }
0x56b: {  	[tilespmem:v1+s10+$0x0] =	vst.idx.add.f32.msk $0xffff, v3  }
0x56c: {  	s12 =	simm.s32 $0x11558;
	v3 =	vld [tilespmem:s16+$0x0]  }
0x56d: {  	[tilespmem:v5+s12+$0x0] =	vst.idx.add.f32.msk $0xffff, v6  }
0x56e: {  	[tilespmem:v2+s10+$0x0] =	vst.idx.add.f32.msk $0xffff, v4  }
0x56f: {  	v6 =	vld [tilespmem:s15+$0x0]  }
0x570: {  	v4 =	vld [tilespmem:s0+$0x0];
	_ =	sdelay $0x1  }
0x571: {  	[tilespmem:v1+s12+$0x0] =	vst.idx.add.f32.msk $0xffff, v3  }
0x572: {  	s13 =	simm.s32 $0x11570;
	v3 =	vld [tilespmem:s11+$0x0]  }
0x573: {  	[tilespmem:v5+s13+$0x0] =	vst.idx.add.f32.msk $0xffff, v6  }
0x574: {  	[tilespmem:v2+s12+$0x0] =	vst.idx.add.f32.msk $0xffff, v4  }
0x575: {  	v6 =	vld [tilespmem:s14+$0x0]  }
0x576: {  	v4 =	vld [tilespmem:s2+$0x0];
	_ =	sdelay $0x1  }
0x577: {  	[tilespmem:v1+s13+$0x0] =	vst.idx.add.f32.msk $0xffff, v3  }
0x578: {  	s14 =	simm.s32 $0x11588;
	v3 =	vld [tilespmem:s1+$0x0]  }
0x579: {  	[tilespmem:v5+s14+$0x0] =	vst.idx.add.f32.msk $0xffff, v6  }
0x57a: {  	[tilespmem:v2+s13+$0x0] =	vst.idx.add.f32.msk $0xffff, v4  }
0x57b: {  	s15 =	sld [smem:$0x7DF];
	_ =	sdelay $0x1  }
0x57c: {  	v4 =	vld [tilespmem:s28+$0x0]  }
0x57d: {  	v6 =	vld [tilespmem:s15+$0x0]  }
0x57e: {  	[tilespmem:v1+s14+$0x0] =	vst.idx.add.f32.msk $0xffff, v3  }
0x57f: {  	s16 =	rddreg [dreg:$0x1f]  }
0x580: {  	v3 =	vld [tilespmem:s16+$0x0]  }
0x581: {  	s17 =	simm.s32 $0x115A0;
	[tilespmem:v2+s14+$0x0] =	vst.idx.add.f32.msk $0xffff, v4  }
0x582: {  	s0 =	rddreg [dreg:$0x1b];
	[tilespmem:v5+s17+$0x0] =	vst.idx.add.f32.msk $0xffff, v6  }
0x583: {  	v4 =	vld [tilespmem:s0+$0x0];
	s18 =	sld [smem:$0x7E0];
	_ =	sdelay $0x2  }
0x584: {  	v6 =	vld [tilespmem:s18+$0x0]  }
0x585: {  	[tilespmem:v1+s17+$0x0] =	vst.idx.add.f32.msk $0xffff, v3  }
0x586: {  	s19 =	rddreg [dreg:$0x1d];
	[tilespmem:v2+s17+$0x0] =	vst.idx.add.f32.msk $0xffff, v4  }
0x587: {  	v3 =	vld [tilespmem:s19+$0x0];
	s0 =	rddreg [dreg:$0x15]  }
0x588: {  	s20 =	simm.s32 $0x115B8;
	v4 =	vld [tilespmem:s0+$0x0]  }
0x589: {  	[tilespmem:v5+s20+$0x0] =	vst.idx.add.f32.msk $0xffff, v6  }
0x58a: {  	s23 =	rddreg [dreg:$0x19]  }
0x58b: {  	v6 =	vld [tilespmem:s23+$0x0];
	_ =	sdelay $0x1  }
0x58c: {  	[tilespmem:v1+s20+$0x0] =	vst.idx.add.f32.msk $0xffff, v3  }
0x58d: {  	s24 =	rddreg [dreg:$0x13];
	[tilespmem:v2+s20+$0x0] =	vst.idx.add.f32.msk $0xffff, v4  }
0x58e: {  	s25 =	simm.s32 $0x115D0;
	v3 =	vld [tilespmem:s24+$0x0]  }
0x58f: {  	s0 =	rddreg [dreg:$0x12];
	[tilespmem:v5+s25+$0x0] =	vst.idx.add.f32.msk $0xffff, v6  }
0x590: {  	v4 =	vld [tilespmem:s0+$0x0];
	s26 =	rddreg [dreg:$0x17]  }
0x591: {  	v6 =	vld [tilespmem:s26+$0x0];
	_ =	sdelay $0x1  }
0x592: {  	[tilespmem:v1+s25+$0x0] =	vst.idx.add.f32.msk $0xffff, v3  }
0x593: {  	v3 =	vld [tilespmem:s22+$0x0]  }
0x594: {  	s28 =	simm.s32 $0x115E8;
	[tilespmem:v2+s25+$0x0] =	vst.idx.add.f32.msk $0xffff, v4  }
0x595: {  	[tilespmem:v5+s28+$0x0] =	vst.idx.add.f32.msk $0xffff, v6  }
0x596: {  	v4 =	vld [tilespmem:s21+$0x0];
	s0 =	sld [smem:$0x7E3]  }
0x597: {  	s8 =	simm.s32 $0x11600;
	s29 =	rddreg [dreg:$0x2];
	s6 =	simm.s32 $0x11090  }
.Ltmp6:
0x598: {  	s7 =	simm.s32 $0x110A8;
	s30 =	simm.s32 $0x0;
	(pc) =	sbr.rel .LBB2_9-.Ltmp6, $4  }
0x599: {  	s31 =	simm.s32 $0x11000;
	s13 =	simm.s32 $0x11030;
	s0 =	smul.u32 $0x30, s0  }
0x59a: {  	s15 =	simm.s32 $0x11000;
	s14 =	simm.s32 $0x11018;
	s20 =	simm.s32 $0x110D8;
	[tilespmem:v1+s28+$0x0] =	vst.idx.add.f32.msk $0xffff, v3  }
0x59b: {  	s22 =	simm.s32 $0x11108;
	s21 =	simm.s32 $0x110F0;
	[tilespmem:v2+s28+$0x0] =	vst.idx.add.f32.msk $0xffff, v4;
	s0 =	sadd.s32 s29, s0  }
0x59c: {  	[hbm4b:s0+s30] =	stream.linear.scatter [tilespmem:s31], [sflag:$0x5], $0x600, $0x38;
	[tilespmem:$0x11C00] =	vst v63  }
.LBB2_6:
0x59d: {  	s1 =	sld [smem:$0x7F7]  }
0x59e: {  	p0 =	seq.s32 s12, $0xF  }
0x59f: {  	s0 =	sshll.u32 @!p0 s12, $0xB  }
0x5a0: {  	s0 =	sadd.s32 @!p0 s1, s0;
	s1 =	sld [smem:$0x7E5];
	_ =	sdelay $0x2  }
0x5a1: {  	s1 =	sadd.s32 @!p0 s1, s0  }
0x5a2: {  	s2 =	rddreg [dreg:$0x0];
	s3 =	simm.s32 @!p0 $0x400;
	s1 =	sshrl.u32 @!p0 s1, $0x3  }
0x5a3: {  	s4 =	simm.s32 @!p0 $0x0;
	s1 =	sadd.s32 @!p0 s2, s1;
	s2 =	simm.s32 @!p0 $0x200  }
0x5a4: {  	[tilespmem:s4], [sflag:$0x1] =	stream.strided.gather @!p0 [hbm4b:s1+s2], $0x800, s3, s2, $0x38;
	[tilespmem:$0x11C00] =	vst v63  }
0x5a5: {  	s5 =	simm.s32 @!p0 $0x800;
	s4 =	sadd.s32 @!p0 $0x8000, s1  }
0x5a6: {  	[tilespmem:s5], [sflag:$0x1] =	stream.strided.gather @!p0 [hbm4b:s4+s2], $0x800, s3, s2, $0x38;
	[tilespmem:$0x11C00] =	vst v63  }
0x5a7: {  	s4 =	sadd.s32 @!p0 $0x10000, s1;
	s5 =	simm.s32 @!p0 $0x1000  }
0x5a8: {  	[tilespmem:s5], [sflag:$0x1] =	stream.strided.gather @!p0 [hbm4b:s4+s2], $0x800, s3, s2, $0x38;
	[tilespmem:$0x11C00] =	vst v63  }
0x5a9: {  	s4 =	sadd.s32 @!p0 $0x18000, s1;
	s5 =	simm.s32 @!p0 $0x1800  }
0x5aa: {  	[tilespmem:s5], [sflag:$0x1] =	stream.strided.gather @!p0 [hbm4b:s4+s2], $0x800, s3, s2, $0x38;
	[tilespmem:$0x11C00] =	vst v63  }
0x5ab: {  	s4 =	sadd.s32 @!p0 $0x20000, s1;
	s5 =	simm.s32 @!p0 $0x2000  }
0x5ac: {  	[tilespmem:s5], [sflag:$0x1] =	stream.strided.gather @!p0 [hbm4b:s4+s2], $0x800, s3, s2, $0x38;
	[tilespmem:$0x11C00] =	vst v63  }
0x5ad: {  	s4 =	sadd.s32 @!p0 $0x28000, s1;
	s5 =	simm.s32 @!p0 $0x2800  }
0x5ae: {  	[tilespmem:s5], [sflag:$0x1] =	stream.strided.gather @!p0 [hbm4b:s4+s2], $0x800, s3, s2, $0x38;
	[tilespmem:$0x11C00] =	vst v63  }
0x5af: {  	s4 =	sadd.s32 @!p0 $0x30000, s1;
	s5 =	simm.s32 @!p0 $0x3000  }
0x5b0: {  	[tilespmem:s5], [sflag:$0x1] =	stream.strided.gather @!p0 [hbm4b:s4+s2], $0x800, s3, s2, $0x38;
	[tilespmem:$0x11C00] =	vst v63  }
0x5b1: {  	s4 =	sadd.s32 @!p0 $0x38000, s1;
	s5 =	simm.s32 @!p0 $0x3800  }
0x5b2: {  	[tilespmem:s5], [sflag:$0x1] =	stream.strided.gather @!p0 [hbm4b:s4+s2], $0x800, s3, s2, $0x38;
	[tilespmem:$0x11C00] =	vst v63  }
0x5b3: {  	s4 =	sadd.s32 @!p0 $0x40000, s1;
	s5 =	simm.s32 @!p0 $0x4000  }
0x5b4: {  	[tilespmem:s5], [sflag:$0x1] =	stream.strided.gather @!p0 [hbm4b:s4+s2], $0x800, s3, s2, $0x38;
	[tilespmem:$0x11C00] =	vst v63  }
0x5b5: {  	s4 =	sadd.s32 @!p0 $0x48000, s1;
	s5 =	simm.s32 @!p0 $0x4800  }
0x5b6: {  	[tilespmem:s5], [sflag:$0x1] =	stream.strided.gather @!p0 [hbm4b:s4+s2], $0x800, s3, s2, $0x38;
	[tilespmem:$0x11C00] =	vst v63  }
0x5b7: {  	s4 =	sadd.s32 @!p0 $0x50000, s1;
	s5 =	simm.s32 @!p0 $0x5000  }
0x5b8: {  	[tilespmem:s5], [sflag:$0x1] =	stream.strided.gather @!p0 [hbm4b:s4+s2], $0x800, s3, s2, $0x38;
	[tilespmem:$0x11C00] =	vst v63  }
0x5b9: {  	s4 =	sadd.s32 @!p0 $0x58000, s1;
	s5 =	simm.s32 @!p0 $0x5800  }
0x5ba: {  	[tilespmem:s5], [sflag:$0x1] =	stream.strided.gather @!p0 [hbm4b:s4+s2], $0x800, s3, s2, $0x38;
	[tilespmem:$0x11C00] =	vst v63  }
0x5bb: {  	s4 =	sadd.s32 @!p0 $0x60000, s1;
	s5 =	simm.s32 @!p0 $0x6000  }
0x5bc: {  	[tilespmem:s5], [sflag:$0x1] =	stream.strided.gather @!p0 [hbm4b:s4+s2], $0x800, s3, s2, $0x38;
	[tilespmem:$0x11C00] =	vst v63  }
0x5bd: {  	s4 =	sadd.s32 @!p0 $0x68000, s1;
	s5 =	simm.s32 @!p0 $0x6800  }
0x5be: {  	[tilespmem:s5], [sflag:$0x1] =	stream.strided.gather @!p0 [hbm4b:s4+s2], $0x800, s3, s2, $0x38;
	[tilespmem:$0x11C00] =	vst v63  }
0x5bf: {  	s4 =	sadd.s32 @!p0 $0x70000, s1;
	s5 =	simm.s32 @!p0 $0x7000  }
0x5c0: {  	[tilespmem:s5], [sflag:$0x1] =	stream.strided.gather @!p0 [hbm4b:s4+s2], $0x800, s3, s2, $0x38;
	[tilespmem:$0x11C00] =	vst v63  }
0x5c1: {  	s1 =	sadd.s32 @!p0 $0x78000, s1;
	s4 =	simm.s32 @!p0 $0x7800  }
0x5c2: {  	[tilespmem:s4], [sflag:$0x1] =	stream.strided.gather @!p0 [hbm4b:s1+s2], $0x800, s3, s2, $0x38;
	[tilespmem:$0x11C00] =	vst v63  }
0x5c3: {  	s1 =	sld [smem:$0x7E6];
	_ =	sdelay $0x2  }
0x5c4: {  	s0 =	sadd.s32 @!p0 s1, s0  }
0x5c5: {  	s1 =	rddreg [dreg:$0x1];
	s0 =	sshrl.u32 @!p0 s0, $0x3  }
0x5c6: {  	p1 =	slt.u32 @!p0 s12, $0x2;
	s0 =	sadd.s32 @!p0 s1, s0;
	s1 =	simm.s32 @!p0 $0x10000  }
0x5c7: {  	[tilespmem:s1], [sflag:$0x3] =	stream.strided.gather @!p0 [hbm4b:s0+s2], $0x800, s3, s2, $0x38;
	[tilespmem:$0x11C00] =	vst v63  }
0x5c8: {  	p0 =	por p0, !p1  }
0x5c9: {  	s0 =	simm.s32 @p0 $0x6  }
0x5ca: {  	_ =	swait.ge @p0 [sflag:s0], $0x600  }
0x5cb: {  	[sflag:s0] =	ssyncset.done @p0 $0x0  }
0x5cc: {  	s4 =	simm.s32 $0x2;
	[sflag:s0] =	ssyncadd.s32 @p0 $0xFFFFFA00  }
0x5cd: {  	_ =	swait.ge [sflag:s4], $0x8000  }
0x5ce: {  	[sflag:s4] =	ssyncset.done $0x0  }
0x5cf: {  	s5 =	simm.s32 $0x4;
	[sflag:s4] =	ssyncadd.s32 $0xFFFF8000  }
0x5d0: {  	_ =	swait.ge [sflag:s5], $0x800  }
0x5d1: {  	[sflag:s5] =	ssyncset.done $0x0  }
0x5d2: {  	[sflag:s5] =	ssyncadd.s32 $0xFFFFF800  }
0x5d3: {  	[tilespmem:$0x11600] =	vst v0  }
0x5d4: {  	[tilespmem:$0x11610] =	vst v0  }
0x5d5: {  	[tilespmem:$0x11620] =	vst v0  }
0x5d6: {  	[tilespmem:$0x11630] =	vst v0  }
0x5d7: {  	[tilespmem:$0x11640] =	vst v0  }
0x5d8: {  	[tilespmem:$0x11650] =	vst v0  }
0x5d9: {  	[tilespmem:$0x11660] =	vst v0  }
0x5da: {  	[tilespmem:$0x11670] =	vst v0  }
0x5db: {  	[tilespmem:$0x11680] =	vst v0  }
0x5dc: {  	[tilespmem:$0x11690] =	vst v0  }
0x5dd: {  	[tilespmem:$0x116A0] =	vst v0  }
0x5de: {  	[tilespmem:$0x116B0] =	vst v0  }
0x5df: {  	[tilespmem:$0x116C0] =	vst v0  }
0x5e0: {  	[tilespmem:$0x116D0] =	vst v0  }
0x5e1: {  	[tilespmem:$0x116E0] =	vst v0  }
0x5e2: {  	[tilespmem:$0x116F0] =	vst v0  }
0x5e3: {  	[tilespmem:$0x11700] =	vst v0  }
0x5e4: {  	[tilespmem:$0x11710] =	vst v0  }
0x5e5: {  	[tilespmem:$0x11720] =	vst v0  }
0x5e6: {  	[tilespmem:$0x11730] =	vst v0  }
0x5e7: {  	[tilespmem:$0x11740] =	vst v0  }
0x5e8: {  	[tilespmem:$0x11750] =	vst v0  }
0x5e9: {  	[tilespmem:$0x11760] =	vst v0  }
0x5ea: {  	[tilespmem:$0x11770] =	vst v0  }
0x5eb: {  	[tilespmem:$0x11780] =	vst v0  }
0x5ec: {  	[tilespmem:$0x11790] =	vst v0  }
0x5ed: {  	[tilespmem:$0x117A0] =	vst v0  }
0x5ee: {  	[tilespmem:$0x117B0] =	vst v0  }
0x5ef: {  	[tilespmem:$0x117C0] =	vst v0  }
0x5f0: {  	[tilespmem:$0x117D0] =	vst v0  }
0x5f1: {  	[tilespmem:$0x117E0] =	vst v0  }
0x5f2: {  	[tilespmem:$0x117F0] =	vst v0  }
0x5f3: {  	[tilespmem:$0x11800] =	vst v0  }
0x5f4: {  	[tilespmem:$0x11810] =	vst v0  }
0x5f5: {  	[tilespmem:$0x11820] =	vst v0  }
0x5f6: {  	[tilespmem:$0x11830] =	vst v0  }
0x5f7: {  	[tilespmem:$0x11840] =	vst v0  }
0x5f8: {  	[tilespmem:$0x11850] =	vst v0  }
0x5f9: {  	[tilespmem:$0x11860] =	vst v0  }
0x5fa: {  	[tilespmem:$0x11870] =	vst v0  }
0x5fb: {  	[tilespmem:$0x11880] =	vst v0  }
0x5fc: {  	[tilespmem:$0x11890] =	vst v0  }
0x5fd: {  	[tilespmem:$0x118A0] =	vst v0  }
0x5fe: {  	[tilespmem:$0x118B0] =	vst v0  }
0x5ff: {  	[tilespmem:$0x118C0] =	vst v0  }
0x600: {  	[tilespmem:$0x118D0] =	vst v0  }
0x601: {  	[tilespmem:$0x118E0] =	vst v0  }
0x602: {  	[tilespmem:$0x118F0] =	vst v0  }
0x603: {  	[tilespmem:$0x11900] =	vst v0  }
0x604: {  	[tilespmem:$0x11910] =	vst v0  }
0x605: {  	[tilespmem:$0x11920] =	vst v0  }
0x606: {  	[tilespmem:$0x11930] =	vst v0  }
0x607: {  	[tilespmem:$0x11940] =	vst v0  }
0x608: {  	[tilespmem:$0x11950] =	vst v0  }
0x609: {  	[tilespmem:$0x11960] =	vst v0  }
0x60a: {  	[tilespmem:$0x11970] =	vst v0  }
0x60b: {  	[tilespmem:$0x11980] =	vst v0  }
0x60c: {  	[tilespmem:$0x11990] =	vst v0  }
0x60d: {  	[tilespmem:$0x119A0] =	vst v0  }
0x60e: {  	[tilespmem:$0x119B0] =	vst v0  }
0x60f: {  	[tilespmem:$0x119C0] =	vst v0  }
0x610: {  	[tilespmem:$0x119D0] =	vst v0  }
0x611: {  	[tilespmem:$0x119E0] =	vst v0  }
0x612: {  	[tilespmem:$0x119F0] =	vst v0  }
0x613: {  	[tilespmem:$0x11A00] =	vst v0  }
0x614: {  	[tilespmem:$0x11A10] =	vst v0  }
0x615: {  	[tilespmem:$0x11A20] =	vst v0  }
0x616: {  	[tilespmem:$0x11A30] =	vst v0  }
0x617: {  	[tilespmem:$0x11A40] =	vst v0  }
0x618: {  	[tilespmem:$0x11A50] =	vst v0  }
0x619: {  	[tilespmem:$0x11A60] =	vst v0  }
0x61a: {  	[tilespmem:$0x11A70] =	vst v0  }
0x61b: {  	[tilespmem:$0x11A80] =	vst v0  }
0x61c: {  	[tilespmem:$0x11A90] =	vst v0  }
0x61d: {  	[tilespmem:$0x11AA0] =	vst v0  }
0x61e: {  	[tilespmem:$0x11AB0] =	vst v0  }
0x61f: {  	[tilespmem:$0x11AC0] =	vst v0  }
0x620: {  	[tilespmem:$0x11AD0] =	vst v0  }
0x621: {  	[tilespmem:$0x11AE0] =	vst v0  }
0x622: {  	[tilespmem:$0x11AF0] =	vst v0  }
0x623: {  	[tilespmem:$0x11B00] =	vst v0  }
0x624: {  	[tilespmem:$0x11B10] =	vst v0  }
0x625: {  	[tilespmem:$0x11B20] =	vst v0  }
0x626: {  	[tilespmem:$0x11B30] =	vst v0  }
0x627: {  	[tilespmem:$0x11B40] =	vst v0  }
0x628: {  	[tilespmem:$0x11B50] =	vst v0  }
0x629: {  	[tilespmem:$0x11B60] =	vst v0  }
0x62a: {  	[tilespmem:$0x11B70] =	vst v0  }
0x62b: {  	[tilespmem:$0x11B80] =	vst v0  }
0x62c: {  	[tilespmem:$0x11B90] =	vst v0  }
0x62d: {  	[tilespmem:$0x11BA0] =	vst v0  }
0x62e: {  	[tilespmem:$0x11BB0] =	vst v0  }
0x62f: {  	[tilespmem:$0x11BC0] =	vst v0  }
0x630: {  	s6 =	simm.s32 $0x0;
	[tilespmem:$0x11BD0] =	vst v0  }
0x631: {  	s24 =	sand.u32 $0x40, s6;
	s19 =	sand.u32 $0x600, s6;
	[tilespmem:$0x11BE0] =	vst v0  }
0x632: {  	s17 =	sor.u32 s24, s19;
	[tilespmem:$0x11BF0] =	vst v0  }
0x633: {  	v1 =	vld [tilespmem:s17+$0x10800];
	_ =	sdelay $0x2  }
0x634: {  	v2 =	vld [tilespmem:s17+$0x8000];
	_ =	sdelay $0x3  }
0x635: {  	s16 =	sor.u32 $0x8800, s19  }
0x636: {  	s7 =	sor.u32 s24, s16;
	[tilespmem:v1+s8+$0x0] =	vst.idx.add.f32.msk $0xffff, v2  }
0x637: {  	v2 =	vld [tilespmem:s7+$0x0];
	_ =	sdelay $0x3  }
0x638: {  	s15 =	sor.u32 $0x9000, s19  }
0x639: {  	s8 =	sor.u32 s24, s15;
	[tilespmem:v1+s9+$0x0] =	vst.idx.add.f32.msk $0xffff, v2  }
0x63a: {  	v2 =	vld [tilespmem:s8+$0x0];
	_ =	sdelay $0x3  }
0x63b: {  	s14 =	sor.u32 $0x9800, s19  }
0x63c: {  	s9 =	sor.u32 s24, s14;
	[tilespmem:v1+s10+$0x0] =	vst.idx.add.f32.msk $0xffff, v2  }
0x63d: {  	v2 =	vld [tilespmem:s9+$0x0];
	_ =	sdelay $0x3  }
0x63e: {  	s13 =	sor.u32 $0xA000, s19  }
0x63f: {  	s10 =	sor.u32 s24, s13;
	[tilespmem:v1+s11+$0x0] =	vst.idx.add.f32.msk $0xffff, v2  }
0x640: {  	v2 =	vld [tilespmem:s10+$0x0];
	_ =	sdelay $0x3  }
0x641: {  	s12 =	sor.u32 $0xA800, s19  }
0x642: {  	s11 =	sor.u32 s24, s12;
	[tilespmem:v1+s23+$0x0] =	vst.idx.add.f32.msk $0xffff, v2  }
0x643: {  	v2 =	vld [tilespmem:s11+$0x0];
	_ =	sdelay $0x3  }
0x644: {  	s28 =	simm.s32 $0x11678;
	s11 =	sor.u32 $0xB000, s19  }
0x645: {  	s18 =	sor.u32 s24, s11;
	[tilespmem:v1+s28+$0x0] =	vst.idx.add.f32.msk $0xffff, v2  }
0x646: {  	v2 =	vld [tilespmem:s18+$0x0];
	_ =	sdelay $0x3  }
0x647: {  	s30 =	simm.s32 $0x11690;
	s10 =	sor.u32 $0xB800, s19  }
0x648: {  	s20 =	sor.u32 s24, s10;
	[tilespmem:v1+s30+$0x0] =	vst.idx.add.f32.msk $0xffff, v2  }
0x649: {  	v2 =	vld [tilespmem:s20+$0x0];
	_ =	sdelay $0x3  }
0x64a: {  	s21 =	simm.s32 $0x116A8;
	s9 =	sor.u32 $0xC000, s19  }
0x64b: {  	s22 =	sor.u32 s24, s9;
	[tilespmem:v1+s21+$0x0] =	vst.idx.add.f32.msk $0xffff, v2  }
0x64c: {  	v2 =	vld [tilespmem:s22+$0x0];
	_ =	sdelay $0x3  }
0x64d: {  	s8 =	sor.u32 $0xC800, s19;
	s23 =	simm.s32 $0x116C0  }
0x64e: {  	s0 =	sor.u32 s24, s8;
	[tilespmem:v1+s23+$0x0] =	vst.idx.add.f32.msk $0xffff, v2  }
0x64f: {  	v2 =	vld [tilespmem:s0+$0x0];
	_ =	sdelay $0x3  }
0x650: {  	s1 =	simm.s32 $0x116D8;
	s7 =	sor.u32 $0xD000, s19  }
0x651: {  	s2 =	sor.u32 s24, s7;
	[tilespmem:v1+s1+$0x0] =	vst.idx.add.f32.msk $0xffff, v2  }
0x652: {  	v2 =	vld [tilespmem:s2+$0x0];
	_ =	sdelay $0x3  }
0x653: {  	s3 =	simm.s32 $0x116F0;
	s5 =	sor.u32 $0xD800, s19  }
0x654: {  	s4 =	sor.u32 s24, s5;
	[tilespmem:v1+s3+$0x0] =	vst.idx.add.f32.msk $0xffff, v2  }
0x655: {  	s21 =	sor.u32 $0x30, s24;
	v2 =	vld [tilespmem:s4+$0x0]  }
0x656: {  	s3 =	sor.u32 s19, s21  }
0x657: {  	v4 =	vld [tilespmem:s3+$0x10800];
	_ =	sdelay $0x1  }
0x658: {  	s6 =	simm.s32 $0x11708;
	s4 =	sor.u32 $0xE000, s19;
	v5 =	vld [tilespmem:s3+$0x8000]  }
0x659: {  	s23 =	sor.u32 $0x10, s24;
	s18 =	sor.u32 s24, s4;
	[tilespmem:v1+s6+$0x0] =	vst.idx.add.f32.msk $0xffff, v2  }
0x65a: {  	s1 =	sor.u32 s19, s23;
	v3 =	vld [tilespmem:s18+$0x0]  }
0x65b: {  	s22 =	sor.u32 $0x20, s24;
	v2 =	vld [tilespmem:s1+$0x10800]  }
0x65c: {  	s2 =	sor.u32 s19, s22;
	v6 =	vld [tilespmem:s1+$0x8000]  }
0x65d: {  	s25 =	simm.s32 $0x11600;
	v8 =	vld [tilespmem:s2+$0x8000]  }
0x65e: {  	s6 =	simm.s32 $0x11720;
	[tilespmem:v4+s25+$0x0] =	vst.idx.add.f32.msk $0xffff, v5  }
0x65f: {  	[tilespmem:v1+s6+$0x0] =	vst.idx.add.f32.msk $0xffff, v3  }
0x660: {  	s18 =	sor.u32 s21, s16;
	v3 =	vld [tilespmem:s2+$0x10800];
	s6 =	sor.u32 $0xE800, s19  }
0x661: {  	v5 =	vld [tilespmem:s18+$0x0];
	s20 =	sor.u32 s24, s6  }
0x662: {  	v7 =	vld [tilespmem:s20+$0x0]  }
0x663: {  	s20 =	sor.u32 s23, s16;
	[tilespmem:v2+s25+$0x0] =	vst.idx.add.f32.msk $0xffff, v6  }
0x664: {  	v6 =	vld [tilespmem:s20+$0x0]  }
0x665: {  	s31 =	simm.s32 $0x11618  }
0x666: {  	[tilespmem:v4+s31+$0x0] =	vst.idx.add.f32.msk $0xffff, v5;
	s20 =	sor.u32 s21, s15  }
0x667: {  	v5 =	vld [tilespmem:s20+$0x0]  }
0x668: {  	[tilespmem:v3+s25+$0x0] =	vst.idx.add.f32.msk $0xffff, v8  }
0x669: {  	s16 =	sor.u32 s22, s16;
	[tilespmem:v2+s31+$0x0] =	vst.idx.add.f32.msk $0xffff, v6  }
0x66a: {  	s25 =	sor.u32 s23, s15;
	v8 =	vld [tilespmem:s16+$0x0]  }
0x66b: {  	v6 =	vld [tilespmem:s25+$0x0]  }
0x66c: {  	s29 =	simm.s32 $0x11630  }
0x66d: {  	s18 =	sor.u32 s21, s14;
	[tilespmem:v4+s29+$0x0] =	vst.idx.add.f32.msk $0xffff, v5  }
0x66e: {  	v5 =	vld [tilespmem:s18+$0x0]  }
0x66f: {  	[tilespmem:v3+s31+$0x0] =	vst.idx.add.f32.msk $0xffff, v8  }
0x670: {  	s15 =	sor.u32 s22, s15;
	[tilespmem:v2+s29+$0x0] =	vst.idx.add.f32.msk $0xffff, v6  }
0x671: {  	s20 =	sor.u32 s23, s14;
	v8 =	vld [tilespmem:s15+$0x0]  }
0x672: {  	v6 =	vld [tilespmem:s20+$0x0]  }
0x673: {  	s26 =	simm.s32 $0x11648  }
0x674: {  	s25 =	sor.u32 s21, s13;
	[tilespmem:v4+s26+$0x0] =	vst.idx.add.f32.msk $0xffff, v5  }
0x675: {  	v5 =	vld [tilespmem:s25+$0x0]  }
0x676: {  	[tilespmem:v3+s29+$0x0] =	vst.idx.add.f32.msk $0xffff, v8  }
0x677: {  	s14 =	sor.u32 s22, s14;
	[tilespmem:v2+s26+$0x0] =	vst.idx.add.f32.msk $0xffff, v6  }
0x678: {  	s16 =	sor.u32 s23, s13;
	v8 =	vld [tilespmem:s14+$0x0]  }
0x679: {  	v6 =	vld [tilespmem:s16+$0x0]  }
0x67a: {  	s0 =	simm.s32 $0x11660  }
0x67b: {  	s18 =	sor.u32 s21, s12;
	[tilespmem:v4+s0+$0x0] =	vst.idx.add.f32.msk $0xffff, v5  }
0x67c: {  	v5 =	vld [tilespmem:s18+$0x0]  }
0x67d: {  	[tilespmem:v3+s26+$0x0] =	vst.idx.add.f32.msk $0xffff, v8  }
0x67e: {  	s13 =	sor.u32 s22, s13;
	[tilespmem:v2+s0+$0x0] =	vst.idx.add.f32.msk $0xffff, v6  }
0x67f: {  	s20 =	sor.u32 s23, s12;
	v8 =	vld [tilespmem:s13+$0x0]  }
0x680: {  	v6 =	vld [tilespmem:s20+$0x0];
	_ =	sdelay $0x1  }
0x681: {  	s25 =	sor.u32 s21, s11;
	[tilespmem:v4+s28+$0x0] =	vst.idx.add.f32.msk $0xffff, v5  }
0x682: {  	v5 =	vld [tilespmem:s25+$0x0]  }
0x683: {  	[tilespmem:v3+s0+$0x0] =	vst.idx.add.f32.msk $0xffff, v8  }
0x684: {  	s12 =	sor.u32 s22, s12;
	[tilespmem:v2+s28+$0x0] =	vst.idx.add.f32.msk $0xffff, v6  }
0x685: {  	s26 =	sor.u32 s23, s11;
	v8 =	vld [tilespmem:s12+$0x0]  }
0x686: {  	v6 =	vld [tilespmem:s26+$0x0];
	_ =	sdelay $0x1  }
0x687: {  	s0 =	sor.u32 s21, s10;
	[tilespmem:v4+s30+$0x0] =	vst.idx.add.f32.msk $0xffff, v5  }
0x688: {  	v5 =	vld [tilespmem:s0+$0x0]  }
0x689: {  	[tilespmem:v3+s28+$0x0] =	vst.idx.add.f32.msk $0xffff, v8  }
0x68a: {  	s11 =	sor.u32 s22, s11;
	[tilespmem:v2+s30+$0x0] =	vst.idx.add.f32.msk $0xffff, v6  }
0x68b: {  	s13 =	sor.u32 s23, s10;
	v8 =	vld [tilespmem:s11+$0x0]  }
0x68c: {  	v6 =	vld [tilespmem:s13+$0x0]  }
0x68d: {  	s14 =	simm.s32 $0x116A8  }
0x68e: {  	s15 =	sor.u32 s21, s9;
	[tilespmem:v4+s14+$0x0] =	vst.idx.add.f32.msk $0xffff, v5  }
0x68f: {  	v5 =	vld [tilespmem:s15+$0x0]  }
0x690: {  	[tilespmem:v3+s30+$0x0] =	vst.idx.add.f32.msk $0xffff, v8  }
0x691: {  	s10 =	sor.u32 s22, s10;
	[tilespmem:v2+s14+$0x0] =	vst.idx.add.f32.msk $0xffff, v6  }
0x692: {  	s16 =	sor.u32 s23, s9;
	v8 =	vld [tilespmem:s10+$0x0]  }
0x693: {  	v6 =	vld [tilespmem:s16+$0x0]  }
0x694: {  	s20 =	simm.s32 $0x116C0  }
0x695: {  	s25 =	sor.u32 s21, s8;
	[tilespmem:v4+s20+$0x0] =	vst.idx.add.f32.msk $0xffff, v5  }
0x696: {  	s18 =	simm.s32 $0x116A8;
	v5 =	vld [tilespmem:s25+$0x0]  }
0x697: {  	[tilespmem:v3+s18+$0x0] =	vst.idx.add.f32.msk $0xffff, v8  }
0x698: {  	s9 =	sor.u32 s22, s9;
	[tilespmem:v2+s20+$0x0] =	vst.idx.add.f32.msk $0xffff, v6  }
0x699: {  	s26 =	sor.u32 s23, s8;
	v8 =	vld [tilespmem:s9+$0x0]  }
0x69a: {  	v6 =	vld [tilespmem:s26+$0x0]  }
0x69b: {  	s11 =	simm.s32 $0x116D8  }
0x69c: {  	s12 =	sor.u32 s21, s7;
	[tilespmem:v4+s11+$0x0] =	vst.idx.add.f32.msk $0xffff, v5  }
0x69d: {  	s0 =	simm.s32 $0x116C0;
	v5 =	vld [tilespmem:s12+$0x0]  }
0x69e: {  	[tilespmem:v3+s0+$0x0] =	vst.idx.add.f32.msk $0xffff, v8  }
0x69f: {  	s8 =	sor.u32 s22, s8;
	[tilespmem:v2+s11+$0x0] =	vst.idx.add.f32.msk $0xffff, v6  }
0x6a0: {  	s13 =	sor.u32 s23, s7;
	v8 =	vld [tilespmem:s8+$0x0]  }
0x6a1: {  	v6 =	vld [tilespmem:s13+$0x0]  }
0x6a2: {  	s15 =	simm.s32 $0x116F0  }
0x6a3: {  	s16 =	sor.u32 s21, s5;
	[tilespmem:v4+s15+$0x0] =	vst.idx.add.f32.msk $0xffff, v5  }
0x6a4: {  	s14 =	simm.s32 $0x116D8;
	v5 =	vld [tilespmem:s16+$0x0]  }
0x6a5: {  	[tilespmem:v3+s14+$0x0] =	vst.idx.add.f32.msk $0xffff, v8  }
0x6a6: {  	s7 =	sor.u32 s22, s7;
	[tilespmem:v2+s15+$0x0] =	vst.idx.add.f32.msk $0xffff, v6  }
0x6a7: {  	s18 =	sor.u32 s23, s5;
	v8 =	vld [tilespmem:s7+$0x0]  }
0x6a8: {  	v6 =	vld [tilespmem:s18+$0x0]  }
0x6a9: {  	s25 =	simm.s32 $0x11708  }
0x6aa: {  	s26 =	sor.u32 s21, s4;
	[tilespmem:v4+s25+$0x0] =	vst.idx.add.f32.msk $0xffff, v5  }
0x6ab: {  	s20 =	simm.s32 $0x116F0;
	v5 =	vld [tilespmem:s26+$0x0]  }
0x6ac: {  	[tilespmem:v3+s20+$0x0] =	vst.idx.add.f32.msk $0xffff, v8  }
0x6ad: {  	s5 =	sor.u32 s22, s5;
	[tilespmem:v2+s25+$0x0] =	vst.idx.add.f32.msk $0xffff, v6  }
0x6ae: {  	s9 =	sor.u32 s23, s4;
	v8 =	vld [tilespmem:s5+$0x0]  }
0x6af: {  	v6 =	vld [tilespmem:s9+$0x0]  }
0x6b0: {  	s11 =	simm.s32 $0x11720  }
0x6b1: {  	s12 =	sor.u32 s21, s6;
	[tilespmem:v4+s11+$0x0] =	vst.idx.add.f32.msk $0xffff, v5  }
0x6b2: {  	s10 =	simm.s32 $0x11708;
	v5 =	vld [tilespmem:s12+$0x0]  }
0x6b3: {  	[tilespmem:v3+s10+$0x0] =	vst.idx.add.f32.msk $0xffff, v8  }
0x6b4: {  	s4 =	sor.u32 s22, s4;
	[tilespmem:v2+s11+$0x0] =	vst.idx.add.f32.msk $0xffff, v6  }
0x6b5: {  	s13 =	sor.u32 s23, s6;
	v8 =	vld [tilespmem:s4+$0x0]  }
0x6b6: {  	s16 =	simm.s32 $0x11738;
	v6 =	vld [tilespmem:s13+$0x0]  }
0x6b7: {  	[tilespmem:v1+s16+$0x0] =	vst.idx.add.f32.msk $0xffff, v7;
	s15 =	sor.u32 $0xF000, s19  }
0x6b8: {  	s18 =	sor.u32 s21, s15;
	[tilespmem:v4+s16+$0x0] =	vst.idx.add.f32.msk $0xffff, v5  }
0x6b9: {  	s14 =	simm.s32 $0x11720;
	v5 =	vld [tilespmem:s18+$0x0]  }
0x6ba: {  	[tilespmem:v3+s14+$0x0] =	vst.idx.add.f32.msk $0xffff, v8  }
0x6bb: {  	s5 =	sor.u32 s24, s15;
	[tilespmem:v2+s16+$0x0] =	vst.idx.add.f32.msk $0xffff, v6  }
0x6bc: {  	s20 =	sor.u32 s22, s6;
	v8 =	vld [tilespmem:s5+$0x0]  }
0x6bd: {  	s10 =	sor.u32 s23, s15;
	v7 =	vld [tilespmem:s20+$0x0]  }
0x6be: {  	s26 =	simm.s32 $0x11750;
	s25 =	sor.u32 $0xF800, s19;
	v6 =	vld [tilespmem:s10+$0x0]  }
0x6bf: {  	s9 =	sor.u32 s21, s25;
	[tilespmem:v4+s26+$0x0] =	vst.idx.add.f32.msk $0xffff, v5  }
0x6c0: {  	v5 =	vld [tilespmem:s9+$0x0]  }
0x6c1: {  	[tilespmem:v1+s26+$0x0] =	vst.idx.add.f32.msk $0xffff, v8  }
0x6c2: {  	[tilespmem:v3+s16+$0x0] =	vst.idx.add.f32.msk $0xffff, v7  }
0x6c3: {  	s11 =	sor.u32 s22, s15;
	s15 =	sor.u32 s24, s25;
	[tilespmem:v2+s26+$0x0] =	vst.idx.add.f32.msk $0xffff, v6  }
0x6c4: {  	s12 =	simm.s32 $0x11768;
	v8 =	vld [tilespmem:s15+$0x0]  }
0x6c5: {  	[tilespmem:v4+s12+$0x0] =	vst.idx.add.f32.msk $0xffff, v5  }
0x6c6: {  	v4 =	vld [tilespmem:s3+$0x10880]  }
0x6c7: {  	s13 =	sor.u32 s23, s25;
	v7 =	vld [tilespmem:s11+$0x0]  }
0x6c8: {  	v6 =	vld [tilespmem:s13+$0x0]  }
0x6c9: {  	v5 =	vld [tilespmem:s3+$0x8080];
	_ =	sdelay $0x1  }
0x6ca: {  	[tilespmem:v1+s12+$0x0] =	vst.idx.add.f32.msk $0xffff, v8  }
0x6cb: {  	[tilespmem:v3+s26+$0x0] =	vst.idx.add.f32.msk $0xffff, v7  }
0x6cc: {  	s18 =	simm.s32 $0x11780;
	s16 =	sor.u32 $0x8880, s19;
	[tilespmem:v2+s12+$0x0] =	vst.idx.add.f32.msk $0xffff, v6  }
0x6cd: {  	s20 =	sor.u32 s21, s16;
	[tilespmem:v4+s18+$0x0] =	vst.idx.add.f32.msk $0xffff, v5  }
0x6ce: {  	v5 =	vld [tilespmem:s20+$0x0]  }
0x6cf: {  	v1 =	vld [tilespmem:s17+$0x10880]  }
0x6d0: {  	s14 =	sor.u32 s22, s25;
	v8 =	vld [tilespmem:s17+$0x8080]  }
0x6d1: {  	v7 =	vld [tilespmem:s14+$0x0]  }
0x6d2: {  	s25 =	sor.u32 $0x9080, s19;
	s26 =	simm.s32 $0x11798;
	v2 =	vld [tilespmem:s1+$0x10880]  }
0x6d3: {  	s10 =	sor.u32 s21, s25;
	[tilespmem:v4+s26+$0x0] =	vst.idx.add.f32.msk $0xffff, v5  }
0x6d4: {  	v5 =	vld [tilespmem:s10+$0x0]  }
0x6d5: {  	v6 =	vld [tilespmem:s1+$0x8080]  }
0x6d6: {  	[tilespmem:v3+s12+$0x0] =	vst.idx.add.f32.msk $0xffff, v7  }
0x6d7: {  	v3 =	vld [tilespmem:s2+$0x10880]  }
0x6d8: {  	s8 =	simm.s32 $0x117B0;
	v7 =	vld [tilespmem:s2+$0x8080];
	s2 =	sor.u32 $0x9880, s19  }
0x6d9: {  	s11 =	sor.u32 s21, s2;
	[tilespmem:v4+s8+$0x0] =	vst.idx.add.f32.msk $0xffff, v5  }
0x6da: {  	v5 =	vld [tilespmem:s11+$0x0]  }
0x6db: {  	s15 =	sor.u32 s24, s16;
	[tilespmem:v1+s18+$0x0] =	vst.idx.add.f32.msk $0xffff, v8  }
0x6dc: {  	v8 =	vld [tilespmem:s15+$0x0]  }
0x6dd: {  	s12 =	sor.u32 s23, s16;
	[tilespmem:v2+s18+$0x0] =	vst.idx.add.f32.msk $0xffff, v6  }
0x6de: {  	s5 =	sor.u32 $0xA080, s19;
	s9 =	simm.s32 $0x117C8;
	v6 =	vld [tilespmem:s12+$0x0]  }
0x6df: {  	s13 =	sor.u32 s21, s5;
	[tilespmem:v4+s9+$0x0] =	vst.idx.add.f32.msk $0xffff, v5  }
0x6e0: {  	v5 =	vld [tilespmem:s13+$0x0]  }
0x6e1: {  	[tilespmem:v1+s26+$0x0] =	vst.idx.add.f32.msk $0xffff, v8  }
0x6e2: {  	s4 =	sor.u32 s24, s25;
	[tilespmem:v3+s18+$0x0] =	vst.idx.add.f32.msk $0xffff, v7  }
0x6e3: {  	s14 =	sor.u32 s22, s16;
	v8 =	vld [tilespmem:s4+$0x0]  }
0x6e4: {  	s3 =	sor.u32 $0xA880, s19;
	s10 =	simm.s32 $0x117E0;
	v7 =	vld [tilespmem:s14+$0x0]  }
0x6e5: {  	s16 =	sor.u32 s21, s3;
	[tilespmem:v4+s10+$0x0] =	vst.idx.add.f32.msk $0xffff, v5  }
0x6e6: {  	v5 =	vld [tilespmem:s16+$0x0]  }
0x6e7: {  	s17 =	sor.u32 s23, s25;
	[tilespmem:v2+s26+$0x0] =	vst.idx.add.f32.msk $0xffff, v6  }
0x6e8: {  	v6 =	vld [tilespmem:s17+$0x0]  }
0x6e9: {  	[tilespmem:v1+s8+$0x0] =	vst.idx.add.f32.msk $0xffff, v8  }
0x6ea: {  	s1 =	sor.u32 $0xB080, s19;
	s11 =	simm.s32 $0x117F8;
	[tilespmem:v3+s26+$0x0] =	vst.idx.add.f32.msk $0xffff, v7  }
0x6eb: {  	s20 =	sor.u32 s21, s1;
	[tilespmem:v4+s11+$0x0] =	vst.idx.add.f32.msk $0xffff, v5  }
0x6ec: {  	s6 =	sor.u32 s22, s2;
	v5 =	vld [tilespmem:s20+$0x0]  }
0x6ed: {  	s18 =	sor.u32 s22, s25;
	s25 =	sor.u32 s23, s2;
	s2 =	sor.u32 s24, s2;
	[tilespmem:v2+s8+$0x0] =	vst.idx.add.f32.msk $0xffff, v6  }
0x6ee: {  	v8 =	vld [tilespmem:s2+$0x0]  }
0x6ef: {  	v7 =	vld [tilespmem:s18+$0x0]  }
0x6f0: {  	s0 =	sor.u32 $0xB880, s19;
	s12 =	simm.s32 $0x11810;
	v6 =	vld [tilespmem:s25+$0x0]  }
0x6f1: {  	s26 =	sor.u32 s21, s0;
	[tilespmem:v4+s12+$0x0] =	vst.idx.add.f32.msk $0xffff, v5  }
0x6f2: {  	v5 =	vld [tilespmem:s26+$0x0]  }
0x6f3: {  	[tilespmem:v1+s9+$0x0] =	vst.idx.add.f32.msk $0xffff, v8  }
0x6f4: {  	[tilespmem:v3+s8+$0x0] =	vst.idx.add.f32.msk $0xffff, v7  }
0x6f5: {  	[tilespmem:v2+s9+$0x0] =	vst.idx.add.f32.msk $0xffff, v6  }
0x6f6: {  	s2 =	sor.u32 $0xC080, s19;
	s13 =	simm.s32 $0x11828;
	v7 =	vld [tilespmem:s6+$0x0]  }
0x6f7: {  	s7 =	sor.u32 s21, s2;
	[tilespmem:v4+s13+$0x0] =	vst.idx.add.f32.msk $0xffff, v5  }
0x6f8: {  	s8 =	sor.u32 s23, s5;
	v5 =	vld [tilespmem:s7+$0x0]  }
0x6f9: {  	s14 =	sor.u32 s22, s5;
	s5 =	sor.u32 s24, s5;
	v6 =	vld [tilespmem:s8+$0x0]  }
0x6fa: {  	v8 =	vld [tilespmem:s5+$0x0]  }
0x6fb: {  	[tilespmem:v3+s9+$0x0] =	vst.idx.add.f32.msk $0xffff, v7  }
0x6fc: {  	s6 =	sor.u32 $0xC880, s19;
	v7 =	vld [tilespmem:s14+$0x0];
	s14 =	simm.s32 $0x11840  }
0x6fd: {  	s15 =	sor.u32 s21, s6;
	[tilespmem:v4+s14+$0x0] =	vst.idx.add.f32.msk $0xffff, v5  }
0x6fe: {  	v5 =	vld [tilespmem:s15+$0x0];
	_ =	sdelay $0x1  }
0x6ff: {  	[tilespmem:v2+s10+$0x0] =	vst.idx.add.f32.msk $0xffff, v6  }
0x700: {  	s16 =	sor.u32 s23, s3;
	[tilespmem:v1+s10+$0x0] =	vst.idx.add.f32.msk $0xffff, v8  }
0x701: {  	s5 =	sor.u32 $0xD080, s19;
	v6 =	vld [tilespmem:s16+$0x0];
	s15 =	simm.s32 $0x11858  }
0x702: {  	s17 =	sor.u32 s21, s5;
	[tilespmem:v4+s15+$0x0] =	vst.idx.add.f32.msk $0xffff, v5  }
0x703: {  	s18 =	sor.u32 s22, s3;
	s3 =	sor.u32 s24, s3;
	v5 =	vld [tilespmem:s17+$0x0]  }
0x704: {  	v8 =	vld [tilespmem:s3+$0x0]  }
0x705: {  	[tilespmem:v3+s10+$0x0] =	vst.idx.add.f32.msk $0xffff, v7  }
0x706: {  	[tilespmem:v2+s11+$0x0] =	vst.idx.add.f32.msk $0xffff, v6  }
0x707: {  	s4 =	sor.u32 $0xD880, s19;
	s16 =	simm.s32 $0x11870;
	v7 =	vld [tilespmem:s18+$0x0]  }
0x708: {  	s20 =	sor.u32 s21, s4;
	[tilespmem:v4+s16+$0x0] =	vst.idx.add.f32.msk $0xffff, v5  }
0x709: {  	v5 =	vld [tilespmem:s20+$0x0]  }
0x70a: {  	s25 =	sor.u32 s23, s1;
	[tilespmem:v1+s11+$0x0] =	vst.idx.add.f32.msk $0xffff, v8  }
0x70b: {  	v6 =	vld [tilespmem:s25+$0x0];
	s26 =	sor.u32 s22, s1;
	s1 =	sor.u32 s24, s1  }
0x70c: {  	v8 =	vld [tilespmem:s1+$0x0]  }
0x70d: {  	[tilespmem:v3+s11+$0x0] =	vst.idx.add.f32.msk $0xffff, v7;
	s7 =	sor.u32 $0xE080, s19;
	s17 =	simm.s32 $0x11888  }
0x70e: {  	s8 =	sor.u32 s21, s7;
	[tilespmem:v4+s17+$0x0] =	vst.idx.add.f32.msk $0xffff, v5  }
0x70f: {  	v5 =	vld [tilespmem:s8+$0x0]  }
0x710: {  	[tilespmem:v2+s12+$0x0] =	vst.idx.add.f32.msk $0xffff, v6  }
0x711: {  	s9 =	sor.u32 s23, s0;
	v7 =	vld [tilespmem:s26+$0x0]  }
0x712: {  	v6 =	vld [tilespmem:s9+$0x0]  }
0x713: {  	s18 =	simm.s32 $0x118A0;
	[tilespmem:v1+s12+$0x0] =	vst.idx.add.f32.msk $0xffff, v8;
	s8 =	sor.u32 $0xE880, s19  }
0x714: {  	s10 =	sor.u32 s21, s8;
	[tilespmem:v4+s18+$0x0] =	vst.idx.add.f32.msk $0xffff, v5  }
0x715: {  	s11 =	sor.u32 s22, s0;
	s0 =	sor.u32 s24, s0;
	v5 =	vld [tilespmem:s10+$0x0]  }
0x716: {  	v8 =	vld [tilespmem:s0+$0x0]  }
0x717: {  	[tilespmem:v3+s12+$0x0] =	vst.idx.add.f32.msk $0xffff, v7  }
0x718: {  	[tilespmem:v2+s13+$0x0] =	vst.idx.add.f32.msk $0xffff, v6  }
0x719: {  	s1 =	sor.u32 $0xF080, s19;
	v7 =	vld [tilespmem:s11+$0x0];
	s20 =	simm.s32 $0x118B8  }
0x71a: {  	s12 =	sor.u32 s21, s1;
	[tilespmem:v4+s20+$0x0] =	vst.idx.add.f32.msk $0xffff, v5  }
0x71b: {  	s25 =	sor.u32 s23, s2;
	v5 =	vld [tilespmem:s12+$0x0]  }
0x71c: {  	v6 =	vld [tilespmem:s25+$0x0]  }
0x71d: {  	s26 =	sor.u32 s22, s2;
	s2 =	sor.u32 s24, s2;
	[tilespmem:v1+s13+$0x0] =	vst.idx.add.f32.msk $0xffff, v8  }
0x71e: {  	v8 =	vld [tilespmem:s2+$0x0]  }
0x71f: {  	s0 =	sor.u32 $0xF880, s19;
	[tilespmem:v3+s13+$0x0] =	vst.idx.add.f32.msk $0xffff, v7;
	s13 =	simm.s32 $0x118D0  }
0x720: {  	s9 =	sor.u32 s21, s0;
	[tilespmem:v4+s13+$0x0] =	vst.idx.add.f32.msk $0xffff, v5  }
0x721: {  	p0 =	por $0x0, $0x0;
	s3 =	simm.s32 $0x1;
	v5 =	vld [tilespmem:s9+$0x0]  }
0x722: {  	s3 =	simm.s32 @!p0 $0x0;
	[tilespmem:v2+s14+$0x0] =	vst.idx.add.f32.msk $0xffff, v6  }
0x723: {  	s11 =	sor.u32 s23, s6;
	v7 =	vld [tilespmem:s26+$0x0];
	s10 =	sshll.u32 s3, $0x6  }
0x724: {  	v6 =	vld [tilespmem:s11+$0x0];
	s3 =	sadd.s32 $0x0, s10  }
0x725: {  	s25 =	simm.s32 $0x118E8;
	[tilespmem:v1+s14+$0x0] =	vst.idx.add.f32.msk $0xffff, v8;
	s2 =	sadd.s32 $0x30, s3  }
0x726: {  	s12 =	sor.u32 $0x100, s2;
	[tilespmem:v4+s25+$0x0] =	vst.idx.add.f32.msk $0xffff, v5  }
0x727: {  	v5 =	vld [tilespmem:s12+$0x10800]  }
0x728: {  	s26 =	sor.u32 s22, s6;
	[tilespmem:v3+s14+$0x0] =	vst.idx.add.f32.msk $0xffff, v7  }
0x729: {  	v4 =	vld [tilespmem:s26+$0x0]  }
0x72a: {  	s6 =	sor.u32 s24, s6;
	v7 =	vld [tilespmem:s12+$0x8000]  }
0x72b: {  	v8 =	vld [tilespmem:s6+$0x0]  }
0x72c: {  	[tilespmem:v2+s15+$0x0] =	vst.idx.add.f32.msk $0xffff, v6;
	s9 =	sor.u32 s23, s5  }
0x72d: {  	v6 =	vld [tilespmem:s9+$0x0]  }
0x72e: {  	s6 =	sor.u32 $0x8900, s19;
	s26 =	simm.s32 $0x11900;
	[tilespmem:v3+s15+$0x0] =	vst.idx.add.f32.msk $0xffff, v4  }
0x72f: {  	s10 =	sor.u32 s21, s6;
	[tilespmem:v5+s26+$0x0] =	vst.idx.add.f32.msk $0xffff, v7  }
0x730: {  	v4 =	vld [tilespmem:s10+$0x0]  }
0x731: {  	s11 =	sor.u32 s22, s5;
	[tilespmem:v1+s15+$0x0] =	vst.idx.add.f32.msk $0xffff, v8;
	s5 =	sor.u32 s24, s5  }
0x732: {  	v8 =	vld [tilespmem:s5+$0x0]  }
0x733: {  	[tilespmem:v2+s16+$0x0] =	vst.idx.add.f32.msk $0xffff, v6  }
0x734: {  	s28 =	simm.s32 $0x11918;
	s5 =	sor.u32 $0x9100, s19;
	v7 =	vld [tilespmem:s11+$0x0]  }
0x735: {  	s12 =	sor.u32 s21, s5;
	[tilespmem:v5+s28+$0x0] =	vst.idx.add.f32.msk $0xffff, v4  }
0x736: {  	v4 =	vld [tilespmem:s12+$0x0]  }
0x737: {  	s14 =	sor.u32 s23, s4;
	[tilespmem:v1+s16+$0x0] =	vst.idx.add.f32.msk $0xffff, v8  }
0x738: {  	v6 =	vld [tilespmem:s14+$0x0];
	s15 =	sor.u32 s22, s4;
	s4 =	sor.u32 s24, s4  }
0x739: {  	v8 =	vld [tilespmem:s4+$0x0]  }
0x73a: {  	s29 =	simm.s32 $0x11930;
	s11 =	sor.u32 $0x9900, s19;
	[tilespmem:v3+s16+$0x0] =	vst.idx.add.f32.msk $0xffff, v7  }
0x73b: {  	s16 =	sor.u32 s21, s11;
	[tilespmem:v5+s29+$0x0] =	vst.idx.add.f32.msk $0xffff, v4  }
0x73c: {  	v4 =	vld [tilespmem:s16+$0x0]  }
0x73d: {  	[tilespmem:v2+s17+$0x0] =	vst.idx.add.f32.msk $0xffff, v6;
	s10 =	sor.u32 s23, s7  }
0x73e: {  	v6 =	vld [tilespmem:s10+$0x0]  }
0x73f: {  	[tilespmem:v1+s17+$0x0] =	vst.idx.add.f32.msk $0xffff, v8  }
0x740: {  	s30 =	simm.s32 $0x11948;
	s4 =	sor.u32 $0xA100, s19;
	v7 =	vld [tilespmem:s15+$0x0]  }
0x741: {  	s12 =	sor.u32 s21, s4;
	[tilespmem:v5+s30+$0x0] =	vst.idx.add.f32.msk $0xffff, v4  }
0x742: {  	s14 =	sor.u32 s22, s7;
	s7 =	sor.u32 s24, s7;
	v4 =	vld [tilespmem:s12+$0x0]  }
0x743: {  	v8 =	vld [tilespmem:s7+$0x0]  }
0x744: {  	[tilespmem:v2+s18+$0x0] =	vst.idx.add.f32.msk $0xffff, v6  }
0x745: {  	[tilespmem:v3+s17+$0x0] =	vst.idx.add.f32.msk $0xffff, v7  }
0x746: {  	s7 =	sor.u32 $0xA900, s19;
	s17 =	simm.s32 $0x11960;
	v7 =	vld [tilespmem:s14+$0x0]  }
0x747: {  	s15 =	sor.u32 s21, s7;
	[tilespmem:v5+s17+$0x0] =	vst.idx.add.f32.msk $0xffff, v4  }
0x748: {  	v4 =	vld [tilespmem:s15+$0x0]  }
0x749: {  	[tilespmem:v1+s18+$0x0] =	vst.idx.add.f32.msk $0xffff, v8;
	s16 =	sor.u32 s23, s8  }
0x74a: {  	v6 =	vld [tilespmem:s16+$0x0]  }
0x74b: {  	[tilespmem:v3+s18+$0x0] =	vst.idx.add.f32.msk $0xffff, v7;
	s18 =	sor.u32 s22, s8  }
0x74c: {  	s31 =	simm.s32 $0x11978;
	s10 =	sor.u32 $0xB100, s19;
	v7 =	vld [tilespmem:s18+$0x0]  }
0x74d: {  	s14 =	sor.u32 s21, s10;
	[tilespmem:v5+s31+$0x0] =	vst.idx.add.f32.msk $0xffff, v4  }
0x74e: {  	s8 =	sor.u32 s24, s8;
	v4 =	vld [tilespmem:s14+$0x0]  }
0x74f: {  	v8 =	vld [tilespmem:s8+$0x0]  }
0x750: {  	[tilespmem:v2+s20+$0x0] =	vst.idx.add.f32.msk $0xffff, v6  }
0x751: {  	s9 =	sor.u32 s22, s1;
	[tilespmem:v3+s20+$0x0] =	vst.idx.add.f32.msk $0xffff, v7  }
0x752: {  	s16 =	simm.s32 $0x11990;
	v7 =	vld [tilespmem:s9+$0x0];
	s14 =	sor.u32 $0xB900, s19  }
0x753: {  	s18 =	sor.u32 s21, s14;
	[tilespmem:v5+s16+$0x0] =	vst.idx.add.f32.msk $0xffff, v4  }
0x754: {  	v4 =	vld [tilespmem:s18+$0x0]  }
0x755: {  	[tilespmem:v1+s20+$0x0] =	vst.idx.add.f32.msk $0xffff, v8;
	s15 =	sor.u32 s23, s1  }
0x756: {  	s1 =	sor.u32 s24, s1;
	v6 =	vld [tilespmem:s15+$0x0]  }
0x757: {  	v8 =	vld [tilespmem:s1+$0x0]  }
0x758: {  	s20 =	simm.s32 $0x119A8;
	s15 =	sor.u32 $0xC100, s19;
	[tilespmem:v3+s13+$0x0] =	vst.idx.add.f32.msk $0xffff, v7  }
0x759: {  	s12 =	sor.u32 s21, s15;
	[tilespmem:v5+s20+$0x0] =	vst.idx.add.f32.msk $0xffff, v4  }
0x75a: {  	v4 =	vld [tilespmem:s12+$0x0]  }
0x75b: {  	[tilespmem:v2+s13+$0x0] =	vst.idx.add.f32.msk $0xffff, v6  }
0x75c: {  	[tilespmem:v1+s13+$0x0] =	vst.idx.add.f32.msk $0xffff, v8;
	s16 =	sor.u32 s23, s0  }
0x75d: {  	s18 =	sor.u32 s22, s0;
	v6 =	vld [tilespmem:s16+$0x0]  }
0x75e: {  	s8 =	simm.s32 $0x119C0;
	s13 =	sor.u32 $0xC900, s19;
	v7 =	vld [tilespmem:s18+$0x0]  }
0x75f: {  	s9 =	sor.u32 s21, s13;
	[tilespmem:v5+s8+$0x0] =	vst.idx.add.f32.msk $0xffff, v4  }
0x760: {  	v4 =	vld [tilespmem:s9+$0x0]  }
0x761: {  	s0 =	sor.u32 s24, s0;
	s12 =	sadd.s32 $0x10, s3  }
0x762: {  	v8 =	vld [tilespmem:s0+$0x0];
	[smem:$0x77B] =	sst s12  }
0x763: {  	[tilespmem:v2+s25+$0x0] =	vst.idx.add.f32.msk $0xffff, v6  }
0x764: {  	s0 =	simm.s32 $0x119D8;
	[tilespmem:v3+s25+$0x0] =	vst.idx.add.f32.msk $0xffff, v7  }
0x765: {  	s18 =	sadd.s32 $0x20, s3;
	s8 =	sor.u32 $0x100, s12;
	s12 =	sor.u32 $0xD100, s19;
	[tilespmem:v5+s0+$0x0] =	vst.idx.add.f32.msk $0xffff, v4  }
0x766: {  	s16 =	sor.u32 s21, s12;
	v2 =	vld [tilespmem:s8+$0x10800];
	[smem:$0x77C] =	sst s18  }
0x767: {  	v3 =	vld [tilespmem:s16+$0x0]  }
0x768: {  	s1 =	sor.u32 $0x100, s18;
	[tilespmem:v1+s25+$0x0] =	vst.idx.add.f32.msk $0xffff, v8  }
0x769: {  	v1 =	vld [tilespmem:s1+$0x10800]  }
0x76a: {  	v6 =	vld [tilespmem:s8+$0x8000]  }
0x76b: {  	s3 =	sor.u32 $0x100, s3;
	v7 =	vld [tilespmem:s1+$0x8000]  }
0x76c: {  	s9 =	sor.u32 $0xD900, s19;
	s1 =	simm.s32 $0x119F0;
	v4 =	vld [tilespmem:s3+$0x10800]  }
0x76d: {  	s18 =	sor.u32 s21, s9;
	[tilespmem:v5+s1+$0x0] =	vst.idx.add.f32.msk $0xffff, v3  }
0x76e: {  	v3 =	vld [tilespmem:s18+$0x0]  }
0x76f: {  	v8 =	vld [tilespmem:s3+$0x8000]  }
0x770: {  	[tilespmem:v2+s26+$0x0] =	vst.idx.add.f32.msk $0xffff, v6;
	s18 =	sor.u32 s23, s6  }
0x771: {  	v6 =	vld [tilespmem:s18+$0x0]  }
0x772: {  	s8 =	sor.u32 $0xE100, s19;
	s25 =	simm.s32 $0x11A08;
	[tilespmem:v1+s26+$0x0] =	vst.idx.add.f32.msk $0xffff, v7  }
0x773: {  	s16 =	sor.u32 s21, s8;
	[tilespmem:v5+s25+$0x0] =	vst.idx.add.f32.msk $0xffff, v3  }
0x774: {  	v3 =	vld [tilespmem:s16+$0x0]  }
0x775: {  	[tilespmem:v4+s26+$0x0] =	vst.idx.add.f32.msk $0xffff, v8;
	s25 =	sor.u32 s22, s6  }
0x776: {  	v7 =	vld [tilespmem:s25+$0x0]  }
0x777: {  	s16 =	sor.u32 s24, s6;
	[tilespmem:v2+s28+$0x0] =	vst.idx.add.f32.msk $0xffff, v6  }
0x778: {  	s18 =	simm.s32 $0x11A20;
	s6 =	sor.u32 $0xE900, s19;
	v8 =	vld [tilespmem:s16+$0x0]  }
0x779: {  	s25 =	sor.u32 s21, s6;
	[tilespmem:v5+s18+$0x0] =	vst.idx.add.f32.msk $0xffff, v3  }
0x77a: {  	s26 =	sor.u32 s23, s5;
	v3 =	vld [tilespmem:s25+$0x0]  }
0x77b: {  	v6 =	vld [tilespmem:s26+$0x0]  }
0x77c: {  	[tilespmem:v1+s28+$0x0] =	vst.idx.add.f32.msk $0xffff, v7  }
0x77d: {  	s26 =	sor.u32 s22, s5;
	[tilespmem:v4+s28+$0x0] =	vst.idx.add.f32.msk $0xffff, v8  }
0x77e: {  	s3 =	sor.u32 $0xF100, s19;
	s18 =	simm.s32 $0x11A38;
	v7 =	vld [tilespmem:s26+$0x0]  }
0x77f: {  	s25 =	sor.u32 s21, s3;
	[tilespmem:v5+s18+$0x0] =	vst.idx.add.f32.msk $0xffff, v3  }
0x780: {  	v3 =	vld [tilespmem:s25+$0x0]  }
0x781: {  	s5 =	sor.u32 s24, s5;
	[tilespmem:v2+s29+$0x0] =	vst.idx.add.f32.msk $0xffff, v6  }
0x782: {  	v8 =	vld [tilespmem:s5+$0x0]  }
0x783: {  	s18 =	sor.u32 s23, s11;
	[tilespmem:v1+s29+$0x0] =	vst.idx.add.f32.msk $0xffff, v7  }
0x784: {  	s5 =	sor.u32 $0xF900, s19;
	v6 =	vld [tilespmem:s18+$0x0];
	s25 =	simm.s32 $0x11A50  }
0x785: {  	s26 =	sor.u32 s21, s5;
	[tilespmem:v5+s25+$0x0] =	vst.idx.add.f32.msk $0xffff, v3  }
0x786: {  	v3 =	vld [tilespmem:s26+$0x0]  }
0x787: {  	s18 =	sor.u32 s22, s11;
	[tilespmem:v4+s29+$0x0] =	vst.idx.add.f32.msk $0xffff, v8  }
0x788: {  	s11 =	sor.u32 s24, s11;
	v7 =	vld [tilespmem:s18+$0x0]  }
0x789: {  	v8 =	vld [tilespmem:s11+$0x0]  }
0x78a: {  	s29 =	simm.s32 $0x11A68;
	[tilespmem:v2+s30+$0x0] =	vst.idx.add.f32.msk $0xffff, v6  }
0x78b: {  	s2 =	sor.u32 $0x180, s2;
	[tilespmem:v5+s29+$0x0] =	vst.idx.add.f32.msk $0xffff, v3  }
0x78c: {  	v3 =	vld [tilespmem:s2+$0x10800]  }
0x78d: {  	s25 =	sor.u32 s23, s4;
	[tilespmem:v1+s30+$0x0] =	vst.idx.add.f32.msk $0xffff, v7  }
0x78e: {  	v6 =	vld [tilespmem:s25+$0x0]  }
0x78f: {  	v5 =	vld [tilespmem:s2+$0x8000]  }
0x790: {  	[tilespmem:v4+s30+$0x0] =	vst.idx.add.f32.msk $0xffff, v8;
	s26 =	sor.u32 s22, s4  }
0x791: {  	s4 =	sor.u32 s24, s4;
	v7 =	vld [tilespmem:s26+$0x0]  }
0x792: {  	v8 =	vld [tilespmem:s4+$0x0]  }
0x793: {  	s18 =	sor.u32 $0x8980, s19;
	s30 =	simm.s32 $0x11A80;
	[tilespmem:v2+s17+$0x0] =	vst.idx.add.f32.msk $0xffff, v6  }
0x794: {  	s11 =	sor.u32 s21, s18;
	[tilespmem:v3+s30+$0x0] =	vst.idx.add.f32.msk $0xffff, v5  }
0x795: {  	v5 =	vld [tilespmem:s11+$0x0]  }
0x796: {  	[tilespmem:v1+s17+$0x0] =	vst.idx.add.f32.msk $0xffff, v7  }
0x797: {  	s16 =	sor.u32 s23, s7;
	[tilespmem:v4+s17+$0x0] =	vst.idx.add.f32.msk $0xffff, v8  }
0x798: {  	s26 =	sor.u32 s22, s7;
	v6 =	vld [tilespmem:s16+$0x0]  }
0x799: {  	s2 =	sor.u32 $0x9180, s19;
	s17 =	simm.s32 $0x11A98;
	v7 =	vld [tilespmem:s26+$0x0]  }
0x79a: {  	s25 =	sor.u32 s21, s2;
	[tilespmem:v3+s17+$0x0] =	vst.idx.add.f32.msk $0xffff, v5  }
0x79b: {  	s7 =	sor.u32 s24, s7;
	v5 =	vld [tilespmem:s25+$0x0]  }
0x79c: {  	v8 =	vld [tilespmem:s7+$0x0]  }
0x79d: {  	[tilespmem:v2+s31+$0x0] =	vst.idx.add.f32.msk $0xffff, v6  }
0x79e: {  	s7 =	sor.u32 s22, s10;
	[tilespmem:v1+s31+$0x0] =	vst.idx.add.f32.msk $0xffff, v7  }
0x79f: {  	s16 =	simm.s32 $0x11AB0;
	v7 =	vld [tilespmem:s7+$0x0];
	s25 =	sor.u32 $0x9980, s19  }
0x7a0: {  	s26 =	sor.u32 s21, s25;
	[tilespmem:v3+s16+$0x0] =	vst.idx.add.f32.msk $0xffff, v5  }
0x7a1: {  	v5 =	vld [tilespmem:s26+$0x0]  }
0x7a2: {  	[tilespmem:v4+s31+$0x0] =	vst.idx.add.f32.msk $0xffff, v8;
	s11 =	sor.u32 s23, s10  }
0x7a3: {  	v6 =	vld [tilespmem:s11+$0x0];
	s11 =	sor.u32 s24, s10  }
0x7a4: {  	s7 =	simm.s32 $0x11990;
	v8 =	vld [tilespmem:s11+$0x0]  }
0x7a5: {  	s10 =	sor.u32 $0xA180, s19;
	[tilespmem:v1+s7+$0x0] =	vst.idx.add.f32.msk $0xffff, v7;
	s16 =	simm.s32 $0x11AC8  }
0x7a6: {  	s26 =	sor.u32 s21, s10;
	[tilespmem:v3+s16+$0x0] =	vst.idx.add.f32.msk $0xffff, v5  }
0x7a7: {  	v5 =	vld [tilespmem:s26+$0x0]  }
0x7a8: {  	[tilespmem:v2+s7+$0x0] =	vst.idx.add.f32.msk $0xffff, v6;
	s16 =	sor.u32 s23, s14  }
0x7a9: {  	s11 =	simm.s32 $0x11990;
	v6 =	vld [tilespmem:s16+$0x0]  }
0x7aa: {  	[tilespmem:v4+s11+$0x0] =	vst.idx.add.f32.msk $0xffff, v8;
	s16 =	sor.u32 s22, s14  }
0x7ab: {  	s11 =	sor.u32 $0xA980, s19;
	s26 =	simm.s32 $0x11AE0;
	v7 =	vld [tilespmem:s16+$0x0]  }
0x7ac: {  	s7 =	sor.u32 s21, s11;
	[tilespmem:v3+s26+$0x0] =	vst.idx.add.f32.msk $0xffff, v5  }
0x7ad: {  	v5 =	vld [tilespmem:s7+$0x0]  }
0x7ae: {  	s26 =	sor.u32 s24, s14;
	[tilespmem:v2+s20+$0x0] =	vst.idx.add.f32.msk $0xffff, v6  }
0x7af: {  	v8 =	vld [tilespmem:s26+$0x0]  }
0x7b0: {  	s7 =	sor.u32 s23, s15;
	[tilespmem:v1+s20+$0x0] =	vst.idx.add.f32.msk $0xffff, v7  }
0x7b1: {  	s16 =	simm.s32 $0x11AF8;
	s14 =	sor.u32 $0xB180, s19;
	v6 =	vld [tilespmem:s7+$0x0]  }
0x7b2: {  	s26 =	sor.u32 s21, s14;
	[tilespmem:v3+s16+$0x0] =	vst.idx.add.f32.msk $0xffff, v5  }
0x7b3: {  	s7 =	sor.u32 s22, s15;
	v5 =	vld [tilespmem:s26+$0x0]  }
0x7b4: {  	v7 =	vld [tilespmem:s7+$0x0]  }
0x7b5: {  	[tilespmem:v4+s20+$0x0] =	vst.idx.add.f32.msk $0xffff, v8;
	s16 =	sor.u32 s24, s15  }
0x7b6: {  	s7 =	simm.s32 $0x119C0;
	v8 =	vld [tilespmem:s16+$0x0]  }
0x7b7: {  	s15 =	sor.u32 $0xB980, s19;
	s20 =	simm.s32 $0x11B10;
	[tilespmem:v2+s7+$0x0] =	vst.idx.add.f32.msk $0xffff, v6  }
0x7b8: {  	s26 =	sor.u32 s21, s15;
	[tilespmem:v3+s20+$0x0] =	vst.idx.add.f32.msk $0xffff, v5  }
0x7b9: {  	v5 =	vld [tilespmem:s26+$0x0]  }
0x7ba: {  	[tilespmem:v1+s7+$0x0] =	vst.idx.add.f32.msk $0xffff, v7;
	s20 =	sor.u32 s23, s13  }
0x7bb: {  	s16 =	simm.s32 $0x119C0;
	v6 =	vld [tilespmem:s20+$0x0]  }
0x7bc: {  	[tilespmem:v4+s16+$0x0] =	vst.idx.add.f32.msk $0xffff, v8;
	s20 =	sor.u32 s22, s13  }
0x7bd: {  	s16 =	sor.u32 $0xC180, s19;
	s26 =	simm.s32 $0x11B28;
	v7 =	vld [tilespmem:s20+$0x0]  }
0x7be: {  	s7 =	sor.u32 s21, s16;
	[tilespmem:v3+s26+$0x0] =	vst.idx.add.f32.msk $0xffff, v5  }
0x7bf: {  	v5 =	vld [tilespmem:s7+$0x0]  }
0x7c0: {  	s26 =	sor.u32 s24, s13;
	[tilespmem:v2+s0+$0x0] =	vst.idx.add.f32.msk $0xffff, v6  }
0x7c1: {  	v8 =	vld [tilespmem:s26+$0x0]  }
0x7c2: {  	s7 =	sor.u32 s23, s12;
	[tilespmem:v1+s0+$0x0] =	vst.idx.add.f32.msk $0xffff, v7  }
0x7c3: {  	s13 =	simm.s32 $0x11B40;
	s26 =	sor.u32 $0xC980, s19;
	v6 =	vld [tilespmem:s7+$0x0]  }
0x7c4: {  	s20 =	sor.u32 s21, s26;
	[tilespmem:v3+s13+$0x0] =	vst.idx.add.f32.msk $0xffff, v5  }
0x7c5: {  	s7 =	sor.u32 s22, s12;
	v5 =	vld [tilespmem:s20+$0x0]  }
0x7c6: {  	v7 =	vld [tilespmem:s7+$0x0]  }
0x7c7: {  	[tilespmem:v4+s0+$0x0] =	vst.idx.add.f32.msk $0xffff, v8;
	s13 =	sor.u32 s24, s12  }
0x7c8: {  	v8 =	vld [tilespmem:s13+$0x0]  }
0x7c9: {  	s28 =	sor.u32 $0xD180, s19;
	s20 =	simm.s32 $0x11B58;
	[tilespmem:v2+s1+$0x0] =	vst.idx.add.f32.msk $0xffff, v6  }
0x7ca: {  	s0 =	sor.u32 s21, s28;
	[tilespmem:v3+s20+$0x0] =	vst.idx.add.f32.msk $0xffff, v5  }
0x7cb: {  	v5 =	vld [tilespmem:s0+$0x0]  }
0x7cc: {  	s7 =	sor.u32 s23, s9;
	[tilespmem:v1+s1+$0x0] =	vst.idx.add.f32.msk $0xffff, v7  }
0x7cd: {  	v6 =	vld [tilespmem:s7+$0x0]  }
0x7ce: {  	[tilespmem:v4+s1+$0x0] =	vst.idx.add.f32.msk $0xffff, v8;
	s0 =	sor.u32 s22, s9  }
0x7cf: {  	s12 =	simm.s32 $0x11B70;
	s20 =	sor.u32 $0xD980, s19;
	v7 =	vld [tilespmem:s0+$0x0]  }
0x7d0: {  	s13 =	sor.u32 s21, s20;
	[tilespmem:v3+s12+$0x0] =	vst.idx.add.f32.msk $0xffff, v5  }
0x7d1: {  	s1 =	sor.u32 s24, s9;
	v5 =	vld [tilespmem:s13+$0x0]  }
0x7d2: {  	v8 =	vld [tilespmem:s1+$0x0];
	s12 =	simm.s32 $0x11A08  }
0x7d3: {  	[tilespmem:v2+s12+$0x0] =	vst.idx.add.f32.msk $0xffff, v6  }
0x7d4: {  	s9 =	sor.u32 s23, s8;
	[tilespmem:v1+s12+$0x0] =	vst.idx.add.f32.msk $0xffff, v7  }
0x7d5: {  	s4 =	sor.u32 $0xE180, s19;
	s13 =	simm.s32 $0x11B88;
	v6 =	vld [tilespmem:s9+$0x0]  }
0x7d6: {  	s0 =	sor.u32 s21, s4;
	[tilespmem:v3+s13+$0x0] =	vst.idx.add.f32.msk $0xffff, v5  }
0x7d7: {  	s12 =	sor.u32 s22, s8;
	v5 =	vld [tilespmem:s0+$0x0]  }
0x7d8: {  	s9 =	simm.s32 $0x11A08;
	v7 =	vld [tilespmem:s12+$0x0]  }
0x7d9: {  	s8 =	sor.u32 s24, s8;
	[tilespmem:v4+s9+$0x0] =	vst.idx.add.f32.msk $0xffff, v8  }
0x7da: {  	s9 =	simm.s32 $0x11A20;
	v8 =	vld [tilespmem:s8+$0x0]  }
0x7db: {  	s8 =	sor.u32 $0xE980, s19;
	s13 =	simm.s32 $0x11BA0;
	[tilespmem:v2+s9+$0x0] =	vst.idx.add.f32.msk $0xffff, v6  }
0x7dc: {  	s1 =	sor.u32 s21, s8;
	[tilespmem:v3+s13+$0x0] =	vst.idx.add.f32.msk $0xffff, v5  }
0x7dd: {  	v5 =	vld [tilespmem:s1+$0x0]  }
0x7de: {  	s12 =	simm.s32 $0x11A20;
	[tilespmem:v1+s9+$0x0] =	vst.idx.add.f32.msk $0xffff, v7  }
0x7df: {  	[tilespmem:v4+s12+$0x0] =	vst.idx.add.f32.msk $0xffff, v8;
	s13 =	sor.u32 s23, s6  }
0x7e0: {  	s12 =	sor.u32 s24, s6;
	v6 =	vld [tilespmem:s13+$0x0]  }
0x7e1: {  	s9 =	simm.s32 $0x11BB8;
	v7 =	vld [tilespmem:s12+$0x0]  }
0x7e2: {  	s1 =	sor.u32 s22, s6;
	s6 =	sor.u32 $0xF180, s19;
	[tilespmem:v3+s9+$0x0] =	vst.idx.add.f32.msk $0xffff, v5  }
0x7e3: {  	s13 =	sor.u32 s21, s6;
	v5 =	vld [tilespmem:s1+$0x0]  }
0x7e4: {  	s1 =	simm.s32 $0x11A38;
	v8 =	vld [tilespmem:s13+$0x0]  }
0x7e5: {  	s9 =	simm.s32 $0x11A38;
	[tilespmem:v2+s1+$0x0] =	vst.idx.add.f32.msk $0xffff, v6  }
0x7e6: {  	s0 =	sor.u32 s23, s3;
	[tilespmem:v4+s9+$0x0] =	vst.idx.add.f32.msk $0xffff, v7  }
0x7e7: {  	s12 =	sor.u32 s22, s3;
	s3 =	sor.u32 s24, s3;
	v6 =	vld [tilespmem:s0+$0x0]  }
0x7e8: {  	v7 =	vld [tilespmem:s3+$0x0]  }
0x7e9: {  	[tilespmem:v1+s1+$0x0] =	vst.idx.add.f32.msk $0xffff, v5  }
0x7ea: {  	s13 =	simm.s32 $0x11BD0;
	v5 =	vld [tilespmem:s12+$0x0]  }
0x7eb: {  	s1 =	simm.s32 $0x11A50;
	[tilespmem:v3+s13+$0x0] =	vst.idx.add.f32.msk $0xffff, v8  }
0x7ec: {  	s0 =	sor.u32 s23, s5;
	[tilespmem:v2+s1+$0x0] =	vst.idx.add.f32.msk $0xffff, v6  }
0x7ed: {  	s7 =	simm.s32 $0x11A50;
	v6 =	vld [tilespmem:s0+$0x0]  }
0x7ee: {  	[tilespmem:v4+s7+$0x0] =	vst.idx.add.f32.msk $0xffff, v7  }
0x7ef: {  	[tilespmem:v1+s1+$0x0] =	vst.idx.add.f32.msk $0xffff, v5  }
0x7f0: {  	s9 =	sor.u32 s22, s5;
	s0 =	sld [smem:$0x77B]  }
0x7f1: {  	v7 =	vld [tilespmem:s9+$0x0]  }
0x7f2: {  	s5 =	sor.u32 s24, s5;
	[tilespmem:v2+s29+$0x0] =	vst.idx.add.f32.msk $0xffff, v6  }
0x7f3: {  	v8 =	vld [tilespmem:s5+$0x0];
	s12 =	sld [smem:$0x77C];
	s0 =	sor.u32 $0x180, s0  }
0x7f4: {  	v5 =	vld [tilespmem:s0+$0x10800]  }
0x7f5: {  	v6 =	vld [tilespmem:s0+$0x8000]  }
0x7f6: {  	s13 =	simm.s32 $0x0;
	s0 =	sor.u32 $0x180, s12;
	[tilespmem:v1+s29+$0x0] =	vst.idx.add.f32.msk $0xffff, v7  }
0x7f7: {  	s1 =	sor.u32 s13, s13;
	v1 =	vld [tilespmem:s0+$0x10800]  }
0x7f8: {  	s1 =	sor.u32 $0x180, s1;
	[tilespmem:v4+s29+$0x0] =	vst.idx.add.f32.msk $0xffff, v8  }
0x7f9: {  	s7 =	sor.u32 $0xF980, s19;
	v2 =	vld [tilespmem:s1+$0x10800]  }
0x7fa: {  	s21 =	sor.u32 s21, s7;
	v4 =	vld [tilespmem:s0+$0x8000]  }
0x7fb: {  	v8 =	vld [tilespmem:s21+$0x0]  }
0x7fc: {  	v7 =	vld [tilespmem:s1+$0x8000]  }
0x7fd: {  	s1 =	sor.u32 s23, s18;
	[tilespmem:v5+s30+$0x0] =	vst.idx.add.f32.msk $0xffff, v6  }
0x7fe: {  	v6 =	vld [tilespmem:s1+$0x0]  }
0x7ff: {  	s3 =	sor.u32 s22, s18;
	[tilespmem:v1+s30+$0x0] =	vst.idx.add.f32.msk $0xffff, v4  }
0x800: {  	v4 =	vld [tilespmem:s3+$0x0]  }
0x801: {  	s5 =	sor.u32 s24, s18;
	[tilespmem:v2+s30+$0x0] =	vst.idx.add.f32.msk $0xffff, v7  }
0x802: {  	v7 =	vld [tilespmem:s5+$0x0]  }
0x803: {  	s9 =	sor.u32 s23, s2;
	[tilespmem:v5+s17+$0x0] =	vst.idx.add.f32.msk $0xffff, v6  }
0x804: {  	v6 =	vld [tilespmem:s9+$0x0]  }
0x805: {  	s12 =	sor.u32 s22, s2;
	[tilespmem:v1+s17+$0x0] =	vst.idx.add.f32.msk $0xffff, v4  }
0x806: {  	v4 =	vld [tilespmem:s12+$0x0]  }
0x807: {  	s13 =	sor.u32 s24, s2;
	[tilespmem:v2+s17+$0x0] =	vst.idx.add.f32.msk $0xffff, v7  }
0x808: {  	s31 =	sor.u32 s23, s10;
	s18 =	simm.s32 $0x11AB0;
	v7 =	vld [tilespmem:s13+$0x0]  }
0x809: {  	s19 =	sor.u32 s24, s25;
	s21 =	sor.u32 s24, s10;
	s17 =	sor.u32 s23, s25;
	[tilespmem:v5+s18+$0x0] =	vst.idx.add.f32.msk $0xffff, v6  }
0x80a: {  	s10 =	sor.u32 s22, s10;
	s29 =	sor.u32 s22, s11;
	s2 =	sor.u32 s22, s28;
	v6 =	vld [tilespmem:s17+$0x0]  }
0x80b: {  	s0 =	sor.u32 s24, s26;
	s5 =	sor.u32 s22, s25;
	s13 =	sor.u32 s23, s11;
	[tilespmem:v1+s18+$0x0] =	vst.idx.add.f32.msk $0xffff, v4  }
0x80c: {  	s1 =	sor.u32 s22, s20;
	s30 =	sor.u32 s23, s16;
	[smem:$0x781] =	sst s13  }
0x80d: {  	s3 =	sor.u32 s24, s14;
	s9 =	sor.u32 s24, s11;
	s12 =	simm.s32 $0x11AB0;
	v4 =	vld [tilespmem:s5+$0x0]  }
0x80e: {  	s11 =	simm.s32 $0x11AC8;
	s25 =	sor.u32 s23, s15;
	s17 =	sor.u32 s24, s15;
	[tilespmem:v2+s12+$0x0] =	vst.idx.add.f32.msk $0xffff, v7  }
0x80f: {  	s18 =	sor.u32 s22, s16;
	s13 =	sor.u32 s22, s14;
	s5 =	sor.u32 s23, s14;
	v7 =	vld [tilespmem:s19+$0x0]  }
0x810: {  	s12 =	sor.u32 s22, s15;
	s15 =	sor.u32 s24, s28;
	s14 =	sor.u32 s23, s28;
	[tilespmem:v5+s11+$0x0] =	vst.idx.add.f32.msk $0xffff, v6  }
0x811: {  	s28 =	sor.u32 s24, s20;
	s19 =	sor.u32 s24, s16;
	v9 =	vld [tilespmem:s31+$0x0];
	[smem:$0x77D] =	sst s15  }
0x812: {  	s16 =	sor.u32 s22, s26;
	s31 =	sor.u32 s23, s26;
	s26 =	sor.u32 s24, s4;
	[tilespmem:v1+s11+$0x0] =	vst.idx.add.f32.msk $0xffff, v4  }
0x813: {  	s15 =	sor.u32 s23, s20;
	s20 =	sor.u32 s23, s4;
	v6 =	vld [tilespmem:s10+$0x0];
	[dreg:$0x1c] =	wrdreg s26  }
0x814: {  	s4 =	sor.u32 s22, s4;
	[smem:$0x77E] =	sst s20  }
0x815: {  	s11 =	simm.s32 $0x11AC8;
	[smem:$0x77F] =	sst s4  }
0x816: {  	s26 =	sor.u32 s23, s8;
	[tilespmem:v2+s11+$0x0] =	vst.idx.add.f32.msk $0xffff, v7  }
0x817: {  	s10 =	sor.u32 s23, s6;
	v4 =	vld [tilespmem:s21+$0x0];
	[smem:$0x780] =	sst s26  }
0x818: {  	s11 =	sor.u32 s22, s6;
	[dreg:$0x1a] =	wrdreg s10  }
0x819: {  	s21 =	sor.u32 s24, s8;
	[dreg:$0x14] =	wrdreg s11  }
0x81a: {  	s8 =	sor.u32 s22, s8;
	[dreg:$0x16] =	wrdreg s21  }
0x81b: {  	s26 =	sor.u32 s24, s6;
	s6 =	simm.s32 $0x11AE0;
	[dreg:$0x1e] =	wrdreg s8  }
0x81c: {  	[tilespmem:v5+s6+$0x0] =	vst.idx.add.f32.msk $0xffff, v9  }
0x81d: {  	s20 =	sor.u32 s23, s7;
	s23 =	sld [smem:$0x781];
	_ =	sdelay $0x1  }
0x81e: {  	[dreg:$0x18] =	wrdreg s20  }
0x81f: {  	v7 =	vld [tilespmem:s23+$0x0]  }
0x820: {  	s4 =	simm.s32 $0x0;
	s22 =	sor.u32 s22, s7  }
0x821: {  	s10 =	simm.s32 $0x100;
	s21 =	sor.u32 s24, s7;
	s24 =	simm.s32 $0x11BE8  }
0x822: {  	s11 =	simm.s32 $0x40;
	s8 =	simm.s32 $0x11B10;
	s7 =	simm.s32 $0x11AF8;
	[tilespmem:v3+s24+$0x0] =	vst.idx.add.f32.msk $0xffff, v8  }
.LBB2_7:
0x823: {  	[tilespmem:v1+s6+$0x0] =	vst.idx.add.f32.msk $0xffff, v6  }
0x824: {  	[smem:$0x726] =	sst s21;
	s20 =	sand.u32 $0x40, s11;
	s21 =	sand.u32 $0x600, s10;
	[tilespmem:v5+s7+$0x0] =	vst.idx.add.f32.msk $0xffff, v7  }
0x825: {  	s24 =	sor.u32 s20, s21;
	v3 =	vld [tilespmem:s29+$0x0]  }
0x826: {  	v6 =	vld [tilespmem:s24+$0x10800]  }
0x827: {  	[tilespmem:v2+s6+$0x0] =	vst.idx.add.f32.msk $0xffff, v4  }
0x828: {  	v4 =	vld [tilespmem:s9+$0x0]  }
0x829: {  	v8 =	vld [tilespmem:s24+$0x8000]  }
0x82a: {  	[tilespmem:v1+s7+$0x0] =	vst.idx.add.f32.msk $0xffff, v3  }
0x82b: {  	[dreg:$0x9] =	wrdreg s11;
	v3 =	vld [tilespmem:s5+$0x0]  }
0x82c: {  	[dreg:$0x7] =	wrdreg s10;
	v7 =	vld [tilespmem:s13+$0x0]  }
0x82d: {  	s11 =	sor.u32 s10, s11;
	s10 =	sor.u32 $0x8800, s21;
	[tilespmem:v2+s7+$0x0] =	vst.idx.add.f32.msk $0xffff, v4;
	s7 =	simm.s32 $0x11600  }
0x82e: {  	s9 =	sor.u32 s20, s10;
	[tilespmem:v6+s7+$0x0] =	vst.idx.add.f32.msk $0xffff, v8  }
0x82f: {  	v4 =	vld [tilespmem:s9+$0x0]  }
0x830: {  	[smem:$0x723] =	sst s22;
	s22 =	sor.u32 $0x10, s20;
	v8 =	vld [tilespmem:s3+$0x0]  }
0x831: {  	s23 =	sor.u32 s21, s22;
	[tilespmem:v5+s8+$0x0] =	vst.idx.add.f32.msk $0xffff, v3  }
0x832: {  	[smem:$0x720] =	sst s23;
	s23 =	sor.u32 $0x20, s20;
	v3 =	vld [tilespmem:s25+$0x0]  }
0x833: {  	[dreg:$0x10] =	wrdreg s24;
	s6 =	simm.s32 $0x11618;
	s24 =	sor.u32 s23, s10;
	[tilespmem:v1+s8+$0x0] =	vst.idx.add.f32.msk $0xffff, v7  }
0x834: {  	[smem:$0x722] =	sst s24;
	s24 =	smov.u32 s26;
	s26 =	sor.u32 $0x9000, s21;
	v7 =	vld [tilespmem:s12+$0x0]  }
0x835: {  	s4 =	sadd.s32 $0x4, s4;
	s7 =	sor.u32 s20, s26;
	[tilespmem:v6+s6+$0x0] =	vst.idx.add.f32.msk $0xffff, v4  }
0x836: {  	[dreg:$0x5] =	wrdreg s4;
	p1 =	slt.u32 s4, $0x1C;
	s4 =	sor.u32 $0x180, s11;
	v4 =	vld [tilespmem:s7+$0x0]  }
0x837: {  	[dreg:$0xa] =	wrdreg s4;
	s4 =	simm.s32 $0x11B28;
	[tilespmem:v2+s8+$0x0] =	vst.idx.add.f32.msk $0xffff, v8  }
0x838: {  	[tilespmem:v5+s4+$0x0] =	vst.idx.add.f32.msk $0xffff, v3  }
0x839: {  	v8 =	vld [tilespmem:s17+$0x0]  }
0x83a: {  	s12 =	simm.s32 $0x11630;
	s8 =	sor.u32 $0x9800, s21;
	v3 =	vld [tilespmem:s30+$0x0]  }
0x83b: {  	s13 =	sor.u32 s20, s8;
	[tilespmem:v6+s12+$0x0] =	vst.idx.add.f32.msk $0xffff, v4  }
0x83c: {  	s11 =	sor.u32 s21, s23;
	v4 =	vld [tilespmem:s13+$0x0]  }
0x83d: {  	[smem:$0x73D] =	sst s11;
	s11 =	sor.u32 s22, s10;
	[tilespmem:v1+s4+$0x0] =	vst.idx.add.f32.msk $0xffff, v7  }
0x83e: {  	[smem:$0x721] =	sst s11;
	s11 =	sor.u32 s23, s26;
	v7 =	vld [tilespmem:s18+$0x0]  }
0x83f: {  	[smem:$0x725] =	sst s11;
	s11 =	simm.s32 $0x11B40;
	s17 =	sor.u32 s22, s8;
	[tilespmem:v2+s4+$0x0] =	vst.idx.add.f32.msk $0xffff, v8  }
0x840: {  	s5 =	simm.s32 $0x11648;
	[smem:$0x727] =	sst s17;
	s17 =	sor.u32 $0xA000, s21;
	[tilespmem:v5+s11+$0x0] =	vst.idx.add.f32.msk $0xffff, v3  }
0x841: {  	s6 =	sor.u32 s20, s17;
	[tilespmem:v6+s5+$0x0] =	vst.idx.add.f32.msk $0xffff, v4  }
0x842: {  	v4 =	vld [tilespmem:s6+$0x0]  }
0x843: {  	v3 =	vld [tilespmem:s31+$0x0]  }
0x844: {  	v8 =	vld [tilespmem:s19+$0x0]  }
0x845: {  	[tilespmem:v1+s11+$0x0] =	vst.idx.add.f32.msk $0xffff, v7  }
0x846: {  	s12 =	simm.s32 $0x11660;
	v7 =	vld [tilespmem:s16+$0x0];
	s19 =	sor.u32 $0xA800, s21  }
0x847: {  	s13 =	sor.u32 s20, s19;
	[tilespmem:v6+s12+$0x0] =	vst.idx.add.f32.msk $0xffff, v4  }
0x848: {  	v4 =	vld [tilespmem:s13+$0x0]  }
0x849: {  	[tilespmem:v2+s11+$0x0] =	vst.idx.add.f32.msk $0xffff, v8  }
0x84a: {  	s11 =	simm.s32 $0x11B58;
	v8 =	vld [tilespmem:s0+$0x0]  }
0x84b: {  	[tilespmem:v5+s11+$0x0] =	vst.idx.add.f32.msk $0xffff, v3  }
0x84c: {  	s7 =	sor.u32 s22, s17;
	[tilespmem:v1+s11+$0x0] =	vst.idx.add.f32.msk $0xffff, v7  }
0x84d: {  	[smem:$0x729] =	sst s7;
	s7 =	sor.u32 $0xB000, s21;
	s31 =	simm.s32 $0x11678;
	v3 =	vld [tilespmem:s14+$0x0]  }
0x84e: {  	s5 =	sor.u32 s20, s7;
	[tilespmem:v6+s31+$0x0] =	vst.idx.add.f32.msk $0xffff, v4  }
0x84f: {  	v4 =	vld [tilespmem:s5+$0x0]  }
0x850: {  	s18 =	sor.u32 s22, s19;
	v7 =	vld [tilespmem:s2+$0x0]  }
0x851: {  	[smem:$0x72B] =	sst s18;
	s18 =	simm.s32 $0x11B70;
	[tilespmem:v2+s11+$0x0] =	vst.idx.add.f32.msk $0xffff, v8  }
0x852: {  	s9 =	sor.u32 s22, s26;
	s6 =	sor.u32 s22, s7;
	[tilespmem:v5+s18+$0x0] =	vst.idx.add.f32.msk $0xffff, v3  }
0x853: {  	s30 =	simm.s32 $0x11690;
	[smem:$0x72D] =	sst s6;
	s6 =	sor.u32 $0xB800, s21;
	v3 =	vld [tilespmem:s15+$0x0]  }
0x854: {  	[smem:$0x724] =	sst s9;
	s12 =	sor.u32 s20, s6;
	[tilespmem:v6+s30+$0x0] =	vst.idx.add.f32.msk $0xffff, v4  }
0x855: {  	s25 =	sor.u32 s23, s8;
	s16 =	sld [smem:$0x77D];
	v4 =	vld [tilespmem:s12+$0x0]  }
0x856: {  	[smem:$0x728] =	sst s25;
	s9 =	sor.u32 s23, s17;
	[tilespmem:v1+s18+$0x0] =	vst.idx.add.f32.msk $0xffff, v7  }
0x857: {  	[smem:$0x72A] =	sst s9;
	s14 =	sor.u32 s23, s6;
	v7 =	vld [tilespmem:s1+$0x0]  }
0x858: {  	s25 =	sor.u32 s23, s19;
	[smem:$0x730] =	sst s14;
	s14 =	simm.s32 $0x11B88;
	v8 =	vld [tilespmem:s16+$0x0]  }
0x859: {  	s29 =	simm.s32 $0x116A8;
	[smem:$0x72C] =	sst s25;
	s5 =	sor.u32 $0xC000, s21;
	[tilespmem:v5+s14+$0x0] =	vst.idx.add.f32.msk $0xffff, v3  }
0x85a: {  	s9 =	sor.u32 s23, s7;
	s25 =	sor.u32 s20, s5;
	s15 =	sld [smem:$0x77E];
	[tilespmem:v6+s29+$0x0] =	vst.idx.add.f32.msk $0xffff, v4  }
0x85b: {  	[smem:$0x72E] =	sst s9;
	s13 =	sor.u32 s22, s6;
	v4 =	vld [tilespmem:s25+$0x0]  }
0x85c: {  	[smem:$0x72F] =	sst s13;
	s4 =	sor.u32 s22, s5;
	[tilespmem:v1+s14+$0x0] =	vst.idx.add.f32.msk $0xffff, v7  }
0x85d: {  	s9 =	sor.u32 s23, s5;
	[smem:$0x731] =	sst s4;
	v3 =	vld [tilespmem:s15+$0x0]  }
0x85e: {  	[smem:$0x732] =	sst s9;
	s4 =	sor.u32 $0xC800, s21;
	[tilespmem:v2+s18+$0x0] =	vst.idx.add.f32.msk $0xffff, v8  }
0x85f: {  	s9 =	sld [smem:$0x77F];
	s13 =	sor.u32 s23, s4;
	v8 =	vld [tilespmem:s28+$0x0];
	s28 =	simm.s32 $0x116C0  }
0x860: {  	s11 =	sor.u32 s20, s4;
	[smem:$0x734] =	sst s13;
	[tilespmem:v6+s28+$0x0] =	vst.idx.add.f32.msk $0xffff, v4  }
0x861: {  	s13 =	sld [smem:$0x780];
	s12 =	sor.u32 s22, s4;
	v4 =	vld [tilespmem:s11+$0x0]  }
0x862: {  	[smem:$0x733] =	sst s12;
	s12 =	simm.s32 $0x11BA0;
	v7 =	vld [tilespmem:s9+$0x0]  }
0x863: {  	[tilespmem:v5+s12+$0x0] =	vst.idx.add.f32.msk $0xffff, v3  }
0x864: {  	v3 =	vld [tilespmem:s13+$0x0]  }
0x865: {  	s3 =	sor.u32 $0xD000, s21;
	s25 =	simm.s32 $0x116D8;
	[tilespmem:v2+s14+$0x0] =	vst.idx.add.f32.msk $0xffff, v8  }
0x866: {  	s16 =	sor.u32 s20, s3;
	[tilespmem:v6+s25+$0x0] =	vst.idx.add.f32.msk $0xffff, v4  }
0x867: {  	v4 =	vld [tilespmem:s16+$0x0]  }
0x868: {  	s2 =	sor.u32 s23, s3;
	s9 =	rddreg [dreg:$0x1e];
	[tilespmem:v1+s12+$0x0] =	vst.idx.add.f32.msk $0xffff, v7  }
0x869: {  	[smem:$0x736] =	sst s2;
	s1 =	simm.s32 $0x11BB8;
	v7 =	vld [tilespmem:s9+$0x0]  }
0x86a: {  	s18 =	sor.u32 s22, s3;
	s11 =	rddreg [dreg:$0x1c];
	[tilespmem:v5+s1+$0x0] =	vst.idx.add.f32.msk $0xffff, v3  }
0x86b: {  	s2 =	sor.u32 $0xD800, s21;
	[smem:$0x735] =	sst s18;
	s18 =	simm.s32 $0x116F0;
	v8 =	vld [tilespmem:s11+$0x0]  }
0x86c: {  	s14 =	sor.u32 s20, s2;
	[tilespmem:v6+s18+$0x0] =	vst.idx.add.f32.msk $0xffff, v4  }
0x86d: {  	v4 =	vld [tilespmem:s14+$0x0]  }
0x86e: {  	s9 =	rddreg [dreg:$0x1a];
	[tilespmem:v1+s1+$0x0] =	vst.idx.add.f32.msk $0xffff, v7  }
0x86f: {  	v3 =	vld [tilespmem:s9+$0x0]  }
0x870: {  	s11 =	rddreg [dreg:$0x16];
	[tilespmem:v2+s12+$0x0] =	vst.idx.add.f32.msk $0xffff, v8  }
0x871: {  	s0 =	sld [smem:$0x73D];
	s13 =	sor.u32 $0xE000, s21;
	s14 =	simm.s32 $0x11708;
	v8 =	vld [tilespmem:s11+$0x0]  }
0x872: {  	s12 =	sor.u32 s20, s13;
	[tilespmem:v6+s14+$0x0] =	vst.idx.add.f32.msk $0xffff, v4  }
0x873: {  	s15 =	sor.u32 s22, s2;
	v4 =	vld [tilespmem:s12+$0x0]  }
0x874: {  	[smem:$0x737] =	sst s15;
	v9 =	vld [tilespmem:s0+$0x10800]  }
0x875: {  	s15 =	sor.u32 s22, s13;
	s9 =	rddreg [dreg:$0x14];
	v13 =	vld [tilespmem:s0+$0x8000]  }
0x876: {  	[smem:$0x739] =	sst s15;
	v11 =	vld [tilespmem:s9+$0x0]  }
0x877: {  	s15 =	simm.s32 $0x11720;
	s16 =	sor.u32 s23, s2;
	s11 =	sor.u32 $0xE800, s21;
	[tilespmem:v2+s1+$0x0] =	vst.idx.add.f32.msk $0xffff, v8  }
0x878: {  	[smem:$0x738] =	sst s16;
	s16 =	sor.u32 s23, s13;
	s12 =	sor.u32 s20, s11;
	[tilespmem:v6+s15+$0x0] =	vst.idx.add.f32.msk $0xffff, v4  }
0x879: {  	[smem:$0x73A] =	sst s16;
	s16 =	sor.u32 s22, s11;
	v4 =	vld [tilespmem:s12+$0x0]  }
0x87a: {  	[smem:$0x73B] =	sst s16;
	v12 =	vld [tilespmem:s24+$0x0];
	s12 =	simm.s32 $0x11BD0;
	s24 =	sor.u32 $0x30, s20  }
0x87b: {  	[tilespmem:v5+s12+$0x0] =	vst.idx.add.f32.msk $0xffff, v3;
	s9 =	sor.u32 s21, s24;
	s12 =	sld [smem:$0x720]  }
0x87c: {  	s16 =	rddreg [dreg:$0x18];
	v8 =	vld [tilespmem:s9+$0x10800]  }
0x87d: {  	v10 =	vld [tilespmem:s16+$0x0]  }
0x87e: {  	v7 =	vld [tilespmem:s12+$0x10800]  }
0x87f: {  	s16 =	simm.s32 $0x11738;
	v3 =	vld [tilespmem:s9+$0x8000]  }
0x880: {  	s1 =	sor.u32 s23, s11;
	[tilespmem:v6+s16+$0x0] =	vst.idx.add.f32.msk $0xffff, v4  }
0x881: {  	[smem:$0x73C] =	sst s1;
	s1 =	simm.s32 $0x11BD0;
	v4 =	vld [tilespmem:s12+$0x8000]  }
0x882: {  	[tilespmem:v1+s1+$0x0] =	vst.idx.add.f32.msk $0xffff, v11  }
0x883: {  	[tilespmem:v2+s1+$0x0] =	vst.idx.add.f32.msk $0xffff, v12;
	s1 =	simm.s32 $0x11600  }
0x884: {  	s10 =	sor.u32 s24, s10;
	[tilespmem:v8+s1+$0x0] =	vst.idx.add.f32.msk $0xffff, v3  }
0x885: {  	v3 =	vld [tilespmem:s10+$0x0]  }
0x886: {  	s10 =	simm.s32 $0x11600;
	[tilespmem:v7+s1+$0x0] =	vst.idx.add.f32.msk $0xffff, v4;
	s1 =	sld [smem:$0x721]  }
0x887: {  	[tilespmem:v9+s10+$0x0] =	vst.idx.add.f32.msk $0xffff, v13;
	s10 =	sld [smem:$0x722];
	_ =	sdelay $0x1  }
0x888: {  	v4 =	vld [tilespmem:s1+$0x0]  }
0x889: {  	v11 =	vld [tilespmem:s10+$0x0];
	s1 =	simm.s32 $0x11618  }
0x88a: {  	s0 =	sor.u32 s24, s26;
	s10 =	sld [smem:$0x723];
	[tilespmem:v8+s1+$0x0] =	vst.idx.add.f32.msk $0xffff, v3  }
0x88b: {  	v42 =	vld [tilespmem:s0+$0x0];
	_ =	sdelay $0x1  }
0x88c: {  	v3 =	vld [tilespmem:s10+$0x0]  }
0x88d: {  	s26 =	simm.s32 $0x11618;
	[tilespmem:v7+s1+$0x0] =	vst.idx.add.f32.msk $0xffff, v4;
	s1 =	sld [smem:$0x724]  }
0x88e: {  	s10 =	simm.s32 $0x11630;
	[tilespmem:v9+s26+$0x0] =	vst.idx.add.f32.msk $0xffff, v11  }
0x88f: {  	[tilespmem:v8+s10+$0x0] =	vst.idx.add.f32.msk $0xffff, v42  }
0x890: {  	s8 =	sor.u32 s24, s8;
	v43 =	vld [tilespmem:s1+$0x0]  }
0x891: {  	s26 =	sld [smem:$0x725];
	v12 =	vld [tilespmem:s8+$0x0];
	_ =	sdelay $0x2  }
0x892: {  	v13 =	vld [tilespmem:s26+$0x0]  }
0x893: {  	s1 =	simm.s32 $0x11648;
	[tilespmem:v7+s10+$0x0] =	vst.idx.add.f32.msk $0xffff, v43;
	s10 =	sld [smem:$0x727]  }
0x894: {  	s26 =	sor.u32 s24, s17;
	[tilespmem:v8+s1+$0x0] =	vst.idx.add.f32.msk $0xffff, v12  }
0x895: {  	v12 =	vld [tilespmem:s26+$0x0]  }
0x896: {  	v11 =	vld [tilespmem:s10+$0x0];
	s10 =	sld [smem:$0x728]  }
0x897: {  	s0 =	simm.s32 $0x11630  }
0x898: {  	[tilespmem:v9+s0+$0x0] =	vst.idx.add.f32.msk $0xffff, v13  }
0x899: {  	s26 =	simm.s32 $0x11660;
	v13 =	vld [tilespmem:s10+$0x0]  }
0x89a: {  	s17 =	sld [smem:$0x729];
	[tilespmem:v8+s26+$0x0] =	vst.idx.add.f32.msk $0xffff, v12;
	s10 =	sor.u32 s24, s19  }
0x89b: {  	v12 =	vld [tilespmem:s10+$0x0]  }
0x89c: {  	[tilespmem:v7+s1+$0x0] =	vst.idx.add.f32.msk $0xffff, v11  }
0x89d: {  	v11 =	vld [tilespmem:s17+$0x0];
	s17 =	sld [smem:$0x72A]  }
0x89e: {  	s0 =	simm.s32 $0x11648  }
0x89f: {  	[tilespmem:v9+s0+$0x0] =	vst.idx.add.f32.msk $0xffff, v13  }
0x8a0: {  	v13 =	vld [tilespmem:s17+$0x0]  }
0x8a1: {  	s8 =	sld [smem:$0x726];
	[tilespmem:v8+s31+$0x0] =	vst.idx.add.f32.msk $0xffff, v12  }
0x8a2: {  	s7 =	sor.u32 s24, s7;
	[tilespmem:v7+s26+$0x0] =	vst.idx.add.f32.msk $0xffff, v11;
	s26 =	sld [smem:$0x72B]  }
0x8a3: {  	v12 =	vld [tilespmem:s7+$0x0]  }
0x8a4: {  	v4 =	vld [tilespmem:s8+$0x0];
	s8 =	sld [smem:$0x72C]  }
0x8a5: {  	s19 =	simm.s32 $0x11660;
	v11 =	vld [tilespmem:s26+$0x0]  }
0x8a6: {  	[tilespmem:v9+s19+$0x0] =	vst.idx.add.f32.msk $0xffff, v13  }
0x8a7: {  	v13 =	vld [tilespmem:s8+$0x0]  }
0x8a8: {  	s6 =	sor.u32 s24, s6;
	s10 =	sld [smem:$0x72D];
	[tilespmem:v8+s30+$0x0] =	vst.idx.add.f32.msk $0xffff, v12  }
0x8a9: {  	v12 =	vld [tilespmem:s6+$0x0]  }
0x8aa: {  	s17 =	sld [smem:$0x72E];
	[tilespmem:v7+s31+$0x0] =	vst.idx.add.f32.msk $0xffff, v11  }
0x8ab: {  	v11 =	vld [tilespmem:s10+$0x0]  }
0x8ac: {  	[tilespmem:v9+s31+$0x0] =	vst.idx.add.f32.msk $0xffff, v13  }
0x8ad: {  	v13 =	vld [tilespmem:s17+$0x0]  }
0x8ae: {  	s5 =	sor.u32 s24, s5;
	s19 =	sld [smem:$0x72F];
	[tilespmem:v8+s29+$0x0] =	vst.idx.add.f32.msk $0xffff, v12  }
0x8af: {  	v12 =	vld [tilespmem:s5+$0x0]  }
0x8b0: {  	s26 =	sld [smem:$0x730];
	[tilespmem:v7+s30+$0x0] =	vst.idx.add.f32.msk $0xffff, v11  }
0x8b1: {  	v11 =	vld [tilespmem:s19+$0x0]  }
0x8b2: {  	[tilespmem:v9+s30+$0x0] =	vst.idx.add.f32.msk $0xffff, v13  }
0x8b3: {  	v13 =	vld [tilespmem:s26+$0x0]  }
0x8b4: {  	s4 =	sor.u32 s24, s4;
	s1 =	sld [smem:$0x731];
	[tilespmem:v8+s28+$0x0] =	vst.idx.add.f32.msk $0xffff, v12  }
0x8b5: {  	v12 =	vld [tilespmem:s4+$0x0]  }
0x8b6: {  	s4 =	sld [smem:$0x732];
	[tilespmem:v7+s29+$0x0] =	vst.idx.add.f32.msk $0xffff, v11  }
0x8b7: {  	v11 =	vld [tilespmem:s1+$0x0]  }
0x8b8: {  	[tilespmem:v9+s29+$0x0] =	vst.idx.add.f32.msk $0xffff, v13  }
0x8b9: {  	v13 =	vld [tilespmem:s4+$0x0]  }
0x8ba: {  	s3 =	sor.u32 s24, s3;
	s5 =	sld [smem:$0x733];
	[tilespmem:v8+s25+$0x0] =	vst.idx.add.f32.msk $0xffff, v12  }
0x8bb: {  	v12 =	vld [tilespmem:s3+$0x0]  }
0x8bc: {  	s6 =	sld [smem:$0x734];
	[tilespmem:v7+s28+$0x0] =	vst.idx.add.f32.msk $0xffff, v11  }
0x8bd: {  	v11 =	vld [tilespmem:s5+$0x0]  }
0x8be: {  	[tilespmem:v9+s28+$0x0] =	vst.idx.add.f32.msk $0xffff, v13  }
0x8bf: {  	v13 =	vld [tilespmem:s6+$0x0]  }
0x8c0: {  	s2 =	sor.u32 s24, s2;
	s7 =	sld [smem:$0x735];
	[tilespmem:v8+s18+$0x0] =	vst.idx.add.f32.msk $0xffff, v12  }
0x8c1: {  	v12 =	vld [tilespmem:s2+$0x0]  }
0x8c2: {  	s8 =	sld [smem:$0x736];
	[tilespmem:v7+s25+$0x0] =	vst.idx.add.f32.msk $0xffff, v11  }
0x8c3: {  	v11 =	vld [tilespmem:s7+$0x0]  }
0x8c4: {  	[tilespmem:v9+s25+$0x0] =	vst.idx.add.f32.msk $0xffff, v13  }
0x8c5: {  	v13 =	vld [tilespmem:s8+$0x0]  }
0x8c6: {  	s10 =	sld [smem:$0x737];
	s17 =	sor.u32 s24, s13;
	[tilespmem:v8+s14+$0x0] =	vst.idx.add.f32.msk $0xffff, v12  }
0x8c7: {  	v12 =	vld [tilespmem:s17+$0x0]  }
0x8c8: {  	[tilespmem:v7+s18+$0x0] =	vst.idx.add.f32.msk $0xffff, v11  }
0x8c9: {  	s19 =	sld [smem:$0x738];
	v11 =	vld [tilespmem:s10+$0x0];
	_ =	sdelay $0x1  }
0x8ca: {  	[tilespmem:v9+s18+$0x0] =	vst.idx.add.f32.msk $0xffff, v13  }
0x8cb: {  	s25 =	sld [smem:$0x739];
	v13 =	vld [tilespmem:s19+$0x0]  }
0x8cc: {  	[tilespmem:v8+s15+$0x0] =	vst.idx.add.f32.msk $0xffff, v12  }
0x8cd: {  	[tilespmem:v7+s14+$0x0] =	vst.idx.add.f32.msk $0xffff, v11  }
0x8ce: {  	s26 =	sor.u32 s24, s11;
	v11 =	vld [tilespmem:s25+$0x0]  }
0x8cf: {  	s1 =	sld [smem:$0x73A];
	v12 =	vld [tilespmem:s26+$0x0];
	_ =	sdelay $0x1  }
0x8d0: {  	[tilespmem:v9+s14+$0x0] =	vst.idx.add.f32.msk $0xffff, v13  }
0x8d1: {  	v13 =	vld [tilespmem:s1+$0x0]  }
0x8d2: {  	s2 =	sor.u32 $0xF000, s21;
	[tilespmem:v7+s15+$0x0] =	vst.idx.add.f32.msk $0xffff, v11  }
0x8d3: {  	s4 =	sor.u32 s20, s2;
	[tilespmem:v8+s16+$0x0] =	vst.idx.add.f32.msk $0xffff, v12  }
0x8d4: {  	s7 =	sor.u32 s24, s2;
	s3 =	sld [smem:$0x73B];
	v14 =	vld [tilespmem:s4+$0x0]  }
0x8d5: {  	s8 =	sld [smem:$0x73C];
	v12 =	vld [tilespmem:s7+$0x0]  }
0x8d6: {  	[tilespmem:v9+s15+$0x0] =	vst.idx.add.f32.msk $0xffff, v13  }
0x8d7: {  	v11 =	vld [tilespmem:s3+$0x0]  }
0x8d8: {  	s14 =	simm.s32 $0x11750;
	v13 =	vld [tilespmem:s8+$0x0]  }
0x8d9: {  	s10 =	sor.u32 $0xF800, s21;
	[tilespmem:v6+s14+$0x0] =	vst.idx.add.f32.msk $0xffff, v14  }
0x8da: {  	s15 =	sor.u32 s24, s10;
	[tilespmem:v8+s14+$0x0] =	vst.idx.add.f32.msk $0xffff, v12  }
0x8db: {  	v12 =	vld [tilespmem:s15+$0x0]  }
0x8dc: {  	[tilespmem:v7+s16+$0x0] =	vst.idx.add.f32.msk $0xffff, v11  }
0x8dd: {  	s6 =	sor.u32 s22, s2;
	[tilespmem:v9+s16+$0x0] =	vst.idx.add.f32.msk $0xffff, v13  }
0x8de: {  	s0 =	sor.u32 s23, s2;
	v11 =	vld [tilespmem:s6+$0x0]  }
0x8df: {  	s11 =	sor.u32 s20, s10;
	v13 =	vld [tilespmem:s0+$0x0]  }
0x8e0: {  	v14 =	vld [tilespmem:s11+$0x0];
	s16 =	simm.s32 $0x11768  }
0x8e1: {  	[tilespmem:v8+s16+$0x0] =	vst.idx.add.f32.msk $0xffff, v12  }
0x8e2: {  	v8 =	vld [tilespmem:s9+$0x10880]  }
0x8e3: {  	[tilespmem:v7+s14+$0x0] =	vst.idx.add.f32.msk $0xffff, v11  }
0x8e4: {  	s13 =	sor.u32 s22, s10;
	[tilespmem:v9+s14+$0x0] =	vst.idx.add.f32.msk $0xffff, v13  }
0x8e5: {  	s3 =	sor.u32 s23, s10;
	v45 =	vld [tilespmem:s13+$0x0]  }
0x8e6: {  	v13 =	vld [tilespmem:s3+$0x0]  }
0x8e7: {  	v44 =	vld [tilespmem:s9+$0x8080]  }
0x8e8: {  	s18 =	simm.s32 $0x11BE8;
	[tilespmem:v6+s16+$0x0] =	vst.idx.add.f32.msk $0xffff, v14  }
0x8e9: {  	[tilespmem:v5+s18+$0x0] =	vst.idx.add.f32.msk $0xffff, v10  }
0x8ea: {  	[tilespmem:v7+s16+$0x0] =	vst.idx.add.f32.msk $0xffff, v45  }
0x8eb: {  	s5 =	simm.s32 $0x11780;
	s11 =	sld [smem:$0x73D];
	[tilespmem:v9+s16+$0x0] =	vst.idx.add.f32.msk $0xffff, v13  }
0x8ec: {  	[tilespmem:v8+s5+$0x0] =	vst.idx.add.f32.msk $0xffff, v44  }
0x8ed: {  	s17 =	sor.u32 $0x8880, s21;
	v5 =	vld [tilespmem:s12+$0x10880]  }
0x8ee: {  	s25 =	sor.u32 s24, s17;
	v7 =	vld [tilespmem:s11+$0x10880]  }
0x8ef: {  	v46 =	vld [tilespmem:s25+$0x0]  }
0x8f0: {  	v48 =	vld [tilespmem:s12+$0x8080]  }
0x8f1: {  	v49 =	vld [tilespmem:s11+$0x8080];
	s12 =	rddreg [dreg:$0x10]  }
0x8f2: {  	v6 =	vld [tilespmem:s12+$0x10880]  }
0x8f3: {  	s8 =	sor.u32 $0x9080, s21;
	s14 =	simm.s32 $0x11798;
	v50 =	vld [tilespmem:s12+$0x8080]  }
0x8f4: {  	s9 =	sor.u32 s24, s8;
	[tilespmem:v8+s14+$0x0] =	vst.idx.add.f32.msk $0xffff, v46  }
0x8f5: {  	v47 =	vld [tilespmem:s9+$0x0]  }
0x8f6: {  	[tilespmem:v5+s5+$0x0] =	vst.idx.add.f32.msk $0xffff, v48  }
0x8f7: {  	s19 =	sor.u32 s22, s17;
	[tilespmem:v7+s5+$0x0] =	vst.idx.add.f32.msk $0xffff, v49  }
0x8f8: {  	s26 =	sor.u32 s23, s17;
	v10 =	vld [tilespmem:s19+$0x0]  }
0x8f9: {  	s15 =	simm.s32 $0x117B0;
	s16 =	sor.u32 $0x9880, s21;
	v11 =	vld [tilespmem:s26+$0x0]  }
0x8fa: {  	s3 =	sor.u32 s20, s17;
	s17 =	sor.u32 s24, s16;
	[tilespmem:v8+s15+$0x0] =	vst.idx.add.f32.msk $0xffff, v47  }
0x8fb: {  	v9 =	vld [tilespmem:s17+$0x0]  }
0x8fc: {  	[tilespmem:v6+s5+$0x0] =	vst.idx.add.f32.msk $0xffff, v50  }
0x8fd: {  	v12 =	vld [tilespmem:s3+$0x0]  }
0x8fe: {  	[tilespmem:v5+s14+$0x0] =	vst.idx.add.f32.msk $0xffff, v10  }
0x8ff: {  	s18 =	sor.u32 $0xA080, s21;
	s17 =	simm.s32 $0x117C8;
	[tilespmem:v7+s14+$0x0] =	vst.idx.add.f32.msk $0xffff, v11  }
0x900: {  	s19 =	sor.u32 s24, s18;
	[tilespmem:v8+s17+$0x0] =	vst.idx.add.f32.msk $0xffff, v9  }
0x901: {  	v9 =	vld [tilespmem:s19+$0x0]  }
0x902: {  	s7 =	sor.u32 s22, s8;
	[tilespmem:v6+s14+$0x0] =	vst.idx.add.f32.msk $0xffff, v12  }
0x903: {  	s10 =	sor.u32 s23, s8;
	v10 =	vld [tilespmem:s7+$0x0]  }
0x904: {  	s2 =	sor.u32 s20, s8;
	v11 =	vld [tilespmem:s10+$0x0]  }
0x905: {  	s25 =	sor.u32 $0xA880, s21;
	v12 =	vld [tilespmem:s2+$0x0];
	s19 =	simm.s32 $0x117E0  }
0x906: {  	s26 =	sor.u32 s24, s25;
	[tilespmem:v8+s19+$0x0] =	vst.idx.add.f32.msk $0xffff, v9  }
0x907: {  	v9 =	vld [tilespmem:s26+$0x0]  }
0x908: {  	[tilespmem:v5+s15+$0x0] =	vst.idx.add.f32.msk $0xffff, v10  }
0x909: {  	s4 =	sor.u32 s22, s16;
	[tilespmem:v7+s15+$0x0] =	vst.idx.add.f32.msk $0xffff, v11  }
0x90a: {  	s6 =	sor.u32 s23, s16;
	s8 =	sor.u32 s20, s25;
	s13 =	sor.u32 s22, s25;
	v10 =	vld [tilespmem:s4+$0x0]  }
0x90b: {  	s12 =	sor.u32 s23, s25;
	s25 =	simm.s32 $0x117F8;
	s7 =	sor.u32 $0xB080, s21;
	v11 =	vld [tilespmem:s6+$0x0]  }
0x90c: {  	s10 =	sor.u32 s24, s7;
	[tilespmem:v8+s25+$0x0] =	vst.idx.add.f32.msk $0xffff, v9  }
0x90d: {  	v9 =	vld [tilespmem:s10+$0x0]  }
0x90e: {  	s0 =	sor.u32 s20, s16;
	[tilespmem:v6+s15+$0x0] =	vst.idx.add.f32.msk $0xffff, v12  }
0x90f: {  	v12 =	vld [tilespmem:s0+$0x0]  }
0x910: {  	[tilespmem:v5+s17+$0x0] =	vst.idx.add.f32.msk $0xffff, v10  }
0x911: {  	s31 =	simm.s32 $0x11810;
	s14 =	sor.u32 $0xB880, s21;
	[tilespmem:v7+s17+$0x0] =	vst.idx.add.f32.msk $0xffff, v11  }
0x912: {  	s26 =	sor.u32 s24, s14;
	[tilespmem:v8+s31+$0x0] =	vst.idx.add.f32.msk $0xffff, v9  }
0x913: {  	v9 =	vld [tilespmem:s26+$0x0]  }
0x914: {  	s1 =	sor.u32 s22, s18;
	[tilespmem:v6+s17+$0x0] =	vst.idx.add.f32.msk $0xffff, v12  }
0x915: {  	s9 =	sor.u32 s23, s18;
	v10 =	vld [tilespmem:s1+$0x0]  }
0x916: {  	s11 =	sor.u32 s20, s18;
	s2 =	sor.u32 s20, s14;
	s5 =	sor.u32 s22, s14;
	v11 =	vld [tilespmem:s9+$0x0]  }
0x917: {  	s4 =	sor.u32 s23, s14;
	s0 =	simm.s32 $0x11828;
	s14 =	sor.u32 $0xC080, s21;
	v12 =	vld [tilespmem:s11+$0x0]  }
0x918: {  	s15 =	sor.u32 s24, s14;
	[tilespmem:v8+s0+$0x0] =	vst.idx.add.f32.msk $0xffff, v9  }
0x919: {  	v9 =	vld [tilespmem:s15+$0x0]  }
0x91a: {  	[tilespmem:v5+s19+$0x0] =	vst.idx.add.f32.msk $0xffff, v10  }
0x91b: {  	[tilespmem:v7+s19+$0x0] =	vst.idx.add.f32.msk $0xffff, v11  }
0x91c: {  	v10 =	vld [tilespmem:s13+$0x0]  }
0x91d: {  	s17 =	sor.u32 $0xC880, s21;
	s1 =	simm.s32 $0x11840;
	v11 =	vld [tilespmem:s12+$0x0]  }
0x91e: {  	s6 =	sor.u32 s24, s17;
	[tilespmem:v8+s1+$0x0] =	vst.idx.add.f32.msk $0xffff, v9  }
0x91f: {  	v9 =	vld [tilespmem:s6+$0x0]  }
0x920: {  	[tilespmem:v6+s19+$0x0] =	vst.idx.add.f32.msk $0xffff, v12  }
0x921: {  	v12 =	vld [tilespmem:s8+$0x0]  }
0x922: {  	s3 =	sor.u32 s20, s7;
	s16 =	sor.u32 s22, s7;
	[tilespmem:v5+s25+$0x0] =	vst.idx.add.f32.msk $0xffff, v10  }
0x923: {  	s18 =	sor.u32 s23, s7;
	s7 =	sor.u32 $0xD080, s21;
	[tilespmem:v7+s25+$0x0] =	vst.idx.add.f32.msk $0xffff, v11;
	s6 =	simm.s32 $0x11858  }
0x924: {  	s11 =	sor.u32 s24, s7;
	[tilespmem:v8+s6+$0x0] =	vst.idx.add.f32.msk $0xffff, v9  }
0x925: {  	v9 =	vld [tilespmem:s11+$0x0]  }
0x926: {  	[tilespmem:v6+s25+$0x0] =	vst.idx.add.f32.msk $0xffff, v12  }
0x927: {  	s29 =	sor.u32 s20, s14;
	s28 =	sor.u32 s22, s14;
	v10 =	vld [tilespmem:s16+$0x0]  }
0x928: {  	s10 =	sor.u32 s20, s7;
	s13 =	sor.u32 s22, s7;
	s19 =	sor.u32 $0xD880, s21;
	v11 =	vld [tilespmem:s18+$0x0]  }
0x929: {  	s26 =	sor.u32 s23, s14;
	s14 =	sor.u32 s23, s7;
	s7 =	simm.s32 $0x11870;
	v12 =	vld [tilespmem:s3+$0x0]  }
0x92a: {  	s12 =	sor.u32 s24, s19;
	[tilespmem:v8+s7+$0x0] =	vst.idx.add.f32.msk $0xffff, v9  }
0x92b: {  	v9 =	vld [tilespmem:s12+$0x0]  }
0x92c: {  	[tilespmem:v5+s31+$0x0] =	vst.idx.add.f32.msk $0xffff, v10  }
0x92d: {  	[smem:$0x73E] =	sst s10;
	s10 =	sor.u32 s20, s19;
	[tilespmem:v7+s31+$0x0] =	vst.idx.add.f32.msk $0xffff, v11  }
0x92e: {  	[smem:$0x740] =	sst s10;
	s10 =	simm.s32 $0x11888;
	v10 =	vld [tilespmem:s5+$0x0]  }
0x92f: {  	s15 =	sor.u32 s23, s19;
	v11 =	vld [tilespmem:s4+$0x0];
	s11 =	sor.u32 s22, s19;
	s19 =	sor.u32 $0xE080, s21  }
0x930: {  	[smem:$0x73F] =	sst s11;
	s11 =	sor.u32 s24, s19;
	[tilespmem:v8+s10+$0x0] =	vst.idx.add.f32.msk $0xffff, v9  }
0x931: {  	v9 =	vld [tilespmem:s11+$0x0]  }
0x932: {  	[tilespmem:v6+s31+$0x0] =	vst.idx.add.f32.msk $0xffff, v12  }
0x933: {  	v12 =	vld [tilespmem:s2+$0x0]  }
0x934: {  	[tilespmem:v5+s0+$0x0] =	vst.idx.add.f32.msk $0xffff, v10  }
0x935: {  	[tilespmem:v7+s0+$0x0] =	vst.idx.add.f32.msk $0xffff, v11;
	s12 =	sor.u32 $0xE880, s21;
	s11 =	simm.s32 $0x118A0  }
0x936: {  	s8 =	sor.u32 s24, s12;
	[tilespmem:v8+s11+$0x0] =	vst.idx.add.f32.msk $0xffff, v9  }
0x937: {  	v9 =	vld [tilespmem:s8+$0x0]  }
0x938: {  	[tilespmem:v6+s0+$0x0] =	vst.idx.add.f32.msk $0xffff, v12;
	s25 =	sor.u32 s20, s19  }
0x939: {  	s5 =	simm.s32 $0x118B8;
	v10 =	vld [tilespmem:s28+$0x0];
	s18 =	sor.u32 s22, s19;
	[smem:$0x741] =	sst s25  }
0x93a: {  	v11 =	vld [tilespmem:s26+$0x0];
	s25 =	sor.u32 s23, s19;
	s16 =	sor.u32 s20, s12;
	s19 =	sor.u32 s22, s12  }
0x93b: {  	v12 =	vld [tilespmem:s29+$0x0];
	[smem:$0x743] =	sst s16;
	s16 =	sor.u32 s23, s12;
	s12 =	sor.u32 $0xF080, s21  }
0x93c: {  	s3 =	sor.u32 s24, s12;
	[tilespmem:v8+s5+$0x0] =	vst.idx.add.f32.msk $0xffff, v9  }
0x93d: {  	v9 =	vld [tilespmem:s3+$0x0]  }
0x93e: {  	s30 =	sor.u32 s20, s17;
	s9 =	sor.u32 s22, s17;
	s17 =	sor.u32 s23, s17;
	[tilespmem:v5+s1+$0x0] =	vst.idx.add.f32.msk $0xffff, v10  }
0x93f: {  	[tilespmem:v7+s1+$0x0] =	vst.idx.add.f32.msk $0xffff, v11;
	[smem:$0x742] =	sst s19;
	s19 =	sor.u32 s20, s12;
	s8 =	sor.u32 $0xF880, s21  }
0x940: {  	v10 =	vld [tilespmem:s9+$0x0];
	s4 =	sor.u32 s22, s12;
	s2 =	sor.u32 s23, s12;
	s12 =	sor.u32 s20, s8  }
0x941: {  	v51 =	vld [tilespmem:s17+$0x0];
	[smem:$0x748] =	sst s12;
	s12 =	simm.s32 $0x118D0  }
0x942: {  	[smem:$0x744] =	sst s2;
	s26 =	sor.u32 s24, s8;
	s2 =	sor.u32 s23, s8;
	[tilespmem:v8+s12+$0x0] =	vst.idx.add.f32.msk $0xffff, v9  }
0x943: {  	p0 =	por !p0, !p0;
	[smem:$0x747] =	sst s2;
	s2 =	simm.s32 $0x1;
	v9 =	vld [tilespmem:s26+$0x0]  }
0x944: {  	[tilespmem:v6+s1+$0x0] =	vst.idx.add.f32.msk $0xffff, v12;
	[smem:$0x745] =	sst s19;
	s2 =	simm.s32 @!p0 $0x0  }
0x945: {  	v12 =	vld [tilespmem:s30+$0x0];
	s19 =	sor.u32 s22, s8;
	s8 =	rddreg [dreg:$0x7];
	s3 =	sshll.u32 s2, $0x6  }
0x946: {  	[tilespmem:v5+s6+$0x0] =	vst.idx.add.f32.msk $0xffff, v10;
	s2 =	sadd.s32 s3, s8  }
0x947: {  	[tilespmem:v7+s6+$0x0] =	vst.idx.add.f32.msk $0xffff, v51;
	s8 =	simm.s32 $0x118E8;
	s28 =	sadd.s32 $0x30, s2  }
0x948: {  	s0 =	sor.u32 $0x100, s28;
	[tilespmem:v8+s8+$0x0] =	vst.idx.add.f32.msk $0xffff, v9  }
0x949: {  	v8 =	vld [tilespmem:s0+$0x10800]  }
0x94a: {  	v54 =	vld [tilespmem:s14+$0x0]  }
0x94b: {  	v10 =	vld [tilespmem:s13+$0x0];
	s13 =	sld [smem:$0x73E]  }
0x94c: {  	s17 =	sor.u32 $0x8900, s21;
	v52 =	vld [tilespmem:s0+$0x8000]  }
0x94d: {  	s30 =	sor.u32 s22, s17;
	s1 =	sor.u32 s24, s17;
	[tilespmem:v6+s6+$0x0] =	vst.idx.add.f32.msk $0xffff, v12;
	s9 =	sadd.s32 $0x10, s2  }
0x94e: {  	s29 =	sor.u32 s23, s17;
	v12 =	vld [tilespmem:s13+$0x0];
	[smem:$0x746] =	sst s19;
	s19 =	sor.u32 $0x180, s9  }
0x94f: {  	s14 =	sor.u32 $0x9100, s21;
	[tilespmem:v7+s7+$0x0] =	vst.idx.add.f32.msk $0xffff, v54;
	s31 =	sadd.s32 $0x20, s2;
	[dreg:$0xe] =	wrdreg s19  }
0x950: {  	v11 =	vld [tilespmem:s15+$0x0];
	s19 =	sor.u32 $0x180, s31;
	s26 =	sor.u32 $0x100, s9;
	s9 =	simm.s32 $0x11900  }
0x951: {  	[dreg:$0xc] =	wrdreg s19;
	s19 =	sor.u32 s20, s17;
	s17 =	sor.u32 s20, s14;
	[tilespmem:v8+s9+$0x0] =	vst.idx.add.f32.msk $0xffff, v52  }
0x952: {  	[smem:$0x74C] =	sst s17;
	v53 =	vld [tilespmem:s1+$0x0]  }
0x953: {  	[tilespmem:v5+s7+$0x0] =	vst.idx.add.f32.msk $0xffff, v10;
	s17 =	sld [smem:$0x740]  }
0x954: {  	[tilespmem:v6+s7+$0x0] =	vst.idx.add.f32.msk $0xffff, v12  }
0x955: {  	[tilespmem:v7+s10+$0x0] =	vst.idx.add.f32.msk $0xffff, v11  }
0x956: {  	s6 =	simm.s32 $0x11918;
	v12 =	vld [tilespmem:s17+$0x0]  }
0x957: {  	s3 =	sor.u32 $0x100, s31;
	s31 =	sor.u32 s24, s14;
	s1 =	sld [smem:$0x73F];
	[tilespmem:v8+s6+$0x0] =	vst.idx.add.f32.msk $0xffff, v53  }
0x958: {  	v9 =	vld [tilespmem:s31+$0x0]  }
0x959: {  	s7 =	sor.u32 $0x9900, s21;
	v11 =	vld [tilespmem:s25+$0x0];
	s25 =	sld [smem:$0x741]  }
0x95a: {  	s13 =	sor.u32 s20, s7;
	v10 =	vld [tilespmem:s1+$0x0]  }
0x95b: {  	[smem:$0x74D] =	sst s13;
	[tilespmem:v6+s10+$0x0] =	vst.idx.add.f32.msk $0xffff, v12  }
0x95c: {  	s13 =	simm.s32 $0x11930;
	[smem:$0x749] =	sst s19;
	v12 =	vld [tilespmem:s25+$0x0]  }
0x95d: {  	s19 =	sor.u32 s22, s14;
	s0 =	sor.u32 s23, s14;
	s14 =	sor.u32 s24, s7;
	[tilespmem:v8+s13+$0x0] =	vst.idx.add.f32.msk $0xffff, v9  }
0x95e: {  	v9 =	vld [tilespmem:s14+$0x0]  }
0x95f: {  	[smem:$0x74A] =	sst s19;
	s19 =	sor.u32 s22, s7;
	[tilespmem:v5+s10+$0x0] =	vst.idx.add.f32.msk $0xffff, v10  }
0x960: {  	[smem:$0x74B] =	sst s0;
	s0 =	sor.u32 s23, s7;
	s7 =	sor.u32 $0xA100, s21;
	v10 =	vld [tilespmem:s18+$0x0]  }
0x961: {  	[tilespmem:v7+s11+$0x0] =	vst.idx.add.f32.msk $0xffff, v11;
	s14 =	sor.u32 s20, s7  }
0x962: {  	[tilespmem:v6+s11+$0x0] =	vst.idx.add.f32.msk $0xffff, v12;
	[smem:$0x74F] =	sst s14;
	s14 =	simm.s32 $0x11948  }
0x963: {  	s18 =	sor.u32 s24, s7;
	[tilespmem:v8+s14+$0x0] =	vst.idx.add.f32.msk $0xffff, v9  }
0x964: {  	v9 =	vld [tilespmem:s18+$0x0]  }
0x965: {  	[tilespmem:v5+s11+$0x0] =	vst.idx.add.f32.msk $0xffff, v10;
	s11 =	sld [smem:$0x742]  }
0x966: {  	s17 =	sor.u32 s22, s7;
	s31 =	sor.u32 s23, s7;
	s7 =	sor.u32 $0xA900, s21  }
0x967: {  	v11 =	vld [tilespmem:s16+$0x0];
	s10 =	sor.u32 s20, s7  }
0x968: {  	[smem:$0x752] =	sst s10;
	s10 =	simm.s32 $0x11960;
	v10 =	vld [tilespmem:s11+$0x0]  }
0x969: {  	s16 =	sld [smem:$0x743];
	s18 =	sor.u32 s24, s7;
	[tilespmem:v8+s10+$0x0] =	vst.idx.add.f32.msk $0xffff, v9  }
0x96a: {  	s15 =	sor.u32 s22, s7;
	v9 =	vld [tilespmem:s18+$0x0]  }
0x96b: {  	[smem:$0x750] =	sst s15;
	s15 =	sor.u32 $0xB100, s21  }
0x96c: {  	v12 =	vld [tilespmem:s16+$0x0];
	s18 =	sor.u32 s20, s15  }
0x96d: {  	s7 =	sor.u32 s23, s7;
	[tilespmem:v5+s5+$0x0] =	vst.idx.add.f32.msk $0xffff, v10;
	[smem:$0x754] =	sst s18;
	s18 =	sor.u32 $0xB900, s21  }
0x96e: {  	s11 =	simm.s32 $0x11978;
	[smem:$0x751] =	sst s7;
	v10 =	vld [tilespmem:s4+$0x0];
	s4 =	sor.u32 s20, s18  }
0x96f: {  	s7 =	sor.u32 s24, s15;
	[smem:$0x756] =	sst s4;
	[tilespmem:v8+s11+$0x0] =	vst.idx.add.f32.msk $0xffff, v9  }
0x970: {  	s25 =	sor.u32 s22, s18;
	s4 =	sld [smem:$0x745];
	v9 =	vld [tilespmem:s7+$0x0]  }
0x971: {  	[tilespmem:v7+s5+$0x0] =	vst.idx.add.f32.msk $0xffff, v11;
	s16 =	sor.u32 s23, s18;
	s7 =	sor.u32 s24, s18;
	s18 =	sld [smem:$0x744]  }
0x972: {  	[tilespmem:v6+s5+$0x0] =	vst.idx.add.f32.msk $0xffff, v12  }
0x973: {  	[smem:$0x74E] =	sst s17;
	s17 =	sor.u32 s22, s15;
	s15 =	sor.u32 s23, s15;
	v12 =	vld [tilespmem:s4+$0x0]  }
0x974: {  	[smem:$0x753] =	sst s15;
	s15 =	simm.s32 $0x11990;
	v11 =	vld [tilespmem:s18+$0x0]  }
0x975: {  	s5 =	sor.u32 $0xC100, s21;
	[tilespmem:v8+s15+$0x0] =	vst.idx.add.f32.msk $0xffff, v9  }
0x976: {  	[smem:$0x755] =	sst s16;
	v9 =	vld [tilespmem:s7+$0x0];
	s7 =	sor.u32 s20, s5  }
0x977: {  	[smem:$0x759] =	sst s7  }
0x978: {  	[tilespmem:v5+s12+$0x0] =	vst.idx.add.f32.msk $0xffff, v10;
	s4 =	sor.u32 s23, s5;
	s7 =	sld [smem:$0x746]  }
0x979: {  	s16 =	sor.u32 s22, s5;
	[smem:$0x758] =	sst s4;
	s4 =	sor.u32 $0xC900, s21;
	[tilespmem:v6+s12+$0x0] =	vst.idx.add.f32.msk $0xffff, v12  }
0x97a: {  	[smem:$0x757] =	sst s16;
	s18 =	sor.u32 s24, s5;
	s5 =	sor.u32 s22, s4;
	[tilespmem:v7+s12+$0x0] =	vst.idx.add.f32.msk $0xffff, v11  }
0x97b: {  	s16 =	simm.s32 $0x119A8;
	[smem:$0x75A] =	sst s5;
	v10 =	vld [tilespmem:s7+$0x0]  }
0x97c: {  	s5 =	sld [smem:$0x748];
	[tilespmem:v8+s16+$0x0] =	vst.idx.add.f32.msk $0xffff, v9  }
0x97d: {  	s12 =	sld [smem:$0x747];
	v9 =	vld [tilespmem:s18+$0x0];
	_ =	sdelay $0x1  }
0x97e: {  	v12 =	vld [tilespmem:s5+$0x0]  }
0x97f: {  	v11 =	vld [tilespmem:s12+$0x0];
	s18 =	sor.u32 s20, s4  }
0x980: {  	[smem:$0x75C] =	sst s18;
	s18 =	simm.s32 $0x119C0;
	[tilespmem:v5+s8+$0x0] =	vst.idx.add.f32.msk $0xffff, v10  }
0x981: {  	s12 =	sor.u32 s24, s4;
	[tilespmem:v8+s18+$0x0] =	vst.idx.add.f32.msk $0xffff, v9  }
0x982: {  	v9 =	vld [tilespmem:s12+$0x0]  }
0x983: {  	s4 =	sor.u32 s23, s4;
	[tilespmem:v6+s8+$0x0] =	vst.idx.add.f32.msk $0xffff, v12  }
0x984: {  	[smem:$0x75B] =	sst s4;
	s4 =	sor.u32 $0xD100, s21;
	v5 =	vld [tilespmem:s26+$0x10800]  }
0x985: {  	[tilespmem:v7+s8+$0x0] =	vst.idx.add.f32.msk $0xffff, v11;
	s12 =	sor.u32 s20, s4  }
0x986: {  	v55 =	vld [tilespmem:s26+$0x8000];
	[smem:$0x75E] =	sst s12;
	s12 =	simm.s32 $0x119D8  }
0x987: {  	s1 =	sor.u32 s24, s4;
	[tilespmem:v8+s12+$0x0] =	vst.idx.add.f32.msk $0xffff, v9  }
0x988: {  	v7 =	vld [tilespmem:s1+$0x0]  }
0x989: {  	s2 =	sor.u32 $0x100, s2;
	v6 =	vld [tilespmem:s3+$0x10800]  }
0x98a: {  	s5 =	sor.u32 s22, s4;
	v12 =	vld [tilespmem:s2+$0x8000]  }
0x98b: {  	[smem:$0x75D] =	sst s5;
	v56 =	vld [tilespmem:s3+$0x8000];
	s1 =	sor.u32 $0xD900, s21  }
0x98c: {  	s26 =	simm.s32 $0x119F0;
	[tilespmem:v5+s9+$0x0] =	vst.idx.add.f32.msk $0xffff, v55;
	s5 =	sor.u32 s20, s1;
	s8 =	sor.u32 s22, s1  }
0x98d: {  	s12 =	sor.u32 s24, s1;
	s1 =	sor.u32 s23, s1;
	[smem:$0x761] =	sst s5;
	[tilespmem:v8+s26+$0x0] =	vst.idx.add.f32.msk $0xffff, v7  }
0x98e: {  	[smem:$0x760] =	sst s1;
	s1 =	sor.u32 $0xE100, s21;
	v57 =	vld [tilespmem:s12+$0x0]  }
0x98f: {  	[smem:$0x75F] =	sst s8;
	s3 =	sor.u32 s20, s1;
	v7 =	vld [tilespmem:s2+$0x10800]  }
0x990: {  	v59 =	vld [tilespmem:s30+$0x0];
	s5 =	sor.u32 s22, s1;
	[smem:$0x764] =	sst s3;
	s3 =	sor.u32 $0xE900, s21  }
0x991: {  	[tilespmem:v6+s9+$0x0] =	vst.idx.add.f32.msk $0xffff, v56;
	[smem:$0x762] =	sst s5;
	s5 =	sor.u32 s20, s3  }
0x992: {  	s8 =	simm.s32 $0x11A08;
	v60 =	vld [tilespmem:s29+$0x0];
	[smem:$0x767] =	sst s5  }
0x993: {  	s12 =	sor.u32 s24, s1;
	s5 =	sld [smem:$0x74A];
	[tilespmem:v8+s8+$0x0] =	vst.idx.add.f32.msk $0xffff, v57  }
0x994: {  	v58 =	vld [tilespmem:s12+$0x0]  }
0x995: {  	s2 =	sld [smem:$0x749];
	[tilespmem:v5+s6+$0x0] =	vst.idx.add.f32.msk $0xffff, v59  }
0x996: {  	v10 =	vld [tilespmem:s5+$0x0]  }
0x997: {  	[tilespmem:v7+s9+$0x0] =	vst.idx.add.f32.msk $0xffff, v12  }
0x998: {  	s1 =	sor.u32 s23, s1;
	s9 =	simm.s32 $0x11A20;
	v12 =	vld [tilespmem:s2+$0x0]  }
0x999: {  	[smem:$0x763] =	sst s1;
	s12 =	sor.u32 s24, s3;
	[tilespmem:v8+s9+$0x0] =	vst.idx.add.f32.msk $0xffff, v58  }
0x99a: {  	s1 =	sor.u32 s23, s3;
	s2 =	sld [smem:$0x74B];
	v9 =	vld [tilespmem:s12+$0x0]  }
0x99b: {  	[tilespmem:v6+s6+$0x0] =	vst.idx.add.f32.msk $0xffff, v60;
	[smem:$0x766] =	sst s1;
	s8 =	sor.u32 s22, s3  }
0x99c: {  	[smem:$0x765] =	sst s8;
	s3 =	sor.u32 $0xF100, s21;
	[tilespmem:v5+s13+$0x0] =	vst.idx.add.f32.msk $0xffff, v10  }
0x99d: {  	s8 =	sor.u32 s22, s3;
	s1 =	sor.u32 s23, s3;
	s9 =	simm.s32 $0x11A38;
	v11 =	vld [tilespmem:s2+$0x0]  }
0x99e: {  	s12 =	sor.u32 s24, s3;
	[tilespmem:v7+s6+$0x0] =	vst.idx.add.f32.msk $0xffff, v12;
	s6 =	sor.u32 s20, s3;
	s3 =	sld [smem:$0x74C]  }
0x99f: {  	[tilespmem:v8+s9+$0x0] =	vst.idx.add.f32.msk $0xffff, v9  }
0x9a0: {  	v9 =	vld [tilespmem:s12+$0x0]  }
0x9a1: {  	v12 =	vld [tilespmem:s3+$0x0]  }
0x9a2: {  	[tilespmem:v6+s13+$0x0] =	vst.idx.add.f32.msk $0xffff, v11  }
0x9a3: {  	v11 =	vld [tilespmem:s0+$0x0]  }
0x9a4: {  	s5 =	sor.u32 $0xF900, s21;
	v10 =	vld [tilespmem:s19+$0x0];
	s9 =	simm.s32 $0x11A50  }
0x9a5: {  	s12 =	sor.u32 s24, s5;
	[tilespmem:v8+s9+$0x0] =	vst.idx.add.f32.msk $0xffff, v9  }
0x9a6: {  	v9 =	vld [tilespmem:s12+$0x0]  }
0x9a7: {  	[tilespmem:v7+s13+$0x0] =	vst.idx.add.f32.msk $0xffff, v12;
	s13 =	sld [smem:$0x74D]  }
0x9a8: {  	[smem:$0x768] =	sst s8;
	[tilespmem:v6+s14+$0x0] =	vst.idx.add.f32.msk $0xffff, v11  }
0x9a9: {  	[smem:$0x769] =	sst s1;
	s1 =	sor.u32 s23, s5;
	v11 =	vld [tilespmem:s31+$0x0]  }
0x9aa: {  	[smem:$0x76C] =	sst s1;
	s19 =	simm.s32 $0x11A68;
	v12 =	vld [tilespmem:s13+$0x0]  }
0x9ab: {  	s8 =	sor.u32 s22, s5;
	s1 =	sor.u32 $0x180, s28;
	s2 =	sld [smem:$0x74E];
	[tilespmem:v8+s19+$0x0] =	vst.idx.add.f32.msk $0xffff, v9  }
0x9ac: {  	[smem:$0x76A] =	sst s6;
	s6 =	sor.u32 s20, s5;
	s5 =	sor.u32 $0x8980, s21;
	v8 =	vld [tilespmem:s1+$0x10800]  }
0x9ad: {  	[tilespmem:v5+s14+$0x0] =	vst.idx.add.f32.msk $0xffff, v10;
	s9 =	sor.u32 s22, s5  }
0x9ae: {  	v10 =	vld [tilespmem:s2+$0x0];
	[smem:$0x76E] =	sst s9  }
0x9af: {  	s9 =	sld [smem:$0x751];
	v9 =	vld [tilespmem:s1+$0x8000]  }
0x9b0: {  	s3 =	sld [smem:$0x74F];
	[tilespmem:v6+s10+$0x0] =	vst.idx.add.f32.msk $0xffff, v11  }
0x9b1: {  	[tilespmem:v7+s14+$0x0] =	vst.idx.add.f32.msk $0xffff, v12  }
0x9b2: {  	v11 =	vld [tilespmem:s9+$0x0]  }
0x9b3: {  	s12 =	simm.s32 $0x11A80;
	v12 =	vld [tilespmem:s3+$0x0]  }
0x9b4: {  	s13 =	sor.u32 s24, s5;
	s19 =	sld [smem:$0x750];
	[tilespmem:v8+s12+$0x0] =	vst.idx.add.f32.msk $0xffff, v9  }
0x9b5: {  	v9 =	vld [tilespmem:s13+$0x0]  }
0x9b6: {  	[tilespmem:v5+s10+$0x0] =	vst.idx.add.f32.msk $0xffff, v10  }
0x9b7: {  	v10 =	vld [tilespmem:s19+$0x0]  }
0x9b8: {  	[smem:$0x76D] =	sst s6;
	s6 =	sor.u32 s20, s5;
	s0 =	sor.u32 s23, s5;
	[tilespmem:v6+s11+$0x0] =	vst.idx.add.f32.msk $0xffff, v11  }
0x9b9: {  	[smem:$0x770] =	sst s6;
	s5 =	simm.s32 $0x11A98;
	s14 =	sor.u32 $0x9180, s21;
	[tilespmem:v7+s10+$0x0] =	vst.idx.add.f32.msk $0xffff, v12  }
0x9ba: {  	s2 =	sor.u32 s20, s14;
	s6 =	sor.u32 s24, s14;
	s10 =	sld [smem:$0x752];
	[tilespmem:v8+s5+$0x0] =	vst.idx.add.f32.msk $0xffff, v9  }
0x9bb: {  	[smem:$0x773] =	sst s2;
	v9 =	vld [tilespmem:s6+$0x0]  }
0x9bc: {  	s2 =	sld [smem:$0x753];
	[tilespmem:v5+s11+$0x0] =	vst.idx.add.f32.msk $0xffff, v10  }
0x9bd: {  	v12 =	vld [tilespmem:s10+$0x0]  }
0x9be: {  	v10 =	vld [tilespmem:s17+$0x0]  }
0x9bf: {  	s3 =	sor.u32 s22, s14;
	v11 =	vld [tilespmem:s2+$0x0];
	s12 =	sor.u32 $0x9980, s21;
	s17 =	simm.s32 $0x11AB0  }
0x9c0: {  	[smem:$0x771] =	sst s3;
	s19 =	sor.u32 s24, s12;
	[tilespmem:v8+s17+$0x0] =	vst.idx.add.f32.msk $0xffff, v9  }
0x9c1: {  	s3 =	sld [smem:$0x754];
	v9 =	vld [tilespmem:s19+$0x0]  }
0x9c2: {  	[tilespmem:v7+s11+$0x0] =	vst.idx.add.f32.msk $0xffff, v12  }
0x9c3: {  	[tilespmem:v5+s15+$0x0] =	vst.idx.add.f32.msk $0xffff, v10  }
0x9c4: {  	v12 =	vld [tilespmem:s3+$0x0]  }
0x9c5: {  	s11 =	simm.s32 $0x11AC8;
	s5 =	sor.u32 $0xA180, s21;
	v10 =	vld [tilespmem:s25+$0x0]  }
0x9c6: {  	s10 =	sor.u32 s24, s5;
	[tilespmem:v8+s11+$0x0] =	vst.idx.add.f32.msk $0xffff, v9  }
0x9c7: {  	[smem:$0x76F] =	sst s0;
	v9 =	vld [tilespmem:s10+$0x0]  }
0x9c8: {  	s0 =	sor.u32 s23, s14;
	s2 =	sld [smem:$0x757];
	[tilespmem:v6+s15+$0x0] =	vst.idx.add.f32.msk $0xffff, v11  }
0x9c9: {  	[smem:$0x772] =	sst s0;
	[tilespmem:v7+s15+$0x0] =	vst.idx.add.f32.msk $0xffff, v12  }
0x9ca: {  	s13 =	sor.u32 s20, s12;
	s14 =	sor.u32 s22, s12;
	s0 =	sor.u32 s23, s12;
	[tilespmem:v5+s16+$0x0] =	vst.idx.add.f32.msk $0xffff, v10  }
0x9cb: {  	s12 =	sor.u32 $0xA980, s21;
	[smem:$0x774] =	sst s14;
	s14 =	simm.s32 $0x11AE0;
	v10 =	vld [tilespmem:s2+$0x0]  }
0x9cc: {  	s15 =	sor.u32 s24, s12;
	s17 =	sld [smem:$0x755];
	[tilespmem:v8+s14+$0x0] =	vst.idx.add.f32.msk $0xffff, v9  }
0x9cd: {  	s19 =	sld [smem:$0x756];
	v9 =	vld [tilespmem:s15+$0x0];
	_ =	sdelay $0x1  }
0x9ce: {  	v11 =	vld [tilespmem:s17+$0x0]  }
0x9cf: {  	s7 =	simm.s32 $0x11AF8;
	v12 =	vld [tilespmem:s19+$0x0]  }
0x9d0: {  	[smem:$0x776] =	sst s13;
	s25 =	sor.u32 $0xB180, s21;
	s6 =	sor.u32 s20, s5;
	[tilespmem:v5+s18+$0x0] =	vst.idx.add.f32.msk $0xffff, v10  }
0x9d1: {  	s3 =	sor.u32 s24, s25;
	[smem:$0x779] =	sst s6;
	[tilespmem:v8+s7+$0x0] =	vst.idx.add.f32.msk $0xffff, v9  }
0x9d2: {  	s13 =	sor.u32 s22, s12;
	s6 =	sld [smem:$0x758];
	v9 =	vld [tilespmem:s3+$0x0]  }
0x9d3: {  	s29 =	sor.u32 s23, s12;
	s10 =	sor.u32 s20, s12;
	s12 =	sld [smem:$0x759];
	[tilespmem:v6+s16+$0x0] =	vst.idx.add.f32.msk $0xffff, v11  }
0x9d4: {  	[tilespmem:v7+s16+$0x0] =	vst.idx.add.f32.msk $0xffff, v12  }
0x9d5: {  	[smem:$0x76B] =	sst s8;
	v11 =	vld [tilespmem:s6+$0x0]  }
0x9d6: {  	s8 =	simm.s32 $0x11B10;
	s17 =	sld [smem:$0x75A];
	v12 =	vld [tilespmem:s12+$0x0];
	s14 =	sor.u32 $0xB980, s21  }
0x9d7: {  	s15 =	sor.u32 s24, s14;
	[tilespmem:v8+s8+$0x0] =	vst.idx.add.f32.msk $0xffff, v9  }
0x9d8: {  	v9 =	vld [tilespmem:s15+$0x0]  }
0x9d9: {  	s1 =	sld [smem:$0x75B];
	v10 =	vld [tilespmem:s17+$0x0]  }
0x9da: {  	[smem:$0x775] =	sst s0;
	[tilespmem:v6+s18+$0x0] =	vst.idx.add.f32.msk $0xffff, v11  }
0x9db: {  	[smem:$0x77A] =	sst s13;
	[tilespmem:v7+s18+$0x0] =	vst.idx.add.f32.msk $0xffff, v12  }
0x9dc: {  	s9 =	sor.u32 s22, s5;
	s16 =	sor.u32 $0xC180, s21;
	s18 =	simm.s32 $0x11B28;
	v11 =	vld [tilespmem:s1+$0x0]  }
0x9dd: {  	s0 =	sor.u32 s23, s5;
	[smem:$0x777] =	sst s9;
	s19 =	sor.u32 s24, s16;
	[tilespmem:v8+s18+$0x0] =	vst.idx.add.f32.msk $0xffff, v9  }
0x9de: {  	s5 =	sor.u32 s22, s25;
	s13 =	sor.u32 s23, s25;
	s2 =	sld [smem:$0x75C];
	v9 =	vld [tilespmem:s19+$0x0]  }
0x9df: {  	[smem:$0x778] =	sst s0;
	s9 =	sor.u32 s20, s25;
	s6 =	simm.s32 $0x119D8  }
0x9e0: {  	s17 =	sor.u32 s20, s16;
	s30 =	sor.u32 s22, s16;
	[tilespmem:v5+s6+$0x0] =	vst.idx.add.f32.msk $0xffff, v10;
	s25 =	sor.u32 s22, s14  }
0x9e1: {  	s12 =	sor.u32 s23, s14;
	v12 =	vld [tilespmem:s2+$0x0];
	s2 =	simm.s32 $0x119D8;
	s3 =	sor.u32 s20, s14  }
0x9e2: {  	s14 =	sor.u32 $0xC980, s21;
	[tilespmem:v6+s2+$0x0] =	vst.idx.add.f32.msk $0xffff, v11;
	s18 =	sor.u32 s23, s16;
	s16 =	simm.s32 $0x11B40  }
0x9e3: {  	s0 =	sor.u32 s24, s14;
	s15 =	sld [smem:$0x75D];
	[tilespmem:v8+s16+$0x0] =	vst.idx.add.f32.msk $0xffff, v9  }
0x9e4: {  	s4 =	sor.u32 s23, s4;
	v9 =	vld [tilespmem:s0+$0x0]  }
0x9e5: {  	v11 =	vld [tilespmem:s4+$0x0];
	s4 =	sld [smem:$0x75E]  }
0x9e6: {  	v10 =	vld [tilespmem:s15+$0x0]  }
0x9e7: {  	[tilespmem:v7+s2+$0x0] =	vst.idx.add.f32.msk $0xffff, v12  }
0x9e8: {  	s6 =	sor.u32 $0xD180, s21;
	v12 =	vld [tilespmem:s4+$0x0];
	s0 =	simm.s32 $0x11B58  }
0x9e9: {  	s2 =	sor.u32 s24, s6;
	s4 =	sld [smem:$0x75F];
	[tilespmem:v8+s0+$0x0] =	vst.idx.add.f32.msk $0xffff, v9  }
0x9ea: {  	v9 =	vld [tilespmem:s2+$0x0]  }
0x9eb: {  	[tilespmem:v5+s26+$0x0] =	vst.idx.add.f32.msk $0xffff, v10  }
0x9ec: {  	s1 =	sor.u32 $0xD980, s21;
	s31 =	sor.u32 s22, s14;
	v10 =	vld [tilespmem:s4+$0x0]  }
0x9ed: {  	[tilespmem:v6+s26+$0x0] =	vst.idx.add.f32.msk $0xffff, v11;
	s15 =	sor.u32 s20, s6;
	s19 =	sor.u32 s20, s14;
	s16 =	sor.u32 s23, s14  }
0x9ee: {  	[tilespmem:v7+s26+$0x0] =	vst.idx.add.f32.msk $0xffff, v12;
	s14 =	sor.u32 s22, s6;
	s0 =	sor.u32 s23, s6;
	s6 =	simm.s32 $0x11B70  }
0x9ef: {  	s26 =	sor.u32 s24, s1;
	[tilespmem:v8+s6+$0x0] =	vst.idx.add.f32.msk $0xffff, v9;
	s6 =	sld [smem:$0x760]  }
0x9f0: {  	s28 =	sor.u32 s20, s1;
	s4 =	simm.s32 $0x11A08;
	v9 =	vld [tilespmem:s26+$0x0];
	s26 =	sld [smem:$0x761]  }
0x9f1: {  	[smem:$0x77D] =	sst s15;
	s15 =	sor.u32 s22, s1;
	[tilespmem:v5+s4+$0x0] =	vst.idx.add.f32.msk $0xffff, v10;
	s4 =	sor.u32 $0xE180, s21  }
0x9f2: {  	s2 =	sor.u32 s23, s1;
	s1 =	sor.u32 s22, s4;
	v11 =	vld [tilespmem:s6+$0x0];
	s6 =	sld [smem:$0x762]  }
0x9f3: {  	[smem:$0x77E] =	sst s1;
	v12 =	vld [tilespmem:s26+$0x0];
	s26 =	sor.u32 s20, s4  }
0x9f4: {  	s1 =	sor.u32 s24, s4;
	s4 =	sor.u32 s23, s4;
	[dreg:$0x1c] =	wrdreg s26  }
0x9f5: {  	s26 =	simm.s32 $0x11B88;
	[smem:$0x77F] =	sst s4;
	v10 =	vld [tilespmem:s6+$0x0]  }
0x9f6: {  	s4 =	sld [smem:$0x763];
	[tilespmem:v8+s26+$0x0] =	vst.idx.add.f32.msk $0xffff, v9  }
0x9f7: {  	s26 =	simm.s32 $0x11A08;
	v9 =	vld [tilespmem:s1+$0x0]  }
0x9f8: {  	[tilespmem:v6+s26+$0x0] =	vst.idx.add.f32.msk $0xffff, v11  }
0x9f9: {  	v11 =	vld [tilespmem:s4+$0x0];
	s4 =	sor.u32 $0xE980, s21  }
0x9fa: {  	s6 =	sld [smem:$0x764];
	[tilespmem:v7+s26+$0x0] =	vst.idx.add.f32.msk $0xffff, v12;
	s26 =	sor.u32 s20, s4  }
0x9fb: {  	s1 =	sor.u32 s22, s4;
	[dreg:$0x16] =	wrdreg s26;
	s26 =	simm.s32 $0x11BA0  }
0x9fc: {  	[smem:$0x780] =	sst s1;
	s1 =	sor.u32 s24, s4;
	s4 =	sor.u32 s23, s4;
	[tilespmem:v8+s26+$0x0] =	vst.idx.add.f32.msk $0xffff, v9  }
0x9fd: {  	[dreg:$0x1e] =	wrdreg s4;
	s4 =	simm.s32 $0x11A20;
	v9 =	vld [tilespmem:s1+$0x0]  }
0x9fe: {  	s26 =	sld [smem:$0x765];
	[tilespmem:v5+s4+$0x0] =	vst.idx.add.f32.msk $0xffff, v10  }
0x9ff: {  	[tilespmem:v6+s4+$0x0] =	vst.idx.add.f32.msk $0xffff, v11;
	s4 =	sor.u32 $0xF180, s21  }
0xa00: {  	v12 =	vld [tilespmem:s6+$0x0];
	s1 =	sor.u32 s22, s4  }
0xa01: {  	v10 =	vld [tilespmem:s26+$0x0];
	[dreg:$0x1a] =	wrdreg s1;
	s1 =	simm.s32 $0x11BB8  }
0xa02: {  	s26 =	sor.u32 s20, s4;
	[tilespmem:v8+s1+$0x0] =	vst.idx.add.f32.msk $0xffff, v9;
	s1 =	sor.u32 s24, s4;
	s4 =	sor.u32 s23, s4  }
0xa03: {  	[dreg:$0x14] =	wrdreg s4  }
0xa04: {  	s6 =	simm.s32 $0x11A20;
	s4 =	sld [smem:$0x766]  }
0xa05: {  	[tilespmem:v7+s6+$0x0] =	vst.idx.add.f32.msk $0xffff, v12;
	s6 =	sld [smem:$0x767]  }
0xa06: {  	v9 =	vld [tilespmem:s1+$0x0]  }
0xa07: {  	v11 =	vld [tilespmem:s4+$0x0];
	s4 =	sor.u32 $0xF980, s21;
	s21 =	sld [smem:$0x768]  }
0xa08: {  	v12 =	vld [tilespmem:s6+$0x0];
	s1 =	simm.s32 $0x11A38  }
0xa09: {  	[tilespmem:v5+s1+$0x0] =	vst.idx.add.f32.msk $0xffff, v10  }
0xa0a: {  	v10 =	vld [tilespmem:s21+$0x0];
	s21 =	sor.u32 s20, s4;
	s20 =	sor.u32 s22, s4;
	s22 =	simm.s32 $0x11BD0  }
0xa0b: {  	[dreg:$0x18] =	wrdreg s20;
	[tilespmem:v8+s22+$0x0] =	vst.idx.add.f32.msk $0xffff, v9;
	s20 =	sor.u32 s24, s4  }
0xa0c: {  	s24 =	sld [smem:$0x769];
	[tilespmem:v6+s1+$0x0] =	vst.idx.add.f32.msk $0xffff, v11;
	s1 =	smov.u32 s2;
	s2 =	smov.u32 s0  }
0xa0d: {  	v9 =	vld [tilespmem:s20+$0x0];
	s0 =	smov.u32 s19;
	s19 =	smov.u32 s17;
	s17 =	smov.u32 s3  }
0xa0e: {  	s3 =	smov.u32 s9;
	s9 =	smov.u32 s10;
	s10 =	sld [smem:$0x76A]  }
0xa0f: {  	s22 =	sor.u32 s23, s4;
	s23 =	simm.s32 $0x11A38;
	v11 =	vld [tilespmem:s24+$0x0]  }
0xa10: {  	[tilespmem:v7+s23+$0x0] =	vst.idx.add.f32.msk $0xffff, v12  }
0xa11: {  	s23 =	simm.s32 $0x11BE8;
	v12 =	vld [tilespmem:s10+$0x0]  }
0xa12: {  	s24 =	simm.s32 $0x11A50;
	[tilespmem:v8+s23+$0x0] =	vst.idx.add.f32.msk $0xffff, v9;
	s23 =	sld [smem:$0x76B]  }
0xa13: {  	[tilespmem:v5+s24+$0x0] =	vst.idx.add.f32.msk $0xffff, v10  }
0xa14: {  	[tilespmem:v6+s24+$0x0] =	vst.idx.add.f32.msk $0xffff, v11  }
0xa15: {  	v8 =	vld [tilespmem:s23+$0x0]  }
0xa16: {  	[tilespmem:v7+s24+$0x0] =	vst.idx.add.f32.msk $0xffff, v12;
	s24 =	sld [smem:$0x76C]  }
0xa17: {  	s10 =	sld [smem:$0x76D];
	_ =	sdelay $0x1  }
0xa18: {  	v61 =	vld [tilespmem:s24+$0x0]  }
0xa19: {  	s23 =	simm.s32 $0x11A68;
	v62 =	vld [tilespmem:s10+$0x0]  }
0xa1a: {  	s24 =	rddreg [dreg:$0xe];
	[tilespmem:v5+s23+$0x0] =	vst.idx.add.f32.msk $0xffff, v8  }
0xa1b: {  	v5 =	vld [tilespmem:s24+$0x10800]  }
0xa1c: {  	v8 =	vld [tilespmem:s24+$0x8000]  }
0xa1d: {  	[tilespmem:v6+s23+$0x0] =	vst.idx.add.f32.msk $0xffff, v61;
	s23 =	simm.s32 $0x11A68  }
0xa1e: {  	s24 =	rddreg [dreg:$0xc];
	[tilespmem:v7+s23+$0x0] =	vst.idx.add.f32.msk $0xffff, v62  }
0xa1f: {  	v6 =	vld [tilespmem:s24+$0x10800]  }
0xa20: {  	s10 =	rddreg [dreg:$0xa];
	v7 =	vld [tilespmem:s24+$0x8000]  }
0xa21: {  	v63 =	vld [tilespmem:s10+$0x10800]  }
0xa22: {  	s24 =	simm.s32 $0x11BE8;
	v10 =	vld [tilespmem:s10+$0x8000]  }
0xa23: {  	s23 =	sld [smem:$0x76E];
	[tilespmem:v1+s24+$0x0] =	vst.idx.add.f32.msk $0xffff, v3  }
0xa24: {  	s10 =	simm.s32 $0x11A80;
	[tilespmem:v2+s24+$0x0] =	vst.idx.add.f32.msk $0xffff, v4  }
0xa25: {  	s24 =	sld [smem:$0x76F];
	[tilespmem:v5+s10+$0x0] =	vst.idx.add.f32.msk $0xffff, v8  }
0xa26: {  	v8 =	vld [tilespmem:s23+$0x0]  }
0xa27: {  	[tilespmem:v6+s10+$0x0] =	vst.idx.add.f32.msk $0xffff, v7;
	s10 =	sld [smem:$0x770]  }
0xa28: {  	s23 =	simm.s32 $0x11A80;
	v3 =	vld [tilespmem:s24+$0x0]  }
0xa29: {  	v1 =	vmov v6;
	[tilespmem:v63+s23+$0x0] =	vst.idx.add.f32.msk $0xffff, v10;
	s24 =	sld [smem:$0x771]  }
0xa2a: {  	s23 =	simm.s32 $0x11A98;
	v4 =	vld [tilespmem:s10+$0x0]  }
0xa2b: {  	[tilespmem:v5+s23+$0x0] =	vst.idx.add.f32.msk $0xffff, v8  }
0xa2c: {  	v6 =	vld [tilespmem:s24+$0x0];
	s24 =	sld [smem:$0x772];
	_ =	sdelay $0x1  }
0xa2d: {  	s20 =	sld [smem:$0x773];
	[tilespmem:v1+s23+$0x0] =	vst.idx.add.f32.msk $0xffff, v3  }
0xa2e: {  	s23 =	simm.s32 $0x11A98;
	v3 =	vld [tilespmem:s24+$0x0]  }
0xa2f: {  	s24 =	sld [smem:$0x774];
	[tilespmem:v63+s23+$0x0] =	vst.idx.add.f32.msk $0xffff, v4  }
0xa30: {  	s23 =	simm.s32 $0x11AB0;
	v4 =	vld [tilespmem:s20+$0x0]  }
0xa31: {  	[tilespmem:v5+s23+$0x0] =	vst.idx.add.f32.msk $0xffff, v6  }
0xa32: {  	v6 =	vld [tilespmem:s24+$0x0];
	s24 =	sld [smem:$0x775];
	_ =	sdelay $0x1  }
0xa33: {  	s20 =	sld [smem:$0x776];
	[tilespmem:v1+s23+$0x0] =	vst.idx.add.f32.msk $0xffff, v3  }
0xa34: {  	s23 =	simm.s32 $0x11AB0;
	v3 =	vld [tilespmem:s24+$0x0]  }
0xa35: {  	[tilespmem:v63+s23+$0x0] =	vst.idx.add.f32.msk $0xffff, v4;
	s23 =	sld [smem:$0x777]  }
0xa36: {  	v2 =	vmov v63;
	v4 =	vld [tilespmem:s20+$0x0]  }
0xa37: {  	s24 =	sld [smem:$0x778];
	[tilespmem:v5+s11+$0x0] =	vst.idx.add.f32.msk $0xffff, v6  }
0xa38: {  	v7 =	vld [tilespmem:s23+$0x0]  }
0xa39: {  	s20 =	sld [smem:$0x779];
	[tilespmem:v1+s11+$0x0] =	vst.idx.add.f32.msk $0xffff, v3  }
.Ltmp7:
0xa3a: {  	v6 =	vld [tilespmem:s24+$0x0];
	(pc) =	sbr.rel @p1 .LBB2_7-.Ltmp7, $4  }
0xa3b: {  	s23 =	sld [smem:$0x77A];
	[tilespmem:v2+s11+$0x0] =	vst.idx.add.f32.msk $0xffff, v4  }
0xa3c: {  	s6 =	simm.s32 $0x11AE0;
	s10 =	rddreg [dreg:$0x7];
	v4 =	vld [tilespmem:s20+$0x0]  }
0xa3d: {  	s24 =	rddreg [dreg:$0x9];
	[tilespmem:v5+s6+$0x0] =	vst.idx.add.f32.msk $0xffff, v7  }
0xa3e: {  	s4 =	rddreg [dreg:$0x5];
	s10 =	sadd.s32 $0x100, s10;
	s11 =	sadd.s32 $0x40, s24;
	v7 =	vld [tilespmem:s23+$0x0]  }
.Ltmp8:
0xa3f: {  	_ = 	snop;
	(pc) =	sbr.rel .LBB2_8-.Ltmp8, $1  }
0xa40: {  	_ =	sdelay $0x3  }
.LBB2_11:
0xa41: {  	_ =	sfence.sel $0x180000  }
0xa42: {  	[bflag:$0x0] =	sbarrier.arrive $0xFFFF  }
0xa43: {  	_ =	strace $0x90000047  }
0xa44: {  	s0 =	stileid.u32;
	[bflag:$0x2] =	sbarrier.arrive $0xFFFF  }
0xa45: {  	p0 =	sne.s32 s0, $0x0;
	s0 =	rddreg [dreg:$0x3]  }
0xa46: {  	s0 =	sadd.s32 @!p0 $0x100000, s0  }
0xa47: {  	[sflag:s0] =	ssyncadd.tile.s32 @!p0 $0x1;
	_ =	shalt  }
.Lfunc_end2:
_tile_overlayer_lowered:
.L_overlay_start_2:
0xa48: {  	(tag) =	ssettag $0x2  }
0xa49: {  	s0 =	rddreg [dreg:$0x0];
	s2 =	stileid.u32  }
0xa4a: {  	s1 =	rddreg [dreg:$0x1];
	p0 =	sne.s32 s2, $0x0  }
0xa4b: {  	s3 =	rddreg [dreg:$0x2];
	[bflag:$0x3] =	sbarrier.arrive $0xFFFF;
	s2 =	simm.s32 @!p0 $0x1C07  }
0xa4c: {  	[timem:s3], [sflag:s2] =	dma.local @!p0 [hbm:s0], s1  }
0xa4d: {  	s0 =	simm.s32 @!p0 $0x7  }
0xa4e: {  	_ =	swait.ge @!p0 [sflag:s0], s1  }
0xa4f: {  	s1 =	ssub.s32 @!p0 $0x0, s1;
	[sflag:s0] =	ssyncset.done @!p0 $0x0  }
0xa50: {  	[sflag:s0] =	ssyncadd.s32 @!p0 s1  }
0xa51: {  	[bflag:$0x3] =	sbarrier.arrive $0xFFFF  }
0xa52: {  	_ =	shalt  }

</sc_bundles>
